<compile_context>
chip_gen: v7x
topology: tpu7x:2x2x1
jax: 0.10.2.dev20260603
libtpu: 0.0.44.dev20260713+nightly
codegen_flags: <defaults>
</compile_context>

<pallas_src>
import functools

import jax
import jax.numpy as jnp
from jax import lax
from jax.experimental import pallas as pl
from jax.experimental.pallas import tpu as pltpu
from jax.experimental.pallas import tpu_sc as plsc

_GEOMETRY_REC = 1.0
_GEOMETRY_LAPLACIAN = 0.1
_TEX_REC = 1.0

_B, _N, _K = 16, 50000, 8
_C = _B * 3
_NW = 32
_VPW = 1568
_SUB = 112
_NSUB = _VPW // _SUB
_NPAD = _NW * _VPW


def _sc_vertex_losses(d_t, idx_r, wgt_r):
  mesh = plsc.VectorSubcoreMesh(core_axis_name="c", subcore_axis_name="s")

  @functools.partial(
      pl.kernel,
      mesh=mesh,
      out_type=jax.ShapeDtypeStruct((_NW, 2, 16), jnp.float32),
      scratch_types=[
          pltpu.VMEM((_K, _SUB), jnp.int32),
          pltpu.VMEM((_K, _SUB), jnp.float32),
          pltpu.VMEM((_SUB, _C), jnp.float32),
          pltpu.VMEM((_K, _SUB, _C), jnp.float32),
          pltpu.VMEM((2, 16), jnp.float32),
          pltpu.SemaphoreType.DMA,
      ],
      compiler_params=pltpu.CompilerParams(
          needs_layout_passes=False, use_tc_tiling_on_sc=False),
  )
  def body(d_hbm, idx_hbm, wgt_hbm, out_hbm, idx_v, wgt_v, drow_v, gat_v,
           out_v, sem):
    wid = lax.axis_index("s") * 2 + lax.axis_index("c")
    base = wid * _VPW
    lane = lax.iota(jnp.int32, 16)

    def sub_chunk(i, sums):
      off = base + i * _SUB
      pltpu.sync_copy(idx_hbm.at[wid, i], idx_v)
      pltpu.sync_copy(wgt_hbm.at[wid, i], wgt_v)
      pltpu.sync_copy(d_hbm.at[pl.ds(off, _SUB)], drow_v)
      copies = [
          pltpu.async_copy(d_hbm.at[idx_v.at[k]], gat_v.at[k], sem)
          for k in range(_K)
      ]
      for cp in copies:
        cp.wait()

      def group(g, sums):
        sum_d2, sum_l2 = sums
        rows = g * 16 + lane
        wk = [wgt_v[k, pl.ds(g * 16, 16)] for k in range(_K)]
        for c in range(_C):
          col = jnp.full((16,), c, jnp.int32)
          dv = plsc.load_gather(drow_v, [rows, col])
          acc = dv
          for k in range(_K):
            gv = plsc.load_gather(gat_v.at[k], [rows, col])
            acc = acc + wk[k] * gv
          sum_d2 = sum_d2 + dv * dv
          sum_l2 = sum_l2 + acc * acc
        return (sum_d2, sum_l2)

      return lax.fori_loop(0, _SUB // 16, group, sums)

    zeros = jnp.zeros((16,), jnp.float32)
    sum_d2, sum_l2 = lax.fori_loop(0, _NSUB, sub_chunk, (zeros, zeros))
    out_v[0, :] = sum_d2
    out_v[1, :] = sum_l2
    pltpu.sync_copy(out_v, out_hbm.at[wid])

  return body(d_t, idx_r, wgt_r)


def _tex_l1_body(p_ref, t_ref, o_ref):
  i = pl.program_id(0)
  s = jnp.sum(jnp.abs(p_ref[...] - t_ref[...]))

  @pl.when(i == 0)
  def _():
    o_ref[0, 0] = s

  @pl.when(i > 0)
  def _():
    o_ref[0, 0] += s


def _tex_l1_sum(p2d, t2d):
  rows, cols = p2d.shape
  block_rows = 512
  grid = rows // block_rows
  return pl.pallas_call(
      _tex_l1_body,
      grid=(grid,),
      in_specs=[
          pl.BlockSpec((block_rows, cols), lambda i: (i, 0)),
          pl.BlockSpec((block_rows, cols), lambda i: (i, 0)),
      ],
      out_specs=pl.BlockSpec((1, 1), lambda i: (0, 0),
                             memory_space=pltpu.SMEM),
      out_shape=jax.ShapeDtypeStruct((1, 1), jnp.float32),
      compiler_params=pltpu.CompilerParams(
          dimension_semantics=("arbitrary",)),
  )(p2d, t2d)


def kernel(preds_verts, targets_verts, preds_tex, targets_tex, nbs_idxs,
           nbs_weights):
  d = preds_verts - targets_verts
  d_t = jnp.transpose(d, (1, 0, 2)).reshape(_N, _C)
  d_t = jnp.pad(d_t, ((0, _NPAD - _N), (0, 0)))

  idx_t = jnp.pad(nbs_idxs.astype(jnp.int32).T, ((0, 0), (0, _NPAD - _N)))
  wgt_t = jnp.pad(nbs_weights.T, ((0, 0), (0, _NPAD - _N)))
  idx_r = idx_t.reshape(_K, _NW, _NSUB, _SUB).transpose(1, 2, 0, 3)
  wgt_r = wgt_t.reshape(_K, _NW, _NSUB, _SUB).transpose(1, 2, 0, 3)

  vert_partials = _sc_vertex_losses(d_t, idx_r, wgt_r)

  tex_elems = preds_tex.size
  p2d = preds_tex.reshape(tex_elems // 1024, 1024)
  t2d = targets_tex.reshape(tex_elems // 1024, 1024)
  tex_sum = _tex_l1_sum(p2d, t2d)[0, 0]

  denom_verts = jnp.float32(_B * _N * 3)
  loss_verts_rec = jnp.sum(vert_partials[:, 0, :]) / denom_verts
  loss_verts_laplacian = jnp.sum(vert_partials[:, 1, :]) / denom_verts
  loss_tex_rec = tex_sum / jnp.float32(tex_elems)
  loss = (loss_verts_rec * _GEOMETRY_REC
          + loss_verts_laplacian * _GEOMETRY_LAPLACIAN
          + loss_tex_rec * _TEX_REC)
  return (loss, loss_verts_rec, loss_verts_laplacian, loss_tex_rec)

# --- scband reference (transcript-rebuilt; emitter-appended) ---
"""Pipeline reference for scband-rec-loss-44994077393488 (READ-ONLY COPY).

The authoritative reference and input builder live on the scoring server;
editing this copy changes nothing except your own understanding.
"""

import jax, jax.numpy as jnp
import numpy as np

GEOMETRY_REC = 1.0
GEOMETRY_LAPLACIAN = 0.1
TEX_REC = 1.0

B, N, K = 16, 50000, 8
TEX_H = TEX_W = 512


def setup_inputs(seed=0) -> dict:
    key = jax.random.key(seed)
    ks = jax.random.split(key, 6)
    preds_verts = jax.random.normal(ks[0], (B, N, 3), dtype=jnp.float32)
    targets_verts = jax.random.normal(ks[1], (B, N, 3), dtype=jnp.float32)
    preds_tex = jax.random.uniform(ks[2], (B, 3, TEX_H, TEX_W), dtype=jnp.float32)
    targets_tex = jax.random.uniform(ks[3], (B, 3, TEX_H, TEX_W), dtype=jnp.float32)
    nbs_idxs = jax.random.randint(ks[4], (N, K), 0, N, dtype=jnp.int64) if jax.config.jax_enable_x64 else jax.random.randint(ks[4], (N, K), 0, N, dtype=jnp.int32)
    nbs_weights = jax.random.uniform(ks[5], (N, K), dtype=jnp.float32)
    return {
        'preds_verts': preds_verts,
        'targets_verts': targets_verts,
        'preds_tex': preds_tex,
        'targets_tex': targets_tex,
        'nbs_idxs': nbs_idxs,
        'nbs_weights': nbs_weights,
    }


def compute_laplacian(x, nbs_idxs, nbs_weights):
    # index_selection_nd(x, nbs_idxs, dim=1): gather neighbors -> [B, N, K, 3]
    lapval = jnp.take(x, nbs_idxs.reshape(-1), axis=1).reshape(x.shape[0], nbs_idxs.shape[0], nbs_idxs.shape[1], x.shape[2])
    lapval = lapval * nbs_weights[None, :, :, None]
    return lapval.sum(axis=2) + x


def reference(preds_verts, targets_verts, preds_tex, targets_tex, nbs_idxs, nbs_weights):
    loss_verts_rec = jnp.mean((preds_verts - targets_verts) ** 2)
    l_preds = compute_laplacian(preds_verts, nbs_idxs, nbs_weights)
    l_targets = compute_laplacian(targets_verts, nbs_idxs, nbs_weights)
    loss_verts_laplacian = jnp.mean((l_preds - l_targets) ** 2)
    loss_tex_rec = jnp.mean(jnp.abs(preds_tex - targets_tex))
    loss = (loss_verts_rec * GEOMETRY_REC
            + loss_verts_laplacian * GEOMETRY_LAPLACIAN
            + loss_tex_rec * TEX_REC)
    return (loss, loss_verts_rec, loss_verts_laplacian, loss_tex_rec)

if __name__ == "__main__":
    import jax
    _d = setup_inputs()
    print(jax.jit(kernel)(*tuple(_d.values())))

</pallas_src>

<mosaic_0001>
#map = affine_map<(d0, d1) -> (0, 0)>
#map1 = affine_map<(d0, d1) -> (0, 0, 0, 0)>
#map2 = affine_map<(d0, d1) -> (0, 0, 0)>
module attributes {stable_mosaic.version = 14 : i64} {
  func.func @body(%arg0: i32, %arg1: i32, %arg2: memref<50176x48xf32, #tpu.memory_space<hbm>>, %arg3: memref<32x14x8x112xi32, #tpu.memory_space<hbm>>, %arg4: memref<32x14x8x112xf32, #tpu.memory_space<hbm>>, %arg5: memref<32x2x16xf32, #tpu.memory_space<hbm>>, %arg6: memref<8x112xi32, #tpu.memory_space<vmem>>, %arg7: memref<8x112xf32, #tpu.memory_space<vmem>>, %arg8: memref<112x48xf32, #tpu.memory_space<vmem>>, %arg9: memref<8x112x48xf32, #tpu.memory_space<vmem>>, %arg10: memref<2x16xf32, #tpu.memory_space<vmem>>, %arg11: memref<!tpu.dma_semaphore, #tpu.memory_space<semaphore_mem>>) attributes {dimension_semantics = [#tpu.dimension_semantics<core_parallel>, #tpu.dimension_semantics<subcore_parallel>], iteration_bounds = array<i64: 2, 16>, scalar_prefetch = 0 : i64, scratch_operands = 6 : i64, tpu.core_type = #tpu.core_type<sc_vector_subcore>, window_params = [{transform_indices = #map}, {transform_indices = #map1}, {transform_indices = #map1}, {transform_indices = #map2}]} {
    %mul3A = arith.constant 2 : i32
    %mul3A_0 = arith.muli %arg1, %mul3A : i32
    %add3A = arith.addi %mul3A_0, %arg0 : i32
    %mul3A_1 = arith.constant 1568 : i32
    %mul3A_2 = arith.muli %add3A, %mul3A_1 : i32
    %iota3A = tpu.iota {dimensions = array<i32: 0>} : vector<16xi32>
    %broadcast_in_dim3A = arith.constant 0.000000e+00 : f32
    %broadcast_in_dim3A_3 = vector.broadcast %broadcast_in_dim3A : f32 to vector<16xf32>
    %scan3A = arith.constant 0 : i32
    %scan3A_4 = arith.constant 14 : i32
    %scan3A_5 = arith.addi %scan3A, %scan3A_4 : i32
    %scan3A_6 = arith.constant 1 : i32
    %scan3A_7:2 = scf.for %scan3A_16 = %scan3A to %scan3A_5 step %scan3A_6 iter_args(%scan3A_17 = %broadcast_in_dim3A_3, %scan3A_18 = %broadcast_in_dim3A_3) -> (vector<16xf32>, vector<16xf32>)  : i32 {
      %mul3A_19 = arith.constant 112 : i32
      %mul3A_20 = arith.muli %scan3A_16, %mul3A_19 : i32
      %add3A_21 = arith.addi %mul3A_2, %mul3A_20 : i32
      "tpu.region"() ({
        %run_scoped3A = tpu.sem_alloc : memref<!tpu.dma_semaphore, #tpu.memory_space<semaphore_mem>>
        %dma_start3A_218 = arith.constant 0 : i32
        %dma_start3A_219 = arith.constant 0 : i32
        %dma_start3A_220 = tpu.memref_slice %arg3[%add3A, %scan3A_16, %dma_start3A_218, %dma_start3A_219] : memref<32x14x8x112xi32, #tpu.memory_space<hbm>> -> memref<1x1x8x112xi32, #tpu.memory_space<hbm>>
        %dma_start3A_221 = tpu.memref_squeeze %dma_start3A_220 : memref<1x1x8x112xi32, #tpu.memory_space<hbm>> -> memref<8x112xi32, #tpu.memory_space<hbm>>
        %dma_start3A_222 = arith.constant 0 : i32
        %dma_start3A_223 = arith.constant 0 : i32
        %dma_start3A_224 = tpu.memref_slice %arg3[%add3A, %scan3A_16, %dma_start3A_222, %dma_start3A_223] : memref<32x14x8x112xi32, #tpu.memory_space<hbm>> -> memref<1x1x8x112xi32, #tpu.memory_space<hbm>>
        %dma_start3A_225 = tpu.memref_squeeze %dma_start3A_224 : memref<1x1x8x112xi32, #tpu.memory_space<hbm>> -> memref<8x112xi32, #tpu.memory_space<hbm>>
        tpu.enqueue_dma source(%dma_start3A_225 : memref<8x112xi32, #tpu.memory_space<hbm>>) target(%arg6 : memref<8x112xi32, #tpu.memory_space<vmem>>) target_semaphore(%run_scoped3A : memref<!tpu.dma_semaphore, #tpu.memory_space<semaphore_mem>>)
        %dma_wait3A_226 = arith.constant 0 : i32
        %dma_wait3A_227 = arith.constant 0 : i32
        %dma_wait3A_228 = tpu.memref_slice %arg3[%add3A, %scan3A_16, %dma_wait3A_226, %dma_wait3A_227] : memref<32x14x8x112xi32, #tpu.memory_space<hbm>> -> memref<1x1x8x112xi32, #tpu.memory_space<hbm>>
        %dma_wait3A_229 = tpu.memref_squeeze %dma_wait3A_228 : memref<1x1x8x112xi32, #tpu.memory_space<hbm>> -> memref<8x112xi32, #tpu.memory_space<hbm>>
        %dma_wait3A_230 = arith.constant 0 : i32
        %dma_wait3A_231 = arith.constant 0 : i32
        %dma_wait3A_232 = tpu.memref_slice %arg3[%add3A, %scan3A_16, %dma_wait3A_230, %dma_wait3A_231] : memref<32x14x8x112xi32, #tpu.memory_space<hbm>> -> memref<1x1x8x112xi32, #tpu.memory_space<hbm>>
        %dma_wait3A_233 = tpu.memref_squeeze %dma_wait3A_232 : memref<1x1x8x112xi32, #tpu.memory_space<hbm>> -> memref<8x112xi32, #tpu.memory_space<hbm>>
        tpu.wait_dma2 semaphore(%run_scoped3A : memref<!tpu.dma_semaphore, #tpu.memory_space<semaphore_mem>>) src(%dma_wait3A_233 : memref<8x112xi32, #tpu.memory_space<hbm>>) dst(%arg6 : memref<8x112xi32, #tpu.memory_space<vmem>>)
        tpu.yield
      }) : () -> ()
      "tpu.region"() ({
        %run_scoped3A = tpu.sem_alloc : memref<!tpu.dma_semaphore, #tpu.memory_space<semaphore_mem>>
        %dma_start3A_218 = arith.constant 0 : i32
        %dma_start3A_219 = arith.constant 0 : i32
        %dma_start3A_220 = tpu.memref_slice %arg4[%add3A, %scan3A_16, %dma_start3A_218, %dma_start3A_219] : memref<32x14x8x112xf32, #tpu.memory_space<hbm>> -> memref<1x1x8x112xf32, #tpu.memory_space<hbm>>
        %dma_start3A_221 = tpu.memref_squeeze %dma_start3A_220 : memref<1x1x8x112xf32, #tpu.memory_space<hbm>> -> memref<8x112xf32, #tpu.memory_space<hbm>>
        %dma_start3A_222 = arith.constant 0 : i32
        %dma_start3A_223 = arith.constant 0 : i32
        %dma_start3A_224 = tpu.memref_slice %arg4[%add3A, %scan3A_16, %dma_start3A_222, %dma_start3A_223] : memref<32x14x8x112xf32, #tpu.memory_space<hbm>> -> memref<1x1x8x112xf32, #tpu.memory_space<hbm>>
        %dma_start3A_225 = tpu.memref_squeeze %dma_start3A_224 : memref<1x1x8x112xf32, #tpu.memory_space<hbm>> -> memref<8x112xf32, #tpu.memory_space<hbm>>
        tpu.enqueue_dma source(%dma_start3A_225 : memref<8x112xf32, #tpu.memory_space<hbm>>) target(%arg7 : memref<8x112xf32, #tpu.memory_space<vmem>>) target_semaphore(%run_scoped3A : memref<!tpu.dma_semaphore, #tpu.memory_space<semaphore_mem>>)
        %dma_wait3A_226 = arith.constant 0 : i32
        %dma_wait3A_227 = arith.constant 0 : i32
        %dma_wait3A_228 = tpu.memref_slice %arg4[%add3A, %scan3A_16, %dma_wait3A_226, %dma_wait3A_227] : memref<32x14x8x112xf32, #tpu.memory_space<hbm>> -> memref<1x1x8x112xf32, #tpu.memory_space<hbm>>
        %dma_wait3A_229 = tpu.memref_squeeze %dma_wait3A_228 : memref<1x1x8x112xf32, #tpu.memory_space<hbm>> -> memref<8x112xf32, #tpu.memory_space<hbm>>
        %dma_wait3A_230 = arith.constant 0 : i32
        %dma_wait3A_231 = arith.constant 0 : i32
        %dma_wait3A_232 = tpu.memref_slice %arg4[%add3A, %scan3A_16, %dma_wait3A_230, %dma_wait3A_231] : memref<32x14x8x112xf32, #tpu.memory_space<hbm>> -> memref<1x1x8x112xf32, #tpu.memory_space<hbm>>
        %dma_wait3A_233 = tpu.memref_squeeze %dma_wait3A_232 : memref<1x1x8x112xf32, #tpu.memory_space<hbm>> -> memref<8x112xf32, #tpu.memory_space<hbm>>
        tpu.wait_dma2 semaphore(%run_scoped3A : memref<!tpu.dma_semaphore, #tpu.memory_space<semaphore_mem>>) src(%dma_wait3A_233 : memref<8x112xf32, #tpu.memory_space<hbm>>) dst(%arg7 : memref<8x112xf32, #tpu.memory_space<vmem>>)
        tpu.yield
      }) : () -> ()
      "tpu.region"() ({
        %run_scoped3A = tpu.sem_alloc : memref<!tpu.dma_semaphore, #tpu.memory_space<semaphore_mem>>
        %dma_start3A_218 = arith.constant 0 : i32
        %dma_start3A_219 = tpu.memref_slice %arg2[%add3A_21, %dma_start3A_218] : memref<50176x48xf32, #tpu.memory_space<hbm>> -> memref<112x48xf32, #tpu.memory_space<hbm>>
        %dma_start3A_220 = arith.constant 0 : i32
        %dma_start3A_221 = tpu.memref_slice %arg2[%add3A_21, %dma_start3A_220] : memref<50176x48xf32, #tpu.memory_space<hbm>> -> memref<112x48xf32, #tpu.memory_space<hbm>>
        tpu.enqueue_dma source(%dma_start3A_221 : memref<112x48xf32, #tpu.memory_space<hbm>>) target(%arg8 : memref<112x48xf32, #tpu.memory_space<vmem>>) target_semaphore(%run_scoped3A : memref<!tpu.dma_semaphore, #tpu.memory_space<semaphore_mem>>)
        %dma_wait3A_222 = arith.constant 0 : i32
        %dma_wait3A_223 = tpu.memref_slice %arg2[%add3A_21, %dma_wait3A_222] : memref<50176x48xf32, #tpu.memory_space<hbm>> -> memref<112x48xf32, #tpu.memory_space<hbm>>
        %dma_wait3A_224 = arith.constant 0 : i32
        %dma_wait3A_225 = tpu.memref_slice %arg2[%add3A_21, %dma_wait3A_224] : memref<50176x48xf32, #tpu.memory_space<hbm>> -> memref<112x48xf32, #tpu.memory_space<hbm>>
        tpu.wait_dma2 semaphore(%run_scoped3A : memref<!tpu.dma_semaphore, #tpu.memory_space<semaphore_mem>>) src(%dma_wait3A_225 : memref<112x48xf32, #tpu.memory_space<hbm>>) dst(%arg8 : memref<112x48xf32, #tpu.memory_space<vmem>>)
        tpu.yield
      }) : () -> ()
      %dma_start3A = arith.constant 0 : i32
      %dma_start3A_22 = arith.constant 0 : i32
      %dma_start3A_23 = arith.constant 0 : i32
      %dma_start3A_24 = arith.constant 0 : i32
      %dma_start3A_25 = tpu.memref_slice %arg9[%dma_start3A_22, %dma_start3A_23, %dma_start3A_24] : memref<8x112x48xf32, #tpu.memory_space<vmem>> -> memref<1x112x48xf32, #tpu.memory_space<vmem>>
      %dma_start3A_26 = tpu.memref_squeeze %dma_start3A_25 : memref<1x112x48xf32, #tpu.memory_space<vmem>> -> memref<112x48xf32, #tpu.memory_space<vmem>>
      %dma_start3A_27 = arith.constant 0 : i32
      %dma_start3A_28 = tpu.memref_slice %arg6[%dma_start3A, %dma_start3A_27] : memref<8x112xi32, #tpu.memory_space<vmem>> -> memref<1x112xi32, #tpu.memory_space<vmem>>
      %dma_start3A_29 = tpu.memref_squeeze %dma_start3A_28 : memref<1x112xi32, #tpu.memory_space<vmem>> -> memref<112xi32, #tpu.memory_space<vmem>>
      %dma_start3A_30 = arith.constant 0 : i32
      %dma_start3A_31 = arith.constant 0 : i32
      %dma_start3A_32 = tpu.memref_slice %arg2[%dma_start3A_30, %dma_start3A_31] : memref<50176x48xf32, #tpu.memory_space<hbm>> -> memref<50176x48xf32, #tpu.memory_space<hbm>>
      tpu.enqueue_indirect_dma source(%dma_start3A_32 : memref<50176x48xf32, #tpu.memory_space<hbm>>) target(%dma_start3A_26 : memref<112x48xf32, #tpu.memory_space<vmem>>) offsets(%dma_start3A_29 : memref<112xi32, #tpu.memory_space<vmem>>) semaphore(%arg11 : memref<!tpu.dma_semaphore, #tpu.memory_space<semaphore_mem>>)
      %dma_start3A_33 = arith.constant 1 : i32
      %dma_start3A_34 = arith.constant 1 : i32
      %dma_start3A_35 = arith.constant 0 : i32
      %dma_start3A_36 = arith.constant 0 : i32
      %dma_start3A_37 = tpu.memref_slice %arg9[%dma_start3A_34, %dma_start3A_35, %dma_start3A_36] : memref<8x112x48xf32, #tpu.memory_space<vmem>> -> memref<1x112x48xf32, #tpu.memory_space<vmem>>
      %dma_start3A_38 = tpu.memref_squeeze %dma_start3A_37 : memref<1x112x48xf32, #tpu.memory_space<vmem>> -> memref<112x48xf32, #tpu.memory_space<vmem>>
      %dma_start3A_39 = arith.constant 0 : i32
      %dma_start3A_40 = tpu.memref_slice %arg6[%dma_start3A_33, %dma_start3A_39] : memref<8x112xi32, #tpu.memory_space<vmem>> -> memref<1x112xi32, #tpu.memory_space<vmem>>
      %dma_start3A_41 = tpu.memref_squeeze %dma_start3A_40 : memref<1x112xi32, #tpu.memory_space<vmem>> -> memref<112xi32, #tpu.memory_space<vmem>>
      %dma_start3A_42 = arith.constant 0 : i32
      %dma_start3A_43 = arith.constant 0 : i32
      %dma_start3A_44 = tpu.memref_slice %arg2[%dma_start3A_42, %dma_start3A_43] : memref<50176x48xf32, #tpu.memory_space<hbm>> -> memref<50176x48xf32, #tpu.memory_space<hbm>>
      tpu.enqueue_indirect_dma source(%dma_start3A_44 : memref<50176x48xf32, #tpu.memory_space<hbm>>) target(%dma_start3A_38 : memref<112x48xf32, #tpu.memory_space<vmem>>) offsets(%dma_start3A_41 : memref<112xi32, #tpu.memory_space<vmem>>) semaphore(%arg11 : memref<!tpu.dma_semaphore, #tpu.memory_space<semaphore_mem>>)
      %dma_start3A_45 = arith.constant 2 : i32
      %dma_start3A_46 = arith.constant 2 : i32
      %dma_start3A_47 = arith.constant 0 : i32
      %dma_start3A_48 = arith.constant 0 : i32
      %dma_start3A_49 = tpu.memref_slice %arg9[%dma_start3A_46, %dma_start3A_47, %dma_start3A_48] : memref<8x112x48xf32, #tpu.memory_space<vmem>> -> memref<1x112x48xf32, #tpu.memory_space<vmem>>
      %dma_start3A_50 = tpu.memref_squeeze %dma_start3A_49 : memref<1x112x48xf32, #tpu.memory_space<vmem>> -> memref<112x48xf32, #tpu.memory_space<vmem>>
      %dma_start3A_51 = arith.constant 0 : i32
      %dma_start3A_52 = tpu.memref_slice %arg6[%dma_start3A_45, %dma_start3A_51] : memref<8x112xi32, #tpu.memory_space<vmem>> -> memref<1x112xi32, #tpu.memory_space<vmem>>
      %dma_start3A_53 = tpu.memref_squeeze %dma_start3A_52 : memref<1x112xi32, #tpu.memory_space<vmem>> -> memref<112xi32, #tpu.memory_space<vmem>>
      %dma_start3A_54 = arith.constant 0 : i32
      %dma_start3A_55 = arith.constant 0 : i32
      %dma_start3A_56 = tpu.memref_slice %arg2[%dma_start3A_54, %dma_start3A_55] : memref<50176x48xf32, #tpu.memory_space<hbm>> -> memref<50176x48xf32, #tpu.memory_space<hbm>>
      tpu.enqueue_indirect_dma source(%dma_start3A_56 : memref<50176x48xf32, #tpu.memory_space<hbm>>) target(%dma_start3A_50 : memref<112x48xf32, #tpu.memory_space<vmem>>) offsets(%dma_start3A_53 : memref<112xi32, #tpu.memory_space<vmem>>) semaphore(%arg11 : memref<!tpu.dma_semaphore, #tpu.memory_space<semaphore_mem>>)
      %dma_start3A_57 = arith.constant 3 : i32
      %dma_start3A_58 = arith.constant 3 : i32
      %dma_start3A_59 = arith.constant 0 : i32
      %dma_start3A_60 = arith.constant 0 : i32
      %dma_start3A_61 = tpu.memref_slice %arg9[%dma_start3A_58, %dma_start3A_59, %dma_start3A_60] : memref<8x112x48xf32, #tpu.memory_space<vmem>> -> memref<1x112x48xf32, #tpu.memory_space<vmem>>
      %dma_start3A_62 = tpu.memref_squeeze %dma_start3A_61 : memref<1x112x48xf32, #tpu.memory_space<vmem>> -> memref<112x48xf32, #tpu.memory_space<vmem>>
      %dma_start3A_63 = arith.constant 0 : i32
      %dma_start3A_64 = tpu.memref_slice %arg6[%dma_start3A_57, %dma_start3A_63] : memref<8x112xi32, #tpu.memory_space<vmem>> -> memref<1x112xi32, #tpu.memory_space<vmem>>
      %dma_start3A_65 = tpu.memref_squeeze %dma_start3A_64 : memref<1x112xi32, #tpu.memory_space<vmem>> -> memref<112xi32, #tpu.memory_space<vmem>>
      %dma_start3A_66 = arith.constant 0 : i32
      %dma_start3A_67 = arith.constant 0 : i32
      %dma_start3A_68 = tpu.memref_slice %arg2[%dma_start3A_66, %dma_start3A_67] : memref<50176x48xf32, #tpu.memory_space<hbm>> -> memref<50176x48xf32, #tpu.memory_space<hbm>>
      tpu.enqueue_indirect_dma source(%dma_start3A_68 : memref<50176x48xf32, #tpu.memory_space<hbm>>) target(%dma_start3A_62 : memref<112x48xf32, #tpu.memory_space<vmem>>) offsets(%dma_start3A_65 : memref<112xi32, #tpu.memory_space<vmem>>) semaphore(%arg11 : memref<!tpu.dma_semaphore, #tpu.memory_space<semaphore_mem>>)
      %dma_start3A_69 = arith.constant 4 : i32
      %dma_start3A_70 = arith.constant 4 : i32
      %dma_start3A_71 = arith.constant 0 : i32
      %dma_start3A_72 = arith.constant 0 : i32
      %dma_start3A_73 = tpu.memref_slice %arg9[%dma_start3A_70, %dma_start3A_71, %dma_start3A_72] : memref<8x112x48xf32, #tpu.memory_space<vmem>> -> memref<1x112x48xf32, #tpu.memory_space<vmem>>
      %dma_start3A_74 = tpu.memref_squeeze %dma_start3A_73 : memref<1x112x48xf32, #tpu.memory_space<vmem>> -> memref<112x48xf32, #tpu.memory_space<vmem>>
      %dma_start3A_75 = arith.constant 0 : i32
      %dma_start3A_76 = tpu.memref_slice %arg6[%dma_start3A_69, %dma_start3A_75] : memref<8x112xi32, #tpu.memory_space<vmem>> -> memref<1x112xi32, #tpu.memory_space<vmem>>
      %dma_start3A_77 = tpu.memref_squeeze %dma_start3A_76 : memref<1x112xi32, #tpu.memory_space<vmem>> -> memref<112xi32, #tpu.memory_space<vmem>>
      %dma_start3A_78 = arith.constant 0 : i32
      %dma_start3A_79 = arith.constant 0 : i32
      %dma_start3A_80 = tpu.memref_slice %arg2[%dma_start3A_78, %dma_start3A_79] : memref<50176x48xf32, #tpu.memory_space<hbm>> -> memref<50176x48xf32, #tpu.memory_space<hbm>>
      tpu.enqueue_indirect_dma source(%dma_start3A_80 : memref<50176x48xf32, #tpu.memory_space<hbm>>) target(%dma_start3A_74 : memref<112x48xf32, #tpu.memory_space<vmem>>) offsets(%dma_start3A_77 : memref<112xi32, #tpu.memory_space<vmem>>) semaphore(%arg11 : memref<!tpu.dma_semaphore, #tpu.memory_space<semaphore_mem>>)
      %dma_start3A_81 = arith.constant 5 : i32
      %dma_start3A_82 = arith.constant 5 : i32
      %dma_start3A_83 = arith.constant 0 : i32
      %dma_start3A_84 = arith.constant 0 : i32
      %dma_start3A_85 = tpu.memref_slice %arg9[%dma_start3A_82, %dma_start3A_83, %dma_start3A_84] : memref<8x112x48xf32, #tpu.memory_space<vmem>> -> memref<1x112x48xf32, #tpu.memory_space<vmem>>
      %dma_start3A_86 = tpu.memref_squeeze %dma_start3A_85 : memref<1x112x48xf32, #tpu.memory_space<vmem>> -> memref<112x48xf32, #tpu.memory_space<vmem>>
      %dma_start3A_87 = arith.constant 0 : i32
      %dma_start3A_88 = tpu.memref_slice %arg6[%dma_start3A_81, %dma_start3A_87] : memref<8x112xi32, #tpu.memory_space<vmem>> -> memref<1x112xi32, #tpu.memory_space<vmem>>
      %dma_start3A_89 = tpu.memref_squeeze %dma_start3A_88 : memref<1x112xi32, #tpu.memory_space<vmem>> -> memref<112xi32, #tpu.memory_space<vmem>>
      %dma_start3A_90 = arith.constant 0 : i32
      %dma_start3A_91 = arith.constant 0 : i32
      %dma_start3A_92 = tpu.memref_slice %arg2[%dma_start3A_90, %dma_start3A_91] : memref<50176x48xf32, #tpu.memory_space<hbm>> -> memref<50176x48xf32, #tpu.memory_space<hbm>>
      tpu.enqueue_indirect_dma source(%dma_start3A_92 : memref<50176x48xf32, #tpu.memory_space<hbm>>) target(%dma_start3A_86 : memref<112x48xf32, #tpu.memory_space<vmem>>) offsets(%dma_start3A_89 : memref<112xi32, #tpu.memory_space<vmem>>) semaphore(%arg11 : memref<!tpu.dma_semaphore, #tpu.memory_space<semaphore_mem>>)
      %dma_start3A_93 = arith.constant 6 : i32
      %dma_start3A_94 = arith.constant 6 : i32
      %dma_start3A_95 = arith.constant 0 : i32
      %dma_start3A_96 = arith.constant 0 : i32
      %dma_start3A_97 = tpu.memref_slice %arg9[%dma_start3A_94, %dma_start3A_95, %dma_start3A_96] : memref<8x112x48xf32, #tpu.memory_space<vmem>> -> memref<1x112x48xf32, #tpu.memory_space<vmem>>
      %dma_start3A_98 = tpu.memref_squeeze %dma_start3A_97 : memref<1x112x48xf32, #tpu.memory_space<vmem>> -> memref<112x48xf32, #tpu.memory_space<vmem>>
      %dma_start3A_99 = arith.constant 0 : i32
      %dma_start3A_100 = tpu.memref_slice %arg6[%dma_start3A_93, %dma_start3A_99] : memref<8x112xi32, #tpu.memory_space<vmem>> -> memref<1x112xi32, #tpu.memory_space<vmem>>
      %dma_start3A_101 = tpu.memref_squeeze %dma_start3A_100 : memref<1x112xi32, #tpu.memory_space<vmem>> -> memref<112xi32, #tpu.memory_space<vmem>>
      %dma_start3A_102 = arith.constant 0 : i32
      %dma_start3A_103 = arith.constant 0 : i32
      %dma_start3A_104 = tpu.memref_slice %arg2[%dma_start3A_102, %dma_start3A_103] : memref<50176x48xf32, #tpu.memory_space<hbm>> -> memref<50176x48xf32, #tpu.memory_space<hbm>>
      tpu.enqueue_indirect_dma source(%dma_start3A_104 : memref<50176x48xf32, #tpu.memory_space<hbm>>) target(%dma_start3A_98 : memref<112x48xf32, #tpu.memory_space<vmem>>) offsets(%dma_start3A_101 : memref<112xi32, #tpu.memory_space<vmem>>) semaphore(%arg11 : memref<!tpu.dma_semaphore, #tpu.memory_space<semaphore_mem>>)
      %dma_start3A_105 = arith.constant 7 : i32
      %dma_start3A_106 = arith.constant 7 : i32
      %dma_start3A_107 = arith.constant 0 : i32
      %dma_start3A_108 = arith.constant 0 : i32
      %dma_start3A_109 = tpu.memref_slice %arg9[%dma_start3A_106, %dma_start3A_107, %dma_start3A_108] : memref<8x112x48xf32, #tpu.memory_space<vmem>> -> memref<1x112x48xf32, #tpu.memory_space<vmem>>
      %dma_start3A_110 = tpu.memref_squeeze %dma_start3A_109 : memref<1x112x48xf32, #tpu.memory_space<vmem>> -> memref<112x48xf32, #tpu.memory_space<vmem>>
      %dma_start3A_111 = arith.constant 0 : i32
      %dma_start3A_112 = tpu.memref_slice %arg6[%dma_start3A_105, %dma_start3A_111] : memref<8x112xi32, #tpu.memory_space<vmem>> -> memref<1x112xi32, #tpu.memory_space<vmem>>
      %dma_start3A_113 = tpu.memref_squeeze %dma_start3A_112 : memref<1x112xi32, #tpu.memory_space<vmem>> -> memref<112xi32, #tpu.memory_space<vmem>>
      %dma_start3A_114 = arith.constant 0 : i32
      %dma_start3A_115 = arith.constant 0 : i32
      %dma_start3A_116 = tpu.memref_slice %arg2[%dma_start3A_114, %dma_start3A_115] : memref<50176x48xf32, #tpu.memory_space<hbm>> -> memref<50176x48xf32, #tpu.memory_space<hbm>>
      tpu.enqueue_indirect_dma source(%dma_start3A_116 : memref<50176x48xf32, #tpu.memory_space<hbm>>) target(%dma_start3A_110 : memref<112x48xf32, #tpu.memory_space<vmem>>) offsets(%dma_start3A_113 : memref<112xi32, #tpu.memory_space<vmem>>) semaphore(%arg11 : memref<!tpu.dma_semaphore, #tpu.memory_space<semaphore_mem>>)
      %dma_wait3A = arith.constant 0 : i32
      %dma_wait3A_117 = arith.constant 0 : i32
      %dma_wait3A_118 = arith.constant 0 : i32
      %dma_wait3A_119 = arith.constant 0 : i32
      %dma_wait3A_120 = tpu.memref_slice %arg9[%dma_wait3A_117, %dma_wait3A_118, %dma_wait3A_119] : memref<8x112x48xf32, #tpu.memory_space<vmem>> -> memref<1x112x48xf32, #tpu.memory_space<vmem>>
      %dma_wait3A_121 = tpu.memref_squeeze %dma_wait3A_120 : memref<1x112x48xf32, #tpu.memory_space<vmem>> -> memref<112x48xf32, #tpu.memory_space<vmem>>
      %dma_wait3A_122 = arith.constant 0 : i32
      %dma_wait3A_123 = tpu.memref_slice %arg6[%dma_wait3A, %dma_wait3A_122] : memref<8x112xi32, #tpu.memory_space<vmem>> -> memref<1x112xi32, #tpu.memory_space<vmem>>
      %dma_wait3A_124 = tpu.memref_squeeze %dma_wait3A_123 : memref<1x112xi32, #tpu.memory_space<vmem>> -> memref<112xi32, #tpu.memory_space<vmem>>
      %dma_wait3A_125 = arith.constant 0 : i32
      %dma_wait3A_126 = arith.constant 0 : i32
      %dma_wait3A_127 = tpu.memref_slice %arg2[%dma_wait3A_125, %dma_wait3A_126] : memref<50176x48xf32, #tpu.memory_space<hbm>> -> memref<50176x48xf32, #tpu.memory_space<hbm>>
      tpu.wait_indirect_dma semaphore(%arg11 : memref<!tpu.dma_semaphore, #tpu.memory_space<semaphore_mem>>) src(%dma_wait3A_127 : memref<50176x48xf32, #tpu.memory_space<hbm>>) dst(%dma_wait3A_121 : memref<112x48xf32, #tpu.memory_space<vmem>>)
      %dma_wait3A_128 = arith.constant 1 : i32
      %dma_wait3A_129 = arith.constant 1 : i32
      %dma_wait3A_130 = arith.constant 0 : i32
      %dma_wait3A_131 = arith.constant 0 : i32
      %dma_wait3A_132 = tpu.memref_slice %arg9[%dma_wait3A_129, %dma_wait3A_130, %dma_wait3A_131] : memref<8x112x48xf32, #tpu.memory_space<vmem>> -> memref<1x112x48xf32, #tpu.memory_space<vmem>>
      %dma_wait3A_133 = tpu.memref_squeeze %dma_wait3A_132 : memref<1x112x48xf32, #tpu.memory_space<vmem>> -> memref<112x48xf32, #tpu.memory_space<vmem>>
      %dma_wait3A_134 = arith.constant 0 : i32
      %dma_wait3A_135 = tpu.memref_slice %arg6[%dma_wait3A_128, %dma_wait3A_134] : memref<8x112xi32, #tpu.memory_space<vmem>> -> memref<1x112xi32, #tpu.memory_space<vmem>>
      %dma_wait3A_136 = tpu.memref_squeeze %dma_wait3A_135 : memref<1x112xi32, #tpu.memory_space<vmem>> -> memref<112xi32, #tpu.memory_space<vmem>>
      %dma_wait3A_137 = arith.constant 0 : i32
      %dma_wait3A_138 = arith.constant 0 : i32
      %dma_wait3A_139 = tpu.memref_slice %arg2[%dma_wait3A_137, %dma_wait3A_138] : memref<50176x48xf32, #tpu.memory_space<hbm>> -> memref<50176x48xf32, #tpu.memory_space<hbm>>
      tpu.wait_indirect_dma semaphore(%arg11 : memref<!tpu.dma_semaphore, #tpu.memory_space<semaphore_mem>>) src(%dma_wait3A_139 : memref<50176x48xf32, #tpu.memory_space<hbm>>) dst(%dma_wait3A_133 : memref<112x48xf32, #tpu.memory_space<vmem>>)
      %dma_wait3A_140 = arith.constant 2 : i32
      %dma_wait3A_141 = arith.constant 2 : i32
      %dma_wait3A_142 = arith.constant 0 : i32
      %dma_wait3A_143 = arith.constant 0 : i32
      %dma_wait3A_144 = tpu.memref_slice %arg9[%dma_wait3A_141, %dma_wait3A_142, %dma_wait3A_143] : memref<8x112x48xf32, #tpu.memory_space<vmem>> -> memref<1x112x48xf32, #tpu.memory_space<vmem>>
      %dma_wait3A_145 = tpu.memref_squeeze %dma_wait3A_144 : memref<1x112x48xf32, #tpu.memory_space<vmem>> -> memref<112x48xf32, #tpu.memory_space<vmem>>
      %dma_wait3A_146 = arith.constant 0 : i32
      %dma_wait3A_147 = tpu.memref_slice %arg6[%dma_wait3A_140, %dma_wait3A_146] : memref<8x112xi32, #tpu.memory_space<vmem>> -> memref<1x112xi32, #tpu.memory_space<vmem>>
      %dma_wait3A_148 = tpu.memref_squeeze %dma_wait3A_147 : memref<1x112xi32, #tpu.memory_space<vmem>> -> memref<112xi32, #tpu.memory_space<vmem>>
      %dma_wait3A_149 = arith.constant 0 : i32
      %dma_wait3A_150 = arith.constant 0 : i32
      %dma_wait3A_151 = tpu.memref_slice %arg2[%dma_wait3A_149, %dma_wait3A_150] : memref<50176x48xf32, #tpu.memory_space<hbm>> -> memref<50176x48xf32, #tpu.memory_space<hbm>>
      tpu.wait_indirect_dma semaphore(%arg11 : memref<!tpu.dma_semaphore, #tpu.memory_space<semaphore_mem>>) src(%dma_wait3A_151 : memref<50176x48xf32, #tpu.memory_space<hbm>>) dst(%dma_wait3A_145 : memref<112x48xf32, #tpu.memory_space<vmem>>)
      %dma_wait3A_152 = arith.constant 3 : i32
      %dma_wait3A_153 = arith.constant 3 : i32
      %dma_wait3A_154 = arith.constant 0 : i32
      %dma_wait3A_155 = arith.constant 0 : i32
      %dma_wait3A_156 = tpu.memref_slice %arg9[%dma_wait3A_153, %dma_wait3A_154, %dma_wait3A_155] : memref<8x112x48xf32, #tpu.memory_space<vmem>> -> memref<1x112x48xf32, #tpu.memory_space<vmem>>
      %dma_wait3A_157 = tpu.memref_squeeze %dma_wait3A_156 : memref<1x112x48xf32, #tpu.memory_space<vmem>> -> memref<112x48xf32, #tpu.memory_space<vmem>>
      %dma_wait3A_158 = arith.constant 0 : i32
      %dma_wait3A_159 = tpu.memref_slice %arg6[%dma_wait3A_152, %dma_wait3A_158] : memref<8x112xi32, #tpu.memory_space<vmem>> -> memref<1x112xi32, #tpu.memory_space<vmem>>
      %dma_wait3A_160 = tpu.memref_squeeze %dma_wait3A_159 : memref<1x112xi32, #tpu.memory_space<vmem>> -> memref<112xi32, #tpu.memory_space<vmem>>
      %dma_wait3A_161 = arith.constant 0 : i32
      %dma_wait3A_162 = arith.constant 0 : i32
      %dma_wait3A_163 = tpu.memref_slice %arg2[%dma_wait3A_161, %dma_wait3A_162] : memref<50176x48xf32, #tpu.memory_space<hbm>> -> memref<50176x48xf32, #tpu.memory_space<hbm>>
      tpu.wait_indirect_dma semaphore(%arg11 : memref<!tpu.dma_semaphore, #tpu.memory_space<semaphore_mem>>) src(%dma_wait3A_163 : memref<50176x48xf32, #tpu.memory_space<hbm>>) dst(%dma_wait3A_157 : memref<112x48xf32, #tpu.memory_space<vmem>>)
      %dma_wait3A_164 = arith.constant 4 : i32
      %dma_wait3A_165 = arith.constant 4 : i32
      %dma_wait3A_166 = arith.constant 0 : i32
      %dma_wait3A_167 = arith.constant 0 : i32
      %dma_wait3A_168 = tpu.memref_slice %arg9[%dma_wait3A_165, %dma_wait3A_166, %dma_wait3A_167] : memref<8x112x48xf32, #tpu.memory_space<vmem>> -> memref<1x112x48xf32, #tpu.memory_space<vmem>>
      %dma_wait3A_169 = tpu.memref_squeeze %dma_wait3A_168 : memref<1x112x48xf32, #tpu.memory_space<vmem>> -> memref<112x48xf32, #tpu.memory_space<vmem>>
      %dma_wait3A_170 = arith.constant 0 : i32
      %dma_wait3A_171 = tpu.memref_slice %arg6[%dma_wait3A_164, %dma_wait3A_170] : memref<8x112xi32, #tpu.memory_space<vmem>> -> memref<1x112xi32, #tpu.memory_space<vmem>>
      %dma_wait3A_172 = tpu.memref_squeeze %dma_wait3A_171 : memref<1x112xi32, #tpu.memory_space<vmem>> -> memref<112xi32, #tpu.memory_space<vmem>>
      %dma_wait3A_173 = arith.constant 0 : i32
      %dma_wait3A_174 = arith.constant 0 : i32
      %dma_wait3A_175 = tpu.memref_slice %arg2[%dma_wait3A_173, %dma_wait3A_174] : memref<50176x48xf32, #tpu.memory_space<hbm>> -> memref<50176x48xf32, #tpu.memory_space<hbm>>
      tpu.wait_indirect_dma semaphore(%arg11 : memref<!tpu.dma_semaphore, #tpu.memory_space<semaphore_mem>>) src(%dma_wait3A_175 : memref<50176x48xf32, #tpu.memory_space<hbm>>) dst(%dma_wait3A_169 : memref<112x48xf32, #tpu.memory_space<vmem>>)
      %dma_wait3A_176 = arith.constant 5 : i32
      %dma_wait3A_177 = arith.constant 5 : i32
      %dma_wait3A_178 = arith.constant 0 : i32
      %dma_wait3A_179 = arith.constant 0 : i32
      %dma_wait3A_180 = tpu.memref_slice %arg9[%dma_wait3A_177, %dma_wait3A_178, %dma_wait3A_179] : memref<8x112x48xf32, #tpu.memory_space<vmem>> -> memref<1x112x48xf32, #tpu.memory_space<vmem>>
      %dma_wait3A_181 = tpu.memref_squeeze %dma_wait3A_180 : memref<1x112x48xf32, #tpu.memory_space<vmem>> -> memref<112x48xf32, #tpu.memory_space<vmem>>
      %dma_wait3A_182 = arith.constant 0 : i32
      %dma_wait3A_183 = tpu.memref_slice %arg6[%dma_wait3A_176, %dma_wait3A_182] : memref<8x112xi32, #tpu.memory_space<vmem>> -> memref<1x112xi32, #tpu.memory_space<vmem>>
      %dma_wait3A_184 = tpu.memref_squeeze %dma_wait3A_183 : memref<1x112xi32, #tpu.memory_space<vmem>> -> memref<112xi32, #tpu.memory_space<vmem>>
      %dma_wait3A_185 = arith.constant 0 : i32
      %dma_wait3A_186 = arith.constant 0 : i32
      %dma_wait3A_187 = tpu.memref_slice %arg2[%dma_wait3A_185, %dma_wait3A_186] : memref<50176x48xf32, #tpu.memory_space<hbm>> -> memref<50176x48xf32, #tpu.memory_space<hbm>>
      tpu.wait_indirect_dma semaphore(%arg11 : memref<!tpu.dma_semaphore, #tpu.memory_space<semaphore_mem>>) src(%dma_wait3A_187 : memref<50176x48xf32, #tpu.memory_space<hbm>>) dst(%dma_wait3A_181 : memref<112x48xf32, #tpu.memory_space<vmem>>)
      %dma_wait3A_188 = arith.constant 6 : i32
      %dma_wait3A_189 = arith.constant 6 : i32
      %dma_wait3A_190 = arith.constant 0 : i32
      %dma_wait3A_191 = arith.constant 0 : i32
      %dma_wait3A_192 = tpu.memref_slice %arg9[%dma_wait3A_189, %dma_wait3A_190, %dma_wait3A_191] : memref<8x112x48xf32, #tpu.memory_space<vmem>> -> memref<1x112x48xf32, #tpu.memory_space<vmem>>
      %dma_wait3A_193 = tpu.memref_squeeze %dma_wait3A_192 : memref<1x112x48xf32, #tpu.memory_space<vmem>> -> memref<112x48xf32, #tpu.memory_space<vmem>>
      %dma_wait3A_194 = arith.constant 0 : i32
      %dma_wait3A_195 = tpu.memref_slice %arg6[%dma_wait3A_188, %dma_wait3A_194] : memref<8x112xi32, #tpu.memory_space<vmem>> -> memref<1x112xi32, #tpu.memory_space<vmem>>
      %dma_wait3A_196 = tpu.memref_squeeze %dma_wait3A_195 : memref<1x112xi32, #tpu.memory_space<vmem>> -> memref<112xi32, #tpu.memory_space<vmem>>
      %dma_wait3A_197 = arith.constant 0 : i32
      %dma_wait3A_198 = arith.constant 0 : i32
      %dma_wait3A_199 = tpu.memref_slice %arg2[%dma_wait3A_197, %dma_wait3A_198] : memref<50176x48xf32, #tpu.memory_space<hbm>> -> memref<50176x48xf32, #tpu.memory_space<hbm>>
      tpu.wait_indirect_dma semaphore(%arg11 : memref<!tpu.dma_semaphore, #tpu.memory_space<semaphore_mem>>) src(%dma_wait3A_199 : memref<50176x48xf32, #tpu.memory_space<hbm>>) dst(%dma_wait3A_193 : memref<112x48xf32, #tpu.memory_space<vmem>>)
      %dma_wait3A_200 = arith.constant 7 : i32
      %dma_wait3A_201 = arith.constant 7 : i32
      %dma_wait3A_202 = arith.constant 0 : i32
      %dma_wait3A_203 = arith.constant 0 : i32
      %dma_wait3A_204 = tpu.memref_slice %arg9[%dma_wait3A_201, %dma_wait3A_202, %dma_wait3A_203] : memref<8x112x48xf32, #tpu.memory_space<vmem>> -> memref<1x112x48xf32, #tpu.memory_space<vmem>>
      %dma_wait3A_205 = tpu.memref_squeeze %dma_wait3A_204 : memref<1x112x48xf32, #tpu.memory_space<vmem>> -> memref<112x48xf32, #tpu.memory_space<vmem>>
      %dma_wait3A_206 = arith.constant 0 : i32
      %dma_wait3A_207 = tpu.memref_slice %arg6[%dma_wait3A_200, %dma_wait3A_206] : memref<8x112xi32, #tpu.memory_space<vmem>> -> memref<1x112xi32, #tpu.memory_space<vmem>>
      %dma_wait3A_208 = tpu.memref_squeeze %dma_wait3A_207 : memref<1x112xi32, #tpu.memory_space<vmem>> -> memref<112xi32, #tpu.memory_space<vmem>>
      %dma_wait3A_209 = arith.constant 0 : i32
      %dma_wait3A_210 = arith.constant 0 : i32
      %dma_wait3A_211 = tpu.memref_slice %arg2[%dma_wait3A_209, %dma_wait3A_210] : memref<50176x48xf32, #tpu.memory_space<hbm>> -> memref<50176x48xf32, #tpu.memory_space<hbm>>
      tpu.wait_indirect_dma semaphore(%arg11 : memref<!tpu.dma_semaphore, #tpu.memory_space<semaphore_mem>>) src(%dma_wait3A_211 : memref<50176x48xf32, #tpu.memory_space<hbm>>) dst(%dma_wait3A_205 : memref<112x48xf32, #tpu.memory_space<vmem>>)
      %scan3A_212 = arith.constant 0 : i32
      %scan3A_213 = arith.constant 7 : i32
      %scan3A_214 = arith.addi %scan3A_212, %scan3A_213 : i32
      %scan3A_215 = arith.constant 1 : i32
      %scan3A_216:2 = scf.for %scan3A_218 = %scan3A_212 to %scan3A_214 step %scan3A_215 iter_args(%scan3A_219 = %scan3A_17, %scan3A_220 = %scan3A_18) -> (vector<16xf32>, vector<16xf32>)  : i32 {
        %mul3A_221 = arith.constant 16 : i32
        %mul3A_222 = arith.muli %scan3A_218, %mul3A_221 : i32
        %add3A_223 = vector.broadcast %mul3A_222 : i32 to vector<16xi32>
        %add3A_224 = arith.addi %add3A_223, %iota3A : vector<16xi32>
        %mul3A_225 = arith.constant 16 : i32
        %mul3A_226 = arith.muli %scan3A_218, %mul3A_225 : i32
        %get3A = arith.constant 0 : i32
        %get3A_227 = arith.index_cast %get3A : i32 to index
        %get3A_228 = arith.index_cast %mul3A_226 : i32 to index
        %get3A_229 = tpu.vector_load %arg7[%get3A_227, %get3A_228] {strides = array<i32>} : memref<8x112xf32, #tpu.memory_space<vmem>>, vector<16xf32>,
        %mul3A_230 = arith.constant 16 : i32
        %mul3A_231 = arith.muli %scan3A_218, %mul3A_230 : i32
        %get3A_232 = arith.constant 1 : i32
        %get3A_233 = arith.index_cast %get3A_232 : i32 to index
        %get3A_234 = arith.index_cast %mul3A_231 : i32 to index
        %get3A_235 = tpu.vector_load %arg7[%get3A_233, %get3A_234] {strides = array<i32>} : memref<8x112xf32, #tpu.memory_space<vmem>>, vector<16xf32>,
        %mul3A_236 = arith.constant 16 : i32
        %mul3A_237 = arith.muli %scan3A_218, %mul3A_236 : i32
        %get3A_238 = arith.constant 2 : i32
        %get3A_239 = arith.index_cast %get3A_238 : i32 to index
        %get3A_240 = arith.index_cast %mul3A_237 : i32 to index
        %get3A_241 = tpu.vector_load %arg7[%get3A_239, %get3A_240] {strides = array<i32>} : memref<8x112xf32, #tpu.memory_space<vmem>>, vector<16xf32>,
        %mul3A_242 = arith.constant 16 : i32
        %mul3A_243 = arith.muli %scan3A_218, %mul3A_242 : i32
        %get3A_244 = arith.constant 3 : i32
        %get3A_245 = arith.index_cast %get3A_244 : i32 to index
        %get3A_246 = arith.index_cast %mul3A_243 : i32 to index
        %get3A_247 = tpu.vector_load %arg7[%get3A_245, %get3A_246] {strides = array<i32>} : memref<8x112xf32, #tpu.memory_space<vmem>>, vector<16xf32>,
        %mul3A_248 = arith.constant 16 : i32
        %mul3A_249 = arith.muli %scan3A_218, %mul3A_248 : i32
        %get3A_250 = arith.constant 4 : i32
        %get3A_251 = arith.index_cast %get3A_250 : i32 to index
        %get3A_252 = arith.index_cast %mul3A_249 : i32 to index
        %get3A_253 = tpu.vector_load %arg7[%get3A_251, %get3A_252] {strides = array<i32>} : memref<8x112xf32, #tpu.memory_space<vmem>>, vector<16xf32>,
        %mul3A_254 = arith.constant 16 : i32
        %mul3A_255 = arith.muli %scan3A_218, %mul3A_254 : i32
        %get3A_256 = arith.constant 5 : i32
        %get3A_257 = arith.index_cast %get3A_256 : i32 to index
        %get3A_258 = arith.index_cast %mul3A_255 : i32 to index
        %get3A_259 = tpu.vector_load %arg7[%get3A_257, %get3A_258] {strides = array<i32>} : memref<8x112xf32, #tpu.memory_space<vmem>>, vector<16xf32>,
        %mul3A_260 = arith.constant 16 : i32
        %mul3A_261 = arith.muli %scan3A_218, %mul3A_260 : i32
        %get3A_262 = arith.constant 6 : i32
        %get3A_263 = arith.index_cast %get3A_262 : i32 to index
        %get3A_264 = arith.index_cast %mul3A_261 : i32 to index
        %get3A_265 = tpu.vector_load %arg7[%get3A_263, %get3A_264] {strides = array<i32>} : memref<8x112xf32, #tpu.memory_space<vmem>>, vector<16xf32>,
        %mul3A_266 = arith.constant 16 : i32
        %mul3A_267 = arith.muli %scan3A_218, %mul3A_266 : i32
        %get3A_268 = arith.constant 7 : i32
        %get3A_269 = arith.index_cast %get3A_268 : i32 to index
        %get3A_270 = arith.index_cast %mul3A_267 : i32 to index
        %get3A_271 = tpu.vector_load %arg7[%get3A_269, %get3A_270] {strides = array<i32>} : memref<8x112xf32, #tpu.memory_space<vmem>>, vector<16xf32>,
        %broadcast_in_dim3A_272 = arith.constant 0 : i32
        %broadcast_in_dim3A_273 = vector.broadcast %broadcast_in_dim3A_272 : i32 to vector<16xi32>
        %gather3A = tpu.vector_load_idx %arg8[%add3A_224, %broadcast_in_dim3A_273] : memref<112x48xf32, #tpu.memory_space<vmem>>[vector<16xi32>, vector<16xi32>], vector<16xf32>,
        %gather3A_274 = arith.constant 0 : i32
        %gather3A_275 = arith.constant 0 : i32
        %gather3A_276 = arith.constant 0 : i32
        %gather3A_277 = tpu.memref_slice %arg9[%gather3A_274, %gather3A_275, %gather3A_276] : memref<8x112x48xf32, #tpu.memory_space<vmem>> -> memref<1x112x48xf32, #tpu.memory_space<vmem>>
        %gather3A_278 = tpu.memref_squeeze %gather3A_277 : memref<1x112x48xf32, #tpu.memory_space<vmem>> -> memref<112x48xf32, #tpu.memory_space<vmem>>
        %gather3A_279 = tpu.vector_load_idx %gather3A_278[%add3A_224, %broadcast_in_dim3A_273] : memref<112x48xf32, #tpu.memory_space<vmem>>[vector<16xi32>, vector<16xi32>], vector<16xf32>,
        %mul3A_280 = arith.mulf %get3A_229, %gather3A_279 : vector<16xf32>
        %add3A_281 = arith.addf %gather3A, %mul3A_280 : vector<16xf32>
        %gather3A_282 = arith.constant 1 : i32
        %gather3A_283 = arith.constant 0 : i32
        %gather3A_284 = arith.constant 0 : i32
        %gather3A_285 = tpu.memref_slice %arg9[%gather3A_282, %gather3A_283, %gather3A_284] : memref<8x112x48xf32, #tpu.memory_space<vmem>> -> memref<1x112x48xf32, #tpu.memory_space<vmem>>
        %gather3A_286 = tpu.memref_squeeze %gather3A_285 : memref<1x112x48xf32, #tpu.memory_space<vmem>> -> memref<112x48xf32, #tpu.memory_space<vmem>>
        %gather3A_287 = tpu.vector_load_idx %gather3A_286[%add3A_224, %broadcast_in_dim3A_273] : memref<112x48xf32, #tpu.memory_space<vmem>>[vector<16xi32>, vector<16xi32>], vector<16xf32>,
        %mul3A_288 = arith.mulf %get3A_235, %gather3A_287 : vector<16xf32>
        %add3A_289 = arith.addf %add3A_281, %mul3A_288 : vector<16xf32>
        %gather3A_290 = arith.constant 2 : i32
        %gather3A_291 = arith.constant 0 : i32
        %gather3A_292 = arith.constant 0 : i32
        %gather3A_293 = tpu.memref_slice %arg9[%gather3A_290, %gather3A_291, %gather3A_292] : memref<8x112x48xf32, #tpu.memory_space<vmem>> -> memref<1x112x48xf32, #tpu.memory_space<vmem>>
        %gather3A_294 = tpu.memref_squeeze %gather3A_293 : memref<1x112x48xf32, #tpu.memory_space<vmem>> -> memref<112x48xf32, #tpu.memory_space<vmem>>
        %gather3A_295 = tpu.vector_load_idx %gather3A_294[%add3A_224, %broadcast_in_dim3A_273] : memref<112x48xf32, #tpu.memory_space<vmem>>[vector<16xi32>, vector<16xi32>], vector<16xf32>,
        %mul3A_296 = arith.mulf %get3A_241, %gather3A_295 : vector<16xf32>
        %add3A_297 = arith.addf %add3A_289, %mul3A_296 : vector<16xf32>
        %gather3A_298 = arith.constant 3 : i32
        %gather3A_299 = arith.constant 0 : i32
        %gather3A_300 = arith.constant 0 : i32
        %gather3A_301 = tpu.memref_slice %arg9[%gather3A_298, %gather3A_299, %gather3A_300] : memref<8x112x48xf32, #tpu.memory_space<vmem>> -> memref<1x112x48xf32, #tpu.memory_space<vmem>>
        %gather3A_302 = tpu.memref_squeeze %gather3A_301 : memref<1x112x48xf32, #tpu.memory_space<vmem>> -> memref<112x48xf32, #tpu.memory_space<vmem>>
        %gather3A_303 = tpu.vector_load_idx %gather3A_302[%add3A_224, %broadcast_in_dim3A_273] : memref<112x48xf32, #tpu.memory_space<vmem>>[vector<16xi32>, vector<16xi32>], vector<16xf32>,
        %mul3A_304 = arith.mulf %get3A_247, %gather3A_303 : vector<16xf32>
        %add3A_305 = arith.addf %add3A_297, %mul3A_304 : vector<16xf32>
        %gather3A_306 = arith.constant 4 : i32
        %gather3A_307 = arith.constant 0 : i32
        %gather3A_308 = arith.constant 0 : i32
        %gather3A_309 = tpu.memref_slice %arg9[%gather3A_306, %gather3A_307, %gather3A_308] : memref<8x112x48xf32, #tpu.memory_space<vmem>> -> memref<1x112x48xf32, #tpu.memory_space<vmem>>
        %gather3A_310 = tpu.memref_squeeze %gather3A_309 : memref<1x112x48xf32, #tpu.memory_space<vmem>> -> memref<112x48xf32, #tpu.memory_space<vmem>>
        %gather3A_311 = tpu.vector_load_idx %gather3A_310[%add3A_224, %broadcast_in_dim3A_273] : memref<112x48xf32, #tpu.memory_space<vmem>>[vector<16xi32>, vector<16xi32>], vector<16xf32>,
        %mul3A_312 = arith.mulf %get3A_253, %gather3A_311 : vector<16xf32>
        %add3A_313 = arith.addf %add3A_305, %mul3A_312 : vector<16xf32>
        %gather3A_314 = arith.constant 5 : i32
        %gather3A_315 = arith.constant 0 : i32
        %gather3A_316 = arith.constant 0 : i32
        %gather3A_317 = tpu.memref_slice %arg9[%gather3A_314, %gather3A_315, %gather3A_316] : memref<8x112x48xf32, #tpu.memory_space<vmem>> -> memref<1x112x48xf32, #tpu.memory_space<vmem>>
        %gather3A_318 = tpu.memref_squeeze %gather3A_317 : memref<1x112x48xf32, #tpu.memory_space<vmem>> -> memref<112x48xf32, #tpu.memory_space<vmem>>
        %gather3A_319 = tpu.vector_load_idx %gather3A_318[%add3A_224, %broadcast_in_dim3A_273] : memref<112x48xf32, #tpu.memory_space<vmem>>[vector<16xi32>, vector<16xi32>], vector<16xf32>,
        %mul3A_320 = arith.mulf %get3A_259, %gather3A_319 : vector<16xf32>
        %add3A_321 = arith.addf %add3A_313, %mul3A_320 : vector<16xf32>
        %gather3A_322 = arith.constant 6 : i32
        %gather3A_323 = arith.constant 0 : i32
        %gather3A_324 = arith.constant 0 : i32
        %gather3A_325 = tpu.memref_slice %arg9[%gather3A_322, %gather3A_323, %gather3A_324] : memref<8x112x48xf32, #tpu.memory_space<vmem>> -> memref<1x112x48xf32, #tpu.memory_space<vmem>>
        %gather3A_326 = tpu.memref_squeeze %gather3A_325 : memref<1x112x48xf32, #tpu.memory_space<vmem>> -> memref<112x48xf32, #tpu.memory_space<vmem>>
        %gather3A_327 = tpu.vector_load_idx %gather3A_326[%add3A_224, %broadcast_in_dim3A_273] : memref<112x48xf32, #tpu.memory_space<vmem>>[vector<16xi32>, vector<16xi32>], vector<16xf32>,
        %mul3A_328 = arith.mulf %get3A_265, %gather3A_327 : vector<16xf32>
        %add3A_329 = arith.addf %add3A_321, %mul3A_328 : vector<16xf32>
        %gather3A_330 = arith.constant 7 : i32
        %gather3A_331 = arith.constant 0 : i32
        %gather3A_332 = arith.constant 0 : i32
        %gather3A_333 = tpu.memref_slice %arg9[%gather3A_330, %gather3A_331, %gather3A_332] : memref<8x112x48xf32, #tpu.memory_space<vmem>> -> memref<1x112x48xf32, #tpu.memory_space<vmem>>
        %gather3A_334 = tpu.memref_squeeze %gather3A_333 : memref<1x112x48xf32, #tpu.memory_space<vmem>> -> memref<112x48xf32, #tpu.memory_space<vmem>>
        %gather3A_335 = tpu.vector_load_idx %gather3A_334[%add3A_224, %broadcast_in_dim3A_273] : memref<112x48xf32, #tpu.memory_space<vmem>>[vector<16xi32>, vector<16xi32>], vector<16xf32>,
        %mul3A_336 = arith.mulf %get3A_271, %gather3A_335 : vector<16xf32>
        %add3A_337 = arith.addf %add3A_329, %mul3A_336 : vector<16xf32>
        %mul3A_338 = arith.mulf %gather3A, %gather3A : vector<16xf32>
        %add3A_339 = arith.addf %scan3A_219, %mul3A_338 : vector<16xf32>
        %mul3A_340 = arith.mulf %add3A_337, %add3A_337 : vector<16xf32>
        %add3A_341 = arith.addf %scan3A_220, %mul3A_340 : vector<16xf32>
        %broadcast_in_dim3A_342 = arith.constant 1 : i32
        %broadcast_in_dim3A_343 = vector.broadcast %broadcast_in_dim3A_342 : i32 to vector<16xi32>
        %gather3A_344 = tpu.vector_load_idx %arg8[%add3A_224, %broadcast_in_dim3A_343] : memref<112x48xf32, #tpu.memory_space<vmem>>[vector<16xi32>, vector<16xi32>], vector<16xf32>,
        %gather3A_345 = arith.constant 0 : i32
        %gather3A_346 = arith.constant 0 : i32
        %gather3A_347 = arith.constant 0 : i32
        %gather3A_348 = tpu.memref_slice %arg9[%gather3A_345, %gather3A_346, %gather3A_347] : memref<8x112x48xf32, #tpu.memory_space<vmem>> -> memref<1x112x48xf32, #tpu.memory_space<vmem>>
        %gather3A_349 = tpu.memref_squeeze %gather3A_348 : memref<1x112x48xf32, #tpu.memory_space<vmem>> -> memref<112x48xf32, #tpu.memory_space<vmem>>
        %gather3A_350 = tpu.vector_load_idx %gather3A_349[%add3A_224, %broadcast_in_dim3A_343] : memref<112x48xf32, #tpu.memory_space<vmem>>[vector<16xi32>, vector<16xi32>], vector<16xf32>,
        %mul3A_351 = arith.mulf %get3A_229, %gather3A_350 : vector<16xf32>
        %add3A_352 = arith.addf %gather3A_344, %mul3A_351 : vector<16xf32>
        %gather3A_353 = arith.constant 1 : i32
        %gather3A_354 = arith.constant 0 : i32
        %gather3A_355 = arith.constant 0 : i32
        %gather3A_356 = tpu.memref_slice %arg9[%gather3A_353, %gather3A_354, %gather3A_355] : memref<8x112x48xf32, #tpu.memory_space<vmem>> -> memref<1x112x48xf32, #tpu.memory_space<vmem>>
        %gather3A_357 = tpu.memref_squeeze %gather3A_356 : memref<1x112x48xf32, #tpu.memory_space<vmem>> -> memref<112x48xf32, #tpu.memory_space<vmem>>
        %gather3A_358 = tpu.vector_load_idx %gather3A_357[%add3A_224, %broadcast_in_dim3A_343] : memref<112x48xf32, #tpu.memory_space<vmem>>[vector<16xi32>, vector<16xi32>], vector<16xf32>,
        %mul3A_359 = arith.mulf %get3A_235, %gather3A_358 : vector<16xf32>
        %add3A_360 = arith.addf %add3A_352, %mul3A_359 : vector<16xf32>
        %gather3A_361 = arith.constant 2 : i32
        %gather3A_362 = arith.constant 0 : i32
        %gather3A_363 = arith.constant 0 : i32
        %gather3A_364 = tpu.memref_slice %arg9[%gather3A_361, %gather3A_362, %gather3A_363] : memref<8x112x48xf32, #tpu.memory_space<vmem>> -> memref<1x112x48xf32, #tpu.memory_space<vmem>>
        %gather3A_365 = tpu.memref_squeeze %gather3A_364 : memref<1x112x48xf32, #tpu.memory_space<vmem>> -> memref<112x48xf32, #tpu.memory_space<vmem>>
        %gather3A_366 = tpu.vector_load_idx %gather3A_365[%add3A_224, %broadcast_in_dim3A_343] : memref<112x48xf32, #tpu.memory_space<vmem>>[vector<16xi32>, vector<16xi32>], vector<16xf32>,
        %mul3A_367 = arith.mulf %get3A_241, %gather3A_366 : vector<16xf32>
        %add3A_368 = arith.addf %add3A_360, %mul3A_367 : vector<16xf32>
        %gather3A_369 = arith.constant 3 : i32
        %gather3A_370 = arith.constant 0 : i32
        %gather3A_371 = arith.constant 0 : i32
        %gather3A_372 = tpu.memref_slice %arg9[%gather3A_369, %gather3A_370, %gather3A_371] : memref<8x112x48xf32, #tpu.memory_space<vmem>> -> memref<1x112x48xf32, #tpu.memory_space<vmem>>
        %gather3A_373 = tpu.memref_squeeze %gather3A_372 : memref<1x112x48xf32, #tpu.memory_space<vmem>> -> memref<112x48xf32, #tpu.memory_space<vmem>>
        %gather3A_374 = tpu.vector_load_idx %gather3A_373[%add3A_224, %broadcast_in_dim3A_343] : memref<112x48xf32, #tpu.memory_space<vmem>>[vector<16xi32>, vector<16xi32>], vector<16xf32>,
        %mul3A_375 = arith.mulf %get3A_247, %gather3A_374 : vector<16xf32>
        %add3A_376 = arith.addf %add3A_368, %mul3A_375 : vector<16xf32>
        %gather3A_377 = arith.constant 4 : i32
        %gather3A_378 = arith.constant 0 : i32
        %gather3A_379 = arith.constant 0 : i32
        %gather3A_380 = tpu.memref_slice %arg9[%gather3A_377, %gather3A_378, %gather3A_379] : memref<8x112x48xf32, #tpu.memory_space<vmem>> -> memref<1x112x48xf32, #tpu.memory_space<vmem>>
        %gather3A_381 = tpu.memref_squeeze %gather3A_380 : memref<1x112x48xf32, #tpu.memory_space<vmem>> -> memref<112x48xf32, #tpu.memory_space<vmem>>
        %gather3A_382 = tpu.vector_load_idx %gather3A_381[%add3A_224, %broadcast_in_dim3A_343] : memref<112x48xf32, #tpu.memory_space<vmem>>[vector<16xi32>, vector<16xi32>], vector<16xf32>,
        %mul3A_383 = arith.mulf %get3A_253, %gather3A_382 : vector<16xf32>
        %add3A_384 = arith.addf %add3A_376, %mul3A_383 : vector<16xf32>
        %gather3A_385 = arith.constant 5 : i32
        %gather3A_386 = arith.constant 0 : i32
        %gather3A_387 = arith.constant 0 : i32
        %gather3A_388 = tpu.memref_slice %arg9[%gather3A_385, %gather3A_386, %gather3A_387] : memref<8x112x48xf32, #tpu.memory_space<vmem>> -> memref<1x112x48xf32, #tpu.memory_space<vmem>>
        %gather3A_389 = tpu.memref_squeeze %gather3A_388 : memref<1x112x48xf32, #tpu.memory_space<vmem>> -> memref<112x48xf32, #tpu.memory_space<vmem>>
        %gather3A_390 = tpu.vector_load_idx %gather3A_389[%add3A_224, %broadcast_in_dim3A_343] : memref<112x48xf32, #tpu.memory_space<vmem>>[vector<16xi32>, vector<16xi32>], vector<16xf32>,
        %mul3A_391 = arith.mulf %get3A_259, %gather3A_390 : vector<16xf32>
        %add3A_392 = arith.addf %add3A_384, %mul3A_391 : vector<16xf32>
        %gather3A_393 = arith.constant 6 : i32
        %gather3A_394 = arith.constant 0 : i32
        %gather3A_395 = arith.constant 0 : i32
        %gather3A_396 = tpu.memref_slice %arg9[%gather3A_393, %gather3A_394, %gather3A_395] : memref<8x112x48xf32, #tpu.memory_space<vmem>> -> memref<1x112x48xf32, #tpu.memory_space<vmem>>
        %gather3A_397 = tpu.memref_squeeze %gather3A_396 : memref<1x112x48xf32, #tpu.memory_space<vmem>> -> memref<112x48xf32, #tpu.memory_space<vmem>>
        %gather3A_398 = tpu.vector_load_idx %gather3A_397[%add3A_224, %broadcast_in_dim3A_343] : memref<112x48xf32, #tpu.memory_space<vmem>>[vector<16xi32>, vector<16xi32>], vector<16xf32>,
        %mul3A_399 = arith.mulf %get3A_265, %gather3A_398 : vector<16xf32>
        %add3A_400 = arith.addf %add3A_392, %mul3A_399 : vector<16xf32>
        %gather3A_401 = arith.constant 7 : i32
        %gather3A_402 = arith.constant 0 : i32
        %gather3A_403 = arith.constant 0 : i32
        %gather3A_404 = tpu.memref_slice %arg9[%gather3A_401, %gather3A_402, %gather3A_403] : memref<8x112x48xf32, #tpu.memory_space<vmem>> -> memref<1x112x48xf32, #tpu.memory_space<vmem>>
        %gather3A_405 = tpu.memref_squeeze %gather3A_404 : memref<1x112x48xf32, #tpu.memory_space<vmem>> -> memref<112x48xf32, #tpu.memory_space<vmem>>
        %gather3A_406 = tpu.vector_load_idx %gather3A_405[%add3A_224, %broadcast_in_dim3A_343] : memref<112x48xf32, #tpu.memory_space<vmem>>[vector<16xi32>, vector<16xi32>], vector<16xf32>,
        %mul3A_407 = arith.mulf %get3A_271, %gather3A_406 : vector<16xf32>
        %add3A_408 = arith.addf %add3A_400, %mul3A_407 : vector<16xf32>
        %mul3A_409 = arith.mulf %gather3A_344, %gather3A_344 : vector<16xf32>
        %add3A_410 = arith.addf %add3A_339, %mul3A_409 : vector<16xf32>
        %mul3A_411 = arith.mulf %add3A_408, %add3A_408 : vector<16xf32>
        %add3A_412 = arith.addf %add3A_341, %mul3A_411 : vector<16xf32>
        %broadcast_in_dim3A_413 = arith.constant 2 : i32
        %broadcast_in_dim3A_414 = vector.broadcast %broadcast_in_dim3A_413 : i32 to vector<16xi32>
        %gather3A_415 = tpu.vector_load_idx %arg8[%add3A_224, %broadcast_in_dim3A_414] : memref<112x48xf32, #tpu.memory_space<vmem>>[vector<16xi32>, vector<16xi32>], vector<16xf32>,
        %gather3A_416 = arith.constant 0 : i32
        %gather3A_417 = arith.constant 0 : i32
        %gather3A_418 = arith.constant 0 : i32
        %gather3A_419 = tpu.memref_slice %arg9[%gather3A_416, %gather3A_417, %gather3A_418] : memref<8x112x48xf32, #tpu.memory_space<vmem>> -> memref<1x112x48xf32, #tpu.memory_space<vmem>>
        %gather3A_420 = tpu.memref_squeeze %gather3A_419 : memref<1x112x48xf32, #tpu.memory_space<vmem>> -> memref<112x48xf32, #tpu.memory_space<vmem>>
        %gather3A_421 = tpu.vector_load_idx %gather3A_420[%add3A_224, %broadcast_in_dim3A_414] : memref<112x48xf32, #tpu.memory_space<vmem>>[vector<16xi32>, vector<16xi32>], vector<16xf32>,
        %mul3A_422 = arith.mulf %get3A_229, %gather3A_421 : vector<16xf32>
        %add3A_423 = arith.addf %gather3A_415, %mul3A_422 : vector<16xf32>
        %gather3A_424 = arith.constant 1 : i32
        %gather3A_425 = arith.constant 0 : i32
        %gather3A_426 = arith.constant 0 : i32
        %gather3A_427 = tpu.memref_slice %arg9[%gather3A_424, %gather3A_425, %gather3A_426] : memref<8x112x48xf32, #tpu.memory_space<vmem>> -> memref<1x112x48xf32, #tpu.memory_space<vmem>>
        %gather3A_428 = tpu.memref_squeeze %gather3A_427 : memref<1x112x48xf32, #tpu.memory_space<vmem>> -> memref<112x48xf32, #tpu.memory_space<vmem>>
        %gather3A_429 = tpu.vector_load_idx %gather3A_428[%add3A_224, %broadcast_in_dim3A_414] : memref<112x48xf32, #tpu.memory_space<vmem>>[vector<16xi32>, vector<16xi32>], vector<16xf32>,
        %mul3A_430 = arith.mulf %get3A_235, %gather3A_429 : vector<16xf32>
        %add3A_431 = arith.addf %add3A_423, %mul3A_430 : vector<16xf32>
        %gather3A_432 = arith.constant 2 : i32
        %gather3A_433 = arith.constant 0 : i32
        %gather3A_434 = arith.constant 0 : i32
        %gather3A_435 = tpu.memref_slice %arg9[%gather3A_432, %gather3A_433, %gather3A_434] : memref<8x112x48xf32, #tpu.memory_space<vmem>> -> memref<1x112x48xf32, #tpu.memory_space<vmem>>
        %gather3A_436 = tpu.memref_squeeze %gather3A_435 : memref<1x112x48xf32, #tpu.memory_space<vmem>> -> memref<112x48xf32, #tpu.memory_space<vmem>>
        %gather3A_437 = tpu.vector_load_idx %gather3A_436[%add3A_224, %broadcast_in_dim3A_414] : memref<112x48xf32, #tpu.memory_space<vmem>>[vector<16xi32>, vector<16xi32>], vector<16xf32>,
        %mul3A_438 = arith.mulf %get3A_241, %gather3A_437 : vector<16xf32>
        %add3A_439 = arith.addf %add3A_431, %mul3A_438 : vector<16xf32>
        %gather3A_440 = arith.constant 3 : i32
        %gather3A_441 = arith.constant 0 : i32
        %gather3A_442 = arith.constant 0 : i32
        %gather3A_443 = tpu.memref_slice %arg9[%gather3A_440, %gather3A_441, %gather3A_442] : memref<8x112x48xf32, #tpu.memory_space<vmem>> -> memref<1x112x48xf32, #tpu.memory_space<vmem>>
        %gather3A_444 = tpu.memref_squeeze %gather3A_443 : memref<1x112x48xf32, #tpu.memory_space<vmem>> -> memref<112x48xf32, #tpu.memory_space<vmem>>
        %gather3A_445 = tpu.vector_load_idx %gather3A_444[%add3A_224, %broadcast_in_dim3A_414] : memref<112x48xf32, #tpu.memory_space<vmem>>[vector<16xi32>, vector<16xi32>], vector<16xf32>,
        %mul3A_446 = arith.mulf %get3A_247, %gather3A_445 : vector<16xf32>
        %add3A_447 = arith.addf %add3A_439, %mul3A_446 : vector<16xf32>
        %gather3A_448 = arith.constant 4 : i32
        %gather3A_449 = arith.constant 0 : i32
        %gather3A_450 = arith.constant 0 : i32
        %gather3A_451 = tpu.memref_slice %arg9[%gather3A_448, %gather3A_449, %gather3A_450] : memref<8x112x48xf32, #tpu.memory_space<vmem>> -> memref<1x112x48xf32, #tpu.memory_space<vmem>>
        %gather3A_452 = tpu.memref_squeeze %gather3A_451 : memref<1x112x48xf32, #tpu.memory_space<vmem>> -> memref<112x48xf32, #tpu.memory_space<vmem>>
        %gather3A_453 = tpu.vector_load_idx %gather3A_452[%add3A_224, %broadcast_in_dim3A_414] : memref<112x48xf32, #tpu.memory_space<vmem>>[vector<16xi32>, vector<16xi32>], vector<16xf32>,
        %mul3A_454 = arith.mulf %get3A_253, %gather3A_453 : vector<16xf32>
        %add3A_455 = arith.addf %add3A_447, %mul3A_454 : vector<16xf32>
        %gather3A_456 = arith.constant 5 : i32
        %gather3A_457 = arith.constant 0 : i32
        %gather3A_458 = arith.constant 0 : i32
        %gather3A_459 = tpu.memref_slice %arg9[%gather3A_456, %gather3A_457, %gather3A_458] : memref<8x112x48xf32, #tpu.memory_space<vmem>> -> memref<1x112x48xf32, #tpu.memory_space<vmem>>
        %gather3A_460 = tpu.memref_squeeze %gather3A_459 : memref<1x112x48xf32, #tpu.memory_space<vmem>> -> memref<112x48xf32, #tpu.memory_space<vmem>>
        %gather3A_461 = tpu.vector_load_idx %gather3A_460[%add3A_224, %broadcast_in_dim3A_414] : memref<112x48xf32, #tpu.memory_space<vmem>>[vector<16xi32>, vector<16xi32>], vector<16xf32>,
        %mul3A_462 = arith.mulf %get3A_259, %gather3A_461 : vector<16xf32>
        %add3A_463 = arith.addf %add3A_455, %mul3A_462 : vector<16xf32>
        %gather3A_464 = arith.constant 6 : i32
        %gather3A_465 = arith.constant 0 : i32
        %gather3A_466 = arith.constant 0 : i32
        %gather3A_467 = tpu.memref_slice %arg9[%gather3A_464, %gather3A_465, %gather3A_466] : memref<8x112x48xf32, #tpu.memory_space<vmem>> -> memref<1x112x48xf32, #tpu.memory_space<vmem>>
        %gather3A_468 = tpu.memref_squeeze %gather3A_467 : memref<1x112x48xf32, #tpu.memory_space<vmem>> -> memref<112x48xf32, #tpu.memory_space<vmem>>
        %gather3A_469 = tpu.vector_load_idx %gather3A_468[%add3A_224, %broadcast_in_dim3A_414] : memref<112x48xf32, #tpu.memory_space<vmem>>[vector<16xi32>, vector<16xi32>], vector<16xf32>,
        %mul3A_470 = arith.mulf %get3A_265, %gather3A_469 : vector<16xf32>
        %add3A_471 = arith.addf %add3A_463, %mul3A_470 : vector<16xf32>
        %gather3A_472 = arith.constant 7 : i32
        %gather3A_473 = arith.constant 0 : i32
        %gather3A_474 = arith.constant 0 : i32
        %gather3A_475 = tpu.memref_slice %arg9[%gather3A_472, %gather3A_473, %gather3A_474] : memref<8x112x48xf32, #tpu.memory_space<vmem>> -> memref<1x112x48xf32, #tpu.memory_space<vmem>>
        %gather3A_476 = tpu.memref_squeeze %gather3A_475 : memref<1x112x48xf32, #tpu.memory_space<vmem>> -> memref<112x48xf32, #tpu.memory_space<vmem>>
        %gather3A_477 = tpu.vector_load_idx %gather3A_476[%add3A_224, %broadcast_in_dim3A_414] : memref<112x48xf32, #tpu.memory_space<vmem>>[vector<16xi32>, vector<16xi32>], vector<16xf32>,
        %mul3A_478 = arith.mulf %get3A_271, %gather3A_477 : vector<16xf32>
        %add3A_479 = arith.addf %add3A_471, %mul3A_478 : vector<16xf32>
        %mul3A_480 = arith.mulf %gather3A_415, %gather3A_415 : vector<16xf32>
        %add3A_481 = arith.addf %add3A_410, %mul3A_480 : vector<16xf32>
        %mul3A_482 = arith.mulf %add3A_479, %add3A_479 : vector<16xf32>
        %add3A_483 = arith.addf %add3A_412, %mul3A_482 : vector<16xf32>
        %broadcast_in_dim3A_484 = arith.constant 3 : i32
        %broadcast_in_dim3A_485 = vector.broadcast %broadcast_in_dim3A_484 : i32 to vector<16xi32>
        %gather3A_486 = tpu.vector_load_idx %arg8[%add3A_224, %broadcast_in_dim3A_485] : memref<112x48xf32, #tpu.memory_space<vmem>>[vector<16xi32>, vector<16xi32>], vector<16xf32>,
        %gather3A_487 = arith.constant 0 : i32
        %gather3A_488 = arith.constant 0 : i32
        %gather3A_489 = arith.constant 0 : i32
        %gather3A_490 = tpu.memref_slice %arg9[%gather3A_487, %gather3A_488, %gather3A_489] : memref<8x112x48xf32, #tpu.memory_space<vmem>> -> memref<1x112x48xf32, #tpu.memory_space<vmem>>
        %gather3A_491 = tpu.memref_squeeze %gather3A_490 : memref<1x112x48xf32, #tpu.memory_space<vmem>> -> memref<112x48xf32, #tpu.memory_space<vmem>>
        %gather3A_492 = tpu.vector_load_idx %gather3A_491[%add3A_224, %broadcast_in_dim3A_485] : memref<112x48xf32, #tpu.memory_space<vmem>>[vector<16xi32>, vector<16xi32>], vector<16xf32>,
        %mul3A_493 = arith.mulf %get3A_229, %gather3A_492 : vector<16xf32>
        %add3A_494 = arith.addf %gather3A_486, %mul3A_493 : vector<16xf32>
        %gather3A_495 = arith.constant 1 : i32
        %gather3A_496 = arith.constant 0 : i32
        %gather3A_497 = arith.constant 0 : i32
        %gather3A_498 = tpu.memref_slice %arg9[%gather3A_495, %gather3A_496, %gather3A_497] : memref<8x112x48xf32, #tpu.memory_space<vmem>> -> memref<1x112x48xf32, #tpu.memory_space<vmem>>
        %gather3A_499 = tpu.memref_squeeze %gather3A_498 : memref<1x112x48xf32, #tpu.memory_space<vmem>> -> memref<112x48xf32, #tpu.memory_space<vmem>>
        %gather3A_500 = tpu.vector_load_idx %gather3A_499[%add3A_224, %broadcast_in_dim3A_485] : memref<112x48xf32, #tpu.memory_space<vmem>>[vector<16xi32>, vector<16xi32>], vector<16xf32>,
        %mul3A_501 = arith.mulf %get3A_235, %gather3A_500 : vector<16xf32>
        %add3A_502 = arith.addf %add3A_494, %mul3A_501 : vector<16xf32>
        %gather3A_503 = arith.constant 2 : i32
        %gather3A_504 = arith.constant 0 : i32
        %gather3A_505 = arith.constant 0 : i32
        %gather3A_506 = tpu.memref_slice %arg9[%gather3A_503, %gather3A_504, %gather3A_505] : memref<8x112x48xf32, #tpu.memory_space<vmem>> -> memref<1x112x48xf32, #tpu.memory_space<vmem>>
        %gather3A_507 = tpu.memref_squeeze %gather3A_506 : memref<1x112x48xf32, #tpu.memory_space<vmem>> -> memref<112x48xf32, #tpu.memory_space<vmem>>
        %gather3A_508 = tpu.vector_load_idx %gather3A_507[%add3A_224, %broadcast_in_dim3A_485] : memref<112x48xf32, #tpu.memory_space<vmem>>[vector<16xi32>, vector<16xi32>], vector<16xf32>,
        %mul3A_509 = arith.mulf %get3A_241, %gather3A_508 : vector<16xf32>
        %add3A_510 = arith.addf %add3A_502, %mul3A_509 : vector<16xf32>
        %gather3A_511 = arith.constant 3 : i32
        %gather3A_512 = arith.constant 0 : i32
        %gather3A_513 = arith.constant 0 : i32
        %gather3A_514 = tpu.memref_slice %arg9[%gather3A_511, %gather3A_512, %gather3A_513] : memref<8x112x48xf32, #tpu.memory_space<vmem>> -> memref<1x112x48xf32, #tpu.memory_space<vmem>>
        %gather3A_515 = tpu.memref_squeeze %gather3A_514 : memref<1x112x48xf32, #tpu.memory_space<vmem>> -> memref<112x48xf32, #tpu.memory_space<vmem>>
        %gather3A_516 = tpu.vector_load_idx %gather3A_515[%add3A_224, %broadcast_in_dim3A_485] : memref<112x48xf32, #tpu.memory_space<vmem>>[vector<16xi32>, vector<16xi32>], vector<16xf32>,
        %mul3A_517 = arith.mulf %get3A_247, %gather3A_516 : vector<16xf32>
        %add3A_518 = arith.addf %add3A_510, %mul3A_517 : vector<16xf32>
        %gather3A_519 = arith.constant 4 : i32
        %gather3A_520 = arith.constant 0 : i32
        %gather3A_521 = arith.constant 0 : i32
        %gather3A_522 = tpu.memref_slice %arg9[%gather3A_519, %gather3A_520, %gather3A_521] : memref<8x112x48xf32, #tpu.memory_space<vmem>> -> memref<1x112x48xf32, #tpu.memory_space<vmem>>
        %gather3A_523 = tpu.memref_squeeze %gather3A_522 : memref<1x112x48xf32, #tpu.memory_space<vmem>> -> memref<112x48xf32, #tpu.memory_space<vmem>>
        %gather3A_524 = tpu.vector_load_idx %gather3A_523[%add3A_224, %broadcast_in_dim3A_485] : memref<112x48xf32, #tpu.memory_space<vmem>>[vector<16xi32>, vector<16xi32>], vector<16xf32>,
        %mul3A_525 = arith.mulf %get3A_253, %gather3A_524 : vector<16xf32>
        %add3A_526 = arith.addf %add3A_518, %mul3A_525 : vector<16xf32>
        %gather3A_527 = arith.constant 5 : i32
        %gather3A_528 = arith.constant 0 : i32
        %gather3A_529 = arith.constant 0 : i32
        %gather3A_530 = tpu.memref_slice %arg9[%gather3A_527, %gather3A_528, %gather3A_529] : memref<8x112x48xf32, #tpu.memory_space<vmem>> -> memref<1x112x48xf32, #tpu.memory_space<vmem>>
        %gather3A_531 = tpu.memref_squeeze %gather3A_530 : memref<1x112x48xf32, #tpu.memory_space<vmem>> -> memref<112x48xf32, #tpu.memory_space<vmem>>
        %gather3A_532 = tpu.vector_load_idx %gather3A_531[%add3A_224, %broadcast_in_dim3A_485] : memref<112x48xf32, #tpu.memory_space<vmem>>[vector<16xi32>, vector<16xi32>], vector<16xf32>,
        %mul3A_533 = arith.mulf %get3A_259, %gather3A_532 : vector<16xf32>
        %add3A_534 = arith.addf %add3A_526, %mul3A_533 : vector<16xf32>
        %gather3A_535 = arith.constant 6 : i32
        %gather3A_536 = arith.constant 0 : i32
        %gather3A_537 = arith.constant 0 : i32
        %gather3A_538 = tpu.memref_slice %arg9[%gather3A_535, %gather3A_536, %gather3A_537] : memref<8x112x48xf32, #tpu.memory_space<vmem>> -> memref<1x112x48xf32, #tpu.memory_space<vmem>>
        %gather3A_539 = tpu.memref_squeeze %gather3A_538 : memref<1x112x48xf32, #tpu.memory_space<vmem>> -> memref<112x48xf32, #tpu.memory_space<vmem>>
        %gather3A_540 = tpu.vector_load_idx %gather3A_539[%add3A_224, %broadcast_in_dim3A_485] : memref<112x48xf32, #tpu.memory_space<vmem>>[vector<16xi32>, vector<16xi32>], vector<16xf32>,
        %mul3A_541 = arith.mulf %get3A_265, %gather3A_540 : vector<16xf32>
        %add3A_542 = arith.addf %add3A_534, %mul3A_541 : vector<16xf32>
        %gather3A_543 = arith.constant 7 : i32
        %gather3A_544 = arith.constant 0 : i32
        %gather3A_545 = arith.constant 0 : i32
        %gather3A_546 = tpu.memref_slice %arg9[%gather3A_543, %gather3A_544, %gather3A_545] : memref<8x112x48xf32, #tpu.memory_space<vmem>> -> memref<1x112x48xf32, #tpu.memory_space<vmem>>
        %gather3A_547 = tpu.memref_squeeze %gather3A_546 : memref<1x112x48xf32, #tpu.memory_space<vmem>> -> memref<112x48xf32, #tpu.memory_space<vmem>>
        %gather3A_548 = tpu.vector_load_idx %gather3A_547[%add3A_224, %broadcast_in_dim3A_485] : memref<112x48xf32, #tpu.memory_space<vmem>>[vector<16xi32>, vector<16xi32>], vector<16xf32>,
        %mul3A_549 = arith.mulf %get3A_271, %gather3A_548 : vector<16xf32>
        %add3A_550 = arith.addf %add3A_542, %mul3A_549 : vector<16xf32>
        %mul3A_551 = arith.mulf %gather3A_486, %gather3A_486 : vector<16xf32>
        %add3A_552 = arith.addf %add3A_481, %mul3A_551 : vector<16xf32>
        %mul3A_553 = arith.mulf %add3A_550, %add3A_550 : vector<16xf32>
        %add3A_554 = arith.addf %add3A_483, %mul3A_553 : vector<16xf32>
        %broadcast_in_dim3A_555 = arith.constant 4 : i32
        %broadcast_in_dim3A_556 = vector.broadcast %broadcast_in_dim3A_555 : i32 to vector<16xi32>
        %gather3A_557 = tpu.vector_load_idx %arg8[%add3A_224, %broadcast_in_dim3A_556] : memref<112x48xf32, #tpu.memory_space<vmem>>[vector<16xi32>, vector<16xi32>], vector<16xf32>,
        %gather3A_558 = arith.constant 0 : i32
        %gather3A_559 = arith.constant 0 : i32
        %gather3A_560 = arith.constant 0 : i32
        %gather3A_561 = tpu.memref_slice %arg9[%gather3A_558, %gather3A_559, %gather3A_560] : memref<8x112x48xf32, #tpu.memory_space<vmem>> -> memref<1x112x48xf32, #tpu.memory_space<vmem>>
        %gather3A_562 = tpu.memref_squeeze %gather3A_561 : memref<1x112x48xf32, #tpu.memory_space<vmem>> -> memref<112x48xf32, #tpu.memory_space<vmem>>
        %gather3A_563 = tpu.vector_load_idx %gather3A_562[%add3A_224, %broadcast_in_dim3A_556] : memref<112x48xf32, #tpu.memory_space<vmem>>[vector<16xi32>, vector<16xi32>], vector<16xf32>,
        %mul3A_564 = arith.mulf %get3A_229, %gather3A_563 : vector<16xf32>
        %add3A_565 = arith.addf %gather3A_557, %mul3A_564 : vector<16xf32>
        %gather3A_566 = arith.constant 1 : i32
        %gather3A_567 = arith.constant 0 : i32
        %gather3A_568 = arith.constant 0 : i32
        %gather3A_569 = tpu.memref_slice %arg9[%gather3A_566, %gather3A_567, %gather3A_568] : memref<8x112x48xf32, #tpu.memory_space<vmem>> -> memref<1x112x48xf32, #tpu.memory_space<vmem>>
        %gather3A_570 = tpu.memref_squeeze %gather3A_569 : memref<1x112x48xf32, #tpu.memory_space<vmem>> -> memref<112x48xf32, #tpu.memory_space<vmem>>
        %gather3A_571 = tpu.vector_load_idx %gather3A_570[%add3A_224, %broadcast_in_dim3A_556] : memref<112x48xf32, #tpu.memory_space<vmem>>[vector<16xi32>, vector<16xi32>], vector<16xf32>,
        %mul3A_572 = arith.mulf %get3A_235, %gather3A_571 : vector<16xf32>
        %add3A_573 = arith.addf %add3A_565, %mul3A_572 : vector<16xf32>
        %gather3A_574 = arith.constant 2 : i32
        %gather3A_575 = arith.constant 0 : i32
        %gather3A_576 = arith.constant 0 : i32
        %gather3A_577 = tpu.memref_slice %arg9[%gather3A_574, %gather3A_575, %gather3A_576] : memref<8x112x48xf32, #tpu.memory_space<vmem>> -> memref<1x112x48xf32, #tpu.memory_space<vmem>>
        %gather3A_578 = tpu.memref_squeeze %gather3A_577 : memref<1x112x48xf32, #tpu.memory_space<vmem>> -> memref<112x48xf32, #tpu.memory_space<vmem>>
        %gather3A_579 = tpu.vector_load_idx %gather3A_578[%add3A_224, %broadcast_in_dim3A_556] : memref<112x48xf32, #tpu.memory_space<vmem>>[vector<16xi32>, vector<16xi32>], vector<16xf32>,
        %mul3A_580 = arith.mulf %get3A_241, %gather3A_579 : vector<16xf32>
        %add3A_581 = arith.addf %add3A_573, %mul3A_580 : vector<16xf32>
        %gather3A_582 = arith.constant 3 : i32
        %gather3A_583 = arith.constant 0 : i32
        %gather3A_584 = arith.constant 0 : i32
        %gather3A_585 = tpu.memref_slice %arg9[%gather3A_582, %gather3A_583, %gather3A_584] : memref<8x112x48xf32, #tpu.memory_space<vmem>> -> memref<1x112x48xf32, #tpu.memory_space<vmem>>
        %gather3A_586 = tpu.memref_squeeze %gather3A_585 : memref<1x112x48xf32, #tpu.memory_space<vmem>> -> memref<112x48xf32, #tpu.memory_space<vmem>>
        %gather3A_587 = tpu.vector_load_idx %gather3A_586[%add3A_224, %broadcast_in_dim3A_556] : memref<112x48xf32, #tpu.memory_space<vmem>>[vector<16xi32>, vector<16xi32>], vector<16xf32>,
        %mul3A_588 = arith.mulf %get3A_247, %gather3A_587 : vector<16xf32>
        %add3A_589 = arith.addf %add3A_581, %mul3A_588 : vector<16xf32>
        %gather3A_590 = arith.constant 4 : i32
        %gather3A_591 = arith.constant 0 : i32
        %gather3A_592 = arith.constant 0 : i32
        %gather3A_593 = tpu.memref_slice %arg9[%gather3A_590, %gather3A_591, %gather3A_592] : memref<8x112x48xf32, #tpu.memory_space<vmem>> -> memref<1x112x48xf32, #tpu.memory_space<vmem>>
        %gather3A_594 = tpu.memref_squeeze %gather3A_593 : memref<1x112x48xf32, #tpu.memory_space<vmem>> -> memref<112x48xf32, #tpu.memory_space<vmem>>
        %gather3A_595 = tpu.vector_load_idx %gather3A_594[%add3A_224, %broadcast_in_dim3A_556] : memref<112x48xf32, #tpu.memory_space<vmem>>[vector<16xi32>, vector<16xi32>], vector<16xf32>,
        %mul3A_596 = arith.mulf %get3A_253, %gather3A_595 : vector<16xf32>
        %add3A_597 = arith.addf %add3A_589, %mul3A_596 : vector<16xf32>
        %gather3A_598 = arith.constant 5 : i32
        %gather3A_599 = arith.constant 0 : i32
        %gather3A_600 = arith.constant 0 : i32
        %gather3A_601 = tpu.memref_slice %arg9[%gather3A_598, %gather3A_599, %gather3A_600] : memref<8x112x48xf32, #tpu.memory_space<vmem>> -> memref<1x112x48xf32, #tpu.memory_space<vmem>>
        %gather3A_602 = tpu.memref_squeeze %gather3A_601 : memref<1x112x48xf32, #tpu.memory_space<vmem>> -> memref<112x48xf32, #tpu.memory_space<vmem>>
        %gather3A_603 = tpu.vector_load_idx %gather3A_602[%add3A_224, %broadcast_in_dim3A_556] : memref<112x48xf32, #tpu.memory_space<vmem>>[vector<16xi32>, vector<16xi32>], vector<16xf32>,
        %mul3A_604 = arith.mulf %get3A_259, %gather3A_603 : vector<16xf32>
        %add3A_605 = arith.addf %add3A_597, %mul3A_604 : vector<16xf32>
        %gather3A_606 = arith.constant 6 : i32
        %gather3A_607 = arith.constant 0 : i32
        %gather3A_608 = arith.constant 0 : i32
        %gather3A_609 = tpu.memref_slice %arg9[%gather3A_606, %gather3A_607, %gather3A_608] : memref<8x112x48xf32, #tpu.memory_space<vmem>> -> memref<1x112x48xf32, #tpu.memory_space<vmem>>
        %gather3A_610 = tpu.memref_squeeze %gather3A_609 : memref<1x112x48xf32, #tpu.memory_space<vmem>> -> memref<112x48xf32, #tpu.memory_space<vmem>>
        %gather3A_611 = tpu.vector_load_idx %gather3A_610[%add3A_224, %broadcast_in_dim3A_556] : memref<112x48xf32, #tpu.memory_space<vmem>>[vector<16xi32>, vector<16xi32>], vector<16xf32>,
        %mul3A_612 = arith.mulf %get3A_265, %gather3A_611 : vector<16xf32>
        %add3A_613 = arith.addf %add3A_605, %mul3A_612 : vector<16xf32>
        %gather3A_614 = arith.constant 7 : i32
        %gather3A_615 = arith.constant 0 : i32
        %gather3A_616 = arith.constant 0 : i32
        %gather3A_617 = tpu.memref_slice %arg9[%gather3A_614, %gather3A_615, %gather3A_616] : memref<8x112x48xf32, #tpu.memory_space<vmem>> -> memref<1x112x48xf32, #tpu.memory_space<vmem>>
        %gather3A_618 = tpu.memref_squeeze %gather3A_617 : memref<1x112x48xf32, #tpu.memory_space<vmem>> -> memref<112x48xf32, #tpu.memory_space<vmem>>
        %gather3A_619 = tpu.vector_load_idx %gather3A_618[%add3A_224, %broadcast_in_dim3A_556] : memref<112x48xf32, #tpu.memory_space<vmem>>[vector<16xi32>, vector<16xi32>], vector<16xf32>,
        %mul3A_620 = arith.mulf %get3A_271, %gather3A_619 : vector<16xf32>
        %add3A_621 = arith.addf %add3A_613, %mul3A_620 : vector<16xf32>
        %mul3A_622 = arith.mulf %gather3A_557, %gather3A_557 : vector<16xf32>
        %add3A_623 = arith.addf %add3A_552, %mul3A_622 : vector<16xf32>
        %mul3A_624 = arith.mulf %add3A_621, %add3A_621 : vector<16xf32>
        %add3A_625 = arith.addf %add3A_554, %mul3A_624 : vector<16xf32>
        %broadcast_in_dim3A_626 = arith.constant 5 : i32
        %broadcast_in_dim3A_627 = vector.broadcast %broadcast_in_dim3A_626 : i32 to vector<16xi32>
        %gather3A_628 = tpu.vector_load_idx %arg8[%add3A_224, %broadcast_in_dim3A_627] : memref<112x48xf32, #tpu.memory_space<vmem>>[vector<16xi32>, vector<16xi32>], vector<16xf32>,
        %gather3A_629 = arith.constant 0 : i32
        %gather3A_630 = arith.constant 0 : i32
        %gather3A_631 = arith.constant 0 : i32
        %gather3A_632 = tpu.memref_slice %arg9[%gather3A_629, %gather3A_630, %gather3A_631] : memref<8x112x48xf32, #tpu.memory_space<vmem>> -> memref<1x112x48xf32, #tpu.memory_space<vmem>>
        %gather3A_633 = tpu.memref_squeeze %gather3A_632 : memref<1x112x48xf32, #tpu.memory_space<vmem>> -> memref<112x48xf32, #tpu.memory_space<vmem>>
        %gather3A_634 = tpu.vector_load_idx %gather3A_633[%add3A_224, %broadcast_in_dim3A_627] : memref<112x48xf32, #tpu.memory_space<vmem>>[vector<16xi32>, vector<16xi32>], vector<16xf32>,
        %mul3A_635 = arith.mulf %get3A_229, %gather3A_634 : vector<16xf32>
        %add3A_636 = arith.addf %gather3A_628, %mul3A_635 : vector<16xf32>
        %gather3A_637 = arith.constant 1 : i32
        %gather3A_638 = arith.constant 0 : i32
        %gather3A_639 = arith.constant 0 : i32
        %gather3A_640 = tpu.memref_slice %arg9[%gather3A_637, %gather3A_638, %gather3A_639] : memref<8x112x48xf32, #tpu.memory_space<vmem>> -> memref<1x112x48xf32, #tpu.memory_space<vmem>>
        %gather3A_641 = tpu.memref_squeeze %gather3A_640 : memref<1x112x48xf32, #tpu.memory_space<vmem>> -> memref<112x48xf32, #tpu.memory_space<vmem>>
        %gather3A_642 = tpu.vector_load_idx %gather3A_641[%add3A_224, %broadcast_in_dim3A_627] : memref<112x48xf32, #tpu.memory_space<vmem>>[vector<16xi32>, vector<16xi32>], vector<16xf32>,
        %mul3A_643 = arith.mulf %get3A_235, %gather3A_642 : vector<16xf32>
        %add3A_644 = arith.addf %add3A_636, %mul3A_643 : vector<16xf32>
        %gather3A_645 = arith.constant 2 : i32
        %gather3A_646 = arith.constant 0 : i32
        %gather3A_647 = arith.constant 0 : i32
        %gather3A_648 = tpu.memref_slice %arg9[%gather3A_645, %gather3A_646, %gather3A_647] : memref<8x112x48xf32, #tpu.memory_space<vmem>> -> memref<1x112x48xf32, #tpu.memory_space<vmem>>
        %gather3A_649 = tpu.memref_squeeze %gather3A_648 : memref<1x112x48xf32, #tpu.memory_space<vmem>> -> memref<112x48xf32, #tpu.memory_space<vmem>>
        %gather3A_650 = tpu.vector_load_idx %gather3A_649[%add3A_224, %broadcast_in_dim3A_627] : memref<112x48xf32, #tpu.memory_space<vmem>>[vector<16xi32>, vector<16xi32>], vector<16xf32>,
        %mul3A_651 = arith.mulf %get3A_241, %gather3A_650 : vector<16xf32>
        %add3A_652 = arith.addf %add3A_644, %mul3A_651 : vector<16xf32>
        %gather3A_653 = arith.constant 3 : i32
        %gather3A_654 = arith.constant 0 : i32
        %gather3A_655 = arith.constant 0 : i32
        %gather3A_656 = tpu.memref_slice %arg9[%gather3A_653, %gather3A_654, %gather3A_655] : memref<8x112x48xf32, #tpu.memory_space<vmem>> -> memref<1x112x48xf32, #tpu.memory_space<vmem>>
        %gather3A_657 = tpu.memref_squeeze %gather3A_656 : memref<1x112x48xf32, #tpu.memory_space<vmem>> -> memref<112x48xf32, #tpu.memory_space<vmem>>
        %gather3A_658 = tpu.vector_load_idx %gather3A_657[%add3A_224, %broadcast_in_dim3A_627] : memref<112x48xf32, #tpu.memory_space<vmem>>[vector<16xi32>, vector<16xi32>], vector<16xf32>,
        %mul3A_659 = arith.mulf %get3A_247, %gather3A_658 : vector<16xf32>
        %add3A_660 = arith.addf %add3A_652, %mul3A_659 : vector<16xf32>
        %gather3A_661 = arith.constant 4 : i32
        %gather3A_662 = arith.constant 0 : i32
        %gather3A_663 = arith.constant 0 : i32
        %gather3A_664 = tpu.memref_slice %arg9[%gather3A_661, %gather3A_662, %gather3A_663] : memref<8x112x48xf32, #tpu.memory_space<vmem>> -> memref<1x112x48xf32, #tpu.memory_space<vmem>>
        %gather3A_665 = tpu.memref_squeeze %gather3A_664 : memref<1x112x48xf32, #tpu.memory_space<vmem>> -> memref<112x48xf32, #tpu.memory_space<vmem>>
        %gather3A_666 = tpu.vector_load_idx %gather3A_665[%add3A_224, %broadcast_in_dim3A_627] : memref<112x48xf32, #tpu.memory_space<vmem>>[vector<16xi32>, vector<16xi32>], vector<16xf32>,
        %mul3A_667 = arith.mulf %get3A_253, %gather3A_666 : vector<16xf32>
        %add3A_668 = arith.addf %add3A_660, %mul3A_667 : vector<16xf32>
        %gather3A_669 = arith.constant 5 : i32
        %gather3A_670 = arith.constant 0 : i32
        %gather3A_671 = arith.constant 0 : i32
        %gather3A_672 = tpu.memref_slice %arg9[%gather3A_669, %gather3A_670, %gather3A_671] : memref<8x112x48xf32, #tpu.memory_space<vmem>> -> memref<1x112x48xf32, #tpu.memory_space<vmem>>
        %gather3A_673 = tpu.memref_squeeze %gather3A_672 : memref<1x112x48xf32, #tpu.memory_space<vmem>> -> memref<112x48xf32, #tpu.memory_space<vmem>>
        %gather3A_674 = tpu.vector_load_idx %gather3A_673[%add3A_224, %broadcast_in_dim3A_627] : memref<112x48xf32, #tpu.memory_space<vmem>>[vector<16xi32>, vector<16xi32>], vector<16xf32>,
        %mul3A_675 = arith.mulf %get3A_259, %gather3A_674 : vector<16xf32>
        %add3A_676 = arith.addf %add3A_668, %mul3A_675 : vector<16xf32>
        %gather3A_677 = arith.constant 6 : i32
        %gather3A_678 = arith.constant 0 : i32
        %gather3A_679 = arith.constant 0 : i32
        %gather3A_680 = tpu.memref_slice %arg9[%gather3A_677, %gather3A_678, %gather3A_679] : memref<8x112x48xf32, #tpu.memory_space<vmem>> -> memref<1x112x48xf32, #tpu.memory_space<vmem>>
        %gather3A_681 = tpu.memref_squeeze %gather3A_680 : memref<1x112x48xf32, #tpu.memory_space<vmem>> -> memref<112x48xf32, #tpu.memory_space<vmem>>
        %gather3A_682 = tpu.vector_load_idx %gather3A_681[%add3A_224, %broadcast_in_dim3A_627] : memref<112x48xf32, #tpu.memory_space<vmem>>[vector<16xi32>, vector<16xi32>], vector<16xf32>,
        %mul3A_683 = arith.mulf %get3A_265, %gather3A_682 : vector<16xf32>
        %add3A_684 = arith.addf %add3A_676, %mul3A_683 : vector<16xf32>
        %gather3A_685 = arith.constant 7 : i32
        %gather3A_686 = arith.constant 0 : i32
        %gather3A_687 = arith.constant 0 : i32
        %gather3A_688 = tpu.memref_slice %arg9[%gather3A_685, %gather3A_686, %gather3A_687] : memref<8x112x48xf32, #tpu.memory_space<vmem>> -> memref<1x112x48xf32, #tpu.memory_space<vmem>>
        %gather3A_689 = tpu.memref_squeeze %gather3A_688 : memref<1x112x48xf32, #tpu.memory_space<vmem>> -> memref<112x48xf32, #tpu.memory_space<vmem>>
        %gather3A_690 = tpu.vector_load_idx %gather3A_689[%add3A_224, %broadcast_in_dim3A_627] : memref<112x48xf32, #tpu.memory_space<vmem>>[vector<16xi32>, vector<16xi32>], vector<16xf32>,
        %mul3A_691 = arith.mulf %get3A_271, %gather3A_690 : vector<16xf32>
        %add3A_692 = arith.addf %add3A_684, %mul3A_691 : vector<16xf32>
        %mul3A_693 = arith.mulf %gather3A_628, %gather3A_628 : vector<16xf32>
        %add3A_694 = arith.addf %add3A_623, %mul3A_693 : vector<16xf32>
        %mul3A_695 = arith.mulf %add3A_692, %add3A_692 : vector<16xf32>
        %add3A_696 = arith.addf %add3A_625, %mul3A_695 : vector<16xf32>
        %broadcast_in_dim3A_697 = arith.constant 6 : i32
        %broadcast_in_dim3A_698 = vector.broadcast %broadcast_in_dim3A_697 : i32 to vector<16xi32>
        %gather3A_699 = tpu.vector_load_idx %arg8[%add3A_224, %broadcast_in_dim3A_698] : memref<112x48xf32, #tpu.memory_space<vmem>>[vector<16xi32>, vector<16xi32>], vector<16xf32>,
        %gather3A_700 = arith.constant 0 : i32
        %gather3A_701 = arith.constant 0 : i32
        %gather3A_702 = arith.constant 0 : i32
        %gather3A_703 = tpu.memref_slice %arg9[%gather3A_700, %gather3A_701, %gather3A_702] : memref<8x112x48xf32, #tpu.memory_space<vmem>> -> memref<1x112x48xf32, #tpu.memory_space<vmem>>
        %gather3A_704 = tpu.memref_squeeze %gather3A_703 : memref<1x112x48xf32, #tpu.memory_space<vmem>> -> memref<112x48xf32, #tpu.memory_space<vmem>>
        %gather3A_705 = tpu.vector_load_idx %gather3A_704[%add3A_224, %broadcast_in_dim3A_698] : memref<112x48xf32, #tpu.memory_space<vmem>>[vector<16xi32>, vector<16xi32>], vector<16xf32>,
        %mul3A_706 = arith.mulf %get3A_229, %gather3A_705 : vector<16xf32>
        %add3A_707 = arith.addf %gather3A_699, %mul3A_706 : vector<16xf32>
        %gather3A_708 = arith.constant 1 : i32
        %gather3A_709 = arith.constant 0 : i32
        %gather3A_710 = arith.constant 0 : i32
        %gather3A_711 = tpu.memref_slice %arg9[%gather3A_708, %gather3A_709, %gather3A_710] : memref<8x112x48xf32, #tpu.memory_space<vmem>> -> memref<1x112x48xf32, #tpu.memory_space<vmem>>
        %gather3A_712 = tpu.memref_squeeze %gather3A_711 : memref<1x112x48xf32, #tpu.memory_space<vmem>> -> memref<112x48xf32, #tpu.memory_space<vmem>>
        %gather3A_713 = tpu.vector_load_idx %gather3A_712[%add3A_224, %broadcast_in_dim3A_698] : memref<112x48xf32, #tpu.memory_space<vmem>>[vector<16xi32>, vector<16xi32>], vector<16xf32>,
        %mul3A_714 = arith.mulf %get3A_235, %gather3A_713 : vector<16xf32>
        %add3A_715 = arith.addf %add3A_707, %mul3A_714 : vector<16xf32>
        %gather3A_716 = arith.constant 2 : i32
        %gather3A_717 = arith.constant 0 : i32
        %gather3A_718 = arith.constant 0 : i32
        %gather3A_719 = tpu.memref_slice %arg9[%gather3A_716, %gather3A_717, %gather3A_718] : memref<8x112x48xf32, #tpu.memory_space<vmem>> -> memref<1x112x48xf32, #tpu.memory_space<vmem>>
        %gather3A_720 = tpu.memref_squeeze %gather3A_719 : memref<1x112x48xf32, #tpu.memory_space<vmem>> -> memref<112x48xf32, #tpu.memory_space<vmem>>
        %gather3A_721 = tpu.vector_load_idx %gather3A_720[%add3A_224, %broadcast_in_dim3A_698] : memref<112x48xf32, #tpu.memory_space<vmem>>[vector<16xi32>, vector<16xi32>], vector<16xf32>,
        %mul3A_722 = arith.mulf %get3A_241, %gather3A_721 : vector<16xf32>
        %add3A_723 = arith.addf %add3A_715, %mul3A_722 : vector<16xf32>
        %gather3A_724 = arith.constant 3 : i32
        %gather3A_725 = arith.constant 0 : i32
        %gather3A_726 = arith.constant 0 : i32
        %gather3A_727 = tpu.memref_slice %arg9[%gather3A_724, %gather3A_725, %gather3A_726] : memref<8x112x48xf32, #tpu.memory_space<vmem>> -> memref<1x112x48xf32, #tpu.memory_space<vmem>>
        %gather3A_728 = tpu.memref_squeeze %gather3A_727 : memref<1x112x48xf32, #tpu.memory_space<vmem>> -> memref<112x48xf32, #tpu.memory_space<vmem>>
        %gather3A_729 = tpu.vector_load_idx %gather3A_728[%add3A_224, %broadcast_in_dim3A_698] : memref<112x48xf32, #tpu.memory_space<vmem>>[vector<16xi32>, vector<16xi32>], vector<16xf32>,
        %mul3A_730 = arith.mulf %get3A_247, %gather3A_729 : vector<16xf32>
        %add3A_731 = arith.addf %add3A_723, %mul3A_730 : vector<16xf32>
        %gather3A_732 = arith.constant 4 : i32
        %gather3A_733 = arith.constant 0 : i32
        %gather3A_734 = arith.constant 0 : i32
        %gather3A_735 = tpu.memref_slice %arg9[%gather3A_732, %gather3A_733, %gather3A_734] : memref<8x112x48xf32, #tpu.memory_space<vmem>> -> memref<1x112x48xf32, #tpu.memory_space<vmem>>
        %gather3A_736 = tpu.memref_squeeze %gather3A_735 : memref<1x112x48xf32, #tpu.memory_space<vmem>> -> memref<112x48xf32, #tpu.memory_space<vmem>>
        %gather3A_737 = tpu.vector_load_idx %gather3A_736[%add3A_224, %broadcast_in_dim3A_698] : memref<112x48xf32, #tpu.memory_space<vmem>>[vector<16xi32>, vector<16xi32>], vector<16xf32>,
        %mul3A_738 = arith.mulf %get3A_253, %gather3A_737 : vector<16xf32>
        %add3A_739 = arith.addf %add3A_731, %mul3A_738 : vector<16xf32>
        %gather3A_740 = arith.constant 5 : i32
        %gather3A_741 = arith.constant 0 : i32
        %gather3A_742 = arith.constant 0 : i32
        %gather3A_743 = tpu.memref_slice %arg9[%gather3A_740, %gather3A_741, %gather3A_742] : memref<8x112x48xf32, #tpu.memory_space<vmem>> -> memref<1x112x48xf32, #tpu.memory_space<vmem>>
        %gather3A_744 = tpu.memref_squeeze %gather3A_743 : memref<1x112x48xf32, #tpu.memory_space<vmem>> -> memref<112x48xf32, #tpu.memory_space<vmem>>
        %gather3A_745 = tpu.vector_load_idx %gather3A_744[%add3A_224, %broadcast_in_dim3A_698] : memref<112x48xf32, #tpu.memory_space<vmem>>[vector<16xi32>, vector<16xi32>], vector<16xf32>,
        %mul3A_746 = arith.mulf %get3A_259, %gather3A_745 : vector<16xf32>
        %add3A_747 = arith.addf %add3A_739, %mul3A_746 : vector<16xf32>
        %gather3A_748 = arith.constant 6 : i32
        %gather3A_749 = arith.constant 0 : i32
        %gather3A_750 = arith.constant 0 : i32
        %gather3A_751 = tpu.memref_slice %arg9[%gather3A_748, %gather3A_749, %gather3A_750] : memref<8x112x48xf32, #tpu.memory_space<vmem>> -> memref<1x112x48xf32, #tpu.memory_space<vmem>>
        %gather3A_752 = tpu.memref_squeeze %gather3A_751 : memref<1x112x48xf32, #tpu.memory_space<vmem>> -> memref<112x48xf32, #tpu.memory_space<vmem>>
        %gather3A_753 = tpu.vector_load_idx %gather3A_752[%add3A_224, %broadcast_in_dim3A_698] : memref<112x48xf32, #tpu.memory_space<vmem>>[vector<16xi32>, vector<16xi32>], vector<16xf32>,
        %mul3A_754 = arith.mulf %get3A_265, %gather3A_753 : vector<16xf32>
        %add3A_755 = arith.addf %add3A_747, %mul3A_754 : vector<16xf32>
        %gather3A_756 = arith.constant 7 : i32
        %gather3A_757 = arith.constant 0 : i32
        %gather3A_758 = arith.constant 0 : i32
        %gather3A_759 = tpu.memref_slice %arg9[%gather3A_756, %gather3A_757, %gather3A_758] : memref<8x112x48xf32, #tpu.memory_space<vmem>> -> memref<1x112x48xf32, #tpu.memory_space<vmem>>
        %gather3A_760 = tpu.memref_squeeze %gather3A_759 : memref<1x112x48xf32, #tpu.memory_space<vmem>> -> memref<112x48xf32, #tpu.memory_space<vmem>>
        %gather3A_761 = tpu.vector_load_idx %gather3A_760[%add3A_224, %broadcast_in_dim3A_698] : memref<112x48xf32, #tpu.memory_space<vmem>>[vector<16xi32>, vector<16xi32>], vector<16xf32>,
        %mul3A_762 = arith.mulf %get3A_271, %gather3A_761 : vector<16xf32>
        %add3A_763 = arith.addf %add3A_755, %mul3A_762 : vector<16xf32>
        %mul3A_764 = arith.mulf %gather3A_699, %gather3A_699 : vector<16xf32>
        %add3A_765 = arith.addf %add3A_694, %mul3A_764 : vector<16xf32>
        %mul3A_766 = arith.mulf %add3A_763, %add3A_763 : vector<16xf32>
        %add3A_767 = arith.addf %add3A_696, %mul3A_766 : vector<16xf32>
        %broadcast_in_dim3A_768 = arith.constant 7 : i32
        %broadcast_in_dim3A_769 = vector.broadcast %broadcast_in_dim3A_768 : i32 to vector<16xi32>
        %gather3A_770 = tpu.vector_load_idx %arg8[%add3A_224, %broadcast_in_dim3A_769] : memref<112x48xf32, #tpu.memory_space<vmem>>[vector<16xi32>, vector<16xi32>], vector<16xf32>,
        %gather3A_771 = arith.constant 0 : i32
        %gather3A_772 = arith.constant 0 : i32
        %gather3A_773 = arith.constant 0 : i32
        %gather3A_774 = tpu.memref_slice %arg9[%gather3A_771, %gather3A_772, %gather3A_773] : memref<8x112x48xf32, #tpu.memory_space<vmem>> -> memref<1x112x48xf32, #tpu.memory_space<vmem>>
        %gather3A_775 = tpu.memref_squeeze %gather3A_774 : memref<1x112x48xf32, #tpu.memory_space<vmem>> -> memref<112x48xf32, #tpu.memory_space<vmem>>
        %gather3A_776 = tpu.vector_load_idx %gather3A_775[%add3A_224, %broadcast_in_dim3A_769] : memref<112x48xf32, #tpu.memory_space<vmem>>[vector<16xi32>, vector<16xi32>], vector<16xf32>,
        %mul3A_777 = arith.mulf %get3A_229, %gather3A_776 : vector<16xf32>
        %add3A_778 = arith.addf %gather3A_770, %mul3A_777 : vector<16xf32>
        %gather3A_779 = arith.constant 1 : i32
        %gather3A_780 = arith.constant 0 : i32
        %gather3A_781 = arith.constant 0 : i32
        %gather3A_782 = tpu.memref_slice %arg9[%gather3A_779, %gather3A_780, %gather3A_781] : memref<8x112x48xf32, #tpu.memory_space<vmem>> -> memref<1x112x48xf32, #tpu.memory_space<vmem>>
        %gather3A_783 = tpu.memref_squeeze %gather3A_782 : memref<1x112x48xf32, #tpu.memory_space<vmem>> -> memref<112x48xf32, #tpu.memory_space<vmem>>
        %gather3A_784 = tpu.vector_load_idx %gather3A_783[%add3A_224, %broadcast_in_dim3A_769] : memref<112x48xf32, #tpu.memory_space<vmem>>[vector<16xi32>, vector<16xi32>], vector<16xf32>,
        %mul3A_785 = arith.mulf %get3A_235, %gather3A_784 : vector<16xf32>
        %add3A_786 = arith.addf %add3A_778, %mul3A_785 : vector<16xf32>
        %gather3A_787 = arith.constant 2 : i32
        %gather3A_788 = arith.constant 0 : i32
        %gather3A_789 = arith.constant 0 : i32
        %gather3A_790 = tpu.memref_slice %arg9[%gather3A_787, %gather3A_788, %gather3A_789] : memref<8x112x48xf32, #tpu.memory_space<vmem>> -> memref<1x112x48xf32, #tpu.memory_space<vmem>>
        %gather3A_791 = tpu.memref_squeeze %gather3A_790 : memref<1x112x48xf32, #tpu.memory_space<vmem>> -> memref<112x48xf32, #tpu.memory_space<vmem>>
        %gather3A_792 = tpu.vector_load_idx %gather3A_791[%add3A_224, %broadcast_in_dim3A_769] : memref<112x48xf32, #tpu.memory_space<vmem>>[vector<16xi32>, vector<16xi32>], vector<16xf32>,
        %mul3A_793 = arith.mulf %get3A_241, %gather3A_792 : vector<16xf32>
        %add3A_794 = arith.addf %add3A_786, %mul3A_793 : vector<16xf32>
        %gather3A_795 = arith.constant 3 : i32
        %gather3A_796 = arith.constant 0 : i32
        %gather3A_797 = arith.constant 0 : i32
        %gather3A_798 = tpu.memref_slice %arg9[%gather3A_795, %gather3A_796, %gather3A_797] : memref<8x112x48xf32, #tpu.memory_space<vmem>> -> memref<1x112x48xf32, #tpu.memory_space<vmem>>
        %gather3A_799 = tpu.memref_squeeze %gather3A_798 : memref<1x112x48xf32, #tpu.memory_space<vmem>> -> memref<112x48xf32, #tpu.memory_space<vmem>>
        %gather3A_800 = tpu.vector_load_idx %gather3A_799[%add3A_224, %broadcast_in_dim3A_769] : memref<112x48xf32, #tpu.memory_space<vmem>>[vector<16xi32>, vector<16xi32>], vector<16xf32>,
        %mul3A_801 = arith.mulf %get3A_247, %gather3A_800 : vector<16xf32>
        %add3A_802 = arith.addf %add3A_794, %mul3A_801 : vector<16xf32>
        %gather3A_803 = arith.constant 4 : i32
        %gather3A_804 = arith.constant 0 : i32
        %gather3A_805 = arith.constant 0 : i32
        %gather3A_806 = tpu.memref_slice %arg9[%gather3A_803, %gather3A_804, %gather3A_805] : memref<8x112x48xf32, #tpu.memory_space<vmem>> -> memref<1x112x48xf32, #tpu.memory_space<vmem>>
        %gather3A_807 = tpu.memref_squeeze %gather3A_806 : memref<1x112x48xf32, #tpu.memory_space<vmem>> -> memref<112x48xf32, #tpu.memory_space<vmem>>
        %gather3A_808 = tpu.vector_load_idx %gather3A_807[%add3A_224, %broadcast_in_dim3A_769] : memref<112x48xf32, #tpu.memory_space<vmem>>[vector<16xi32>, vector<16xi32>], vector<16xf32>,
        %mul3A_809 = arith.mulf %get3A_253, %gather3A_808 : vector<16xf32>
        %add3A_810 = arith.addf %add3A_802, %mul3A_809 : vector<16xf32>
        %gather3A_811 = arith.constant 5 : i32
        %gather3A_812 = arith.constant 0 : i32
        %gather3A_813 = arith.constant 0 : i32
        %gather3A_814 = tpu.memref_slice %arg9[%gather3A_811, %gather3A_812, %gather3A_813] : memref<8x112x48xf32, #tpu.memory_space<vmem>> -> memref<1x112x48xf32, #tpu.memory_space<vmem>>
        %gather3A_815 = tpu.memref_squeeze %gather3A_814 : memref<1x112x48xf32, #tpu.memory_space<vmem>> -> memref<112x48xf32, #tpu.memory_space<vmem>>
        %gather3A_816 = tpu.vector_load_idx %gather3A_815[%add3A_224, %broadcast_in_dim3A_769] : memref<112x48xf32, #tpu.memory_space<vmem>>[vector<16xi32>, vector<16xi32>], vector<16xf32>,
        %mul3A_817 = arith.mulf %get3A_259, %gather3A_816 : vector<16xf32>
        %add3A_818 = arith.addf %add3A_810, %mul3A_817 : vector<16xf32>
        %gather3A_819 = arith.constant 6 : i32
        %gather3A_820 = arith.constant 0 : i32
        %gather3A_821 = arith.constant 0 : i32
        %gather3A_822 = tpu.memref_slice %arg9[%gather3A_819, %gather3A_820, %gather3A_821] : memref<8x112x48xf32, #tpu.memory_space<vmem>> -> memref<1x112x48xf32, #tpu.memory_space<vmem>>
        %gather3A_823 = tpu.memref_squeeze %gather3A_822 : memref<1x112x48xf32, #tpu.memory_space<vmem>> -> memref<112x48xf32, #tpu.memory_space<vmem>>
        %gather3A_824 = tpu.vector_load_idx %gather3A_823[%add3A_224, %broadcast_in_dim3A_769] : memref<112x48xf32, #tpu.memory_space<vmem>>[vector<16xi32>, vector<16xi32>], vector<16xf32>,
        %mul3A_825 = arith.mulf %get3A_265, %gather3A_824 : vector<16xf32>
        %add3A_826 = arith.addf %add3A_818, %mul3A_825 : vector<16xf32>
        %gather3A_827 = arith.constant 7 : i32
        %gather3A_828 = arith.constant 0 : i32
        %gather3A_829 = arith.constant 0 : i32
        %gather3A_830 = tpu.memref_slice %arg9[%gather3A_827, %gather3A_828, %gather3A_829] : memref<8x112x48xf32, #tpu.memory_space<vmem>> -> memref<1x112x48xf32, #tpu.memory_space<vmem>>
        %gather3A_831 = tpu.memref_squeeze %gather3A_830 : memref<1x112x48xf32, #tpu.memory_space<vmem>> -> memref<112x48xf32, #tpu.memory_space<vmem>>
        %gather3A_832 = tpu.vector_load_idx %gather3A_831[%add3A_224, %broadcast_in_dim3A_769] : memref<112x48xf32, #tpu.memory_space<vmem>>[vector<16xi32>, vector<16xi32>], vector<16xf32>,
        %mul3A_833 = arith.mulf %get3A_271, %gather3A_832 : vector<16xf32>
        %add3A_834 = arith.addf %add3A_826, %mul3A_833 : vector<16xf32>
        %mul3A_835 = arith.mulf %gather3A_770, %gather3A_770 : vector<16xf32>
        %add3A_836 = arith.addf %add3A_765, %mul3A_835 : vector<16xf32>
        %mul3A_837 = arith.mulf %add3A_834, %add3A_834 : vector<16xf32>
        %add3A_838 = arith.addf %add3A_767, %mul3A_837 : vector<16xf32>
        %broadcast_in_dim3A_839 = arith.constant 8 : i32
        %broadcast_in_dim3A_840 = vector.broadcast %broadcast_in_dim3A_839 : i32 to vector<16xi32>
        %gather3A_841 = tpu.vector_load_idx %arg8[%add3A_224, %broadcast_in_dim3A_840] : memref<112x48xf32, #tpu.memory_space<vmem>>[vector<16xi32>, vector<16xi32>], vector<16xf32>,
        %gather3A_842 = arith.constant 0 : i32
        %gather3A_843 = arith.constant 0 : i32
        %gather3A_844 = arith.constant 0 : i32
        %gather3A_845 = tpu.memref_slice %arg9[%gather3A_842, %gather3A_843, %gather3A_844] : memref<8x112x48xf32, #tpu.memory_space<vmem>> -> memref<1x112x48xf32, #tpu.memory_space<vmem>>
        %gather3A_846 = tpu.memref_squeeze %gather3A_845 : memref<1x112x48xf32, #tpu.memory_space<vmem>> -> memref<112x48xf32, #tpu.memory_space<vmem>>
        %gather3A_847 = tpu.vector_load_idx %gather3A_846[%add3A_224, %broadcast_in_dim3A_840] : memref<112x48xf32, #tpu.memory_space<vmem>>[vector<16xi32>, vector<16xi32>], vector<16xf32>,
        %mul3A_848 = arith.mulf %get3A_229, %gather3A_847 : vector<16xf32>
        %add3A_849 = arith.addf %gather3A_841, %mul3A_848 : vector<16xf32>
        %gather3A_850 = arith.constant 1 : i32
        %gather3A_851 = arith.constant 0 : i32
        %gather3A_852 = arith.constant 0 : i32
        %gather3A_853 = tpu.memref_slice %arg9[%gather3A_850, %gather3A_851, %gather3A_852] : memref<8x112x48xf32, #tpu.memory_space<vmem>> -> memref<1x112x48xf32, #tpu.memory_space<vmem>>
        %gather3A_854 = tpu.memref_squeeze %gather3A_853 : memref<1x112x48xf32, #tpu.memory_space<vmem>> -> memref<112x48xf32, #tpu.memory_space<vmem>>
        %gather3A_855 = tpu.vector_load_idx %gather3A_854[%add3A_224, %broadcast_in_dim3A_840] : memref<112x48xf32, #tpu.memory_space<vmem>>[vector<16xi32>, vector<16xi32>], vector<16xf32>,
        %mul3A_856 = arith.mulf %get3A_235, %gather3A_855 : vector<16xf32>
        %add3A_857 = arith.addf %add3A_849, %mul3A_856 : vector<16xf32>
        %gather3A_858 = arith.constant 2 : i32
        %gather3A_859 = arith.constant 0 : i32
        %gather3A_860 = arith.constant 0 : i32
        %gather3A_861 = tpu.memref_slice %arg9[%gather3A_858, %gather3A_859, %gather3A_860] : memref<8x112x48xf32, #tpu.memory_space<vmem>> -> memref<1x112x48xf32, #tpu.memory_space<vmem>>
        %gather3A_862 = tpu.memref_squeeze %gather3A_861 : memref<1x112x48xf32, #tpu.memory_space<vmem>> -> memref<112x48xf32, #tpu.memory_space<vmem>>
        %gather3A_863 = tpu.vector_load_idx %gather3A_862[%add3A_224, %broadcast_in_dim3A_840] : memref<112x48xf32, #tpu.memory_space<vmem>>[vector<16xi32>, vector<16xi32>], vector<16xf32>,
        %mul3A_864 = arith.mulf %get3A_241, %gather3A_863 : vector<16xf32>
        %add3A_865 = arith.addf %add3A_857, %mul3A_864 : vector<16xf32>
        %gather3A_866 = arith.constant 3 : i32
        %gather3A_867 = arith.constant 0 : i32
        %gather3A_868 = arith.constant 0 : i32
        %gather3A_869 = tpu.memref_slice %arg9[%gather3A_866, %gather3A_867, %gather3A_868] : memref<8x112x48xf32, #tpu.memory_space<vmem>> -> memref<1x112x48xf32, #tpu.memory_space<vmem>>
        %gather3A_870 = tpu.memref_squeeze %gather3A_869 : memref<1x112x48xf32, #tpu.memory_space<vmem>> -> memref<112x48xf32, #tpu.memory_space<vmem>>
        %gather3A_871 = tpu.vector_load_idx %gather3A_870[%add3A_224, %broadcast_in_dim3A_840] : memref<112x48xf32, #tpu.memory_space<vmem>>[vector<16xi32>, vector<16xi32>], vector<16xf32>,
        %mul3A_872 = arith.mulf %get3A_247, %gather3A_871 : vector<16xf32>
        %add3A_873 = arith.addf %add3A_865, %mul3A_872 : vector<16xf32>
        %gather3A_874 = arith.constant 4 : i32
        %gather3A_875 = arith.constant 0 : i32
        %gather3A_876 = arith.constant 0 : i32
        %gather3A_877 = tpu.memref_slice %arg9[%gather3A_874, %gather3A_875, %gather3A_876] : memref<8x112x48xf32, #tpu.memory_space<vmem>> -> memref<1x112x48xf32, #tpu.memory_space<vmem>>
        %gather3A_878 = tpu.memref_squeeze %gather3A_877 : memref<1x112x48xf32, #tpu.memory_space<vmem>> -> memref<112x48xf32, #tpu.memory_space<vmem>>
        %gather3A_879 = tpu.vector_load_idx %gather3A_878[%add3A_224, %broadcast_in_dim3A_840] : memref<112x48xf32, #tpu.memory_space<vmem>>[vector<16xi32>, vector<16xi32>], vector<16xf32>,
        %mul3A_880 = arith.mulf %get3A_253, %gather3A_879 : vector<16xf32>
        %add3A_881 = arith.addf %add3A_873, %mul3A_880 : vector<16xf32>
        %gather3A_882 = arith.constant 5 : i32
        %gather3A_883 = arith.constant 0 : i32
        %gather3A_884 = arith.constant 0 : i32
        %gather3A_885 = tpu.memref_slice %arg9[%gather3A_882, %gather3A_883, %gather3A_884] : memref<8x112x48xf32, #tpu.memory_space<vmem>> -> memref<1x112x48xf32, #tpu.memory_space<vmem>>
        %gather3A_886 = tpu.memref_squeeze %gather3A_885 : memref<1x112x48xf32, #tpu.memory_space<vmem>> -> memref<112x48xf32, #tpu.memory_space<vmem>>
        %gather3A_887 = tpu.vector_load_idx %gather3A_886[%add3A_224, %broadcast_in_dim3A_840] : memref<112x48xf32, #tpu.memory_space<vmem>>[vector<16xi32>, vector<16xi32>], vector<16xf32>,
        %mul3A_888 = arith.mulf %get3A_259, %gather3A_887 : vector<16xf32>
        %add3A_889 = arith.addf %add3A_881, %mul3A_888 : vector<16xf32>
        %gather3A_890 = arith.constant 6 : i32
        %gather3A_891 = arith.constant 0 : i32
        %gather3A_892 = arith.constant 0 : i32
        %gather3A_893 = tpu.memref_slice %arg9[%gather3A_890, %gather3A_891, %gather3A_892] : memref<8x112x48xf32, #tpu.memory_space<vmem>> -> memref<1x112x48xf32, #tpu.memory_space<vmem>>
        %gather3A_894 = tpu.memref_squeeze %gather3A_893 : memref<1x112x48xf32, #tpu.memory_space<vmem>> -> memref<112x48xf32, #tpu.memory_space<vmem>>
        %gather3A_895 = tpu.vector_load_idx %gather3A_894[%add3A_224, %broadcast_in_dim3A_840] : memref<112x48xf32, #tpu.memory_space<vmem>>[vector<16xi32>, vector<16xi32>], vector<16xf32>,
        %mul3A_896 = arith.mulf %get3A_265, %gather3A_895 : vector<16xf32>
        %add3A_897 = arith.addf %add3A_889, %mul3A_896 : vector<16xf32>
        %gather3A_898 = arith.constant 7 : i32
        %gather3A_899 = arith.constant 0 : i32
        %gather3A_900 = arith.constant 0 : i32
        %gather3A_901 = tpu.memref_slice %arg9[%gather3A_898, %gather3A_899, %gather3A_900] : memref<8x112x48xf32, #tpu.memory_space<vmem>> -> memref<1x112x48xf32, #tpu.memory_space<vmem>>
        %gather3A_902 = tpu.memref_squeeze %gather3A_901 : memref<1x112x48xf32, #tpu.memory_space<vmem>> -> memref<112x48xf32, #tpu.memory_space<vmem>>
        %gather3A_903 = tpu.vector_load_idx %gather3A_902[%add3A_224, %broadcast_in_dim3A_840] : memref<112x48xf32, #tpu.memory_space<vmem>>[vector<16xi32>, vector<16xi32>], vector<16xf32>,
        %mul3A_904 = arith.mulf %get3A_271, %gather3A_903 : vector<16xf32>
        %add3A_905 = arith.addf %add3A_897, %mul3A_904 : vector<16xf32>
        %mul3A_906 = arith.mulf %gather3A_841, %gather3A_841 : vector<16xf32>
        %add3A_907 = arith.addf %add3A_836, %mul3A_906 : vector<16xf32>
        %mul3A_908 = arith.mulf %add3A_905, %add3A_905 : vector<16xf32>
        %add3A_909 = arith.addf %add3A_838, %mul3A_908 : vector<16xf32>
        %broadcast_in_dim3A_910 = arith.constant 9 : i32
        %broadcast_in_dim3A_911 = vector.broadcast %broadcast_in_dim3A_910 : i32 to vector<16xi32>
        %gather3A_912 = tpu.vector_load_idx %arg8[%add3A_224, %broadcast_in_dim3A_911] : memref<112x48xf32, #tpu.memory_space<vmem>>[vector<16xi32>, vector<16xi32>], vector<16xf32>,
        %gather3A_913 = arith.constant 0 : i32
        %gather3A_914 = arith.constant 0 : i32
        %gather3A_915 = arith.constant 0 : i32
        %gather3A_916 = tpu.memref_slice %arg9[%gather3A_913, %gather3A_914, %gather3A_915] : memref<8x112x48xf32, #tpu.memory_space<vmem>> -> memref<1x112x48xf32, #tpu.memory_space<vmem>>
        %gather3A_917 = tpu.memref_squeeze %gather3A_916 : memref<1x112x48xf32, #tpu.memory_space<vmem>> -> memref<112x48xf32, #tpu.memory_space<vmem>>
        %gather3A_918 = tpu.vector_load_idx %gather3A_917[%add3A_224, %broadcast_in_dim3A_911] : memref<112x48xf32, #tpu.memory_space<vmem>>[vector<16xi32>, vector<16xi32>], vector<16xf32>,
        %mul3A_919 = arith.mulf %get3A_229, %gather3A_918 : vector<16xf32>
        %add3A_920 = arith.addf %gather3A_912, %mul3A_919 : vector<16xf32>
        %gather3A_921 = arith.constant 1 : i32
        %gather3A_922 = arith.constant 0 : i32
        %gather3A_923 = arith.constant 0 : i32
        %gather3A_924 = tpu.memref_slice %arg9[%gather3A_921, %gather3A_922, %gather3A_923] : memref<8x112x48xf32, #tpu.memory_space<vmem>> -> memref<1x112x48xf32, #tpu.memory_space<vmem>>
        %gather3A_925 = tpu.memref_squeeze %gather3A_924 : memref<1x112x48xf32, #tpu.memory_space<vmem>> -> memref<112x48xf32, #tpu.memory_space<vmem>>
        %gather3A_926 = tpu.vector_load_idx %gather3A_925[%add3A_224, %broadcast_in_dim3A_911] : memref<112x48xf32, #tpu.memory_space<vmem>>[vector<16xi32>, vector<16xi32>], vector<16xf32>,
        %mul3A_927 = arith.mulf %get3A_235, %gather3A_926 : vector<16xf32>
        %add3A_928 = arith.addf %add3A_920, %mul3A_927 : vector<16xf32>
        %gather3A_929 = arith.constant 2 : i32
        %gather3A_930 = arith.constant 0 : i32
        %gather3A_931 = arith.constant 0 : i32
        %gather3A_932 = tpu.memref_slice %arg9[%gather3A_929, %gather3A_930, %gather3A_931] : memref<8x112x48xf32, #tpu.memory_space<vmem>> -> memref<1x112x48xf32, #tpu.memory_space<vmem>>
        %gather3A_933 = tpu.memref_squeeze %gather3A_932 : memref<1x112x48xf32, #tpu.memory_space<vmem>> -> memref<112x48xf32, #tpu.memory_space<vmem>>
        %gather3A_934 = tpu.vector_load_idx %gather3A_933[%add3A_224, %broadcast_in_dim3A_911] : memref<112x48xf32, #tpu.memory_space<vmem>>[vector<16xi32>, vector<16xi32>], vector<16xf32>,
        %mul3A_935 = arith.mulf %get3A_241, %gather3A_934 : vector<16xf32>
        %add3A_936 = arith.addf %add3A_928, %mul3A_935 : vector<16xf32>
        %gather3A_937 = arith.constant 3 : i32
        %gather3A_938 = arith.constant 0 : i32
        %gather3A_939 = arith.constant 0 : i32
        %gather3A_940 = tpu.memref_slice %arg9[%gather3A_937, %gather3A_938, %gather3A_939] : memref<8x112x48xf32, #tpu.memory_space<vmem>> -> memref<1x112x48xf32, #tpu.memory_space<vmem>>
        %gather3A_941 = tpu.memref_squeeze %gather3A_940 : memref<1x112x48xf32, #tpu.memory_space<vmem>> -> memref<112x48xf32, #tpu.memory_space<vmem>>
        %gather3A_942 = tpu.vector_load_idx %gather3A_941[%add3A_224, %broadcast_in_dim3A_911] : memref<112x48xf32, #tpu.memory_space<vmem>>[vector<16xi32>, vector<16xi32>], vector<16xf32>,
        %mul3A_943 = arith.mulf %get3A_247, %gather3A_942 : vector<16xf32>
        %add3A_944 = arith.addf %add3A_936, %mul3A_943 : vector<16xf32>
        %gather3A_945 = arith.constant 4 : i32
        %gather3A_946 = arith.constant 0 : i32
        %gather3A_947 = arith.constant 0 : i32
        %gather3A_948 = tpu.memref_slice %arg9[%gather3A_945, %gather3A_946, %gather3A_947] : memref<8x112x48xf32, #tpu.memory_space<vmem>> -> memref<1x112x48xf32, #tpu.memory_space<vmem>>
        %gather3A_949 = tpu.memref_squeeze %gather3A_948 : memref<1x112x48xf32, #tpu.memory_space<vmem>> -> memref<112x48xf32, #tpu.memory_space<vmem>>
        %gather3A_950 = tpu.vector_load_idx %gather3A_949[%add3A_224, %broadcast_in_dim3A_911] : memref<112x48xf32, #tpu.memory_space<vmem>>[vector<16xi32>, vector<16xi32>], vector<16xf32>,
        %mul3A_951 = arith.mulf %get3A_253, %gather3A_950 : vector<16xf32>
        %add3A_952 = arith.addf %add3A_944, %mul3A_951 : vector<16xf32>
        %gather3A_953 = arith.constant 5 : i32
        %gather3A_954 = arith.constant 0 : i32
        %gather3A_955 = arith.constant 0 : i32
        %gather3A_956 = tpu.memref_slice %arg9[%gather3A_953, %gather3A_954, %gather3A_955] : memref<8x112x48xf32, #tpu.memory_space<vmem>> -> memref<1x112x48xf32, #tpu.memory_space<vmem>>
        %gather3A_957 = tpu.memref_squeeze %gather3A_956 : memref<1x112x48xf32, #tpu.memory_space<vmem>> -> memref<112x48xf32, #tpu.memory_space<vmem>>
        %gather3A_958 = tpu.vector_load_idx %gather3A_957[%add3A_224, %broadcast_in_dim3A_911] : memref<112x48xf32, #tpu.memory_space<vmem>>[vector<16xi32>, vector<16xi32>], vector<16xf32>,
        %mul3A_959 = arith.mulf %get3A_259, %gather3A_958 : vector<16xf32>
        %add3A_960 = arith.addf %add3A_952, %mul3A_959 : vector<16xf32>
        %gather3A_961 = arith.constant 6 : i32
        %gather3A_962 = arith.constant 0 : i32
        %gather3A_963 = arith.constant 0 : i32
        %gather3A_964 = tpu.memref_slice %arg9[%gather3A_961, %gather3A_962, %gather3A_963] : memref<8x112x48xf32, #tpu.memory_space<vmem>> -> memref<1x112x48xf32, #tpu.memory_space<vmem>>
        %gather3A_965 = tpu.memref_squeeze %gather3A_964 : memref<1x112x48xf32, #tpu.memory_space<vmem>> -> memref<112x48xf32, #tpu.memory_space<vmem>>
        %gather3A_966 = tpu.vector_load_idx %gather3A_965[%add3A_224, %broadcast_in_dim3A_911] : memref<112x48xf32, #tpu.memory_space<vmem>>[vector<16xi32>, vector<16xi32>], vector<16xf32>,
        %mul3A_967 = arith.mulf %get3A_265, %gather3A_966 : vector<16xf32>
        %add3A_968 = arith.addf %add3A_960, %mul3A_967 : vector<16xf32>
        %gather3A_969 = arith.constant 7 : i32
        %gather3A_970 = arith.constant 0 : i32
        %gather3A_971 = arith.constant 0 : i32
        %gather3A_972 = tpu.memref_slice %arg9[%gather3A_969, %gather3A_970, %gather3A_971] : memref<8x112x48xf32, #tpu.memory_space<vmem>> -> memref<1x112x48xf32, #tpu.memory_space<vmem>>
        %gather3A_973 = tpu.memref_squeeze %gather3A_972 : memref<1x112x48xf32, #tpu.memory_space<vmem>> -> memref<112x48xf32, #tpu.memory_space<vmem>>
        %gather3A_974 = tpu.vector_load_idx %gather3A_973[%add3A_224, %broadcast_in_dim3A_911] : memref<112x48xf32, #tpu.memory_space<vmem>>[vector<16xi32>, vector<16xi32>], vector<16xf32>,
        %mul3A_975 = arith.mulf %get3A_271, %gather3A_974 : vector<16xf32>
        %add3A_976 = arith.addf %add3A_968, %mul3A_975 : vector<16xf32>
        %mul3A_977 = arith.mulf %gather3A_912, %gather3A_912 : vector<16xf32>
        %add3A_978 = arith.addf %add3A_907, %mul3A_977 : vector<16xf32>
        %mul3A_979 = arith.mulf %add3A_976, %add3A_976 : vector<16xf32>
        %add3A_980 = arith.addf %add3A_909, %mul3A_979 : vector<16xf32>
        %broadcast_in_dim3A_981 = arith.constant 10 : i32
        %broadcast_in_dim3A_982 = vector.broadcast %broadcast_in_dim3A_981 : i32 to vector<16xi32>
        %gather3A_983 = tpu.vector_load_idx %arg8[%add3A_224, %broadcast_in_dim3A_982] : memref<112x48xf32, #tpu.memory_space<vmem>>[vector<16xi32>, vector<16xi32>], vector<16xf32>,
        %gather3A_984 = arith.constant 0 : i32
        %gather3A_985 = arith.constant 0 : i32
        %gather3A_986 = arith.constant 0 : i32
        %gather3A_987 = tpu.memref_slice %arg9[%gather3A_984, %gather3A_985, %gather3A_986] : memref<8x112x48xf32, #tpu.memory_space<vmem>> -> memref<1x112x48xf32, #tpu.memory_space<vmem>>
        %gather3A_988 = tpu.memref_squeeze %gather3A_987 : memref<1x112x48xf32, #tpu.memory_space<vmem>> -> memref<112x48xf32, #tpu.memory_space<vmem>>
        %gather3A_989 = tpu.vector_load_idx %gather3A_988[%add3A_224, %broadcast_in_dim3A_982] : memref<112x48xf32, #tpu.memory_space<vmem>>[vector<16xi32>, vector<16xi32>], vector<16xf32>,
        %mul3A_990 = arith.mulf %get3A_229, %gather3A_989 : vector<16xf32>
        %add3A_991 = arith.addf %gather3A_983, %mul3A_990 : vector<16xf32>
        %gather3A_992 = arith.constant 1 : i32
        %gather3A_993 = arith.constant 0 : i32
        %gather3A_994 = arith.constant 0 : i32
        %gather3A_995 = tpu.memref_slice %arg9[%gather3A_992, %gather3A_993, %gather3A_994] : memref<8x112x48xf32, #tpu.memory_space<vmem>> -> memref<1x112x48xf32, #tpu.memory_space<vmem>>
        %gather3A_996 = tpu.memref_squeeze %gather3A_995 : memref<1x112x48xf32, #tpu.memory_space<vmem>> -> memref<112x48xf32, #tpu.memory_space<vmem>>
        %gather3A_997 = tpu.vector_load_idx %gather3A_996[%add3A_224, %broadcast_in_dim3A_982] : memref<112x48xf32, #tpu.memory_space<vmem>>[vector<16xi32>, vector<16xi32>], vector<16xf32>,
        %mul3A_998 = arith.mulf %get3A_235, %gather3A_997 : vector<16xf32>
        %add3A_999 = arith.addf %add3A_991, %mul3A_998 : vector<16xf32>
        %gather3A_1000 = arith.constant 2 : i32
        %gather3A_1001 = arith.constant 0 : i32
        %gather3A_1002 = arith.constant 0 : i32
        %gather3A_1003 = tpu.memref_slice %arg9[%gather3A_1000, %gather3A_1001, %gather3A_1002] : memref<8x112x48xf32, #tpu.memory_space<vmem>> -> memref<1x112x48xf32, #tpu.memory_space<vmem>>
        %gather3A_1004 = tpu.memref_squeeze %gather3A_1003 : memref<1x112x48xf32, #tpu.memory_space<vmem>> -> memref<112x48xf32, #tpu.memory_space<vmem>>
        %gather3A_1005 = tpu.vector_load_idx %gather3A_1004[%add3A_224, %broadcast_in_dim3A_982] : memref<112x48xf32, #tpu.memory_space<vmem>>[vector<16xi32>, vector<16xi32>], vector<16xf32>,
        %mul3A_1006 = arith.mulf %get3A_241, %gather3A_1005 : vector<16xf32>
        %add3A_1007 = arith.addf %add3A_999, %mul3A_1006 : vector<16xf32>
        %gather3A_1008 = arith.constant 3 : i32
        %gather3A_1009 = arith.constant 0 : i32
        %gather3A_1010 = arith.constant 0 : i32
        %gather3A_1011 = tpu.memref_slice %arg9[%gather3A_1008, %gather3A_1009, %gather3A_1010] : memref<8x112x48xf32, #tpu.memory_space<vmem>> -> memref<1x112x48xf32, #tpu.memory_space<vmem>>
        %gather3A_1012 = tpu.memref_squeeze %gather3A_1011 : memref<1x112x48xf32, #tpu.memory_space<vmem>> -> memref<112x48xf32, #tpu.memory_space<vmem>>
        %gather3A_1013 = tpu.vector_load_idx %gather3A_1012[%add3A_224, %broadcast_in_dim3A_982] : memref<112x48xf32, #tpu.memory_space<vmem>>[vector<16xi32>, vector<16xi32>], vector<16xf32>,
        %mul3A_1014 = arith.mulf %get3A_247, %gather3A_1013 : vector<16xf32>
        %add3A_1015 = arith.addf %add3A_1007, %mul3A_1014 : vector<16xf32>
        %gather3A_1016 = arith.constant 4 : i32
        %gather3A_1017 = arith.constant 0 : i32
        %gather3A_1018 = arith.constant 0 : i32
        %gather3A_1019 = tpu.memref_slice %arg9[%gather3A_1016, %gather3A_1017, %gather3A_1018] : memref<8x112x48xf32, #tpu.memory_space<vmem>> -> memref<1x112x48xf32, #tpu.memory_space<vmem>>
        %gather3A_1020 = tpu.memref_squeeze %gather3A_1019 : memref<1x112x48xf32, #tpu.memory_space<vmem>> -> memref<112x48xf32, #tpu.memory_space<vmem>>
        %gather3A_1021 = tpu.vector_load_idx %gather3A_1020[%add3A_224, %broadcast_in_dim3A_982] : memref<112x48xf32, #tpu.memory_space<vmem>>[vector<16xi32>, vector<16xi32>], vector<16xf32>,
        %mul3A_1022 = arith.mulf %get3A_253, %gather3A_1021 : vector<16xf32>
        %add3A_1023 = arith.addf %add3A_1015, %mul3A_1022 : vector<16xf32>
        %gather3A_1024 = arith.constant 5 : i32
        %gather3A_1025 = arith.constant 0 : i32
        %gather3A_1026 = arith.constant 0 : i32
        %gather3A_1027 = tpu.memref_slice %arg9[%gather3A_1024, %gather3A_1025, %gather3A_1026] : memref<8x112x48xf32, #tpu.memory_space<vmem>> -> memref<1x112x48xf32, #tpu.memory_space<vmem>>
        %gather3A_1028 = tpu.memref_squeeze %gather3A_1027 : memref<1x112x48xf32, #tpu.memory_space<vmem>> -> memref<112x48xf32, #tpu.memory_space<vmem>>
        %gather3A_1029 = tpu.vector_load_idx %gather3A_1028[%add3A_224, %broadcast_in_dim3A_982] : memref<112x48xf32, #tpu.memory_space<vmem>>[vector<16xi32>, vector<16xi32>], vector<16xf32>,
        %mul3A_1030 = arith.mulf %get3A_259, %gather3A_1029 : vector<16xf32>
        %add3A_1031 = arith.addf %add3A_1023, %mul3A_1030 : vector<16xf32>
        %gather3A_1032 = arith.constant 6 : i32
        %gather3A_1033 = arith.constant 0 : i32
        %gather3A_1034 = arith.constant 0 : i32
        %gather3A_1035 = tpu.memref_slice %arg9[%gather3A_1032, %gather3A_1033, %gather3A_1034] : memref<8x112x48xf32, #tpu.memory_space<vmem>> -> memref<1x112x48xf32, #tpu.memory_space<vmem>>
        %gather3A_1036 = tpu.memref_squeeze %gather3A_1035 : memref<1x112x48xf32, #tpu.memory_space<vmem>> -> memref<112x48xf32, #tpu.memory_space<vmem>>
        %gather3A_1037 = tpu.vector_load_idx %gather3A_1036[%add3A_224, %broadcast_in_dim3A_982] : memref<112x48xf32, #tpu.memory_space<vmem>>[vector<16xi32>, vector<16xi32>], vector<16xf32>,
        %mul3A_1038 = arith.mulf %get3A_265, %gather3A_1037 : vector<16xf32>
        %add3A_1039 = arith.addf %add3A_1031, %mul3A_1038 : vector<16xf32>
        %gather3A_1040 = arith.constant 7 : i32
        %gather3A_1041 = arith.constant 0 : i32
        %gather3A_1042 = arith.constant 0 : i32
        %gather3A_1043 = tpu.memref_slice %arg9[%gather3A_1040, %gather3A_1041, %gather3A_1042] : memref<8x112x48xf32, #tpu.memory_space<vmem>> -> memref<1x112x48xf32, #tpu.memory_space<vmem>>
        %gather3A_1044 = tpu.memref_squeeze %gather3A_1043 : memref<1x112x48xf32, #tpu.memory_space<vmem>> -> memref<112x48xf32, #tpu.memory_space<vmem>>
        %gather3A_1045 = tpu.vector_load_idx %gather3A_1044[%add3A_224, %broadcast_in_dim3A_982] : memref<112x48xf32, #tpu.memory_space<vmem>>[vector<16xi32>, vector<16xi32>], vector<16xf32>,
        %mul3A_1046 = arith.mulf %get3A_271, %gather3A_1045 : vector<16xf32>
        %add3A_1047 = arith.addf %add3A_1039, %mul3A_1046 : vector<16xf32>
        %mul3A_1048 = arith.mulf %gather3A_983, %gather3A_983 : vector<16xf32>
        %add3A_1049 = arith.addf %add3A_978, %mul3A_1048 : vector<16xf32>
        %mul3A_1050 = arith.mulf %add3A_1047, %add3A_1047 : vector<16xf32>
        %add3A_1051 = arith.addf %add3A_980, %mul3A_1050 : vector<16xf32>
        %broadcast_in_dim3A_1052 = arith.constant 11 : i32
        %broadcast_in_dim3A_1053 = vector.broadcast %broadcast_in_dim3A_1052 : i32 to vector<16xi32>
        %gather3A_1054 = tpu.vector_load_idx %arg8[%add3A_224, %broadcast_in_dim3A_1053] : memref<112x48xf32, #tpu.memory_space<vmem>>[vector<16xi32>, vector<16xi32>], vector<16xf32>,
        %gather3A_1055 = arith.constant 0 : i32
        %gather3A_1056 = arith.constant 0 : i32
        %gather3A_1057 = arith.constant 0 : i32
        %gather3A_1058 = tpu.memref_slice %arg9[%gather3A_1055, %gather3A_1056, %gather3A_1057] : memref<8x112x48xf32, #tpu.memory_space<vmem>> -> memref<1x112x48xf32, #tpu.memory_space<vmem>>
        %gather3A_1059 = tpu.memref_squeeze %gather3A_1058 : memref<1x112x48xf32, #tpu.memory_space<vmem>> -> memref<112x48xf32, #tpu.memory_space<vmem>>
        %gather3A_1060 = tpu.vector_load_idx %gather3A_1059[%add3A_224, %broadcast_in_dim3A_1053] : memref<112x48xf32, #tpu.memory_space<vmem>>[vector<16xi32>, vector<16xi32>], vector<16xf32>,
        %mul3A_1061 = arith.mulf %get3A_229, %gather3A_1060 : vector<16xf32>
        %add3A_1062 = arith.addf %gather3A_1054, %mul3A_1061 : vector<16xf32>
        %gather3A_1063 = arith.constant 1 : i32
        %gather3A_1064 = arith.constant 0 : i32
        %gather3A_1065 = arith.constant 0 : i32
        %gather3A_1066 = tpu.memref_slice %arg9[%gather3A_1063, %gather3A_1064, %gather3A_1065] : memref<8x112x48xf32, #tpu.memory_space<vmem>> -> memref<1x112x48xf32, #tpu.memory_space<vmem>>
        %gather3A_1067 = tpu.memref_squeeze %gather3A_1066 : memref<1x112x48xf32, #tpu.memory_space<vmem>> -> memref<112x48xf32, #tpu.memory_space<vmem>>
        %gather3A_1068 = tpu.vector_load_idx %gather3A_1067[%add3A_224, %broadcast_in_dim3A_1053] : memref<112x48xf32, #tpu.memory_space<vmem>>[vector<16xi32>, vector<16xi32>], vector<16xf32>,
        %mul3A_1069 = arith.mulf %get3A_235, %gather3A_1068 : vector<16xf32>
        %add3A_1070 = arith.addf %add3A_1062, %mul3A_1069 : vector<16xf32>
        %gather3A_1071 = arith.constant 2 : i32
        %gather3A_1072 = arith.constant 0 : i32
        %gather3A_1073 = arith.constant 0 : i32
        %gather3A_1074 = tpu.memref_slice %arg9[%gather3A_1071, %gather3A_1072, %gather3A_1073] : memref<8x112x48xf32, #tpu.memory_space<vmem>> -> memref<1x112x48xf32, #tpu.memory_space<vmem>>
        %gather3A_1075 = tpu.memref_squeeze %gather3A_1074 : memref<1x112x48xf32, #tpu.memory_space<vmem>> -> memref<112x48xf32, #tpu.memory_space<vmem>>
        %gather3A_1076 = tpu.vector_load_idx %gather3A_1075[%add3A_224, %broadcast_in_dim3A_1053] : memref<112x48xf32, #tpu.memory_space<vmem>>[vector<16xi32>, vector<16xi32>], vector<16xf32>,
        %mul3A_1077 = arith.mulf %get3A_241, %gather3A_1076 : vector<16xf32>
        %add3A_1078 = arith.addf %add3A_1070, %mul3A_1077 : vector<16xf32>
        %gather3A_1079 = arith.constant 3 : i32
        %gather3A_1080 = arith.constant 0 : i32
        %gather3A_1081 = arith.constant 0 : i32
        %gather3A_1082 = tpu.memref_slice %arg9[%gather3A_1079, %gather3A_1080, %gather3A_1081] : memref<8x112x48xf32, #tpu.memory_space<vmem>> -> memref<1x112x48xf32, #tpu.memory_space<vmem>>
        %gather3A_1083 = tpu.memref_squeeze %gather3A_1082 : memref<1x112x48xf32, #tpu.memory_space<vmem>> -> memref<112x48xf32, #tpu.memory_space<vmem>>
        %gather3A_1084 = tpu.vector_load_idx %gather3A_1083[%add3A_224, %broadcast_in_dim3A_1053] : memref<112x48xf32, #tpu.memory_space<vmem>>[vector<16xi32>, vector<16xi32>], vector<16xf32>,
        %mul3A_1085 = arith.mulf %get3A_247, %gather3A_1084 : vector<16xf32>
        %add3A_1086 = arith.addf %add3A_1078, %mul3A_1085 : vector<16xf32>
        %gather3A_1087 = arith.constant 4 : i32
        %gather3A_1088 = arith.constant 0 : i32
        %gather3A_1089 = arith.constant 0 : i32
        %gather3A_1090 = tpu.memref_slice %arg9[%gather3A_1087, %gather3A_1088, %gather3A_1089] : memref<8x112x48xf32, #tpu.memory_space<vmem>> -> memref<1x112x48xf32, #tpu.memory_space<vmem>>
        %gather3A_1091 = tpu.memref_squeeze %gather3A_1090 : memref<1x112x48xf32, #tpu.memory_space<vmem>> -> memref<112x48xf32, #tpu.memory_space<vmem>>
        %gather3A_1092 = tpu.vector_load_idx %gather3A_1091[%add3A_224, %broadcast_in_dim3A_1053] : memref<112x48xf32, #tpu.memory_space<vmem>>[vector<16xi32>, vector<16xi32>], vector<16xf32>,
        %mul3A_1093 = arith.mulf %get3A_253, %gather3A_1092 : vector<16xf32>
        %add3A_1094 = arith.addf %add3A_1086, %mul3A_1093 : vector<16xf32>
        %gather3A_1095 = arith.constant 5 : i32
        %gather3A_1096 = arith.constant 0 : i32
        %gather3A_1097 = arith.constant 0 : i32
        %gather3A_1098 = tpu.memref_slice %arg9[%gather3A_1095, %gather3A_1096, %gather3A_1097] : memref<8x112x48xf32, #tpu.memory_space<vmem>> -> memref<1x112x48xf32, #tpu.memory_space<vmem>>
        %gather3A_1099 = tpu.memref_squeeze %gather3A_1098 : memref<1x112x48xf32, #tpu.memory_space<vmem>> -> memref<112x48xf32, #tpu.memory_space<vmem>>
        %gather3A_1100 = tpu.vector_load_idx %gather3A_1099[%add3A_224, %broadcast_in_dim3A_1053] : memref<112x48xf32, #tpu.memory_space<vmem>>[vector<16xi32>, vector<16xi32>], vector<16xf32>,
        %mul3A_1101 = arith.mulf %get3A_259, %gather3A_1100 : vector<16xf32>
        %add3A_1102 = arith.addf %add3A_1094, %mul3A_1101 : vector<16xf32>
        %gather3A_1103 = arith.constant 6 : i32
        %gather3A_1104 = arith.constant 0 : i32
        %gather3A_1105 = arith.constant 0 : i32
        %gather3A_1106 = tpu.memref_slice %arg9[%gather3A_1103, %gather3A_1104, %gather3A_1105] : memref<8x112x48xf32, #tpu.memory_space<vmem>> -> memref<1x112x48xf32, #tpu.memory_space<vmem>>
        %gather3A_1107 = tpu.memref_squeeze %gather3A_1106 : memref<1x112x48xf32, #tpu.memory_space<vmem>> -> memref<112x48xf32, #tpu.memory_space<vmem>>
        %gather3A_1108 = tpu.vector_load_idx %gather3A_1107[%add3A_224, %broadcast_in_dim3A_1053] : memref<112x48xf32, #tpu.memory_space<vmem>>[vector<16xi32>, vector<16xi32>], vector<16xf32>,
        %mul3A_1109 = arith.mulf %get3A_265, %gather3A_1108 : vector<16xf32>
        %add3A_1110 = arith.addf %add3A_1102, %mul3A_1109 : vector<16xf32>
        %gather3A_1111 = arith.constant 7 : i32
        %gather3A_1112 = arith.constant 0 : i32
        %gather3A_1113 = arith.constant 0 : i32
        %gather3A_1114 = tpu.memref_slice %arg9[%gather3A_1111, %gather3A_1112, %gather3A_1113] : memref<8x112x48xf32, #tpu.memory_space<vmem>> -> memref<1x112x48xf32, #tpu.memory_space<vmem>>
        %gather3A_1115 = tpu.memref_squeeze %gather3A_1114 : memref<1x112x48xf32, #tpu.memory_space<vmem>> -> memref<112x48xf32, #tpu.memory_space<vmem>>
        %gather3A_1116 = tpu.vector_load_idx %gather3A_1115[%add3A_224, %broadcast_in_dim3A_1053] : memref<112x48xf32, #tpu.memory_space<vmem>>[vector<16xi32>, vector<16xi32>], vector<16xf32>,
        %mul3A_1117 = arith.mulf %get3A_271, %gather3A_1116 : vector<16xf32>
        %add3A_1118 = arith.addf %add3A_1110, %mul3A_1117 : vector<16xf32>
        %mul3A_1119 = arith.mulf %gather3A_1054, %gather3A_1054 : vector<16xf32>
        %add3A_1120 = arith.addf %add3A_1049, %mul3A_1119 : vector<16xf32>
        %mul3A_1121 = arith.mulf %add3A_1118, %add3A_1118 : vector<16xf32>
        %add3A_1122 = arith.addf %add3A_1051, %mul3A_1121 : vector<16xf32>
        %broadcast_in_dim3A_1123 = arith.constant 12 : i32
        %broadcast_in_dim3A_1124 = vector.broadcast %broadcast_in_dim3A_1123 : i32 to vector<16xi32>
        %gather3A_1125 = tpu.vector_load_idx %arg8[%add3A_224, %broadcast_in_dim3A_1124] : memref<112x48xf32, #tpu.memory_space<vmem>>[vector<16xi32>, vector<16xi32>], vector<16xf32>,
        %gather3A_1126 = arith.constant 0 : i32
        %gather3A_1127 = arith.constant 0 : i32
        %gather3A_1128 = arith.constant 0 : i32
        %gather3A_1129 = tpu.memref_slice %arg9[%gather3A_1126, %gather3A_1127, %gather3A_1128] : memref<8x112x48xf32, #tpu.memory_space<vmem>> -> memref<1x112x48xf32, #tpu.memory_space<vmem>>
        %gather3A_1130 = tpu.memref_squeeze %gather3A_1129 : memref<1x112x48xf32, #tpu.memory_space<vmem>> -> memref<112x48xf32, #tpu.memory_space<vmem>>
        %gather3A_1131 = tpu.vector_load_idx %gather3A_1130[%add3A_224, %broadcast_in_dim3A_1124] : memref<112x48xf32, #tpu.memory_space<vmem>>[vector<16xi32>, vector<16xi32>], vector<16xf32>,
        %mul3A_1132 = arith.mulf %get3A_229, %gather3A_1131 : vector<16xf32>
        %add3A_1133 = arith.addf %gather3A_1125, %mul3A_1132 : vector<16xf32>
        %gather3A_1134 = arith.constant 1 : i32
        %gather3A_1135 = arith.constant 0 : i32
        %gather3A_1136 = arith.constant 0 : i32
        %gather3A_1137 = tpu.memref_slice %arg9[%gather3A_1134, %gather3A_1135, %gather3A_1136] : memref<8x112x48xf32, #tpu.memory_space<vmem>> -> memref<1x112x48xf32, #tpu.memory_space<vmem>>
        %gather3A_1138 = tpu.memref_squeeze %gather3A_1137 : memref<1x112x48xf32, #tpu.memory_space<vmem>> -> memref<112x48xf32, #tpu.memory_space<vmem>>
        %gather3A_1139 = tpu.vector_load_idx %gather3A_1138[%add3A_224, %broadcast_in_dim3A_1124] : memref<112x48xf32, #tpu.memory_space<vmem>>[vector<16xi32>, vector<16xi32>], vector<16xf32>,
        %mul3A_1140 = arith.mulf %get3A_235, %gather3A_1139 : vector<16xf32>
        %add3A_1141 = arith.addf %add3A_1133, %mul3A_1140 : vector<16xf32>
        %gather3A_1142 = arith.constant 2 : i32
        %gather3A_1143 = arith.constant 0 : i32
        %gather3A_1144 = arith.constant 0 : i32
        %gather3A_1145 = tpu.memref_slice %arg9[%gather3A_1142, %gather3A_1143, %gather3A_1144] : memref<8x112x48xf32, #tpu.memory_space<vmem>> -> memref<1x112x48xf32, #tpu.memory_space<vmem>>
        %gather3A_1146 = tpu.memref_squeeze %gather3A_1145 : memref<1x112x48xf32, #tpu.memory_space<vmem>> -> memref<112x48xf32, #tpu.memory_space<vmem>>
        %gather3A_1147 = tpu.vector_load_idx %gather3A_1146[%add3A_224, %broadcast_in_dim3A_1124] : memref<112x48xf32, #tpu.memory_space<vmem>>[vector<16xi32>, vector<16xi32>], vector<16xf32>,
        %mul3A_1148 = arith.mulf %get3A_241, %gather3A_1147 : vector<16xf32>
        %add3A_1149 = arith.addf %add3A_1141, %mul3A_1148 : vector<16xf32>
        %gather3A_1150 = arith.constant 3 : i32
        %gather3A_1151 = arith.constant 0 : i32
        %gather3A_1152 = arith.constant 0 : i32
        %gather3A_1153 = tpu.memref_slice %arg9[%gather3A_1150, %gather3A_1151, %gather3A_1152] : memref<8x112x48xf32, #tpu.memory_space<vmem>> -> memref<1x112x48xf32, #tpu.memory_space<vmem>>
        %gather3A_1154 = tpu.memref_squeeze %gather3A_1153 : memref<1x112x48xf32, #tpu.memory_space<vmem>> -> memref<112x48xf32, #tpu.memory_space<vmem>>
        %gather3A_1155 = tpu.vector_load_idx %gather3A_1154[%add3A_224, %broadcast_in_dim3A_1124] : memref<112x48xf32, #tpu.memory_space<vmem>>[vector<16xi32>, vector<16xi32>], vector<16xf32>,
        %mul3A_1156 = arith.mulf %get3A_247, %gather3A_1155 : vector<16xf32>
        %add3A_1157 = arith.addf %add3A_1149, %mul3A_1156 : vector<16xf32>
        %gather3A_1158 = arith.constant 4 : i32
        %gather3A_1159 = arith.constant 0 : i32
        %gather3A_1160 = arith.constant 0 : i32
        %gather3A_1161 = tpu.memref_slice %arg9[%gather3A_1158, %gather3A_1159, %gather3A_1160] : memref<8x112x48xf32, #tpu.memory_space<vmem>> -> memref<1x112x48xf32, #tpu.memory_space<vmem>>
        %gather3A_1162 = tpu.memref_squeeze %gather3A_1161 : memref<1x112x48xf32, #tpu.memory_space<vmem>> -> memref<112x48xf32, #tpu.memory_space<vmem>>
        %gather3A_1163 = tpu.vector_load_idx %gather3A_1162[%add3A_224, %broadcast_in_dim3A_1124] : memref<112x48xf32, #tpu.memory_space<vmem>>[vector<16xi32>, vector<16xi32>], vector<16xf32>,
        %mul3A_1164 = arith.mulf %get3A_253, %gather3A_1163 : vector<16xf32>
        %add3A_1165 = arith.addf %add3A_1157, %mul3A_1164 : vector<16xf32>
        %gather3A_1166 = arith.constant 5 : i32
        %gather3A_1167 = arith.constant 0 : i32
        %gather3A_1168 = arith.constant 0 : i32
        %gather3A_1169 = tpu.memref_slice %arg9[%gather3A_1166, %gather3A_1167, %gather3A_1168] : memref<8x112x48xf32, #tpu.memory_space<vmem>> -> memref<1x112x48xf32, #tpu.memory_space<vmem>>
        %gather3A_1170 = tpu.memref_squeeze %gather3A_1169 : memref<1x112x48xf32, #tpu.memory_space<vmem>> -> memref<112x48xf32, #tpu.memory_space<vmem>>
        %gather3A_1171 = tpu.vector_load_idx %gather3A_1170[%add3A_224, %broadcast_in_dim3A_1124] : memref<112x48xf32, #tpu.memory_space<vmem>>[vector<16xi32>, vector<16xi32>], vector<16xf32>,
        %mul3A_1172 = arith.mulf %get3A_259, %gather3A_1171 : vector<16xf32>
        %add3A_1173 = arith.addf %add3A_1165, %mul3A_1172 : vector<16xf32>
        %gather3A_1174 = arith.constant 6 : i32
        %gather3A_1175 = arith.constant 0 : i32
        %gather3A_1176 = arith.constant 0 : i32
        %gather3A_1177 = tpu.memref_slice %arg9[%gather3A_1174, %gather3A_1175, %gather3A_1176] : memref<8x112x48xf32, #tpu.memory_space<vmem>> -> memref<1x112x48xf32, #tpu.memory_space<vmem>>
        %gather3A_1178 = tpu.memref_squeeze %gather3A_1177 : memref<1x112x48xf32, #tpu.memory_space<vmem>> -> memref<112x48xf32, #tpu.memory_space<vmem>>
        %gather3A_1179 = tpu.vector_load_idx %gather3A_1178[%add3A_224, %broadcast_in_dim3A_1124] : memref<112x48xf32, #tpu.memory_space<vmem>>[vector<16xi32>, vector<16xi32>], vector<16xf32>,
        %mul3A_1180 = arith.mulf %get3A_265, %gather3A_1179 : vector<16xf32>
        %add3A_1181 = arith.addf %add3A_1173, %mul3A_1180 : vector<16xf32>
        %gather3A_1182 = arith.constant 7 : i32
        %gather3A_1183 = arith.constant 0 : i32
        %gather3A_1184 = arith.constant 0 : i32
        %gather3A_1185 = tpu.memref_slice %arg9[%gather3A_1182, %gather3A_1183, %gather3A_1184] : memref<8x112x48xf32, #tpu.memory_space<vmem>> -> memref<1x112x48xf32, #tpu.memory_space<vmem>>
        %gather3A_1186 = tpu.memref_squeeze %gather3A_1185 : memref<1x112x48xf32, #tpu.memory_space<vmem>> -> memref<112x48xf32, #tpu.memory_space<vmem>>
        %gather3A_1187 = tpu.vector_load_idx %gather3A_1186[%add3A_224, %broadcast_in_dim3A_1124] : memref<112x48xf32, #tpu.memory_space<vmem>>[vector<16xi32>, vector<16xi32>], vector<16xf32>,
        %mul3A_1188 = arith.mulf %get3A_271, %gather3A_1187 : vector<16xf32>
        %add3A_1189 = arith.addf %add3A_1181, %mul3A_1188 : vector<16xf32>
        %mul3A_1190 = arith.mulf %gather3A_1125, %gather3A_1125 : vector<16xf32>
        %add3A_1191 = arith.addf %add3A_1120, %mul3A_1190 : vector<16xf32>
        %mul3A_1192 = arith.mulf %add3A_1189, %add3A_1189 : vector<16xf32>
        %add3A_1193 = arith.addf %add3A_1122, %mul3A_1192 : vector<16xf32>
        %broadcast_in_dim3A_1194 = arith.constant 13 : i32
        %broadcast_in_dim3A_1195 = vector.broadcast %broadcast_in_dim3A_1194 : i32 to vector<16xi32>
        %gather3A_1196 = tpu.vector_load_idx %arg8[%add3A_224, %broadcast_in_dim3A_1195] : memref<112x48xf32, #tpu.memory_space<vmem>>[vector<16xi32>, vector<16xi32>], vector<16xf32>,
        %gather3A_1197 = arith.constant 0 : i32
        %gather3A_1198 = arith.constant 0 : i32
        %gather3A_1199 = arith.constant 0 : i32
        %gather3A_1200 = tpu.memref_slice %arg9[%gather3A_1197, %gather3A_1198, %gather3A_1199] : memref<8x112x48xf32, #tpu.memory_space<vmem>> -> memref<1x112x48xf32, #tpu.memory_space<vmem>>
        %gather3A_1201 = tpu.memref_squeeze %gather3A_1200 : memref<1x112x48xf32, #tpu.memory_space<vmem>> -> memref<112x48xf32, #tpu.memory_space<vmem>>
        %gather3A_1202 = tpu.vector_load_idx %gather3A_1201[%add3A_224, %broadcast_in_dim3A_1195] : memref<112x48xf32, #tpu.memory_space<vmem>>[vector<16xi32>, vector<16xi32>], vector<16xf32>,
        %mul3A_1203 = arith.mulf %get3A_229, %gather3A_1202 : vector<16xf32>
        %add3A_1204 = arith.addf %gather3A_1196, %mul3A_1203 : vector<16xf32>
        %gather3A_1205 = arith.constant 1 : i32
        %gather3A_1206 = arith.constant 0 : i32
        %gather3A_1207 = arith.constant 0 : i32
        %gather3A_1208 = tpu.memref_slice %arg9[%gather3A_1205, %gather3A_1206, %gather3A_1207] : memref<8x112x48xf32, #tpu.memory_space<vmem>> -> memref<1x112x48xf32, #tpu.memory_space<vmem>>
        %gather3A_1209 = tpu.memref_squeeze %gather3A_1208 : memref<1x112x48xf32, #tpu.memory_space<vmem>> -> memref<112x48xf32, #tpu.memory_space<vmem>>
        %gather3A_1210 = tpu.vector_load_idx %gather3A_1209[%add3A_224, %broadcast_in_dim3A_1195] : memref<112x48xf32, #tpu.memory_space<vmem>>[vector<16xi32>, vector<16xi32>], vector<16xf32>,
        %mul3A_1211 = arith.mulf %get3A_235, %gather3A_1210 : vector<16xf32>
        %add3A_1212 = arith.addf %add3A_1204, %mul3A_1211 : vector<16xf32>
        %gather3A_1213 = arith.constant 2 : i32
        %gather3A_1214 = arith.constant 0 : i32
        %gather3A_1215 = arith.constant 0 : i32
        %gather3A_1216 = tpu.memref_slice %arg9[%gather3A_1213, %gather3A_1214, %gather3A_1215] : memref<8x112x48xf32, #tpu.memory_space<vmem>> -> memref<1x112x48xf32, #tpu.memory_space<vmem>>
        %gather3A_1217 = tpu.memref_squeeze %gather3A_1216 : memref<1x112x48xf32, #tpu.memory_space<vmem>> -> memref<112x48xf32, #tpu.memory_space<vmem>>
        %gather3A_1218 = tpu.vector_load_idx %gather3A_1217[%add3A_224, %broadcast_in_dim3A_1195] : memref<112x48xf32, #tpu.memory_space<vmem>>[vector<16xi32>, vector<16xi32>], vector<16xf32>,
        %mul3A_1219 = arith.mulf %get3A_241, %gather3A_1218 : vector<16xf32>
        %add3A_1220 = arith.addf %add3A_1212, %mul3A_1219 : vector<16xf32>
        %gather3A_1221 = arith.constant 3 : i32
        %gather3A_1222 = arith.constant 0 : i32
        %gather3A_1223 = arith.constant 0 : i32
        %gather3A_1224 = tpu.memref_slice %arg9[%gather3A_1221, %gather3A_1222, %gather3A_1223] : memref<8x112x48xf32, #tpu.memory_space<vmem>> -> memref<1x112x48xf32, #tpu.memory_space<vmem>>
        %gather3A_1225 = tpu.memref_squeeze %gather3A_1224 : memref<1x112x48xf32, #tpu.memory_space<vmem>> -> memref<112x48xf32, #tpu.memory_space<vmem>>
        %gather3A_1226 = tpu.vector_load_idx %gather3A_1225[%add3A_224, %broadcast_in_dim3A_1195] : memref<112x48xf32, #tpu.memory_space<vmem>>[vector<16xi32>, vector<16xi32>], vector<16xf32>,
        %mul3A_1227 = arith.mulf %get3A_247, %gather3A_1226 : vector<16xf32>
        %add3A_1228 = arith.addf %add3A_1220, %mul3A_1227 : vector<16xf32>
        %gather3A_1229 = arith.constant 4 : i32
        %gather3A_1230 = arith.constant 0 : i32
        %gather3A_1231 = arith.constant 0 : i32
        %gather3A_1232 = tpu.memref_slice %arg9[%gather3A_1229, %gather3A_1230, %gather3A_1231] : memref<8x112x48xf32, #tpu.memory_space<vmem>> -> memref<1x112x48xf32, #tpu.memory_space<vmem>>
        %gather3A_1233 = tpu.memref_squeeze %gather3A_1232 : memref<1x112x48xf32, #tpu.memory_space<vmem>> -> memref<112x48xf32, #tpu.memory_space<vmem>>
        %gather3A_1234 = tpu.vector_load_idx %gather3A_1233[%add3A_224, %broadcast_in_dim3A_1195] : memref<112x48xf32, #tpu.memory_space<vmem>>[vector<16xi32>, vector<16xi32>], vector<16xf32>,
        %mul3A_1235 = arith.mulf %get3A_253, %gather3A_1234 : vector<16xf32>
        %add3A_1236 = arith.addf %add3A_1228, %mul3A_1235 : vector<16xf32>
        %gather3A_1237 = arith.constant 5 : i32
        %gather3A_1238 = arith.constant 0 : i32
        %gather3A_1239 = arith.constant 0 : i32
        %gather3A_1240 = tpu.memref_slice %arg9[%gather3A_1237, %gather3A_1238, %gather3A_1239] : memref<8x112x48xf32, #tpu.memory_space<vmem>> -> memref<1x112x48xf32, #tpu.memory_space<vmem>>
        %gather3A_1241 = tpu.memref_squeeze %gather3A_1240 : memref<1x112x48xf32, #tpu.memory_space<vmem>> -> memref<112x48xf32, #tpu.memory_space<vmem>>
        %gather3A_1242 = tpu.vector_load_idx %gather3A_1241[%add3A_224, %broadcast_in_dim3A_1195] : memref<112x48xf32, #tpu.memory_space<vmem>>[vector<16xi32>, vector<16xi32>], vector<16xf32>,
        %mul3A_1243 = arith.mulf %get3A_259, %gather3A_1242 : vector<16xf32>
        %add3A_1244 = arith.addf %add3A_1236, %mul3A_1243 : vector<16xf32>
        %gather3A_1245 = arith.constant 6 : i32
        %gather3A_1246 = arith.constant 0 : i32
        %gather3A_1247 = arith.constant 0 : i32
        %gather3A_1248 = tpu.memref_slice %arg9[%gather3A_1245, %gather3A_1246, %gather3A_1247] : memref<8x112x48xf32, #tpu.memory_space<vmem>> -> memref<1x112x48xf32, #tpu.memory_space<vmem>>
        %gather3A_1249 = tpu.memref_squeeze %gather3A_1248 : memref<1x112x48xf32, #tpu.memory_space<vmem>> -> memref<112x48xf32, #tpu.memory_space<vmem>>
        %gather3A_1250 = tpu.vector_load_idx %gather3A_1249[%add3A_224, %broadcast_in_dim3A_1195] : memref<112x48xf32, #tpu.memory_space<vmem>>[vector<16xi32>, vector<16xi32>], vector<16xf32>,
        %mul3A_1251 = arith.mulf %get3A_265, %gather3A_1250 : vector<16xf32>
        %add3A_1252 = arith.addf %add3A_1244, %mul3A_1251 : vector<16xf32>
        %gather3A_1253 = arith.constant 7 : i32
        %gather3A_1254 = arith.constant 0 : i32
        %gather3A_1255 = arith.constant 0 : i32
        %gather3A_1256 = tpu.memref_slice %arg9[%gather3A_1253, %gather3A_1254, %gather3A_1255] : memref<8x112x48xf32, #tpu.memory_space<vmem>> -> memref<1x112x48xf32, #tpu.memory_space<vmem>>
        %gather3A_1257 = tpu.memref_squeeze %gather3A_1256 : memref<1x112x48xf32, #tpu.memory_space<vmem>> -> memref<112x48xf32, #tpu.memory_space<vmem>>
        %gather3A_1258 = tpu.vector_load_idx %gather3A_1257[%add3A_224, %broadcast_in_dim3A_1195] : memref<112x48xf32, #tpu.memory_space<vmem>>[vector<16xi32>, vector<16xi32>], vector<16xf32>,
        %mul3A_1259 = arith.mulf %get3A_271, %gather3A_1258 : vector<16xf32>
        %add3A_1260 = arith.addf %add3A_1252, %mul3A_1259 : vector<16xf32>
        %mul3A_1261 = arith.mulf %gather3A_1196, %gather3A_1196 : vector<16xf32>
        %add3A_1262 = arith.addf %add3A_1191, %mul3A_1261 : vector<16xf32>
        %mul3A_1263 = arith.mulf %add3A_1260, %add3A_1260 : vector<16xf32>
        %add3A_1264 = arith.addf %add3A_1193, %mul3A_1263 : vector<16xf32>
        %broadcast_in_dim3A_1265 = arith.constant 14 : i32
        %broadcast_in_dim3A_1266 = vector.broadcast %broadcast_in_dim3A_1265 : i32 to vector<16xi32>
        %gather3A_1267 = tpu.vector_load_idx %arg8[%add3A_224, %broadcast_in_dim3A_1266] : memref<112x48xf32, #tpu.memory_space<vmem>>[vector<16xi32>, vector<16xi32>], vector<16xf32>,
        %gather3A_1268 = arith.constant 0 : i32
        %gather3A_1269 = arith.constant 0 : i32
        %gather3A_1270 = arith.constant 0 : i32
        %gather3A_1271 = tpu.memref_slice %arg9[%gather3A_1268, %gather3A_1269, %gather3A_1270] : memref<8x112x48xf32, #tpu.memory_space<vmem>> -> memref<1x112x48xf32, #tpu.memory_space<vmem>>
        %gather3A_1272 = tpu.memref_squeeze %gather3A_1271 : memref<1x112x48xf32, #tpu.memory_space<vmem>> -> memref<112x48xf32, #tpu.memory_space<vmem>>
        %gather3A_1273 = tpu.vector_load_idx %gather3A_1272[%add3A_224, %broadcast_in_dim3A_1266] : memref<112x48xf32, #tpu.memory_space<vmem>>[vector<16xi32>, vector<16xi32>], vector<16xf32>,
        %mul3A_1274 = arith.mulf %get3A_229, %gather3A_1273 : vector<16xf32>
        %add3A_1275 = arith.addf %gather3A_1267, %mul3A_1274 : vector<16xf32>
        %gather3A_1276 = arith.constant 1 : i32
        %gather3A_1277 = arith.constant 0 : i32
        %gather3A_1278 = arith.constant 0 : i32
        %gather3A_1279 = tpu.memref_slice %arg9[%gather3A_1276, %gather3A_1277, %gather3A_1278] : memref<8x112x48xf32, #tpu.memory_space<vmem>> -> memref<1x112x48xf32, #tpu.memory_space<vmem>>
        %gather3A_1280 = tpu.memref_squeeze %gather3A_1279 : memref<1x112x48xf32, #tpu.memory_space<vmem>> -> memref<112x48xf32, #tpu.memory_space<vmem>>
        %gather3A_1281 = tpu.vector_load_idx %gather3A_1280[%add3A_224, %broadcast_in_dim3A_1266] : memref<112x48xf32, #tpu.memory_space<vmem>>[vector<16xi32>, vector<16xi32>], vector<16xf32>,
        %mul3A_1282 = arith.mulf %get3A_235, %gather3A_1281 : vector<16xf32>
        %add3A_1283 = arith.addf %add3A_1275, %mul3A_1282 : vector<16xf32>
        %gather3A_1284 = arith.constant 2 : i32
        %gather3A_1285 = arith.constant 0 : i32
        %gather3A_1286 = arith.constant 0 : i32
        %gather3A_1287 = tpu.memref_slice %arg9[%gather3A_1284, %gather3A_1285, %gather3A_1286] : memref<8x112x48xf32, #tpu.memory_space<vmem>> -> memref<1x112x48xf32, #tpu.memory_space<vmem>>
        %gather3A_1288 = tpu.memref_squeeze %gather3A_1287 : memref<1x112x48xf32, #tpu.memory_space<vmem>> -> memref<112x48xf32, #tpu.memory_space<vmem>>
        %gather3A_1289 = tpu.vector_load_idx %gather3A_1288[%add3A_224, %broadcast_in_dim3A_1266] : memref<112x48xf32, #tpu.memory_space<vmem>>[vector<16xi32>, vector<16xi32>], vector<16xf32>,
        %mul3A_1290 = arith.mulf %get3A_241, %gather3A_1289 : vector<16xf32>
        %add3A_1291 = arith.addf %add3A_1283, %mul3A_1290 : vector<16xf32>
        %gather3A_1292 = arith.constant 3 : i32
        %gather3A_1293 = arith.constant 0 : i32
        %gather3A_1294 = arith.constant 0 : i32
        %gather3A_1295 = tpu.memref_slice %arg9[%gather3A_1292, %gather3A_1293, %gather3A_1294] : memref<8x112x48xf32, #tpu.memory_space<vmem>> -> memref<1x112x48xf32, #tpu.memory_space<vmem>>
        %gather3A_1296 = tpu.memref_squeeze %gather3A_1295 : memref<1x112x48xf32, #tpu.memory_space<vmem>> -> memref<112x48xf32, #tpu.memory_space<vmem>>
        %gather3A_1297 = tpu.vector_load_idx %gather3A_1296[%add3A_224, %broadcast_in_dim3A_1266] : memref<112x48xf32, #tpu.memory_space<vmem>>[vector<16xi32>, vector<16xi32>], vector<16xf32>,
        %mul3A_1298 = arith.mulf %get3A_247, %gather3A_1297 : vector<16xf32>
        %add3A_1299 = arith.addf %add3A_1291, %mul3A_1298 : vector<16xf32>
        %gather3A_1300 = arith.constant 4 : i32
        %gather3A_1301 = arith.constant 0 : i32
        %gather3A_1302 = arith.constant 0 : i32
        %gather3A_1303 = tpu.memref_slice %arg9[%gather3A_1300, %gather3A_1301, %gather3A_1302] : memref<8x112x48xf32, #tpu.memory_space<vmem>> -> memref<1x112x48xf32, #tpu.memory_space<vmem>>
        %gather3A_1304 = tpu.memref_squeeze %gather3A_1303 : memref<1x112x48xf32, #tpu.memory_space<vmem>> -> memref<112x48xf32, #tpu.memory_space<vmem>>
        %gather3A_1305 = tpu.vector_load_idx %gather3A_1304[%add3A_224, %broadcast_in_dim3A_1266] : memref<112x48xf32, #tpu.memory_space<vmem>>[vector<16xi32>, vector<16xi32>], vector<16xf32>,
        %mul3A_1306 = arith.mulf %get3A_253, %gather3A_1305 : vector<16xf32>
        %add3A_1307 = arith.addf %add3A_1299, %mul3A_1306 : vector<16xf32>
        %gather3A_1308 = arith.constant 5 : i32
        %gather3A_1309 = arith.constant 0 : i32
        %gather3A_1310 = arith.constant 0 : i32
        %gather3A_1311 = tpu.memref_slice %arg9[%gather3A_1308, %gather3A_1309, %gather3A_1310] : memref<8x112x48xf32, #tpu.memory_space<vmem>> -> memref<1x112x48xf32, #tpu.memory_space<vmem>>
        %gather3A_1312 = tpu.memref_squeeze %gather3A_1311 : memref<1x112x48xf32, #tpu.memory_space<vmem>> -> memref<112x48xf32, #tpu.memory_space<vmem>>
        %gather3A_1313 = tpu.vector_load_idx %gather3A_1312[%add3A_224, %broadcast_in_dim3A_1266] : memref<112x48xf32, #tpu.memory_space<vmem>>[vector<16xi32>, vector<16xi32>], vector<16xf32>,
        %mul3A_1314 = arith.mulf %get3A_259, %gather3A_1313 : vector<16xf32>
        %add3A_1315 = arith.addf %add3A_1307, %mul3A_1314 : vector<16xf32>
        %gather3A_1316 = arith.constant 6 : i32
        %gather3A_1317 = arith.constant 0 : i32
        %gather3A_1318 = arith.constant 0 : i32
        %gather3A_1319 = tpu.memref_slice %arg9[%gather3A_1316, %gather3A_1317, %gather3A_1318] : memref<8x112x48xf32, #tpu.memory_space<vmem>> -> memref<1x112x48xf32, #tpu.memory_space<vmem>>
        %gather3A_1320 = tpu.memref_squeeze %gather3A_1319 : memref<1x112x48xf32, #tpu.memory_space<vmem>> -> memref<112x48xf32, #tpu.memory_space<vmem>>
        %gather3A_1321 = tpu.vector_load_idx %gather3A_1320[%add3A_224, %broadcast_in_dim3A_1266] : memref<112x48xf32, #tpu.memory_space<vmem>>[vector<16xi32>, vector<16xi32>], vector<16xf32>,
        %mul3A_1322 = arith.mulf %get3A_265, %gather3A_1321 : vector<16xf32>
        %add3A_1323 = arith.addf %add3A_1315, %mul3A_1322 : vector<16xf32>
        %gather3A_1324 = arith.constant 7 : i32
        %gather3A_1325 = arith.constant 0 : i32
        %gather3A_1326 = arith.constant 0 : i32
        %gather3A_1327 = tpu.memref_slice %arg9[%gather3A_1324, %gather3A_1325, %gather3A_1326] : memref<8x112x48xf32, #tpu.memory_space<vmem>> -> memref<1x112x48xf32, #tpu.memory_space<vmem>>
        %gather3A_1328 = tpu.memref_squeeze %gather3A_1327 : memref<1x112x48xf32, #tpu.memory_space<vmem>> -> memref<112x48xf32, #tpu.memory_space<vmem>>
        %gather3A_1329 = tpu.vector_load_idx %gather3A_1328[%add3A_224, %broadcast_in_dim3A_1266] : memref<112x48xf32, #tpu.memory_space<vmem>>[vector<16xi32>, vector<16xi32>], vector<16xf32>,
        %mul3A_1330 = arith.mulf %get3A_271, %gather3A_1329 : vector<16xf32>
        %add3A_1331 = arith.addf %add3A_1323, %mul3A_1330 : vector<16xf32>
        %mul3A_1332 = arith.mulf %gather3A_1267, %gather3A_1267 : vector<16xf32>
        %add3A_1333 = arith.addf %add3A_1262, %mul3A_1332 : vector<16xf32>
        %mul3A_1334 = arith.mulf %add3A_1331, %add3A_1331 : vector<16xf32>
        %add3A_1335 = arith.addf %add3A_1264, %mul3A_1334 : vector<16xf32>
        %broadcast_in_dim3A_1336 = arith.constant 15 : i32
        %broadcast_in_dim3A_1337 = vector.broadcast %broadcast_in_dim3A_1336 : i32 to vector<16xi32>
        %gather3A_1338 = tpu.vector_load_idx %arg8[%add3A_224, %broadcast_in_dim3A_1337] : memref<112x48xf32, #tpu.memory_space<vmem>>[vector<16xi32>, vector<16xi32>], vector<16xf32>,
        %gather3A_1339 = arith.constant 0 : i32
        %gather3A_1340 = arith.constant 0 : i32
        %gather3A_1341 = arith.constant 0 : i32
        %gather3A_1342 = tpu.memref_slice %arg9[%gather3A_1339, %gather3A_1340, %gather3A_1341] : memref<8x112x48xf32, #tpu.memory_space<vmem>> -> memref<1x112x48xf32, #tpu.memory_space<vmem>>
        %gather3A_1343 = tpu.memref_squeeze %gather3A_1342 : memref<1x112x48xf32, #tpu.memory_space<vmem>> -> memref<112x48xf32, #tpu.memory_space<vmem>>
        %gather3A_1344 = tpu.vector_load_idx %gather3A_1343[%add3A_224, %broadcast_in_dim3A_1337] : memref<112x48xf32, #tpu.memory_space<vmem>>[vector<16xi32>, vector<16xi32>], vector<16xf32>,
        %mul3A_1345 = arith.mulf %get3A_229, %gather3A_1344 : vector<16xf32>
        %add3A_1346 = arith.addf %gather3A_1338, %mul3A_1345 : vector<16xf32>
        %gather3A_1347 = arith.constant 1 : i32
        %gather3A_1348 = arith.constant 0 : i32
        %gather3A_1349 = arith.constant 0 : i32
        %gather3A_1350 = tpu.memref_slice %arg9[%gather3A_1347, %gather3A_1348, %gather3A_1349] : memref<8x112x48xf32, #tpu.memory_space<vmem>> -> memref<1x112x48xf32, #tpu.memory_space<vmem>>
        %gather3A_1351 = tpu.memref_squeeze %gather3A_1350 : memref<1x112x48xf32, #tpu.memory_space<vmem>> -> memref<112x48xf32, #tpu.memory_space<vmem>>
        %gather3A_1352 = tpu.vector_load_idx %gather3A_1351[%add3A_224, %broadcast_in_dim3A_1337] : memref<112x48xf32, #tpu.memory_space<vmem>>[vector<16xi32>, vector<16xi32>], vector<16xf32>,
        %mul3A_1353 = arith.mulf %get3A_235, %gather3A_1352 : vector<16xf32>
        %add3A_1354 = arith.addf %add3A_1346, %mul3A_1353 : vector<16xf32>
        %gather3A_1355 = arith.constant 2 : i32
        %gather3A_1356 = arith.constant 0 : i32
        %gather3A_1357 = arith.constant 0 : i32
        %gather3A_1358 = tpu.memref_slice %arg9[%gather3A_1355, %gather3A_1356, %gather3A_1357] : memref<8x112x48xf32, #tpu.memory_space<vmem>> -> memref<1x112x48xf32, #tpu.memory_space<vmem>>
        %gather3A_1359 = tpu.memref_squeeze %gather3A_1358 : memref<1x112x48xf32, #tpu.memory_space<vmem>> -> memref<112x48xf32, #tpu.memory_space<vmem>>
        %gather3A_1360 = tpu.vector_load_idx %gather3A_1359[%add3A_224, %broadcast_in_dim3A_1337] : memref<112x48xf32, #tpu.memory_space<vmem>>[vector<16xi32>, vector<16xi32>], vector<16xf32>,
        %mul3A_1361 = arith.mulf %get3A_241, %gather3A_1360 : vector<16xf32>
        %add3A_1362 = arith.addf %add3A_1354, %mul3A_1361 : vector<16xf32>
        %gather3A_1363 = arith.constant 3 : i32
        %gather3A_1364 = arith.constant 0 : i32
        %gather3A_1365 = arith.constant 0 : i32
        %gather3A_1366 = tpu.memref_slice %arg9[%gather3A_1363, %gather3A_1364, %gather3A_1365] : memref<8x112x48xf32, #tpu.memory_space<vmem>> -> memref<1x112x48xf32, #tpu.memory_space<vmem>>
        %gather3A_1367 = tpu.memref_squeeze %gather3A_1366 : memref<1x112x48xf32, #tpu.memory_space<vmem>> -> memref<112x48xf32, #tpu.memory_space<vmem>>
        %gather3A_1368 = tpu.vector_load_idx %gather3A_1367[%add3A_224, %broadcast_in_dim3A_1337] : memref<112x48xf32, #tpu.memory_space<vmem>>[vector<16xi32>, vector<16xi32>], vector<16xf32>,
        %mul3A_1369 = arith.mulf %get3A_247, %gather3A_1368 : vector<16xf32>
        %add3A_1370 = arith.addf %add3A_1362, %mul3A_1369 : vector<16xf32>
        %gather3A_1371 = arith.constant 4 : i32
        %gather3A_1372 = arith.constant 0 : i32
        %gather3A_1373 = arith.constant 0 : i32
        %gather3A_1374 = tpu.memref_slice %arg9[%gather3A_1371, %gather3A_1372, %gather3A_1373] : memref<8x112x48xf32, #tpu.memory_space<vmem>> -> memref<1x112x48xf32, #tpu.memory_space<vmem>>
        %gather3A_1375 = tpu.memref_squeeze %gather3A_1374 : memref<1x112x48xf32, #tpu.memory_space<vmem>> -> memref<112x48xf32, #tpu.memory_space<vmem>>
        %gather3A_1376 = tpu.vector_load_idx %gather3A_1375[%add3A_224, %broadcast_in_dim3A_1337] : memref<112x48xf32, #tpu.memory_space<vmem>>[vector<16xi32>, vector<16xi32>], vector<16xf32>,
        %mul3A_1377 = arith.mulf %get3A_253, %gather3A_1376 : vector<16xf32>
        %add3A_1378 = arith.addf %add3A_1370, %mul3A_1377 : vector<16xf32>
        %gather3A_1379 = arith.constant 5 : i32
        %gather3A_1380 = arith.constant 0 : i32
        %gather3A_1381 = arith.constant 0 : i32
        %gather3A_1382 = tpu.memref_slice %arg9[%gather3A_1379, %gather3A_1380, %gather3A_1381] : memref<8x112x48xf32, #tpu.memory_space<vmem>> -> memref<1x112x48xf32, #tpu.memory_space<vmem>>
        %gather3A_1383 = tpu.memref_squeeze %gather3A_1382 : memref<1x112x48xf32, #tpu.memory_space<vmem>> -> memref<112x48xf32, #tpu.memory_space<vmem>>
        %gather3A_1384 = tpu.vector_load_idx %gather3A_1383[%add3A_224, %broadcast_in_dim3A_1337] : memref<112x48xf32, #tpu.memory_space<vmem>>[vector<16xi32>, vector<16xi32>], vector<16xf32>,
        %mul3A_1385 = arith.mulf %get3A_259, %gather3A_1384 : vector<16xf32>
        %add3A_1386 = arith.addf %add3A_1378, %mul3A_1385 : vector<16xf32>
        %gather3A_1387 = arith.constant 6 : i32
        %gather3A_1388 = arith.constant 0 : i32
        %gather3A_1389 = arith.constant 0 : i32
        %gather3A_1390 = tpu.memref_slice %arg9[%gather3A_1387, %gather3A_1388, %gather3A_1389] : memref<8x112x48xf32, #tpu.memory_space<vmem>> -> memref<1x112x48xf32, #tpu.memory_space<vmem>>
        %gather3A_1391 = tpu.memref_squeeze %gather3A_1390 : memref<1x112x48xf32, #tpu.memory_space<vmem>> -> memref<112x48xf32, #tpu.memory_space<vmem>>
        %gather3A_1392 = tpu.vector_load_idx %gather3A_1391[%add3A_224, %broadcast_in_dim3A_1337] : memref<112x48xf32, #tpu.memory_space<vmem>>[vector<16xi32>, vector<16xi32>], vector<16xf32>,
        %mul3A_1393 = arith.mulf %get3A_265, %gather3A_1392 : vector<16xf32>
        %add3A_1394 = arith.addf %add3A_1386, %mul3A_1393 : vector<16xf32>
        %gather3A_1395 = arith.constant 7 : i32
        %gather3A_1396 = arith.constant 0 : i32
        %gather3A_1397 = arith.constant 0 : i32
        %gather3A_1398 = tpu.memref_slice %arg9[%gather3A_1395, %gather3A_1396, %gather3A_1397] : memref<8x112x48xf32, #tpu.memory_space<vmem>> -> memref<1x112x48xf32, #tpu.memory_space<vmem>>
        %gather3A_1399 = tpu.memref_squeeze %gather3A_1398 : memref<1x112x48xf32, #tpu.memory_space<vmem>> -> memref<112x48xf32, #tpu.memory_space<vmem>>
        %gather3A_1400 = tpu.vector_load_idx %gather3A_1399[%add3A_224, %broadcast_in_dim3A_1337] : memref<112x48xf32, #tpu.memory_space<vmem>>[vector<16xi32>, vector<16xi32>], vector<16xf32>,
        %mul3A_1401 = arith.mulf %get3A_271, %gather3A_1400 : vector<16xf32>
        %add3A_1402 = arith.addf %add3A_1394, %mul3A_1401 : vector<16xf32>
        %mul3A_1403 = arith.mulf %gather3A_1338, %gather3A_1338 : vector<16xf32>
        %add3A_1404 = arith.addf %add3A_1333, %mul3A_1403 : vector<16xf32>
        %mul3A_1405 = arith.mulf %add3A_1402, %add3A_1402 : vector<16xf32>
        %add3A_1406 = arith.addf %add3A_1335, %mul3A_1405 : vector<16xf32>
        %broadcast_in_dim3A_1407 = arith.constant 16 : i32
        %broadcast_in_dim3A_1408 = vector.broadcast %broadcast_in_dim3A_1407 : i32 to vector<16xi32>
        %gather3A_1409 = tpu.vector_load_idx %arg8[%add3A_224, %broadcast_in_dim3A_1408] : memref<112x48xf32, #tpu.memory_space<vmem>>[vector<16xi32>, vector<16xi32>], vector<16xf32>,
        %gather3A_1410 = arith.constant 0 : i32
        %gather3A_1411 = arith.constant 0 : i32
        %gather3A_1412 = arith.constant 0 : i32
        %gather3A_1413 = tpu.memref_slice %arg9[%gather3A_1410, %gather3A_1411, %gather3A_1412] : memref<8x112x48xf32, #tpu.memory_space<vmem>> -> memref<1x112x48xf32, #tpu.memory_space<vmem>>
        %gather3A_1414 = tpu.memref_squeeze %gather3A_1413 : memref<1x112x48xf32, #tpu.memory_space<vmem>> -> memref<112x48xf32, #tpu.memory_space<vmem>>
        %gather3A_1415 = tpu.vector_load_idx %gather3A_1414[%add3A_224, %broadcast_in_dim3A_1408] : memref<112x48xf32, #tpu.memory_space<vmem>>[vector<16xi32>, vector<16xi32>], vector<16xf32>,
        %mul3A_1416 = arith.mulf %get3A_229, %gather3A_1415 : vector<16xf32>
        %add3A_1417 = arith.addf %gather3A_1409, %mul3A_1416 : vector<16xf32>
        %gather3A_1418 = arith.constant 1 : i32
        %gather3A_1419 = arith.constant 0 : i32
        %gather3A_1420 = arith.constant 0 : i32
        %gather3A_1421 = tpu.memref_slice %arg9[%gather3A_1418, %gather3A_1419, %gather3A_1420] : memref<8x112x48xf32, #tpu.memory_space<vmem>> -> memref<1x112x48xf32, #tpu.memory_space<vmem>>
        %gather3A_1422 = tpu.memref_squeeze %gather3A_1421 : memref<1x112x48xf32, #tpu.memory_space<vmem>> -> memref<112x48xf32, #tpu.memory_space<vmem>>
        %gather3A_1423 = tpu.vector_load_idx %gather3A_1422[%add3A_224, %broadcast_in_dim3A_1408] : memref<112x48xf32, #tpu.memory_space<vmem>>[vector<16xi32>, vector<16xi32>], vector<16xf32>,
        %mul3A_1424 = arith.mulf %get3A_235, %gather3A_1423 : vector<16xf32>
        %add3A_1425 = arith.addf %add3A_1417, %mul3A_1424 : vector<16xf32>
        %gather3A_1426 = arith.constant 2 : i32
        %gather3A_1427 = arith.constant 0 : i32
        %gather3A_1428 = arith.constant 0 : i32
        %gather3A_1429 = tpu.memref_slice %arg9[%gather3A_1426, %gather3A_1427, %gather3A_1428] : memref<8x112x48xf32, #tpu.memory_space<vmem>> -> memref<1x112x48xf32, #tpu.memory_space<vmem>>
        %gather3A_1430 = tpu.memref_squeeze %gather3A_1429 : memref<1x112x48xf32, #tpu.memory_space<vmem>> -> memref<112x48xf32, #tpu.memory_space<vmem>>
        %gather3A_1431 = tpu.vector_load_idx %gather3A_1430[%add3A_224, %broadcast_in_dim3A_1408] : memref<112x48xf32, #tpu.memory_space<vmem>>[vector<16xi32>, vector<16xi32>], vector<16xf32>,
        %mul3A_1432 = arith.mulf %get3A_241, %gather3A_1431 : vector<16xf32>
        %add3A_1433 = arith.addf %add3A_1425, %mul3A_1432 : vector<16xf32>
        %gather3A_1434 = arith.constant 3 : i32
        %gather3A_1435 = arith.constant 0 : i32
        %gather3A_1436 = arith.constant 0 : i32
        %gather3A_1437 = tpu.memref_slice %arg9[%gather3A_1434, %gather3A_1435, %gather3A_1436] : memref<8x112x48xf32, #tpu.memory_space<vmem>> -> memref<1x112x48xf32, #tpu.memory_space<vmem>>
        %gather3A_1438 = tpu.memref_squeeze %gather3A_1437 : memref<1x112x48xf32, #tpu.memory_space<vmem>> -> memref<112x48xf32, #tpu.memory_space<vmem>>
        %gather3A_1439 = tpu.vector_load_idx %gather3A_1438[%add3A_224, %broadcast_in_dim3A_1408] : memref<112x48xf32, #tpu.memory_space<vmem>>[vector<16xi32>, vector<16xi32>], vector<16xf32>,
        %mul3A_1440 = arith.mulf %get3A_247, %gather3A_1439 : vector<16xf32>
        %add3A_1441 = arith.addf %add3A_1433, %mul3A_1440 : vector<16xf32>
        %gather3A_1442 = arith.constant 4 : i32
        %gather3A_1443 = arith.constant 0 : i32
        %gather3A_1444 = arith.constant 0 : i32
        %gather3A_1445 = tpu.memref_slice %arg9[%gather3A_1442, %gather3A_1443, %gather3A_1444] : memref<8x112x48xf32, #tpu.memory_space<vmem>> -> memref<1x112x48xf32, #tpu.memory_space<vmem>>
        %gather3A_1446 = tpu.memref_squeeze %gather3A_1445 : memref<1x112x48xf32, #tpu.memory_space<vmem>> -> memref<112x48xf32, #tpu.memory_space<vmem>>
        %gather3A_1447 = tpu.vector_load_idx %gather3A_1446[%add3A_224, %broadcast_in_dim3A_1408] : memref<112x48xf32, #tpu.memory_space<vmem>>[vector<16xi32>, vector<16xi32>], vector<16xf32>,
        %mul3A_1448 = arith.mulf %get3A_253, %gather3A_1447 : vector<16xf32>
        %add3A_1449 = arith.addf %add3A_1441, %mul3A_1448 : vector<16xf32>
        %gather3A_1450 = arith.constant 5 : i32
        %gather3A_1451 = arith.constant 0 : i32
        %gather3A_1452 = arith.constant 0 : i32
        %gather3A_1453 = tpu.memref_slice %arg9[%gather3A_1450, %gather3A_1451, %gather3A_1452] : memref<8x112x48xf32, #tpu.memory_space<vmem>> -> memref<1x112x48xf32, #tpu.memory_space<vmem>>
        %gather3A_1454 = tpu.memref_squeeze %gather3A_1453 : memref<1x112x48xf32, #tpu.memory_space<vmem>> -> memref<112x48xf32, #tpu.memory_space<vmem>>
        %gather3A_1455 = tpu.vector_load_idx %gather3A_1454[%add3A_224, %broadcast_in_dim3A_1408] : memref<112x48xf32, #tpu.memory_space<vmem>>[vector<16xi32>, vector<16xi32>], vector<16xf32>,
        %mul3A_1456 = arith.mulf %get3A_259, %gather3A_1455 : vector<16xf32>
        %add3A_1457 = arith.addf %add3A_1449, %mul3A_1456 : vector<16xf32>
        %gather3A_1458 = arith.constant 6 : i32
        %gather3A_1459 = arith.constant 0 : i32
        %gather3A_1460 = arith.constant 0 : i32
        %gather3A_1461 = tpu.memref_slice %arg9[%gather3A_1458, %gather3A_1459, %gather3A_1460] : memref<8x112x48xf32, #tpu.memory_space<vmem>> -> memref<1x112x48xf32, #tpu.memory_space<vmem>>
        %gather3A_1462 = tpu.memref_squeeze %gather3A_1461 : memref<1x112x48xf32, #tpu.memory_space<vmem>> -> memref<112x48xf32, #tpu.memory_space<vmem>>
        %gather3A_1463 = tpu.vector_load_idx %gather3A_1462[%add3A_224, %broadcast_in_dim3A_1408] : memref<112x48xf32, #tpu.memory_space<vmem>>[vector<16xi32>, vector<16xi32>], vector<16xf32>,
        %mul3A_1464 = arith.mulf %get3A_265, %gather3A_1463 : vector<16xf32>
        %add3A_1465 = arith.addf %add3A_1457, %mul3A_1464 : vector<16xf32>
        %gather3A_1466 = arith.constant 7 : i32
        %gather3A_1467 = arith.constant 0 : i32
        %gather3A_1468 = arith.constant 0 : i32
        %gather3A_1469 = tpu.memref_slice %arg9[%gather3A_1466, %gather3A_1467, %gather3A_1468] : memref<8x112x48xf32, #tpu.memory_space<vmem>> -> memref<1x112x48xf32, #tpu.memory_space<vmem>>
        %gather3A_1470 = tpu.memref_squeeze %gather3A_1469 : memref<1x112x48xf32, #tpu.memory_space<vmem>> -> memref<112x48xf32, #tpu.memory_space<vmem>>
        %gather3A_1471 = tpu.vector_load_idx %gather3A_1470[%add3A_224, %broadcast_in_dim3A_1408] : memref<112x48xf32, #tpu.memory_space<vmem>>[vector<16xi32>, vector<16xi32>], vector<16xf32>,
        %mul3A_1472 = arith.mulf %get3A_271, %gather3A_1471 : vector<16xf32>
        %add3A_1473 = arith.addf %add3A_1465, %mul3A_1472 : vector<16xf32>
        %mul3A_1474 = arith.mulf %gather3A_1409, %gather3A_1409 : vector<16xf32>
        %add3A_1475 = arith.addf %add3A_1404, %mul3A_1474 : vector<16xf32>
        %mul3A_1476 = arith.mulf %add3A_1473, %add3A_1473 : vector<16xf32>
        %add3A_1477 = arith.addf %add3A_1406, %mul3A_1476 : vector<16xf32>
        %broadcast_in_dim3A_1478 = arith.constant 17 : i32
        %broadcast_in_dim3A_1479 = vector.broadcast %broadcast_in_dim3A_1478 : i32 to vector<16xi32>
        %gather3A_1480 = tpu.vector_load_idx %arg8[%add3A_224, %broadcast_in_dim3A_1479] : memref<112x48xf32, #tpu.memory_space<vmem>>[vector<16xi32>, vector<16xi32>], vector<16xf32>,
        %gather3A_1481 = arith.constant 0 : i32
        %gather3A_1482 = arith.constant 0 : i32
        %gather3A_1483 = arith.constant 0 : i32
        %gather3A_1484 = tpu.memref_slice %arg9[%gather3A_1481, %gather3A_1482, %gather3A_1483] : memref<8x112x48xf32, #tpu.memory_space<vmem>> -> memref<1x112x48xf32, #tpu.memory_space<vmem>>
        %gather3A_1485 = tpu.memref_squeeze %gather3A_1484 : memref<1x112x48xf32, #tpu.memory_space<vmem>> -> memref<112x48xf32, #tpu.memory_space<vmem>>
        %gather3A_1486 = tpu.vector_load_idx %gather3A_1485[%add3A_224, %broadcast_in_dim3A_1479] : memref<112x48xf32, #tpu.memory_space<vmem>>[vector<16xi32>, vector<16xi32>], vector<16xf32>,
        %mul3A_1487 = arith.mulf %get3A_229, %gather3A_1486 : vector<16xf32>
        %add3A_1488 = arith.addf %gather3A_1480, %mul3A_1487 : vector<16xf32>
        %gather3A_1489 = arith.constant 1 : i32
        %gather3A_1490 = arith.constant 0 : i32
        %gather3A_1491 = arith.constant 0 : i32
        %gather3A_1492 = tpu.memref_slice %arg9[%gather3A_1489, %gather3A_1490, %gather3A_1491] : memref<8x112x48xf32, #tpu.memory_space<vmem>> -> memref<1x112x48xf32, #tpu.memory_space<vmem>>
        %gather3A_1493 = tpu.memref_squeeze %gather3A_1492 : memref<1x112x48xf32, #tpu.memory_space<vmem>> -> memref<112x48xf32, #tpu.memory_space<vmem>>
        %gather3A_1494 = tpu.vector_load_idx %gather3A_1493[%add3A_224, %broadcast_in_dim3A_1479] : memref<112x48xf32, #tpu.memory_space<vmem>>[vector<16xi32>, vector<16xi32>], vector<16xf32>,
        %mul3A_1495 = arith.mulf %get3A_235, %gather3A_1494 : vector<16xf32>
        %add3A_1496 = arith.addf %add3A_1488, %mul3A_1495 : vector<16xf32>
        %gather3A_1497 = arith.constant 2 : i32
        %gather3A_1498 = arith.constant 0 : i32
        %gather3A_1499 = arith.constant 0 : i32
        %gather3A_1500 = tpu.memref_slice %arg9[%gather3A_1497, %gather3A_1498, %gather3A_1499] : memref<8x112x48xf32, #tpu.memory_space<vmem>> -> memref<1x112x48xf32, #tpu.memory_space<vmem>>
        %gather3A_1501 = tpu.memref_squeeze %gather3A_1500 : memref<1x112x48xf32, #tpu.memory_space<vmem>> -> memref<112x48xf32, #tpu.memory_space<vmem>>
        %gather3A_1502 = tpu.vector_load_idx %gather3A_1501[%add3A_224, %broadcast_in_dim3A_1479] : memref<112x48xf32, #tpu.memory_space<vmem>>[vector<16xi32>, vector<16xi32>], vector<16xf32>,
        %mul3A_1503 = arith.mulf %get3A_241, %gather3A_1502 : vector<16xf32>
        %add3A_1504 = arith.addf %add3A_1496, %mul3A_1503 : vector<16xf32>
        %gather3A_1505 = arith.constant 3 : i32
        %gather3A_1506 = arith.constant 0 : i32
        %gather3A_1507 = arith.constant 0 : i32
        %gather3A_1508 = tpu.memref_slice %arg9[%gather3A_1505, %gather3A_1506, %gather3A_1507] : memref<8x112x48xf32, #tpu.memory_space<vmem>> -> memref<1x112x48xf32, #tpu.memory_space<vmem>>
        %gather3A_1509 = tpu.memref_squeeze %gather3A_1508 : memref<1x112x48xf32, #tpu.memory_space<vmem>> -> memref<112x48xf32, #tpu.memory_space<vmem>>
        %gather3A_1510 = tpu.vector_load_idx %gather3A_1509[%add3A_224, %broadcast_in_dim3A_1479] : memref<112x48xf32, #tpu.memory_space<vmem>>[vector<16xi32>, vector<16xi32>], vector<16xf32>,
        %mul3A_1511 = arith.mulf %get3A_247, %gather3A_1510 : vector<16xf32>
        %add3A_1512 = arith.addf %add3A_1504, %mul3A_1511 : vector<16xf32>
        %gather3A_1513 = arith.constant 4 : i32
        %gather3A_1514 = arith.constant 0 : i32
        %gather3A_1515 = arith.constant 0 : i32
        %gather3A_1516 = tpu.memref_slice %arg9[%gather3A_1513, %gather3A_1514, %gather3A_1515] : memref<8x112x48xf32, #tpu.memory_space<vmem>> -> memref<1x112x48xf32, #tpu.memory_space<vmem>>
        %gather3A_1517 = tpu.memref_squeeze %gather3A_1516 : memref<1x112x48xf32, #tpu.memory_space<vmem>> -> memref<112x48xf32, #tpu.memory_space<vmem>>
        %gather3A_1518 = tpu.vector_load_idx %gather3A_1517[%add3A_224, %broadcast_in_dim3A_1479] : memref<112x48xf32, #tpu.memory_space<vmem>>[vector<16xi32>, vector<16xi32>], vector<16xf32>,
        %mul3A_1519 = arith.mulf %get3A_253, %gather3A_1518 : vector<16xf32>
        %add3A_1520 = arith.addf %add3A_1512, %mul3A_1519 : vector<16xf32>
        %gather3A_1521 = arith.constant 5 : i32
        %gather3A_1522 = arith.constant 0 : i32
        %gather3A_1523 = arith.constant 0 : i32
        %gather3A_1524 = tpu.memref_slice %arg9[%gather3A_1521, %gather3A_1522, %gather3A_1523] : memref<8x112x48xf32, #tpu.memory_space<vmem>> -> memref<1x112x48xf32, #tpu.memory_space<vmem>>
        %gather3A_1525 = tpu.memref_squeeze %gather3A_1524 : memref<1x112x48xf32, #tpu.memory_space<vmem>> -> memref<112x48xf32, #tpu.memory_space<vmem>>
        %gather3A_1526 = tpu.vector_load_idx %gather3A_1525[%add3A_224, %broadcast_in_dim3A_1479] : memref<112x48xf32, #tpu.memory_space<vmem>>[vector<16xi32>, vector<16xi32>], vector<16xf32>,
        %mul3A_1527 = arith.mulf %get3A_259, %gather3A_1526 : vector<16xf32>
        %add3A_1528 = arith.addf %add3A_1520, %mul3A_1527 : vector<16xf32>
        %gather3A_1529 = arith.constant 6 : i32
        %gather3A_1530 = arith.constant 0 : i32
        %gather3A_1531 = arith.constant 0 : i32
        %gather3A_1532 = tpu.memref_slice %arg9[%gather3A_1529, %gather3A_1530, %gather3A_1531] : memref<8x112x48xf32, #tpu.memory_space<vmem>> -> memref<1x112x48xf32, #tpu.memory_space<vmem>>
        %gather3A_1533 = tpu.memref_squeeze %gather3A_1532 : memref<1x112x48xf32, #tpu.memory_space<vmem>> -> memref<112x48xf32, #tpu.memory_space<vmem>>
        %gather3A_1534 = tpu.vector_load_idx %gather3A_1533[%add3A_224, %broadcast_in_dim3A_1479] : memref<112x48xf32, #tpu.memory_space<vmem>>[vector<16xi32>, vector<16xi32>], vector<16xf32>,
        %mul3A_1535 = arith.mulf %get3A_265, %gather3A_1534 : vector<16xf32>
        %add3A_1536 = arith.addf %add3A_1528, %mul3A_1535 : vector<16xf32>
        %gather3A_1537 = arith.constant 7 : i32
        %gather3A_1538 = arith.constant 0 : i32
        %gather3A_1539 = arith.constant 0 : i32
        %gather3A_1540 = tpu.memref_slice %arg9[%gather3A_1537, %gather3A_1538, %gather3A_1539] : memref<8x112x48xf32, #tpu.memory_space<vmem>> -> memref<1x112x48xf32, #tpu.memory_space<vmem>>
        %gather3A_1541 = tpu.memref_squeeze %gather3A_1540 : memref<1x112x48xf32, #tpu.memory_space<vmem>> -> memref<112x48xf32, #tpu.memory_space<vmem>>
        %gather3A_1542 = tpu.vector_load_idx %gather3A_1541[%add3A_224, %broadcast_in_dim3A_1479] : memref<112x48xf32, #tpu.memory_space<vmem>>[vector<16xi32>, vector<16xi32>], vector<16xf32>,
        %mul3A_1543 = arith.mulf %get3A_271, %gather3A_1542 : vector<16xf32>
        %add3A_1544 = arith.addf %add3A_1536, %mul3A_1543 : vector<16xf32>
        %mul3A_1545 = arith.mulf %gather3A_1480, %gather3A_1480 : vector<16xf32>
        %add3A_1546 = arith.addf %add3A_1475, %mul3A_1545 : vector<16xf32>
        %mul3A_1547 = arith.mulf %add3A_1544, %add3A_1544 : vector<16xf32>
        %add3A_1548 = arith.addf %add3A_1477, %mul3A_1547 : vector<16xf32>
        %broadcast_in_dim3A_1549 = arith.constant 18 : i32
        %broadcast_in_dim3A_1550 = vector.broadcast %broadcast_in_dim3A_1549 : i32 to vector<16xi32>
        %gather3A_1551 = tpu.vector_load_idx %arg8[%add3A_224, %broadcast_in_dim3A_1550] : memref<112x48xf32, #tpu.memory_space<vmem>>[vector<16xi32>, vector<16xi32>], vector<16xf32>,
        %gather3A_1552 = arith.constant 0 : i32
        %gather3A_1553 = arith.constant 0 : i32
        %gather3A_1554 = arith.constant 0 : i32
        %gather3A_1555 = tpu.memref_slice %arg9[%gather3A_1552, %gather3A_1553, %gather3A_1554] : memref<8x112x48xf32, #tpu.memory_space<vmem>> -> memref<1x112x48xf32, #tpu.memory_space<vmem>>
        %gather3A_1556 = tpu.memref_squeeze %gather3A_1555 : memref<1x112x48xf32, #tpu.memory_space<vmem>> -> memref<112x48xf32, #tpu.memory_space<vmem>>
        %gather3A_1557 = tpu.vector_load_idx %gather3A_1556[%add3A_224, %broadcast_in_dim3A_1550] : memref<112x48xf32, #tpu.memory_space<vmem>>[vector<16xi32>, vector<16xi32>], vector<16xf32>,
        %mul3A_1558 = arith.mulf %get3A_229, %gather3A_1557 : vector<16xf32>
        %add3A_1559 = arith.addf %gather3A_1551, %mul3A_1558 : vector<16xf32>
        %gather3A_1560 = arith.constant 1 : i32
        %gather3A_1561 = arith.constant 0 : i32
        %gather3A_1562 = arith.constant 0 : i32
        %gather3A_1563 = tpu.memref_slice %arg9[%gather3A_1560, %gather3A_1561, %gather3A_1562] : memref<8x112x48xf32, #tpu.memory_space<vmem>> -> memref<1x112x48xf32, #tpu.memory_space<vmem>>
        %gather3A_1564 = tpu.memref_squeeze %gather3A_1563 : memref<1x112x48xf32, #tpu.memory_space<vmem>> -> memref<112x48xf32, #tpu.memory_space<vmem>>
        %gather3A_1565 = tpu.vector_load_idx %gather3A_1564[%add3A_224, %broadcast_in_dim3A_1550] : memref<112x48xf32, #tpu.memory_space<vmem>>[vector<16xi32>, vector<16xi32>], vector<16xf32>,
        %mul3A_1566 = arith.mulf %get3A_235, %gather3A_1565 : vector<16xf32>
        %add3A_1567 = arith.addf %add3A_1559, %mul3A_1566 : vector<16xf32>
        %gather3A_1568 = arith.constant 2 : i32
        %gather3A_1569 = arith.constant 0 : i32
        %gather3A_1570 = arith.constant 0 : i32
        %gather3A_1571 = tpu.memref_slice %arg9[%gather3A_1568, %gather3A_1569, %gather3A_1570] : memref<8x112x48xf32, #tpu.memory_space<vmem>> -> memref<1x112x48xf32, #tpu.memory_space<vmem>>
        %gather3A_1572 = tpu.memref_squeeze %gather3A_1571 : memref<1x112x48xf32, #tpu.memory_space<vmem>> -> memref<112x48xf32, #tpu.memory_space<vmem>>
        %gather3A_1573 = tpu.vector_load_idx %gather3A_1572[%add3A_224, %broadcast_in_dim3A_1550] : memref<112x48xf32, #tpu.memory_space<vmem>>[vector<16xi32>, vector<16xi32>], vector<16xf32>,
        %mul3A_1574 = arith.mulf %get3A_241, %gather3A_1573 : vector<16xf32>
        %add3A_1575 = arith.addf %add3A_1567, %mul3A_1574 : vector<16xf32>
        %gather3A_1576 = arith.constant 3 : i32
        %gather3A_1577 = arith.constant 0 : i32
        %gather3A_1578 = arith.constant 0 : i32
        %gather3A_1579 = tpu.memref_slice %arg9[%gather3A_1576, %gather3A_1577, %gather3A_1578] : memref<8x112x48xf32, #tpu.memory_space<vmem>> -> memref<1x112x48xf32, #tpu.memory_space<vmem>>
        %gather3A_1580 = tpu.memref_squeeze %gather3A_1579 : memref<1x112x48xf32, #tpu.memory_space<vmem>> -> memref<112x48xf32, #tpu.memory_space<vmem>>
        %gather3A_1581 = tpu.vector_load_idx %gather3A_1580[%add3A_224, %broadcast_in_dim3A_1550] : memref<112x48xf32, #tpu.memory_space<vmem>>[vector<16xi32>, vector<16xi32>], vector<16xf32>,
        %mul3A_1582 = arith.mulf %get3A_247, %gather3A_1581 : vector<16xf32>
        %add3A_1583 = arith.addf %add3A_1575, %mul3A_1582 : vector<16xf32>
        %gather3A_1584 = arith.constant 4 : i32
        %gather3A_1585 = arith.constant 0 : i32
        %gather3A_1586 = arith.constant 0 : i32
        %gather3A_1587 = tpu.memref_slice %arg9[%gather3A_1584, %gather3A_1585, %gather3A_1586] : memref<8x112x48xf32, #tpu.memory_space<vmem>> -> memref<1x112x48xf32, #tpu.memory_space<vmem>>
        %gather3A_1588 = tpu.memref_squeeze %gather3A_1587 : memref<1x112x48xf32, #tpu.memory_space<vmem>> -> memref<112x48xf32, #tpu.memory_space<vmem>>
        %gather3A_1589 = tpu.vector_load_idx %gather3A_1588[%add3A_224, %broadcast_in_dim3A_1550] : memref<112x48xf32, #tpu.memory_space<vmem>>[vector<16xi32>, vector<16xi32>], vector<16xf32>,
        %mul3A_1590 = arith.mulf %get3A_253, %gather3A_1589 : vector<16xf32>
        %add3A_1591 = arith.addf %add3A_1583, %mul3A_1590 : vector<16xf32>
        %gather3A_1592 = arith.constant 5 : i32
        %gather3A_1593 = arith.constant 0 : i32
        %gather3A_1594 = arith.constant 0 : i32
        %gather3A_1595 = tpu.memref_slice %arg9[%gather3A_1592, %gather3A_1593, %gather3A_1594] : memref<8x112x48xf32, #tpu.memory_space<vmem>> -> memref<1x112x48xf32, #tpu.memory_space<vmem>>
        %gather3A_1596 = tpu.memref_squeeze %gather3A_1595 : memref<1x112x48xf32, #tpu.memory_space<vmem>> -> memref<112x48xf32, #tpu.memory_space<vmem>>
        %gather3A_1597 = tpu.vector_load_idx %gather3A_1596[%add3A_224, %broadcast_in_dim3A_1550] : memref<112x48xf32, #tpu.memory_space<vmem>>[vector<16xi32>, vector<16xi32>], vector<16xf32>,
        %mul3A_1598 = arith.mulf %get3A_259, %gather3A_1597 : vector<16xf32>
        %add3A_1599 = arith.addf %add3A_1591, %mul3A_1598 : vector<16xf32>
        %gather3A_1600 = arith.constant 6 : i32
        %gather3A_1601 = arith.constant 0 : i32
        %gather3A_1602 = arith.constant 0 : i32
        %gather3A_1603 = tpu.memref_slice %arg9[%gather3A_1600, %gather3A_1601, %gather3A_1602] : memref<8x112x48xf32, #tpu.memory_space<vmem>> -> memref<1x112x48xf32, #tpu.memory_space<vmem>>
        %gather3A_1604 = tpu.memref_squeeze %gather3A_1603 : memref<1x112x48xf32, #tpu.memory_space<vmem>> -> memref<112x48xf32, #tpu.memory_space<vmem>>
        %gather3A_1605 = tpu.vector_load_idx %gather3A_1604[%add3A_224, %broadcast_in_dim3A_1550] : memref<112x48xf32, #tpu.memory_space<vmem>>[vector<16xi32>, vector<16xi32>], vector<16xf32>,
        %mul3A_1606 = arith.mulf %get3A_265, %gather3A_1605 : vector<16xf32>
        %add3A_1607 = arith.addf %add3A_1599, %mul3A_1606 : vector<16xf32>
        %gather3A_1608 = arith.constant 7 : i32
        %gather3A_1609 = arith.constant 0 : i32
        %gather3A_1610 = arith.constant 0 : i32
        %gather3A_1611 = tpu.memref_slice %arg9[%gather3A_1608, %gather3A_1609, %gather3A_1610] : memref<8x112x48xf32, #tpu.memory_space<vmem>> -> memref<1x112x48xf32, #tpu.memory_space<vmem>>
        %gather3A_1612 = tpu.memref_squeeze %gather3A_1611 : memref<1x112x48xf32, #tpu.memory_space<vmem>> -> memref<112x48xf32, #tpu.memory_space<vmem>>
        %gather3A_1613 = tpu.vector_load_idx %gather3A_1612[%add3A_224, %broadcast_in_dim3A_1550] : memref<112x48xf32, #tpu.memory_space<vmem>>[vector<16xi32>, vector<16xi32>], vector<16xf32>,
        %mul3A_1614 = arith.mulf %get3A_271, %gather3A_1613 : vector<16xf32>
        %add3A_1615 = arith.addf %add3A_1607, %mul3A_1614 : vector<16xf32>
        %mul3A_1616 = arith.mulf %gather3A_1551, %gather3A_1551 : vector<16xf32>
        %add3A_1617 = arith.addf %add3A_1546, %mul3A_1616 : vector<16xf32>
        %mul3A_1618 = arith.mulf %add3A_1615, %add3A_1615 : vector<16xf32>
        %add3A_1619 = arith.addf %add3A_1548, %mul3A_1618 : vector<16xf32>
        %broadcast_in_dim3A_1620 = arith.constant 19 : i32
        %broadcast_in_dim3A_1621 = vector.broadcast %broadcast_in_dim3A_1620 : i32 to vector<16xi32>
        %gather3A_1622 = tpu.vector_load_idx %arg8[%add3A_224, %broadcast_in_dim3A_1621] : memref<112x48xf32, #tpu.memory_space<vmem>>[vector<16xi32>, vector<16xi32>], vector<16xf32>,
        %gather3A_1623 = arith.constant 0 : i32
        %gather3A_1624 = arith.constant 0 : i32
        %gather3A_1625 = arith.constant 0 : i32
        %gather3A_1626 = tpu.memref_slice %arg9[%gather3A_1623, %gather3A_1624, %gather3A_1625] : memref<8x112x48xf32, #tpu.memory_space<vmem>> -> memref<1x112x48xf32, #tpu.memory_space<vmem>>
        %gather3A_1627 = tpu.memref_squeeze %gather3A_1626 : memref<1x112x48xf32, #tpu.memory_space<vmem>> -> memref<112x48xf32, #tpu.memory_space<vmem>>
        %gather3A_1628 = tpu.vector_load_idx %gather3A_1627[%add3A_224, %broadcast_in_dim3A_1621] : memref<112x48xf32, #tpu.memory_space<vmem>>[vector<16xi32>, vector<16xi32>], vector<16xf32>,
        %mul3A_1629 = arith.mulf %get3A_229, %gather3A_1628 : vector<16xf32>
        %add3A_1630 = arith.addf %gather3A_1622, %mul3A_1629 : vector<16xf32>
        %gather3A_1631 = arith.constant 1 : i32
        %gather3A_1632 = arith.constant 0 : i32
        %gather3A_1633 = arith.constant 0 : i32
        %gather3A_1634 = tpu.memref_slice %arg9[%gather3A_1631, %gather3A_1632, %gather3A_1633] : memref<8x112x48xf32, #tpu.memory_space<vmem>> -> memref<1x112x48xf32, #tpu.memory_space<vmem>>
        %gather3A_1635 = tpu.memref_squeeze %gather3A_1634 : memref<1x112x48xf32, #tpu.memory_space<vmem>> -> memref<112x48xf32, #tpu.memory_space<vmem>>
        %gather3A_1636 = tpu.vector_load_idx %gather3A_1635[%add3A_224, %broadcast_in_dim3A_1621] : memref<112x48xf32, #tpu.memory_space<vmem>>[vector<16xi32>, vector<16xi32>], vector<16xf32>,
        %mul3A_1637 = arith.mulf %get3A_235, %gather3A_1636 : vector<16xf32>
        %add3A_1638 = arith.addf %add3A_1630, %mul3A_1637 : vector<16xf32>
        %gather3A_1639 = arith.constant 2 : i32
        %gather3A_1640 = arith.constant 0 : i32
        %gather3A_1641 = arith.constant 0 : i32
        %gather3A_1642 = tpu.memref_slice %arg9[%gather3A_1639, %gather3A_1640, %gather3A_1641] : memref<8x112x48xf32, #tpu.memory_space<vmem>> -> memref<1x112x48xf32, #tpu.memory_space<vmem>>
        %gather3A_1643 = tpu.memref_squeeze %gather3A_1642 : memref<1x112x48xf32, #tpu.memory_space<vmem>> -> memref<112x48xf32, #tpu.memory_space<vmem>>
        %gather3A_1644 = tpu.vector_load_idx %gather3A_1643[%add3A_224, %broadcast_in_dim3A_1621] : memref<112x48xf32, #tpu.memory_space<vmem>>[vector<16xi32>, vector<16xi32>], vector<16xf32>,
        %mul3A_1645 = arith.mulf %get3A_241, %gather3A_1644 : vector<16xf32>
        %add3A_1646 = arith.addf %add3A_1638, %mul3A_1645 : vector<16xf32>
        %gather3A_1647 = arith.constant 3 : i32
        %gather3A_1648 = arith.constant 0 : i32
        %gather3A_1649 = arith.constant 0 : i32
        %gather3A_1650 = tpu.memref_slice %arg9[%gather3A_1647, %gather3A_1648, %gather3A_1649] : memref<8x112x48xf32, #tpu.memory_space<vmem>> -> memref<1x112x48xf32, #tpu.memory_space<vmem>>
        %gather3A_1651 = tpu.memref_squeeze %gather3A_1650 : memref<1x112x48xf32, #tpu.memory_space<vmem>> -> memref<112x48xf32, #tpu.memory_space<vmem>>
        %gather3A_1652 = tpu.vector_load_idx %gather3A_1651[%add3A_224, %broadcast_in_dim3A_1621] : memref<112x48xf32, #tpu.memory_space<vmem>>[vector<16xi32>, vector<16xi32>], vector<16xf32>,
        %mul3A_1653 = arith.mulf %get3A_247, %gather3A_1652 : vector<16xf32>
        %add3A_1654 = arith.addf %add3A_1646, %mul3A_1653 : vector<16xf32>
        %gather3A_1655 = arith.constant 4 : i32
        %gather3A_1656 = arith.constant 0 : i32
        %gather3A_1657 = arith.constant 0 : i32
        %gather3A_1658 = tpu.memref_slice %arg9[%gather3A_1655, %gather3A_1656, %gather3A_1657] : memref<8x112x48xf32, #tpu.memory_space<vmem>> -> memref<1x112x48xf32, #tpu.memory_space<vmem>>
        %gather3A_1659 = tpu.memref_squeeze %gather3A_1658 : memref<1x112x48xf32, #tpu.memory_space<vmem>> -> memref<112x48xf32, #tpu.memory_space<vmem>>
        %gather3A_1660 = tpu.vector_load_idx %gather3A_1659[%add3A_224, %broadcast_in_dim3A_1621] : memref<112x48xf32, #tpu.memory_space<vmem>>[vector<16xi32>, vector<16xi32>], vector<16xf32>,
        %mul3A_1661 = arith.mulf %get3A_253, %gather3A_1660 : vector<16xf32>
        %add3A_1662 = arith.addf %add3A_1654, %mul3A_1661 : vector<16xf32>
        %gather3A_1663 = arith.constant 5 : i32
        %gather3A_1664 = arith.constant 0 : i32
        %gather3A_1665 = arith.constant 0 : i32
        %gather3A_1666 = tpu.memref_slice %arg9[%gather3A_1663, %gather3A_1664, %gather3A_1665] : memref<8x112x48xf32, #tpu.memory_space<vmem>> -> memref<1x112x48xf32, #tpu.memory_space<vmem>>
        %gather3A_1667 = tpu.memref_squeeze %gather3A_1666 : memref<1x112x48xf32, #tpu.memory_space<vmem>> -> memref<112x48xf32, #tpu.memory_space<vmem>>
        %gather3A_1668 = tpu.vector_load_idx %gather3A_1667[%add3A_224, %broadcast_in_dim3A_1621] : memref<112x48xf32, #tpu.memory_space<vmem>>[vector<16xi32>, vector<16xi32>], vector<16xf32>,
        %mul3A_1669 = arith.mulf %get3A_259, %gather3A_1668 : vector<16xf32>
        %add3A_1670 = arith.addf %add3A_1662, %mul3A_1669 : vector<16xf32>
        %gather3A_1671 = arith.constant 6 : i32
        %gather3A_1672 = arith.constant 0 : i32
        %gather3A_1673 = arith.constant 0 : i32
        %gather3A_1674 = tpu.memref_slice %arg9[%gather3A_1671, %gather3A_1672, %gather3A_1673] : memref<8x112x48xf32, #tpu.memory_space<vmem>> -> memref<1x112x48xf32, #tpu.memory_space<vmem>>
        %gather3A_1675 = tpu.memref_squeeze %gather3A_1674 : memref<1x112x48xf32, #tpu.memory_space<vmem>> -> memref<112x48xf32, #tpu.memory_space<vmem>>
        %gather3A_1676 = tpu.vector_load_idx %gather3A_1675[%add3A_224, %broadcast_in_dim3A_1621] : memref<112x48xf32, #tpu.memory_space<vmem>>[vector<16xi32>, vector<16xi32>], vector<16xf32>,
        %mul3A_1677 = arith.mulf %get3A_265, %gather3A_1676 : vector<16xf32>
        %add3A_1678 = arith.addf %add3A_1670, %mul3A_1677 : vector<16xf32>
        %gather3A_1679 = arith.constant 7 : i32
        %gather3A_1680 = arith.constant 0 : i32
        %gather3A_1681 = arith.constant 0 : i32
        %gather3A_1682 = tpu.memref_slice %arg9[%gather3A_1679, %gather3A_1680, %gather3A_1681] : memref<8x112x48xf32, #tpu.memory_space<vmem>> -> memref<1x112x48xf32, #tpu.memory_space<vmem>>
        %gather3A_1683 = tpu.memref_squeeze %gather3A_1682 : memref<1x112x48xf32, #tpu.memory_space<vmem>> -> memref<112x48xf32, #tpu.memory_space<vmem>>
        %gather3A_1684 = tpu.vector_load_idx %gather3A_1683[%add3A_224, %broadcast_in_dim3A_1621] : memref<112x48xf32, #tpu.memory_space<vmem>>[vector<16xi32>, vector<16xi32>], vector<16xf32>,
        %mul3A_1685 = arith.mulf %get3A_271, %gather3A_1684 : vector<16xf32>
        %add3A_1686 = arith.addf %add3A_1678, %mul3A_1685 : vector<16xf32>
        %mul3A_1687 = arith.mulf %gather3A_1622, %gather3A_1622 : vector<16xf32>
        %add3A_1688 = arith.addf %add3A_1617, %mul3A_1687 : vector<16xf32>
        %mul3A_1689 = arith.mulf %add3A_1686, %add3A_1686 : vector<16xf32>
        %add3A_1690 = arith.addf %add3A_1619, %mul3A_1689 : vector<16xf32>
        %broadcast_in_dim3A_1691 = arith.constant 20 : i32
        %broadcast_in_dim3A_1692 = vector.broadcast %broadcast_in_dim3A_1691 : i32 to vector<16xi32>
        %gather3A_1693 = tpu.vector_load_idx %arg8[%add3A_224, %broadcast_in_dim3A_1692] : memref<112x48xf32, #tpu.memory_space<vmem>>[vector<16xi32>, vector<16xi32>], vector<16xf32>,
        %gather3A_1694 = arith.constant 0 : i32
        %gather3A_1695 = arith.constant 0 : i32
        %gather3A_1696 = arith.constant 0 : i32
        %gather3A_1697 = tpu.memref_slice %arg9[%gather3A_1694, %gather3A_1695, %gather3A_1696] : memref<8x112x48xf32, #tpu.memory_space<vmem>> -> memref<1x112x48xf32, #tpu.memory_space<vmem>>
        %gather3A_1698 = tpu.memref_squeeze %gather3A_1697 : memref<1x112x48xf32, #tpu.memory_space<vmem>> -> memref<112x48xf32, #tpu.memory_space<vmem>>
        %gather3A_1699 = tpu.vector_load_idx %gather3A_1698[%add3A_224, %broadcast_in_dim3A_1692] : memref<112x48xf32, #tpu.memory_space<vmem>>[vector<16xi32>, vector<16xi32>], vector<16xf32>,
        %mul3A_1700 = arith.mulf %get3A_229, %gather3A_1699 : vector<16xf32>
        %add3A_1701 = arith.addf %gather3A_1693, %mul3A_1700 : vector<16xf32>
        %gather3A_1702 = arith.constant 1 : i32
        %gather3A_1703 = arith.constant 0 : i32
        %gather3A_1704 = arith.constant 0 : i32
        %gather3A_1705 = tpu.memref_slice %arg9[%gather3A_1702, %gather3A_1703, %gather3A_1704] : memref<8x112x48xf32, #tpu.memory_space<vmem>> -> memref<1x112x48xf32, #tpu.memory_space<vmem>>
        %gather3A_1706 = tpu.memref_squeeze %gather3A_1705 : memref<1x112x48xf32, #tpu.memory_space<vmem>> -> memref<112x48xf32, #tpu.memory_space<vmem>>
        %gather3A_1707 = tpu.vector_load_idx %gather3A_1706[%add3A_224, %broadcast_in_dim3A_1692] : memref<112x48xf32, #tpu.memory_space<vmem>>[vector<16xi32>, vector<16xi32>], vector<16xf32>,
        %mul3A_1708 = arith.mulf %get3A_235, %gather3A_1707 : vector<16xf32>
        %add3A_1709 = arith.addf %add3A_1701, %mul3A_1708 : vector<16xf32>
        %gather3A_1710 = arith.constant 2 : i32
        %gather3A_1711 = arith.constant 0 : i32
        %gather3A_1712 = arith.constant 0 : i32
        %gather3A_1713 = tpu.memref_slice %arg9[%gather3A_1710, %gather3A_1711, %gather3A_1712] : memref<8x112x48xf32, #tpu.memory_space<vmem>> -> memref<1x112x48xf32, #tpu.memory_space<vmem>>
        %gather3A_1714 = tpu.memref_squeeze %gather3A_1713 : memref<1x112x48xf32, #tpu.memory_space<vmem>> -> memref<112x48xf32, #tpu.memory_space<vmem>>
        %gather3A_1715 = tpu.vector_load_idx %gather3A_1714[%add3A_224, %broadcast_in_dim3A_1692] : memref<112x48xf32, #tpu.memory_space<vmem>>[vector<16xi32>, vector<16xi32>], vector<16xf32>,
        %mul3A_1716 = arith.mulf %get3A_241, %gather3A_1715 : vector<16xf32>
        %add3A_1717 = arith.addf %add3A_1709, %mul3A_1716 : vector<16xf32>
        %gather3A_1718 = arith.constant 3 : i32
        %gather3A_1719 = arith.constant 0 : i32
        %gather3A_1720 = arith.constant 0 : i32
        %gather3A_1721 = tpu.memref_slice %arg9[%gather3A_1718, %gather3A_1719, %gather3A_1720] : memref<8x112x48xf32, #tpu.memory_space<vmem>> -> memref<1x112x48xf32, #tpu.memory_space<vmem>>
        %gather3A_1722 = tpu.memref_squeeze %gather3A_1721 : memref<1x112x48xf32, #tpu.memory_space<vmem>> -> memref<112x48xf32, #tpu.memory_space<vmem>>
        %gather3A_1723 = tpu.vector_load_idx %gather3A_1722[%add3A_224, %broadcast_in_dim3A_1692] : memref<112x48xf32, #tpu.memory_space<vmem>>[vector<16xi32>, vector<16xi32>], vector<16xf32>,
        %mul3A_1724 = arith.mulf %get3A_247, %gather3A_1723 : vector<16xf32>
        %add3A_1725 = arith.addf %add3A_1717, %mul3A_1724 : vector<16xf32>
        %gather3A_1726 = arith.constant 4 : i32
        %gather3A_1727 = arith.constant 0 : i32
        %gather3A_1728 = arith.constant 0 : i32
        %gather3A_1729 = tpu.memref_slice %arg9[%gather3A_1726, %gather3A_1727, %gather3A_1728] : memref<8x112x48xf32, #tpu.memory_space<vmem>> -> memref<1x112x48xf32, #tpu.memory_space<vmem>>
        %gather3A_1730 = tpu.memref_squeeze %gather3A_1729 : memref<1x112x48xf32, #tpu.memory_space<vmem>> -> memref<112x48xf32, #tpu.memory_space<vmem>>
        %gather3A_1731 = tpu.vector_load_idx %gather3A_1730[%add3A_224, %broadcast_in_dim3A_1692] : memref<112x48xf32, #tpu.memory_space<vmem>>[vector<16xi32>, vector<16xi32>], vector<16xf32>,
        %mul3A_1732 = arith.mulf %get3A_253, %gather3A_1731 : vector<16xf32>
        %add3A_1733 = arith.addf %add3A_1725, %mul3A_1732 : vector<16xf32>
        %gather3A_1734 = arith.constant 5 : i32
        %gather3A_1735 = arith.constant 0 : i32
        %gather3A_1736 = arith.constant 0 : i32
        %gather3A_1737 = tpu.memref_slice %arg9[%gather3A_1734, %gather3A_1735, %gather3A_1736] : memref<8x112x48xf32, #tpu.memory_space<vmem>> -> memref<1x112x48xf32, #tpu.memory_space<vmem>>
        %gather3A_1738 = tpu.memref_squeeze %gather3A_1737 : memref<1x112x48xf32, #tpu.memory_space<vmem>> -> memref<112x48xf32, #tpu.memory_space<vmem>>
        %gather3A_1739 = tpu.vector_load_idx %gather3A_1738[%add3A_224, %broadcast_in_dim3A_1692] : memref<112x48xf32, #tpu.memory_space<vmem>>[vector<16xi32>, vector<16xi32>], vector<16xf32>,
        %mul3A_1740 = arith.mulf %get3A_259, %gather3A_1739 : vector<16xf32>
        %add3A_1741 = arith.addf %add3A_1733, %mul3A_1740 : vector<16xf32>
        %gather3A_1742 = arith.constant 6 : i32
        %gather3A_1743 = arith.constant 0 : i32
        %gather3A_1744 = arith.constant 0 : i32
        %gather3A_1745 = tpu.memref_slice %arg9[%gather3A_1742, %gather3A_1743, %gather3A_1744] : memref<8x112x48xf32, #tpu.memory_space<vmem>> -> memref<1x112x48xf32, #tpu.memory_space<vmem>>
        %gather3A_1746 = tpu.memref_squeeze %gather3A_1745 : memref<1x112x48xf32, #tpu.memory_space<vmem>> -> memref<112x48xf32, #tpu.memory_space<vmem>>
        %gather3A_1747 = tpu.vector_load_idx %gather3A_1746[%add3A_224, %broadcast_in_dim3A_1692] : memref<112x48xf32, #tpu.memory_space<vmem>>[vector<16xi32>, vector<16xi32>], vector<16xf32>,
        %mul3A_1748 = arith.mulf %get3A_265, %gather3A_1747 : vector<16xf32>
        %add3A_1749 = arith.addf %add3A_1741, %mul3A_1748 : vector<16xf32>
        %gather3A_1750 = arith.constant 7 : i32
        %gather3A_1751 = arith.constant 0 : i32
        %gather3A_1752 = arith.constant 0 : i32
        %gather3A_1753 = tpu.memref_slice %arg9[%gather3A_1750, %gather3A_1751, %gather3A_1752] : memref<8x112x48xf32, #tpu.memory_space<vmem>> -> memref<1x112x48xf32, #tpu.memory_space<vmem>>
        %gather3A_1754 = tpu.memref_squeeze %gather3A_1753 : memref<1x112x48xf32, #tpu.memory_space<vmem>> -> memref<112x48xf32, #tpu.memory_space<vmem>>
        %gather3A_1755 = tpu.vector_load_idx %gather3A_1754[%add3A_224, %broadcast_in_dim3A_1692] : memref<112x48xf32, #tpu.memory_space<vmem>>[vector<16xi32>, vector<16xi32>], vector<16xf32>,
        %mul3A_1756 = arith.mulf %get3A_271, %gather3A_1755 : vector<16xf32>
        %add3A_1757 = arith.addf %add3A_1749, %mul3A_1756 : vector<16xf32>
        %mul3A_1758 = arith.mulf %gather3A_1693, %gather3A_1693 : vector<16xf32>
        %add3A_1759 = arith.addf %add3A_1688, %mul3A_1758 : vector<16xf32>
        %mul3A_1760 = arith.mulf %add3A_1757, %add3A_1757 : vector<16xf32>
        %add3A_1761 = arith.addf %add3A_1690, %mul3A_1760 : vector<16xf32>
        %broadcast_in_dim3A_1762 = arith.constant 21 : i32
        %broadcast_in_dim3A_1763 = vector.broadcast %broadcast_in_dim3A_1762 : i32 to vector<16xi32>
        %gather3A_1764 = tpu.vector_load_idx %arg8[%add3A_224, %broadcast_in_dim3A_1763] : memref<112x48xf32, #tpu.memory_space<vmem>>[vector<16xi32>, vector<16xi32>], vector<16xf32>,
        %gather3A_1765 = arith.constant 0 : i32
        %gather3A_1766 = arith.constant 0 : i32
        %gather3A_1767 = arith.constant 0 : i32
        %gather3A_1768 = tpu.memref_slice %arg9[%gather3A_1765, %gather3A_1766, %gather3A_1767] : memref<8x112x48xf32, #tpu.memory_space<vmem>> -> memref<1x112x48xf32, #tpu.memory_space<vmem>>
        %gather3A_1769 = tpu.memref_squeeze %gather3A_1768 : memref<1x112x48xf32, #tpu.memory_space<vmem>> -> memref<112x48xf32, #tpu.memory_space<vmem>>
        %gather3A_1770 = tpu.vector_load_idx %gather3A_1769[%add3A_224, %broadcast_in_dim3A_1763] : memref<112x48xf32, #tpu.memory_space<vmem>>[vector<16xi32>, vector<16xi32>], vector<16xf32>,
        %mul3A_1771 = arith.mulf %get3A_229, %gather3A_1770 : vector<16xf32>
        %add3A_1772 = arith.addf %gather3A_1764, %mul3A_1771 : vector<16xf32>
        %gather3A_1773 = arith.constant 1 : i32
        %gather3A_1774 = arith.constant 0 : i32
        %gather3A_1775 = arith.constant 0 : i32
        %gather3A_1776 = tpu.memref_slice %arg9[%gather3A_1773, %gather3A_1774, %gather3A_1775] : memref<8x112x48xf32, #tpu.memory_space<vmem>> -> memref<1x112x48xf32, #tpu.memory_space<vmem>>
        %gather3A_1777 = tpu.memref_squeeze %gather3A_1776 : memref<1x112x48xf32, #tpu.memory_space<vmem>> -> memref<112x48xf32, #tpu.memory_space<vmem>>
        %gather3A_1778 = tpu.vector_load_idx %gather3A_1777[%add3A_224, %broadcast_in_dim3A_1763] : memref<112x48xf32, #tpu.memory_space<vmem>>[vector<16xi32>, vector<16xi32>], vector<16xf32>,
        %mul3A_1779 = arith.mulf %get3A_235, %gather3A_1778 : vector<16xf32>
        %add3A_1780 = arith.addf %add3A_1772, %mul3A_1779 : vector<16xf32>
        %gather3A_1781 = arith.constant 2 : i32
        %gather3A_1782 = arith.constant 0 : i32
        %gather3A_1783 = arith.constant 0 : i32
        %gather3A_1784 = tpu.memref_slice %arg9[%gather3A_1781, %gather3A_1782, %gather3A_1783] : memref<8x112x48xf32, #tpu.memory_space<vmem>> -> memref<1x112x48xf32, #tpu.memory_space<vmem>>
        %gather3A_1785 = tpu.memref_squeeze %gather3A_1784 : memref<1x112x48xf32, #tpu.memory_space<vmem>> -> memref<112x48xf32, #tpu.memory_space<vmem>>
        %gather3A_1786 = tpu.vector_load_idx %gather3A_1785[%add3A_224, %broadcast_in_dim3A_1763] : memref<112x48xf32, #tpu.memory_space<vmem>>[vector<16xi32>, vector<16xi32>], vector<16xf32>,
        %mul3A_1787 = arith.mulf %get3A_241, %gather3A_1786 : vector<16xf32>
        %add3A_1788 = arith.addf %add3A_1780, %mul3A_1787 : vector<16xf32>
        %gather3A_1789 = arith.constant 3 : i32
        %gather3A_1790 = arith.constant 0 : i32
        %gather3A_1791 = arith.constant 0 : i32
        %gather3A_1792 = tpu.memref_slice %arg9[%gather3A_1789, %gather3A_1790, %gather3A_1791] : memref<8x112x48xf32, #tpu.memory_space<vmem>> -> memref<1x112x48xf32, #tpu.memory_space<vmem>>
        %gather3A_1793 = tpu.memref_squeeze %gather3A_1792 : memref<1x112x48xf32, #tpu.memory_space<vmem>> -> memref<112x48xf32, #tpu.memory_space<vmem>>
        %gather3A_1794 = tpu.vector_load_idx %gather3A_1793[%add3A_224, %broadcast_in_dim3A_1763] : memref<112x48xf32, #tpu.memory_space<vmem>>[vector<16xi32>, vector<16xi32>], vector<16xf32>,
        %mul3A_1795 = arith.mulf %get3A_247, %gather3A_1794 : vector<16xf32>
        %add3A_1796 = arith.addf %add3A_1788, %mul3A_1795 : vector<16xf32>
        %gather3A_1797 = arith.constant 4 : i32
        %gather3A_1798 = arith.constant 0 : i32
        %gather3A_1799 = arith.constant 0 : i32
        %gather3A_1800 = tpu.memref_slice %arg9[%gather3A_1797, %gather3A_1798, %gather3A_1799] : memref<8x112x48xf32, #tpu.memory_space<vmem>> -> memref<1x112x48xf32, #tpu.memory_space<vmem>>
        %gather3A_1801 = tpu.memref_squeeze %gather3A_1800 : memref<1x112x48xf32, #tpu.memory_space<vmem>> -> memref<112x48xf32, #tpu.memory_space<vmem>>
        %gather3A_1802 = tpu.vector_load_idx %gather3A_1801[%add3A_224, %broadcast_in_dim3A_1763] : memref<112x48xf32, #tpu.memory_space<vmem>>[vector<16xi32>, vector<16xi32>], vector<16xf32>,
        %mul3A_1803 = arith.mulf %get3A_253, %gather3A_1802 : vector<16xf32>
        %add3A_1804 = arith.addf %add3A_1796, %mul3A_1803 : vector<16xf32>
        %gather3A_1805 = arith.constant 5 : i32
        %gather3A_1806 = arith.constant 0 : i32
        %gather3A_1807 = arith.constant 0 : i32
        %gather3A_1808 = tpu.memref_slice %arg9[%gather3A_1805, %gather3A_1806, %gather3A_1807] : memref<8x112x48xf32, #tpu.memory_space<vmem>> -> memref<1x112x48xf32, #tpu.memory_space<vmem>>
        %gather3A_1809 = tpu.memref_squeeze %gather3A_1808 : memref<1x112x48xf32, #tpu.memory_space<vmem>> -> memref<112x48xf32, #tpu.memory_space<vmem>>
        %gather3A_1810 = tpu.vector_load_idx %gather3A_1809[%add3A_224, %broadcast_in_dim3A_1763] : memref<112x48xf32, #tpu.memory_space<vmem>>[vector<16xi32>, vector<16xi32>], vector<16xf32>,
        %mul3A_1811 = arith.mulf %get3A_259, %gather3A_1810 : vector<16xf32>
        %add3A_1812 = arith.addf %add3A_1804, %mul3A_1811 : vector<16xf32>
        %gather3A_1813 = arith.constant 6 : i32
        %gather3A_1814 = arith.constant 0 : i32
        %gather3A_1815 = arith.constant 0 : i32
        %gather3A_1816 = tpu.memref_slice %arg9[%gather3A_1813, %gather3A_1814, %gather3A_1815] : memref<8x112x48xf32, #tpu.memory_space<vmem>> -> memref<1x112x48xf32, #tpu.memory_space<vmem>>
        %gather3A_1817 = tpu.memref_squeeze %gather3A_1816 : memref<1x112x48xf32, #tpu.memory_space<vmem>> -> memref<112x48xf32, #tpu.memory_space<vmem>>
        %gather3A_1818 = tpu.vector_load_idx %gather3A_1817[%add3A_224, %broadcast_in_dim3A_1763] : memref<112x48xf32, #tpu.memory_space<vmem>>[vector<16xi32>, vector<16xi32>], vector<16xf32>,
        %mul3A_1819 = arith.mulf %get3A_265, %gather3A_1818 : vector<16xf32>
        %add3A_1820 = arith.addf %add3A_1812, %mul3A_1819 : vector<16xf32>
        %gather3A_1821 = arith.constant 7 : i32
        %gather3A_1822 = arith.constant 0 : i32
        %gather3A_1823 = arith.constant 0 : i32
        %gather3A_1824 = tpu.memref_slice %arg9[%gather3A_1821, %gather3A_1822, %gather3A_1823] : memref<8x112x48xf32, #tpu.memory_space<vmem>> -> memref<1x112x48xf32, #tpu.memory_space<vmem>>
        %gather3A_1825 = tpu.memref_squeeze %gather3A_1824 : memref<1x112x48xf32, #tpu.memory_space<vmem>> -> memref<112x48xf32, #tpu.memory_space<vmem>>
        %gather3A_1826 = tpu.vector_load_idx %gather3A_1825[%add3A_224, %broadcast_in_dim3A_1763] : memref<112x48xf32, #tpu.memory_space<vmem>>[vector<16xi32>, vector<16xi32>], vector<16xf32>,
        %mul3A_1827 = arith.mulf %get3A_271, %gather3A_1826 : vector<16xf32>
        %add3A_1828 = arith.addf %add3A_1820, %mul3A_1827 : vector<16xf32>
        %mul3A_1829 = arith.mulf %gather3A_1764, %gather3A_1764 : vector<16xf32>
        %add3A_1830 = arith.addf %add3A_1759, %mul3A_1829 : vector<16xf32>
        %mul3A_1831 = arith.mulf %add3A_1828, %add3A_1828 : vector<16xf32>
        %add3A_1832 = arith.addf %add3A_1761, %mul3A_1831 : vector<16xf32>
        %broadcast_in_dim3A_1833 = arith.constant 22 : i32
        %broadcast_in_dim3A_1834 = vector.broadcast %broadcast_in_dim3A_1833 : i32 to vector<16xi32>
        %gather3A_1835 = tpu.vector_load_idx %arg8[%add3A_224, %broadcast_in_dim3A_1834] : memref<112x48xf32, #tpu.memory_space<vmem>>[vector<16xi32>, vector<16xi32>], vector<16xf32>,
        %gather3A_1836 = arith.constant 0 : i32
        %gather3A_1837 = arith.constant 0 : i32
        %gather3A_1838 = arith.constant 0 : i32
        %gather3A_1839 = tpu.memref_slice %arg9[%gather3A_1836, %gather3A_1837, %gather3A_1838] : memref<8x112x48xf32, #tpu.memory_space<vmem>> -> memref<1x112x48xf32, #tpu.memory_space<vmem>>
        %gather3A_1840 = tpu.memref_squeeze %gather3A_1839 : memref<1x112x48xf32, #tpu.memory_space<vmem>> -> memref<112x48xf32, #tpu.memory_space<vmem>>
        %gather3A_1841 = tpu.vector_load_idx %gather3A_1840[%add3A_224, %broadcast_in_dim3A_1834] : memref<112x48xf32, #tpu.memory_space<vmem>>[vector<16xi32>, vector<16xi32>], vector<16xf32>,
        %mul3A_1842 = arith.mulf %get3A_229, %gather3A_1841 : vector<16xf32>
        %add3A_1843 = arith.addf %gather3A_1835, %mul3A_1842 : vector<16xf32>
        %gather3A_1844 = arith.constant 1 : i32
        %gather3A_1845 = arith.constant 0 : i32
        %gather3A_1846 = arith.constant 0 : i32
        %gather3A_1847 = tpu.memref_slice %arg9[%gather3A_1844, %gather3A_1845, %gather3A_1846] : memref<8x112x48xf32, #tpu.memory_space<vmem>> -> memref<1x112x48xf32, #tpu.memory_space<vmem>>
        %gather3A_1848 = tpu.memref_squeeze %gather3A_1847 : memref<1x112x48xf32, #tpu.memory_space<vmem>> -> memref<112x48xf32, #tpu.memory_space<vmem>>
        %gather3A_1849 = tpu.vector_load_idx %gather3A_1848[%add3A_224, %broadcast_in_dim3A_1834] : memref<112x48xf32, #tpu.memory_space<vmem>>[vector<16xi32>, vector<16xi32>], vector<16xf32>,
        %mul3A_1850 = arith.mulf %get3A_235, %gather3A_1849 : vector<16xf32>
        %add3A_1851 = arith.addf %add3A_1843, %mul3A_1850 : vector<16xf32>
        %gather3A_1852 = arith.constant 2 : i32
        %gather3A_1853 = arith.constant 0 : i32
        %gather3A_1854 = arith.constant 0 : i32
        %gather3A_1855 = tpu.memref_slice %arg9[%gather3A_1852, %gather3A_1853, %gather3A_1854] : memref<8x112x48xf32, #tpu.memory_space<vmem>> -> memref<1x112x48xf32, #tpu.memory_space<vmem>>
        %gather3A_1856 = tpu.memref_squeeze %gather3A_1855 : memref<1x112x48xf32, #tpu.memory_space<vmem>> -> memref<112x48xf32, #tpu.memory_space<vmem>>
        %gather3A_1857 = tpu.vector_load_idx %gather3A_1856[%add3A_224, %broadcast_in_dim3A_1834] : memref<112x48xf32, #tpu.memory_space<vmem>>[vector<16xi32>, vector<16xi32>], vector<16xf32>,
        %mul3A_1858 = arith.mulf %get3A_241, %gather3A_1857 : vector<16xf32>
        %add3A_1859 = arith.addf %add3A_1851, %mul3A_1858 : vector<16xf32>
        %gather3A_1860 = arith.constant 3 : i32
        %gather3A_1861 = arith.constant 0 : i32
        %gather3A_1862 = arith.constant 0 : i32
        %gather3A_1863 = tpu.memref_slice %arg9[%gather3A_1860, %gather3A_1861, %gather3A_1862] : memref<8x112x48xf32, #tpu.memory_space<vmem>> -> memref<1x112x48xf32, #tpu.memory_space<vmem>>
        %gather3A_1864 = tpu.memref_squeeze %gather3A_1863 : memref<1x112x48xf32, #tpu.memory_space<vmem>> -> memref<112x48xf32, #tpu.memory_space<vmem>>
        %gather3A_1865 = tpu.vector_load_idx %gather3A_1864[%add3A_224, %broadcast_in_dim3A_1834] : memref<112x48xf32, #tpu.memory_space<vmem>>[vector<16xi32>, vector<16xi32>], vector<16xf32>,
        %mul3A_1866 = arith.mulf %get3A_247, %gather3A_1865 : vector<16xf32>
        %add3A_1867 = arith.addf %add3A_1859, %mul3A_1866 : vector<16xf32>
        %gather3A_1868 = arith.constant 4 : i32
        %gather3A_1869 = arith.constant 0 : i32
        %gather3A_1870 = arith.constant 0 : i32
        %gather3A_1871 = tpu.memref_slice %arg9[%gather3A_1868, %gather3A_1869, %gather3A_1870] : memref<8x112x48xf32, #tpu.memory_space<vmem>> -> memref<1x112x48xf32, #tpu.memory_space<vmem>>
        %gather3A_1872 = tpu.memref_squeeze %gather3A_1871 : memref<1x112x48xf32, #tpu.memory_space<vmem>> -> memref<112x48xf32, #tpu.memory_space<vmem>>
        %gather3A_1873 = tpu.vector_load_idx %gather3A_1872[%add3A_224, %broadcast_in_dim3A_1834] : memref<112x48xf32, #tpu.memory_space<vmem>>[vector<16xi32>, vector<16xi32>], vector<16xf32>,
        %mul3A_1874 = arith.mulf %get3A_253, %gather3A_1873 : vector<16xf32>
        %add3A_1875 = arith.addf %add3A_1867, %mul3A_1874 : vector<16xf32>
        %gather3A_1876 = arith.constant 5 : i32
        %gather3A_1877 = arith.constant 0 : i32
        %gather3A_1878 = arith.constant 0 : i32
        %gather3A_1879 = tpu.memref_slice %arg9[%gather3A_1876, %gather3A_1877, %gather3A_1878] : memref<8x112x48xf32, #tpu.memory_space<vmem>> -> memref<1x112x48xf32, #tpu.memory_space<vmem>>
        %gather3A_1880 = tpu.memref_squeeze %gather3A_1879 : memref<1x112x48xf32, #tpu.memory_space<vmem>> -> memref<112x48xf32, #tpu.memory_space<vmem>>
        %gather3A_1881 = tpu.vector_load_idx %gather3A_1880[%add3A_224, %broadcast_in_dim3A_1834] : memref<112x48xf32, #tpu.memory_space<vmem>>[vector<16xi32>, vector<16xi32>], vector<16xf32>,
        %mul3A_1882 = arith.mulf %get3A_259, %gather3A_1881 : vector<16xf32>
        %add3A_1883 = arith.addf %add3A_1875, %mul3A_1882 : vector<16xf32>
        %gather3A_1884 = arith.constant 6 : i32
        %gather3A_1885 = arith.constant 0 : i32
        %gather3A_1886 = arith.constant 0 : i32
        %gather3A_1887 = tpu.memref_slice %arg9[%gather3A_1884, %gather3A_1885, %gather3A_1886] : memref<8x112x48xf32, #tpu.memory_space<vmem>> -> memref<1x112x48xf32, #tpu.memory_space<vmem>>
        %gather3A_1888 = tpu.memref_squeeze %gather3A_1887 : memref<1x112x48xf32, #tpu.memory_space<vmem>> -> memref<112x48xf32, #tpu.memory_space<vmem>>
        %gather3A_1889 = tpu.vector_load_idx %gather3A_1888[%add3A_224, %broadcast_in_dim3A_1834] : memref<112x48xf32, #tpu.memory_space<vmem>>[vector<16xi32>, vector<16xi32>], vector<16xf32>,
        %mul3A_1890 = arith.mulf %get3A_265, %gather3A_1889 : vector<16xf32>
        %add3A_1891 = arith.addf %add3A_1883, %mul3A_1890 : vector<16xf32>
        %gather3A_1892 = arith.constant 7 : i32
        %gather3A_1893 = arith.constant 0 : i32
        %gather3A_1894 = arith.constant 0 : i32
        %gather3A_1895 = tpu.memref_slice %arg9[%gather3A_1892, %gather3A_1893, %gather3A_1894] : memref<8x112x48xf32, #tpu.memory_space<vmem>> -> memref<1x112x48xf32, #tpu.memory_space<vmem>>
        %gather3A_1896 = tpu.memref_squeeze %gather3A_1895 : memref<1x112x48xf32, #tpu.memory_space<vmem>> -> memref<112x48xf32, #tpu.memory_space<vmem>>
        %gather3A_1897 = tpu.vector_load_idx %gather3A_1896[%add3A_224, %broadcast_in_dim3A_1834] : memref<112x48xf32, #tpu.memory_space<vmem>>[vector<16xi32>, vector<16xi32>], vector<16xf32>,
        %mul3A_1898 = arith.mulf %get3A_271, %gather3A_1897 : vector<16xf32>
        %add3A_1899 = arith.addf %add3A_1891, %mul3A_1898 : vector<16xf32>
        %mul3A_1900 = arith.mulf %gather3A_1835, %gather3A_1835 : vector<16xf32>
        %add3A_1901 = arith.addf %add3A_1830, %mul3A_1900 : vector<16xf32>
        %mul3A_1902 = arith.mulf %add3A_1899, %add3A_1899 : vector<16xf32>
        %add3A_1903 = arith.addf %add3A_1832, %mul3A_1902 : vector<16xf32>
        %broadcast_in_dim3A_1904 = arith.constant 23 : i32
        %broadcast_in_dim3A_1905 = vector.broadcast %broadcast_in_dim3A_1904 : i32 to vector<16xi32>
        %gather3A_1906 = tpu.vector_load_idx %arg8[%add3A_224, %broadcast_in_dim3A_1905] : memref<112x48xf32, #tpu.memory_space<vmem>>[vector<16xi32>, vector<16xi32>], vector<16xf32>,
        %gather3A_1907 = arith.constant 0 : i32
        %gather3A_1908 = arith.constant 0 : i32
        %gather3A_1909 = arith.constant 0 : i32
        %gather3A_1910 = tpu.memref_slice %arg9[%gather3A_1907, %gather3A_1908, %gather3A_1909] : memref<8x112x48xf32, #tpu.memory_space<vmem>> -> memref<1x112x48xf32, #tpu.memory_space<vmem>>
        %gather3A_1911 = tpu.memref_squeeze %gather3A_1910 : memref<1x112x48xf32, #tpu.memory_space<vmem>> -> memref<112x48xf32, #tpu.memory_space<vmem>>
        %gather3A_1912 = tpu.vector_load_idx %gather3A_1911[%add3A_224, %broadcast_in_dim3A_1905] : memref<112x48xf32, #tpu.memory_space<vmem>>[vector<16xi32>, vector<16xi32>], vector<16xf32>,
        %mul3A_1913 = arith.mulf %get3A_229, %gather3A_1912 : vector<16xf32>
        %add3A_1914 = arith.addf %gather3A_1906, %mul3A_1913 : vector<16xf32>
        %gather3A_1915 = arith.constant 1 : i32
        %gather3A_1916 = arith.constant 0 : i32
        %gather3A_1917 = arith.constant 0 : i32
        %gather3A_1918 = tpu.memref_slice %arg9[%gather3A_1915, %gather3A_1916, %gather3A_1917] : memref<8x112x48xf32, #tpu.memory_space<vmem>> -> memref<1x112x48xf32, #tpu.memory_space<vmem>>
        %gather3A_1919 = tpu.memref_squeeze %gather3A_1918 : memref<1x112x48xf32, #tpu.memory_space<vmem>> -> memref<112x48xf32, #tpu.memory_space<vmem>>
        %gather3A_1920 = tpu.vector_load_idx %gather3A_1919[%add3A_224, %broadcast_in_dim3A_1905] : memref<112x48xf32, #tpu.memory_space<vmem>>[vector<16xi32>, vector<16xi32>], vector<16xf32>,
        %mul3A_1921 = arith.mulf %get3A_235, %gather3A_1920 : vector<16xf32>
        %add3A_1922 = arith.addf %add3A_1914, %mul3A_1921 : vector<16xf32>
        %gather3A_1923 = arith.constant 2 : i32
        %gather3A_1924 = arith.constant 0 : i32
        %gather3A_1925 = arith.constant 0 : i32
        %gather3A_1926 = tpu.memref_slice %arg9[%gather3A_1923, %gather3A_1924, %gather3A_1925] : memref<8x112x48xf32, #tpu.memory_space<vmem>> -> memref<1x112x48xf32, #tpu.memory_space<vmem>>
        %gather3A_1927 = tpu.memref_squeeze %gather3A_1926 : memref<1x112x48xf32, #tpu.memory_space<vmem>> -> memref<112x48xf32, #tpu.memory_space<vmem>>
        %gather3A_1928 = tpu.vector_load_idx %gather3A_1927[%add3A_224, %broadcast_in_dim3A_1905] : memref<112x48xf32, #tpu.memory_space<vmem>>[vector<16xi32>, vector<16xi32>], vector<16xf32>,
        %mul3A_1929 = arith.mulf %get3A_241, %gather3A_1928 : vector<16xf32>
        %add3A_1930 = arith.addf %add3A_1922, %mul3A_1929 : vector<16xf32>
        %gather3A_1931 = arith.constant 3 : i32
        %gather3A_1932 = arith.constant 0 : i32
        %gather3A_1933 = arith.constant 0 : i32
        %gather3A_1934 = tpu.memref_slice %arg9[%gather3A_1931, %gather3A_1932, %gather3A_1933] : memref<8x112x48xf32, #tpu.memory_space<vmem>> -> memref<1x112x48xf32, #tpu.memory_space<vmem>>
        %gather3A_1935 = tpu.memref_squeeze %gather3A_1934 : memref<1x112x48xf32, #tpu.memory_space<vmem>> -> memref<112x48xf32, #tpu.memory_space<vmem>>
        %gather3A_1936 = tpu.vector_load_idx %gather3A_1935[%add3A_224, %broadcast_in_dim3A_1905] : memref<112x48xf32, #tpu.memory_space<vmem>>[vector<16xi32>, vector<16xi32>], vector<16xf32>,
        %mul3A_1937 = arith.mulf %get3A_247, %gather3A_1936 : vector<16xf32>
        %add3A_1938 = arith.addf %add3A_1930, %mul3A_1937 : vector<16xf32>
        %gather3A_1939 = arith.constant 4 : i32
        %gather3A_1940 = arith.constant 0 : i32
        %gather3A_1941 = arith.constant 0 : i32
        %gather3A_1942 = tpu.memref_slice %arg9[%gather3A_1939, %gather3A_1940, %gather3A_1941] : memref<8x112x48xf32, #tpu.memory_space<vmem>> -> memref<1x112x48xf32, #tpu.memory_space<vmem>>
        %gather3A_1943 = tpu.memref_squeeze %gather3A_1942 : memref<1x112x48xf32, #tpu.memory_space<vmem>> -> memref<112x48xf32, #tpu.memory_space<vmem>>
        %gather3A_1944 = tpu.vector_load_idx %gather3A_1943[%add3A_224, %broadcast_in_dim3A_1905] : memref<112x48xf32, #tpu.memory_space<vmem>>[vector<16xi32>, vector<16xi32>], vector<16xf32>,
        %mul3A_1945 = arith.mulf %get3A_253, %gather3A_1944 : vector<16xf32>
        %add3A_1946 = arith.addf %add3A_1938, %mul3A_1945 : vector<16xf32>
        %gather3A_1947 = arith.constant 5 : i32
        %gather3A_1948 = arith.constant 0 : i32
        %gather3A_1949 = arith.constant 0 : i32
        %gather3A_1950 = tpu.memref_slice %arg9[%gather3A_1947, %gather3A_1948, %gather3A_1949] : memref<8x112x48xf32, #tpu.memory_space<vmem>> -> memref<1x112x48xf32, #tpu.memory_space<vmem>>
        %gather3A_1951 = tpu.memref_squeeze %gather3A_1950 : memref<1x112x48xf32, #tpu.memory_space<vmem>> -> memref<112x48xf32, #tpu.memory_space<vmem>>
        %gather3A_1952 = tpu.vector_load_idx %gather3A_1951[%add3A_224, %broadcast_in_dim3A_1905] : memref<112x48xf32, #tpu.memory_space<vmem>>[vector<16xi32>, vector<16xi32>], vector<16xf32>,
        %mul3A_1953 = arith.mulf %get3A_259, %gather3A_1952 : vector<16xf32>
        %add3A_1954 = arith.addf %add3A_1946, %mul3A_1953 : vector<16xf32>
        %gather3A_1955 = arith.constant 6 : i32
        %gather3A_1956 = arith.constant 0 : i32
        %gather3A_1957 = arith.constant 0 : i32
        %gather3A_1958 = tpu.memref_slice %arg9[%gather3A_1955, %gather3A_1956, %gather3A_1957] : memref<8x112x48xf32, #tpu.memory_space<vmem>> -> memref<1x112x48xf32, #tpu.memory_space<vmem>>
        %gather3A_1959 = tpu.memref_squeeze %gather3A_1958 : memref<1x112x48xf32, #tpu.memory_space<vmem>> -> memref<112x48xf32, #tpu.memory_space<vmem>>
        %gather3A_1960 = tpu.vector_load_idx %gather3A_1959[%add3A_224, %broadcast_in_dim3A_1905] : memref<112x48xf32, #tpu.memory_space<vmem>>[vector<16xi32>, vector<16xi32>], vector<16xf32>,
        %mul3A_1961 = arith.mulf %get3A_265, %gather3A_1960 : vector<16xf32>
        %add3A_1962 = arith.addf %add3A_1954, %mul3A_1961 : vector<16xf32>
        %gather3A_1963 = arith.constant 7 : i32
        %gather3A_1964 = arith.constant 0 : i32
        %gather3A_1965 = arith.constant 0 : i32
        %gather3A_1966 = tpu.memref_slice %arg9[%gather3A_1963, %gather3A_1964, %gather3A_1965] : memref<8x112x48xf32, #tpu.memory_space<vmem>> -> memref<1x112x48xf32, #tpu.memory_space<vmem>>
        %gather3A_1967 = tpu.memref_squeeze %gather3A_1966 : memref<1x112x48xf32, #tpu.memory_space<vmem>> -> memref<112x48xf32, #tpu.memory_space<vmem>>
        %gather3A_1968 = tpu.vector_load_idx %gather3A_1967[%add3A_224, %broadcast_in_dim3A_1905] : memref<112x48xf32, #tpu.memory_space<vmem>>[vector<16xi32>, vector<16xi32>], vector<16xf32>,
        %mul3A_1969 = arith.mulf %get3A_271, %gather3A_1968 : vector<16xf32>
        %add3A_1970 = arith.addf %add3A_1962, %mul3A_1969 : vector<16xf32>
        %mul3A_1971 = arith.mulf %gather3A_1906, %gather3A_1906 : vector<16xf32>
        %add3A_1972 = arith.addf %add3A_1901, %mul3A_1971 : vector<16xf32>
        %mul3A_1973 = arith.mulf %add3A_1970, %add3A_1970 : vector<16xf32>
        %add3A_1974 = arith.addf %add3A_1903, %mul3A_1973 : vector<16xf32>
        %broadcast_in_dim3A_1975 = arith.constant 24 : i32
        %broadcast_in_dim3A_1976 = vector.broadcast %broadcast_in_dim3A_1975 : i32 to vector<16xi32>
        %gather3A_1977 = tpu.vector_load_idx %arg8[%add3A_224, %broadcast_in_dim3A_1976] : memref<112x48xf32, #tpu.memory_space<vmem>>[vector<16xi32>, vector<16xi32>], vector<16xf32>,
        %gather3A_1978 = arith.constant 0 : i32
        %gather3A_1979 = arith.constant 0 : i32
        %gather3A_1980 = arith.constant 0 : i32
        %gather3A_1981 = tpu.memref_slice %arg9[%gather3A_1978, %gather3A_1979, %gather3A_1980] : memref<8x112x48xf32, #tpu.memory_space<vmem>> -> memref<1x112x48xf32, #tpu.memory_space<vmem>>
        %gather3A_1982 = tpu.memref_squeeze %gather3A_1981 : memref<1x112x48xf32, #tpu.memory_space<vmem>> -> memref<112x48xf32, #tpu.memory_space<vmem>>
        %gather3A_1983 = tpu.vector_load_idx %gather3A_1982[%add3A_224, %broadcast_in_dim3A_1976] : memref<112x48xf32, #tpu.memory_space<vmem>>[vector<16xi32>, vector<16xi32>], vector<16xf32>,
        %mul3A_1984 = arith.mulf %get3A_229, %gather3A_1983 : vector<16xf32>
        %add3A_1985 = arith.addf %gather3A_1977, %mul3A_1984 : vector<16xf32>
        %gather3A_1986 = arith.constant 1 : i32
        %gather3A_1987 = arith.constant 0 : i32
        %gather3A_1988 = arith.constant 0 : i32
        %gather3A_1989 = tpu.memref_slice %arg9[%gather3A_1986, %gather3A_1987, %gather3A_1988] : memref<8x112x48xf32, #tpu.memory_space<vmem>> -> memref<1x112x48xf32, #tpu.memory_space<vmem>>
        %gather3A_1990 = tpu.memref_squeeze %gather3A_1989 : memref<1x112x48xf32, #tpu.memory_space<vmem>> -> memref<112x48xf32, #tpu.memory_space<vmem>>
        %gather3A_1991 = tpu.vector_load_idx %gather3A_1990[%add3A_224, %broadcast_in_dim3A_1976] : memref<112x48xf32, #tpu.memory_space<vmem>>[vector<16xi32>, vector<16xi32>], vector<16xf32>,
        %mul3A_1992 = arith.mulf %get3A_235, %gather3A_1991 : vector<16xf32>
        %add3A_1993 = arith.addf %add3A_1985, %mul3A_1992 : vector<16xf32>
        %gather3A_1994 = arith.constant 2 : i32
        %gather3A_1995 = arith.constant 0 : i32
        %gather3A_1996 = arith.constant 0 : i32
        %gather3A_1997 = tpu.memref_slice %arg9[%gather3A_1994, %gather3A_1995, %gather3A_1996] : memref<8x112x48xf32, #tpu.memory_space<vmem>> -> memref<1x112x48xf32, #tpu.memory_space<vmem>>
        %gather3A_1998 = tpu.memref_squeeze %gather3A_1997 : memref<1x112x48xf32, #tpu.memory_space<vmem>> -> memref<112x48xf32, #tpu.memory_space<vmem>>
        %gather3A_1999 = tpu.vector_load_idx %gather3A_1998[%add3A_224, %broadcast_in_dim3A_1976] : memref<112x48xf32, #tpu.memory_space<vmem>>[vector<16xi32>, vector<16xi32>], vector<16xf32>,
        %mul3A_2000 = arith.mulf %get3A_241, %gather3A_1999 : vector<16xf32>
        %add3A_2001 = arith.addf %add3A_1993, %mul3A_2000 : vector<16xf32>
        %gather3A_2002 = arith.constant 3 : i32
        %gather3A_2003 = arith.constant 0 : i32
        %gather3A_2004 = arith.constant 0 : i32
        %gather3A_2005 = tpu.memref_slice %arg9[%gather3A_2002, %gather3A_2003, %gather3A_2004] : memref<8x112x48xf32, #tpu.memory_space<vmem>> -> memref<1x112x48xf32, #tpu.memory_space<vmem>>
        %gather3A_2006 = tpu.memref_squeeze %gather3A_2005 : memref<1x112x48xf32, #tpu.memory_space<vmem>> -> memref<112x48xf32, #tpu.memory_space<vmem>>
        %gather3A_2007 = tpu.vector_load_idx %gather3A_2006[%add3A_224, %broadcast_in_dim3A_1976] : memref<112x48xf32, #tpu.memory_space<vmem>>[vector<16xi32>, vector<16xi32>], vector<16xf32>,
        %mul3A_2008 = arith.mulf %get3A_247, %gather3A_2007 : vector<16xf32>
        %add3A_2009 = arith.addf %add3A_2001, %mul3A_2008 : vector<16xf32>
        %gather3A_2010 = arith.constant 4 : i32
        %gather3A_2011 = arith.constant 0 : i32
        %gather3A_2012 = arith.constant 0 : i32
        %gather3A_2013 = tpu.memref_slice %arg9[%gather3A_2010, %gather3A_2011, %gather3A_2012] : memref<8x112x48xf32, #tpu.memory_space<vmem>> -> memref<1x112x48xf32, #tpu.memory_space<vmem>>
        %gather3A_2014 = tpu.memref_squeeze %gather3A_2013 : memref<1x112x48xf32, #tpu.memory_space<vmem>> -> memref<112x48xf32, #tpu.memory_space<vmem>>
        %gather3A_2015 = tpu.vector_load_idx %gather3A_2014[%add3A_224, %broadcast_in_dim3A_1976] : memref<112x48xf32, #tpu.memory_space<vmem>>[vector<16xi32>, vector<16xi32>], vector<16xf32>,
        %mul3A_2016 = arith.mulf %get3A_253, %gather3A_2015 : vector<16xf32>
        %add3A_2017 = arith.addf %add3A_2009, %mul3A_2016 : vector<16xf32>
        %gather3A_2018 = arith.constant 5 : i32
        %gather3A_2019 = arith.constant 0 : i32
        %gather3A_2020 = arith.constant 0 : i32
        %gather3A_2021 = tpu.memref_slice %arg9[%gather3A_2018, %gather3A_2019, %gather3A_2020] : memref<8x112x48xf32, #tpu.memory_space<vmem>> -> memref<1x112x48xf32, #tpu.memory_space<vmem>>
        %gather3A_2022 = tpu.memref_squeeze %gather3A_2021 : memref<1x112x48xf32, #tpu.memory_space<vmem>> -> memref<112x48xf32, #tpu.memory_space<vmem>>
        %gather3A_2023 = tpu.vector_load_idx %gather3A_2022[%add3A_224, %broadcast_in_dim3A_1976] : memref<112x48xf32, #tpu.memory_space<vmem>>[vector<16xi32>, vector<16xi32>], vector<16xf32>,
        %mul3A_2024 = arith.mulf %get3A_259, %gather3A_2023 : vector<16xf32>
        %add3A_2025 = arith.addf %add3A_2017, %mul3A_2024 : vector<16xf32>
        %gather3A_2026 = arith.constant 6 : i32
        %gather3A_2027 = arith.constant 0 : i32
        %gather3A_2028 = arith.constant 0 : i32
        %gather3A_2029 = tpu.memref_slice %arg9[%gather3A_2026, %gather3A_2027, %gather3A_2028] : memref<8x112x48xf32, #tpu.memory_space<vmem>> -> memref<1x112x48xf32, #tpu.memory_space<vmem>>
        %gather3A_2030 = tpu.memref_squeeze %gather3A_2029 : memref<1x112x48xf32, #tpu.memory_space<vmem>> -> memref<112x48xf32, #tpu.memory_space<vmem>>
        %gather3A_2031 = tpu.vector_load_idx %gather3A_2030[%add3A_224, %broadcast_in_dim3A_1976] : memref<112x48xf32, #tpu.memory_space<vmem>>[vector<16xi32>, vector<16xi32>], vector<16xf32>,
        %mul3A_2032 = arith.mulf %get3A_265, %gather3A_2031 : vector<16xf32>
        %add3A_2033 = arith.addf %add3A_2025, %mul3A_2032 : vector<16xf32>
        %gather3A_2034 = arith.constant 7 : i32
        %gather3A_2035 = arith.constant 0 : i32
        %gather3A_2036 = arith.constant 0 : i32
        %gather3A_2037 = tpu.memref_slice %arg9[%gather3A_2034, %gather3A_2035, %gather3A_2036] : memref<8x112x48xf32, #tpu.memory_space<vmem>> -> memref<1x112x48xf32, #tpu.memory_space<vmem>>
        %gather3A_2038 = tpu.memref_squeeze %gather3A_2037 : memref<1x112x48xf32, #tpu.memory_space<vmem>> -> memref<112x48xf32, #tpu.memory_space<vmem>>
        %gather3A_2039 = tpu.vector_load_idx %gather3A_2038[%add3A_224, %broadcast_in_dim3A_1976] : memref<112x48xf32, #tpu.memory_space<vmem>>[vector<16xi32>, vector<16xi32>], vector<16xf32>,
        %mul3A_2040 = arith.mulf %get3A_271, %gather3A_2039 : vector<16xf32>
        %add3A_2041 = arith.addf %add3A_2033, %mul3A_2040 : vector<16xf32>
        %mul3A_2042 = arith.mulf %gather3A_1977, %gather3A_1977 : vector<16xf32>
        %add3A_2043 = arith.addf %add3A_1972, %mul3A_2042 : vector<16xf32>
        %mul3A_2044 = arith.mulf %add3A_2041, %add3A_2041 : vector<16xf32>
        %add3A_2045 = arith.addf %add3A_1974, %mul3A_2044 : vector<16xf32>
        %broadcast_in_dim3A_2046 = arith.constant 25 : i32
        %broadcast_in_dim3A_2047 = vector.broadcast %broadcast_in_dim3A_2046 : i32 to vector<16xi32>
        %gather3A_2048 = tpu.vector_load_idx %arg8[%add3A_224, %broadcast_in_dim3A_2047] : memref<112x48xf32, #tpu.memory_space<vmem>>[vector<16xi32>, vector<16xi32>], vector<16xf32>,
        %gather3A_2049 = arith.constant 0 : i32
        %gather3A_2050 = arith.constant 0 : i32
        %gather3A_2051 = arith.constant 0 : i32
        %gather3A_2052 = tpu.memref_slice %arg9[%gather3A_2049, %gather3A_2050, %gather3A_2051] : memref<8x112x48xf32, #tpu.memory_space<vmem>> -> memref<1x112x48xf32, #tpu.memory_space<vmem>>
        %gather3A_2053 = tpu.memref_squeeze %gather3A_2052 : memref<1x112x48xf32, #tpu.memory_space<vmem>> -> memref<112x48xf32, #tpu.memory_space<vmem>>
        %gather3A_2054 = tpu.vector_load_idx %gather3A_2053[%add3A_224, %broadcast_in_dim3A_2047] : memref<112x48xf32, #tpu.memory_space<vmem>>[vector<16xi32>, vector<16xi32>], vector<16xf32>,
        %mul3A_2055 = arith.mulf %get3A_229, %gather3A_2054 : vector<16xf32>
        %add3A_2056 = arith.addf %gather3A_2048, %mul3A_2055 : vector<16xf32>
        %gather3A_2057 = arith.constant 1 : i32
        %gather3A_2058 = arith.constant 0 : i32
        %gather3A_2059 = arith.constant 0 : i32
        %gather3A_2060 = tpu.memref_slice %arg9[%gather3A_2057, %gather3A_2058, %gather3A_2059] : memref<8x112x48xf32, #tpu.memory_space<vmem>> -> memref<1x112x48xf32, #tpu.memory_space<vmem>>
        %gather3A_2061 = tpu.memref_squeeze %gather3A_2060 : memref<1x112x48xf32, #tpu.memory_space<vmem>> -> memref<112x48xf32, #tpu.memory_space<vmem>>
        %gather3A_2062 = tpu.vector_load_idx %gather3A_2061[%add3A_224, %broadcast_in_dim3A_2047] : memref<112x48xf32, #tpu.memory_space<vmem>>[vector<16xi32>, vector<16xi32>], vector<16xf32>,
        %mul3A_2063 = arith.mulf %get3A_235, %gather3A_2062 : vector<16xf32>
        %add3A_2064 = arith.addf %add3A_2056, %mul3A_2063 : vector<16xf32>
        %gather3A_2065 = arith.constant 2 : i32
        %gather3A_2066 = arith.constant 0 : i32
        %gather3A_2067 = arith.constant 0 : i32
        %gather3A_2068 = tpu.memref_slice %arg9[%gather3A_2065, %gather3A_2066, %gather3A_2067] : memref<8x112x48xf32, #tpu.memory_space<vmem>> -> memref<1x112x48xf32, #tpu.memory_space<vmem>>
        %gather3A_2069 = tpu.memref_squeeze %gather3A_2068 : memref<1x112x48xf32, #tpu.memory_space<vmem>> -> memref<112x48xf32, #tpu.memory_space<vmem>>
        %gather3A_2070 = tpu.vector_load_idx %gather3A_2069[%add3A_224, %broadcast_in_dim3A_2047] : memref<112x48xf32, #tpu.memory_space<vmem>>[vector<16xi32>, vector<16xi32>], vector<16xf32>,
        %mul3A_2071 = arith.mulf %get3A_241, %gather3A_2070 : vector<16xf32>
        %add3A_2072 = arith.addf %add3A_2064, %mul3A_2071 : vector<16xf32>
        %gather3A_2073 = arith.constant 3 : i32
        %gather3A_2074 = arith.constant 0 : i32
        %gather3A_2075 = arith.constant 0 : i32
        %gather3A_2076 = tpu.memref_slice %arg9[%gather3A_2073, %gather3A_2074, %gather3A_2075] : memref<8x112x48xf32, #tpu.memory_space<vmem>> -> memref<1x112x48xf32, #tpu.memory_space<vmem>>
        %gather3A_2077 = tpu.memref_squeeze %gather3A_2076 : memref<1x112x48xf32, #tpu.memory_space<vmem>> -> memref<112x48xf32, #tpu.memory_space<vmem>>
        %gather3A_2078 = tpu.vector_load_idx %gather3A_2077[%add3A_224, %broadcast_in_dim3A_2047] : memref<112x48xf32, #tpu.memory_space<vmem>>[vector<16xi32>, vector<16xi32>], vector<16xf32>,
        %mul3A_2079 = arith.mulf %get3A_247, %gather3A_2078 : vector<16xf32>
        %add3A_2080 = arith.addf %add3A_2072, %mul3A_2079 : vector<16xf32>
        %gather3A_2081 = arith.constant 4 : i32
        %gather3A_2082 = arith.constant 0 : i32
        %gather3A_2083 = arith.constant 0 : i32
        %gather3A_2084 = tpu.memref_slice %arg9[%gather3A_2081, %gather3A_2082, %gather3A_2083] : memref<8x112x48xf32, #tpu.memory_space<vmem>> -> memref<1x112x48xf32, #tpu.memory_space<vmem>>
        %gather3A_2085 = tpu.memref_squeeze %gather3A_2084 : memref<1x112x48xf32, #tpu.memory_space<vmem>> -> memref<112x48xf32, #tpu.memory_space<vmem>>
        %gather3A_2086 = tpu.vector_load_idx %gather3A_2085[%add3A_224, %broadcast_in_dim3A_2047] : memref<112x48xf32, #tpu.memory_space<vmem>>[vector<16xi32>, vector<16xi32>], vector<16xf32>,
        %mul3A_2087 = arith.mulf %get3A_253, %gather3A_2086 : vector<16xf32>
        %add3A_2088 = arith.addf %add3A_2080, %mul3A_2087 : vector<16xf32>
        %gather3A_2089 = arith.constant 5 : i32
        %gather3A_2090 = arith.constant 0 : i32
        %gather3A_2091 = arith.constant 0 : i32
        %gather3A_2092 = tpu.memref_slice %arg9[%gather3A_2089, %gather3A_2090, %gather3A_2091] : memref<8x112x48xf32, #tpu.memory_space<vmem>> -> memref<1x112x48xf32, #tpu.memory_space<vmem>>
        %gather3A_2093 = tpu.memref_squeeze %gather3A_2092 : memref<1x112x48xf32, #tpu.memory_space<vmem>> -> memref<112x48xf32, #tpu.memory_space<vmem>>
        %gather3A_2094 = tpu.vector_load_idx %gather3A_2093[%add3A_224, %broadcast_in_dim3A_2047] : memref<112x48xf32, #tpu.memory_space<vmem>>[vector<16xi32>, vector<16xi32>], vector<16xf32>,
        %mul3A_2095 = arith.mulf %get3A_259, %gather3A_2094 : vector<16xf32>
        %add3A_2096 = arith.addf %add3A_2088, %mul3A_2095 : vector<16xf32>
        %gather3A_2097 = arith.constant 6 : i32
        %gather3A_2098 = arith.constant 0 : i32
        %gather3A_2099 = arith.constant 0 : i32
        %gather3A_2100 = tpu.memref_slice %arg9[%gather3A_2097, %gather3A_2098, %gather3A_2099] : memref<8x112x48xf32, #tpu.memory_space<vmem>> -> memref<1x112x48xf32, #tpu.memory_space<vmem>>
        %gather3A_2101 = tpu.memref_squeeze %gather3A_2100 : memref<1x112x48xf32, #tpu.memory_space<vmem>> -> memref<112x48xf32, #tpu.memory_space<vmem>>
        %gather3A_2102 = tpu.vector_load_idx %gather3A_2101[%add3A_224, %broadcast_in_dim3A_2047] : memref<112x48xf32, #tpu.memory_space<vmem>>[vector<16xi32>, vector<16xi32>], vector<16xf32>,
        %mul3A_2103 = arith.mulf %get3A_265, %gather3A_2102 : vector<16xf32>
        %add3A_2104 = arith.addf %add3A_2096, %mul3A_2103 : vector<16xf32>
        %gather3A_2105 = arith.constant 7 : i32
        %gather3A_2106 = arith.constant 0 : i32
        %gather3A_2107 = arith.constant 0 : i32
        %gather3A_2108 = tpu.memref_slice %arg9[%gather3A_2105, %gather3A_2106, %gather3A_2107] : memref<8x112x48xf32, #tpu.memory_space<vmem>> -> memref<1x112x48xf32, #tpu.memory_space<vmem>>
        %gather3A_2109 = tpu.memref_squeeze %gather3A_2108 : memref<1x112x48xf32, #tpu.memory_space<vmem>> -> memref<112x48xf32, #tpu.memory_space<vmem>>
        %gather3A_2110 = tpu.vector_load_idx %gather3A_2109[%add3A_224, %broadcast_in_dim3A_2047] : memref<112x48xf32, #tpu.memory_space<vmem>>[vector<16xi32>, vector<16xi32>], vector<16xf32>,
        %mul3A_2111 = arith.mulf %get3A_271, %gather3A_2110 : vector<16xf32>
        %add3A_2112 = arith.addf %add3A_2104, %mul3A_2111 : vector<16xf32>
        %mul3A_2113 = arith.mulf %gather3A_2048, %gather3A_2048 : vector<16xf32>
        %add3A_2114 = arith.addf %add3A_2043, %mul3A_2113 : vector<16xf32>
        %mul3A_2115 = arith.mulf %add3A_2112, %add3A_2112 : vector<16xf32>
        %add3A_2116 = arith.addf %add3A_2045, %mul3A_2115 : vector<16xf32>
        %broadcast_in_dim3A_2117 = arith.constant 26 : i32
        %broadcast_in_dim3A_2118 = vector.broadcast %broadcast_in_dim3A_2117 : i32 to vector<16xi32>
        %gather3A_2119 = tpu.vector_load_idx %arg8[%add3A_224, %broadcast_in_dim3A_2118] : memref<112x48xf32, #tpu.memory_space<vmem>>[vector<16xi32>, vector<16xi32>], vector<16xf32>,
        %gather3A_2120 = arith.constant 0 : i32
        %gather3A_2121 = arith.constant 0 : i32
        %gather3A_2122 = arith.constant 0 : i32
        %gather3A_2123 = tpu.memref_slice %arg9[%gather3A_2120, %gather3A_2121, %gather3A_2122] : memref<8x112x48xf32, #tpu.memory_space<vmem>> -> memref<1x112x48xf32, #tpu.memory_space<vmem>>
        %gather3A_2124 = tpu.memref_squeeze %gather3A_2123 : memref<1x112x48xf32, #tpu.memory_space<vmem>> -> memref<112x48xf32, #tpu.memory_space<vmem>>
        %gather3A_2125 = tpu.vector_load_idx %gather3A_2124[%add3A_224, %broadcast_in_dim3A_2118] : memref<112x48xf32, #tpu.memory_space<vmem>>[vector<16xi32>, vector<16xi32>], vector<16xf32>,
        %mul3A_2126 = arith.mulf %get3A_229, %gather3A_2125 : vector<16xf32>
        %add3A_2127 = arith.addf %gather3A_2119, %mul3A_2126 : vector<16xf32>
        %gather3A_2128 = arith.constant 1 : i32
        %gather3A_2129 = arith.constant 0 : i32
        %gather3A_2130 = arith.constant 0 : i32
        %gather3A_2131 = tpu.memref_slice %arg9[%gather3A_2128, %gather3A_2129, %gather3A_2130] : memref<8x112x48xf32, #tpu.memory_space<vmem>> -> memref<1x112x48xf32, #tpu.memory_space<vmem>>
        %gather3A_2132 = tpu.memref_squeeze %gather3A_2131 : memref<1x112x48xf32, #tpu.memory_space<vmem>> -> memref<112x48xf32, #tpu.memory_space<vmem>>
        %gather3A_2133 = tpu.vector_load_idx %gather3A_2132[%add3A_224, %broadcast_in_dim3A_2118] : memref<112x48xf32, #tpu.memory_space<vmem>>[vector<16xi32>, vector<16xi32>], vector<16xf32>,
        %mul3A_2134 = arith.mulf %get3A_235, %gather3A_2133 : vector<16xf32>
        %add3A_2135 = arith.addf %add3A_2127, %mul3A_2134 : vector<16xf32>
        %gather3A_2136 = arith.constant 2 : i32
        %gather3A_2137 = arith.constant 0 : i32
        %gather3A_2138 = arith.constant 0 : i32
        %gather3A_2139 = tpu.memref_slice %arg9[%gather3A_2136, %gather3A_2137, %gather3A_2138] : memref<8x112x48xf32, #tpu.memory_space<vmem>> -> memref<1x112x48xf32, #tpu.memory_space<vmem>>
        %gather3A_2140 = tpu.memref_squeeze %gather3A_2139 : memref<1x112x48xf32, #tpu.memory_space<vmem>> -> memref<112x48xf32, #tpu.memory_space<vmem>>
        %gather3A_2141 = tpu.vector_load_idx %gather3A_2140[%add3A_224, %broadcast_in_dim3A_2118] : memref<112x48xf32, #tpu.memory_space<vmem>>[vector<16xi32>, vector<16xi32>], vector<16xf32>,
        %mul3A_2142 = arith.mulf %get3A_241, %gather3A_2141 : vector<16xf32>
        %add3A_2143 = arith.addf %add3A_2135, %mul3A_2142 : vector<16xf32>
        %gather3A_2144 = arith.constant 3 : i32
        %gather3A_2145 = arith.constant 0 : i32
        %gather3A_2146 = arith.constant 0 : i32
        %gather3A_2147 = tpu.memref_slice %arg9[%gather3A_2144, %gather3A_2145, %gather3A_2146] : memref<8x112x48xf32, #tpu.memory_space<vmem>> -> memref<1x112x48xf32, #tpu.memory_space<vmem>>
        %gather3A_2148 = tpu.memref_squeeze %gather3A_2147 : memref<1x112x48xf32, #tpu.memory_space<vmem>> -> memref<112x48xf32, #tpu.memory_space<vmem>>
        %gather3A_2149 = tpu.vector_load_idx %gather3A_2148[%add3A_224, %broadcast_in_dim3A_2118] : memref<112x48xf32, #tpu.memory_space<vmem>>[vector<16xi32>, vector<16xi32>], vector<16xf32>,
        %mul3A_2150 = arith.mulf %get3A_247, %gather3A_2149 : vector<16xf32>
        %add3A_2151 = arith.addf %add3A_2143, %mul3A_2150 : vector<16xf32>
        %gather3A_2152 = arith.constant 4 : i32
        %gather3A_2153 = arith.constant 0 : i32
        %gather3A_2154 = arith.constant 0 : i32
        %gather3A_2155 = tpu.memref_slice %arg9[%gather3A_2152, %gather3A_2153, %gather3A_2154] : memref<8x112x48xf32, #tpu.memory_space<vmem>> -> memref<1x112x48xf32, #tpu.memory_space<vmem>>
        %gather3A_2156 = tpu.memref_squeeze %gather3A_2155 : memref<1x112x48xf32, #tpu.memory_space<vmem>> -> memref<112x48xf32, #tpu.memory_space<vmem>>
        %gather3A_2157 = tpu.vector_load_idx %gather3A_2156[%add3A_224, %broadcast_in_dim3A_2118] : memref<112x48xf32, #tpu.memory_space<vmem>>[vector<16xi32>, vector<16xi32>], vector<16xf32>,
        %mul3A_2158 = arith.mulf %get3A_253, %gather3A_2157 : vector<16xf32>
        %add3A_2159 = arith.addf %add3A_2151, %mul3A_2158 : vector<16xf32>
        %gather3A_2160 = arith.constant 5 : i32
        %gather3A_2161 = arith.constant 0 : i32
        %gather3A_2162 = arith.constant 0 : i32
        %gather3A_2163 = tpu.memref_slice %arg9[%gather3A_2160, %gather3A_2161, %gather3A_2162] : memref<8x112x48xf32, #tpu.memory_space<vmem>> -> memref<1x112x48xf32, #tpu.memory_space<vmem>>
        %gather3A_2164 = tpu.memref_squeeze %gather3A_2163 : memref<1x112x48xf32, #tpu.memory_space<vmem>> -> memref<112x48xf32, #tpu.memory_space<vmem>>
        %gather3A_2165 = tpu.vector_load_idx %gather3A_2164[%add3A_224, %broadcast_in_dim3A_2118] : memref<112x48xf32, #tpu.memory_space<vmem>>[vector<16xi32>, vector<16xi32>], vector<16xf32>,
        %mul3A_2166 = arith.mulf %get3A_259, %gather3A_2165 : vector<16xf32>
        %add3A_2167 = arith.addf %add3A_2159, %mul3A_2166 : vector<16xf32>
        %gather3A_2168 = arith.constant 6 : i32
        %gather3A_2169 = arith.constant 0 : i32
        %gather3A_2170 = arith.constant 0 : i32
        %gather3A_2171 = tpu.memref_slice %arg9[%gather3A_2168, %gather3A_2169, %gather3A_2170] : memref<8x112x48xf32, #tpu.memory_space<vmem>> -> memref<1x112x48xf32, #tpu.memory_space<vmem>>
        %gather3A_2172 = tpu.memref_squeeze %gather3A_2171 : memref<1x112x48xf32, #tpu.memory_space<vmem>> -> memref<112x48xf32, #tpu.memory_space<vmem>>
        %gather3A_2173 = tpu.vector_load_idx %gather3A_2172[%add3A_224, %broadcast_in_dim3A_2118] : memref<112x48xf32, #tpu.memory_space<vmem>>[vector<16xi32>, vector<16xi32>], vector<16xf32>,
        %mul3A_2174 = arith.mulf %get3A_265, %gather3A_2173 : vector<16xf32>
        %add3A_2175 = arith.addf %add3A_2167, %mul3A_2174 : vector<16xf32>
        %gather3A_2176 = arith.constant 7 : i32
        %gather3A_2177 = arith.constant 0 : i32
        %gather3A_2178 = arith.constant 0 : i32
        %gather3A_2179 = tpu.memref_slice %arg9[%gather3A_2176, %gather3A_2177, %gather3A_2178] : memref<8x112x48xf32, #tpu.memory_space<vmem>> -> memref<1x112x48xf32, #tpu.memory_space<vmem>>
        %gather3A_2180 = tpu.memref_squeeze %gather3A_2179 : memref<1x112x48xf32, #tpu.memory_space<vmem>> -> memref<112x48xf32, #tpu.memory_space<vmem>>
        %gather3A_2181 = tpu.vector_load_idx %gather3A_2180[%add3A_224, %broadcast_in_dim3A_2118] : memref<112x48xf32, #tpu.memory_space<vmem>>[vector<16xi32>, vector<16xi32>], vector<16xf32>,
        %mul3A_2182 = arith.mulf %get3A_271, %gather3A_2181 : vector<16xf32>
        %add3A_2183 = arith.addf %add3A_2175, %mul3A_2182 : vector<16xf32>
        %mul3A_2184 = arith.mulf %gather3A_2119, %gather3A_2119 : vector<16xf32>
        %add3A_2185 = arith.addf %add3A_2114, %mul3A_2184 : vector<16xf32>
        %mul3A_2186 = arith.mulf %add3A_2183, %add3A_2183 : vector<16xf32>
        %add3A_2187 = arith.addf %add3A_2116, %mul3A_2186 : vector<16xf32>
        %broadcast_in_dim3A_2188 = arith.constant 27 : i32
        %broadcast_in_dim3A_2189 = vector.broadcast %broadcast_in_dim3A_2188 : i32 to vector<16xi32>
        %gather3A_2190 = tpu.vector_load_idx %arg8[%add3A_224, %broadcast_in_dim3A_2189] : memref<112x48xf32, #tpu.memory_space<vmem>>[vector<16xi32>, vector<16xi32>], vector<16xf32>,
        %gather3A_2191 = arith.constant 0 : i32
        %gather3A_2192 = arith.constant 0 : i32
        %gather3A_2193 = arith.constant 0 : i32
        %gather3A_2194 = tpu.memref_slice %arg9[%gather3A_2191, %gather3A_2192, %gather3A_2193] : memref<8x112x48xf32, #tpu.memory_space<vmem>> -> memref<1x112x48xf32, #tpu.memory_space<vmem>>
        %gather3A_2195 = tpu.memref_squeeze %gather3A_2194 : memref<1x112x48xf32, #tpu.memory_space<vmem>> -> memref<112x48xf32, #tpu.memory_space<vmem>>
        %gather3A_2196 = tpu.vector_load_idx %gather3A_2195[%add3A_224, %broadcast_in_dim3A_2189] : memref<112x48xf32, #tpu.memory_space<vmem>>[vector<16xi32>, vector<16xi32>], vector<16xf32>,
        %mul3A_2197 = arith.mulf %get3A_229, %gather3A_2196 : vector<16xf32>
        %add3A_2198 = arith.addf %gather3A_2190, %mul3A_2197 : vector<16xf32>
        %gather3A_2199 = arith.constant 1 : i32
        %gather3A_2200 = arith.constant 0 : i32
        %gather3A_2201 = arith.constant 0 : i32
        %gather3A_2202 = tpu.memref_slice %arg9[%gather3A_2199, %gather3A_2200, %gather3A_2201] : memref<8x112x48xf32, #tpu.memory_space<vmem>> -> memref<1x112x48xf32, #tpu.memory_space<vmem>>
        %gather3A_2203 = tpu.memref_squeeze %gather3A_2202 : memref<1x112x48xf32, #tpu.memory_space<vmem>> -> memref<112x48xf32, #tpu.memory_space<vmem>>
        %gather3A_2204 = tpu.vector_load_idx %gather3A_2203[%add3A_224, %broadcast_in_dim3A_2189] : memref<112x48xf32, #tpu.memory_space<vmem>>[vector<16xi32>, vector<16xi32>], vector<16xf32>,
        %mul3A_2205 = arith.mulf %get3A_235, %gather3A_2204 : vector<16xf32>
        %add3A_2206 = arith.addf %add3A_2198, %mul3A_2205 : vector<16xf32>
        %gather3A_2207 = arith.constant 2 : i32
        %gather3A_2208 = arith.constant 0 : i32
        %gather3A_2209 = arith.constant 0 : i32
        %gather3A_2210 = tpu.memref_slice %arg9[%gather3A_2207, %gather3A_2208, %gather3A_2209] : memref<8x112x48xf32, #tpu.memory_space<vmem>> -> memref<1x112x48xf32, #tpu.memory_space<vmem>>
        %gather3A_2211 = tpu.memref_squeeze %gather3A_2210 : memref<1x112x48xf32, #tpu.memory_space<vmem>> -> memref<112x48xf32, #tpu.memory_space<vmem>>
        %gather3A_2212 = tpu.vector_load_idx %gather3A_2211[%add3A_224, %broadcast_in_dim3A_2189] : memref<112x48xf32, #tpu.memory_space<vmem>>[vector<16xi32>, vector<16xi32>], vector<16xf32>,
        %mul3A_2213 = arith.mulf %get3A_241, %gather3A_2212 : vector<16xf32>
        %add3A_2214 = arith.addf %add3A_2206, %mul3A_2213 : vector<16xf32>
        %gather3A_2215 = arith.constant 3 : i32
        %gather3A_2216 = arith.constant 0 : i32
        %gather3A_2217 = arith.constant 0 : i32
        %gather3A_2218 = tpu.memref_slice %arg9[%gather3A_2215, %gather3A_2216, %gather3A_2217] : memref<8x112x48xf32, #tpu.memory_space<vmem>> -> memref<1x112x48xf32, #tpu.memory_space<vmem>>
        %gather3A_2219 = tpu.memref_squeeze %gather3A_2218 : memref<1x112x48xf32, #tpu.memory_space<vmem>> -> memref<112x48xf32, #tpu.memory_space<vmem>>
        %gather3A_2220 = tpu.vector_load_idx %gather3A_2219[%add3A_224, %broadcast_in_dim3A_2189] : memref<112x48xf32, #tpu.memory_space<vmem>>[vector<16xi32>, vector<16xi32>], vector<16xf32>,
        %mul3A_2221 = arith.mulf %get3A_247, %gather3A_2220 : vector<16xf32>
        %add3A_2222 = arith.addf %add3A_2214, %mul3A_2221 : vector<16xf32>
        %gather3A_2223 = arith.constant 4 : i32
        %gather3A_2224 = arith.constant 0 : i32
        %gather3A_2225 = arith.constant 0 : i32
        %gather3A_2226 = tpu.memref_slice %arg9[%gather3A_2223, %gather3A_2224, %gather3A_2225] : memref<8x112x48xf32, #tpu.memory_space<vmem>> -> memref<1x112x48xf32, #tpu.memory_space<vmem>>
        %gather3A_2227 = tpu.memref_squeeze %gather3A_2226 : memref<1x112x48xf32, #tpu.memory_space<vmem>> -> memref<112x48xf32, #tpu.memory_space<vmem>>
        %gather3A_2228 = tpu.vector_load_idx %gather3A_2227[%add3A_224, %broadcast_in_dim3A_2189] : memref<112x48xf32, #tpu.memory_space<vmem>>[vector<16xi32>, vector<16xi32>], vector<16xf32>,
        %mul3A_2229 = arith.mulf %get3A_253, %gather3A_2228 : vector<16xf32>
        %add3A_2230 = arith.addf %add3A_2222, %mul3A_2229 : vector<16xf32>
        %gather3A_2231 = arith.constant 5 : i32
        %gather3A_2232 = arith.constant 0 : i32
        %gather3A_2233 = arith.constant 0 : i32
        %gather3A_2234 = tpu.memref_slice %arg9[%gather3A_2231, %gather3A_2232, %gather3A_2233] : memref<8x112x48xf32, #tpu.memory_space<vmem>> -> memref<1x112x48xf32, #tpu.memory_space<vmem>>
        %gather3A_2235 = tpu.memref_squeeze %gather3A_2234 : memref<1x112x48xf32, #tpu.memory_space<vmem>> -> memref<112x48xf32, #tpu.memory_space<vmem>>
        %gather3A_2236 = tpu.vector_load_idx %gather3A_2235[%add3A_224, %broadcast_in_dim3A_2189] : memref<112x48xf32, #tpu.memory_space<vmem>>[vector<16xi32>, vector<16xi32>], vector<16xf32>,
        %mul3A_2237 = arith.mulf %get3A_259, %gather3A_2236 : vector<16xf32>
        %add3A_2238 = arith.addf %add3A_2230, %mul3A_2237 : vector<16xf32>
        %gather3A_2239 = arith.constant 6 : i32
        %gather3A_2240 = arith.constant 0 : i32
        %gather3A_2241 = arith.constant 0 : i32
        %gather3A_2242 = tpu.memref_slice %arg9[%gather3A_2239, %gather3A_2240, %gather3A_2241] : memref<8x112x48xf32, #tpu.memory_space<vmem>> -> memref<1x112x48xf32, #tpu.memory_space<vmem>>
        %gather3A_2243 = tpu.memref_squeeze %gather3A_2242 : memref<1x112x48xf32, #tpu.memory_space<vmem>> -> memref<112x48xf32, #tpu.memory_space<vmem>>
        %gather3A_2244 = tpu.vector_load_idx %gather3A_2243[%add3A_224, %broadcast_in_dim3A_2189] : memref<112x48xf32, #tpu.memory_space<vmem>>[vector<16xi32>, vector<16xi32>], vector<16xf32>,
        %mul3A_2245 = arith.mulf %get3A_265, %gather3A_2244 : vector<16xf32>
        %add3A_2246 = arith.addf %add3A_2238, %mul3A_2245 : vector<16xf32>
        %gather3A_2247 = arith.constant 7 : i32
        %gather3A_2248 = arith.constant 0 : i32
        %gather3A_2249 = arith.constant 0 : i32
        %gather3A_2250 = tpu.memref_slice %arg9[%gather3A_2247, %gather3A_2248, %gather3A_2249] : memref<8x112x48xf32, #tpu.memory_space<vmem>> -> memref<1x112x48xf32, #tpu.memory_space<vmem>>
        %gather3A_2251 = tpu.memref_squeeze %gather3A_2250 : memref<1x112x48xf32, #tpu.memory_space<vmem>> -> memref<112x48xf32, #tpu.memory_space<vmem>>
        %gather3A_2252 = tpu.vector_load_idx %gather3A_2251[%add3A_224, %broadcast_in_dim3A_2189] : memref<112x48xf32, #tpu.memory_space<vmem>>[vector<16xi32>, vector<16xi32>], vector<16xf32>,
        %mul3A_2253 = arith.mulf %get3A_271, %gather3A_2252 : vector<16xf32>
        %add3A_2254 = arith.addf %add3A_2246, %mul3A_2253 : vector<16xf32>
        %mul3A_2255 = arith.mulf %gather3A_2190, %gather3A_2190 : vector<16xf32>
        %add3A_2256 = arith.addf %add3A_2185, %mul3A_2255 : vector<16xf32>
        %mul3A_2257 = arith.mulf %add3A_2254, %add3A_2254 : vector<16xf32>
        %add3A_2258 = arith.addf %add3A_2187, %mul3A_2257 : vector<16xf32>
        %broadcast_in_dim3A_2259 = arith.constant 28 : i32
        %broadcast_in_dim3A_2260 = vector.broadcast %broadcast_in_dim3A_2259 : i32 to vector<16xi32>
        %gather3A_2261 = tpu.vector_load_idx %arg8[%add3A_224, %broadcast_in_dim3A_2260] : memref<112x48xf32, #tpu.memory_space<vmem>>[vector<16xi32>, vector<16xi32>], vector<16xf32>,
        %gather3A_2262 = arith.constant 0 : i32
        %gather3A_2263 = arith.constant 0 : i32
        %gather3A_2264 = arith.constant 0 : i32
        %gather3A_2265 = tpu.memref_slice %arg9[%gather3A_2262, %gather3A_2263, %gather3A_2264] : memref<8x112x48xf32, #tpu.memory_space<vmem>> -> memref<1x112x48xf32, #tpu.memory_space<vmem>>
        %gather3A_2266 = tpu.memref_squeeze %gather3A_2265 : memref<1x112x48xf32, #tpu.memory_space<vmem>> -> memref<112x48xf32, #tpu.memory_space<vmem>>
        %gather3A_2267 = tpu.vector_load_idx %gather3A_2266[%add3A_224, %broadcast_in_dim3A_2260] : memref<112x48xf32, #tpu.memory_space<vmem>>[vector<16xi32>, vector<16xi32>], vector<16xf32>,
        %mul3A_2268 = arith.mulf %get3A_229, %gather3A_2267 : vector<16xf32>
        %add3A_2269 = arith.addf %gather3A_2261, %mul3A_2268 : vector<16xf32>
        %gather3A_2270 = arith.constant 1 : i32
        %gather3A_2271 = arith.constant 0 : i32
        %gather3A_2272 = arith.constant 0 : i32
        %gather3A_2273 = tpu.memref_slice %arg9[%gather3A_2270, %gather3A_2271, %gather3A_2272] : memref<8x112x48xf32, #tpu.memory_space<vmem>> -> memref<1x112x48xf32, #tpu.memory_space<vmem>>
        %gather3A_2274 = tpu.memref_squeeze %gather3A_2273 : memref<1x112x48xf32, #tpu.memory_space<vmem>> -> memref<112x48xf32, #tpu.memory_space<vmem>>
        %gather3A_2275 = tpu.vector_load_idx %gather3A_2274[%add3A_224, %broadcast_in_dim3A_2260] : memref<112x48xf32, #tpu.memory_space<vmem>>[vector<16xi32>, vector<16xi32>], vector<16xf32>,
        %mul3A_2276 = arith.mulf %get3A_235, %gather3A_2275 : vector<16xf32>
        %add3A_2277 = arith.addf %add3A_2269, %mul3A_2276 : vector<16xf32>
        %gather3A_2278 = arith.constant 2 : i32
        %gather3A_2279 = arith.constant 0 : i32
        %gather3A_2280 = arith.constant 0 : i32
        %gather3A_2281 = tpu.memref_slice %arg9[%gather3A_2278, %gather3A_2279, %gather3A_2280] : memref<8x112x48xf32, #tpu.memory_space<vmem>> -> memref<1x112x48xf32, #tpu.memory_space<vmem>>
        %gather3A_2282 = tpu.memref_squeeze %gather3A_2281 : memref<1x112x48xf32, #tpu.memory_space<vmem>> -> memref<112x48xf32, #tpu.memory_space<vmem>>
        %gather3A_2283 = tpu.vector_load_idx %gather3A_2282[%add3A_224, %broadcast_in_dim3A_2260] : memref<112x48xf32, #tpu.memory_space<vmem>>[vector<16xi32>, vector<16xi32>], vector<16xf32>,
        %mul3A_2284 = arith.mulf %get3A_241, %gather3A_2283 : vector<16xf32>
        %add3A_2285 = arith.addf %add3A_2277, %mul3A_2284 : vector<16xf32>
        %gather3A_2286 = arith.constant 3 : i32
        %gather3A_2287 = arith.constant 0 : i32
        %gather3A_2288 = arith.constant 0 : i32
        %gather3A_2289 = tpu.memref_slice %arg9[%gather3A_2286, %gather3A_2287, %gather3A_2288] : memref<8x112x48xf32, #tpu.memory_space<vmem>> -> memref<1x112x48xf32, #tpu.memory_space<vmem>>
        %gather3A_2290 = tpu.memref_squeeze %gather3A_2289 : memref<1x112x48xf32, #tpu.memory_space<vmem>> -> memref<112x48xf32, #tpu.memory_space<vmem>>
        %gather3A_2291 = tpu.vector_load_idx %gather3A_2290[%add3A_224, %broadcast_in_dim3A_2260] : memref<112x48xf32, #tpu.memory_space<vmem>>[vector<16xi32>, vector<16xi32>], vector<16xf32>,
        %mul3A_2292 = arith.mulf %get3A_247, %gather3A_2291 : vector<16xf32>
        %add3A_2293 = arith.addf %add3A_2285, %mul3A_2292 : vector<16xf32>
        %gather3A_2294 = arith.constant 4 : i32
        %gather3A_2295 = arith.constant 0 : i32
        %gather3A_2296 = arith.constant 0 : i32
        %gather3A_2297 = tpu.memref_slice %arg9[%gather3A_2294, %gather3A_2295, %gather3A_2296] : memref<8x112x48xf32, #tpu.memory_space<vmem>> -> memref<1x112x48xf32, #tpu.memory_space<vmem>>
        %gather3A_2298 = tpu.memref_squeeze %gather3A_2297 : memref<1x112x48xf32, #tpu.memory_space<vmem>> -> memref<112x48xf32, #tpu.memory_space<vmem>>
        %gather3A_2299 = tpu.vector_load_idx %gather3A_2298[%add3A_224, %broadcast_in_dim3A_2260] : memref<112x48xf32, #tpu.memory_space<vmem>>[vector<16xi32>, vector<16xi32>], vector<16xf32>,
        %mul3A_2300 = arith.mulf %get3A_253, %gather3A_2299 : vector<16xf32>
        %add3A_2301 = arith.addf %add3A_2293, %mul3A_2300 : vector<16xf32>
        %gather3A_2302 = arith.constant 5 : i32
        %gather3A_2303 = arith.constant 0 : i32
        %gather3A_2304 = arith.constant 0 : i32
        %gather3A_2305 = tpu.memref_slice %arg9[%gather3A_2302, %gather3A_2303, %gather3A_2304] : memref<8x112x48xf32, #tpu.memory_space<vmem>> -> memref<1x112x48xf32, #tpu.memory_space<vmem>>
        %gather3A_2306 = tpu.memref_squeeze %gather3A_2305 : memref<1x112x48xf32, #tpu.memory_space<vmem>> -> memref<112x48xf32, #tpu.memory_space<vmem>>
        %gather3A_2307 = tpu.vector_load_idx %gather3A_2306[%add3A_224, %broadcast_in_dim3A_2260] : memref<112x48xf32, #tpu.memory_space<vmem>>[vector<16xi32>, vector<16xi32>], vector<16xf32>,
        %mul3A_2308 = arith.mulf %get3A_259, %gather3A_2307 : vector<16xf32>
        %add3A_2309 = arith.addf %add3A_2301, %mul3A_2308 : vector<16xf32>
        %gather3A_2310 = arith.constant 6 : i32
        %gather3A_2311 = arith.constant 0 : i32
        %gather3A_2312 = arith.constant 0 : i32
        %gather3A_2313 = tpu.memref_slice %arg9[%gather3A_2310, %gather3A_2311, %gather3A_2312] : memref<8x112x48xf32, #tpu.memory_space<vmem>> -> memref<1x112x48xf32, #tpu.memory_space<vmem>>
        %gather3A_2314 = tpu.memref_squeeze %gather3A_2313 : memref<1x112x48xf32, #tpu.memory_space<vmem>> -> memref<112x48xf32, #tpu.memory_space<vmem>>
        %gather3A_2315 = tpu.vector_load_idx %gather3A_2314[%add3A_224, %broadcast_in_dim3A_2260] : memref<112x48xf32, #tpu.memory_space<vmem>>[vector<16xi32>, vector<16xi32>], vector<16xf32>,
        %mul3A_2316 = arith.mulf %get3A_265, %gather3A_2315 : vector<16xf32>
        %add3A_2317 = arith.addf %add3A_2309, %mul3A_2316 : vector<16xf32>
        %gather3A_2318 = arith.constant 7 : i32
        %gather3A_2319 = arith.constant 0 : i32
        %gather3A_2320 = arith.constant 0 : i32
        %gather3A_2321 = tpu.memref_slice %arg9[%gather3A_2318, %gather3A_2319, %gather3A_2320] : memref<8x112x48xf32, #tpu.memory_space<vmem>> -> memref<1x112x48xf32, #tpu.memory_space<vmem>>
        %gather3A_2322 = tpu.memref_squeeze %gather3A_2321 : memref<1x112x48xf32, #tpu.memory_space<vmem>> -> memref<112x48xf32, #tpu.memory_space<vmem>>
        %gather3A_2323 = tpu.vector_load_idx %gather3A_2322[%add3A_224, %broadcast_in_dim3A_2260] : memref<112x48xf32, #tpu.memory_space<vmem>>[vector<16xi32>, vector<16xi32>], vector<16xf32>,
        %mul3A_2324 = arith.mulf %get3A_271, %gather3A_2323 : vector<16xf32>
        %add3A_2325 = arith.addf %add3A_2317, %mul3A_2324 : vector<16xf32>
        %mul3A_2326 = arith.mulf %gather3A_2261, %gather3A_2261 : vector<16xf32>
        %add3A_2327 = arith.addf %add3A_2256, %mul3A_2326 : vector<16xf32>
        %mul3A_2328 = arith.mulf %add3A_2325, %add3A_2325 : vector<16xf32>
        %add3A_2329 = arith.addf %add3A_2258, %mul3A_2328 : vector<16xf32>
        %broadcast_in_dim3A_2330 = arith.constant 29 : i32
        %broadcast_in_dim3A_2331 = vector.broadcast %broadcast_in_dim3A_2330 : i32 to vector<16xi32>
        %gather3A_2332 = tpu.vector_load_idx %arg8[%add3A_224, %broadcast_in_dim3A_2331] : memref<112x48xf32, #tpu.memory_space<vmem>>[vector<16xi32>, vector<16xi32>], vector<16xf32>,
        %gather3A_2333 = arith.constant 0 : i32
        %gather3A_2334 = arith.constant 0 : i32
        %gather3A_2335 = arith.constant 0 : i32
        %gather3A_2336 = tpu.memref_slice %arg9[%gather3A_2333, %gather3A_2334, %gather3A_2335] : memref<8x112x48xf32, #tpu.memory_space<vmem>> -> memref<1x112x48xf32, #tpu.memory_space<vmem>>
        %gather3A_2337 = tpu.memref_squeeze %gather3A_2336 : memref<1x112x48xf32, #tpu.memory_space<vmem>> -> memref<112x48xf32, #tpu.memory_space<vmem>>
        %gather3A_2338 = tpu.vector_load_idx %gather3A_2337[%add3A_224, %broadcast_in_dim3A_2331] : memref<112x48xf32, #tpu.memory_space<vmem>>[vector<16xi32>, vector<16xi32>], vector<16xf32>,
        %mul3A_2339 = arith.mulf %get3A_229, %gather3A_2338 : vector<16xf32>
        %add3A_2340 = arith.addf %gather3A_2332, %mul3A_2339 : vector<16xf32>
        %gather3A_2341 = arith.constant 1 : i32
        %gather3A_2342 = arith.constant 0 : i32
        %gather3A_2343 = arith.constant 0 : i32
        %gather3A_2344 = tpu.memref_slice %arg9[%gather3A_2341, %gather3A_2342, %gather3A_2343] : memref<8x112x48xf32, #tpu.memory_space<vmem>> -> memref<1x112x48xf32, #tpu.memory_space<vmem>>
        %gather3A_2345 = tpu.memref_squeeze %gather3A_2344 : memref<1x112x48xf32, #tpu.memory_space<vmem>> -> memref<112x48xf32, #tpu.memory_space<vmem>>
        %gather3A_2346 = tpu.vector_load_idx %gather3A_2345[%add3A_224, %broadcast_in_dim3A_2331] : memref<112x48xf32, #tpu.memory_space<vmem>>[vector<16xi32>, vector<16xi32>], vector<16xf32>,
        %mul3A_2347 = arith.mulf %get3A_235, %gather3A_2346 : vector<16xf32>
        %add3A_2348 = arith.addf %add3A_2340, %mul3A_2347 : vector<16xf32>
        %gather3A_2349 = arith.constant 2 : i32
        %gather3A_2350 = arith.constant 0 : i32
        %gather3A_2351 = arith.constant 0 : i32
        %gather3A_2352 = tpu.memref_slice %arg9[%gather3A_2349, %gather3A_2350, %gather3A_2351] : memref<8x112x48xf32, #tpu.memory_space<vmem>> -> memref<1x112x48xf32, #tpu.memory_space<vmem>>
        %gather3A_2353 = tpu.memref_squeeze %gather3A_2352 : memref<1x112x48xf32, #tpu.memory_space<vmem>> -> memref<112x48xf32, #tpu.memory_space<vmem>>
        %gather3A_2354 = tpu.vector_load_idx %gather3A_2353[%add3A_224, %broadcast_in_dim3A_2331] : memref<112x48xf32, #tpu.memory_space<vmem>>[vector<16xi32>, vector<16xi32>], vector<16xf32>,
        %mul3A_2355 = arith.mulf %get3A_241, %gather3A_2354 : vector<16xf32>
        %add3A_2356 = arith.addf %add3A_2348, %mul3A_2355 : vector<16xf32>
        %gather3A_2357 = arith.constant 3 : i32
        %gather3A_2358 = arith.constant 0 : i32
        %gather3A_2359 = arith.constant 0 : i32
        %gather3A_2360 = tpu.memref_slice %arg9[%gather3A_2357, %gather3A_2358, %gather3A_2359] : memref<8x112x48xf32, #tpu.memory_space<vmem>> -> memref<1x112x48xf32, #tpu.memory_space<vmem>>
        %gather3A_2361 = tpu.memref_squeeze %gather3A_2360 : memref<1x112x48xf32, #tpu.memory_space<vmem>> -> memref<112x48xf32, #tpu.memory_space<vmem>>
        %gather3A_2362 = tpu.vector_load_idx %gather3A_2361[%add3A_224, %broadcast_in_dim3A_2331] : memref<112x48xf32, #tpu.memory_space<vmem>>[vector<16xi32>, vector<16xi32>], vector<16xf32>,
        %mul3A_2363 = arith.mulf %get3A_247, %gather3A_2362 : vector<16xf32>
        %add3A_2364 = arith.addf %add3A_2356, %mul3A_2363 : vector<16xf32>
        %gather3A_2365 = arith.constant 4 : i32
        %gather3A_2366 = arith.constant 0 : i32
        %gather3A_2367 = arith.constant 0 : i32
        %gather3A_2368 = tpu.memref_slice %arg9[%gather3A_2365, %gather3A_2366, %gather3A_2367] : memref<8x112x48xf32, #tpu.memory_space<vmem>> -> memref<1x112x48xf32, #tpu.memory_space<vmem>>
        %gather3A_2369 = tpu.memref_squeeze %gather3A_2368 : memref<1x112x48xf32, #tpu.memory_space<vmem>> -> memref<112x48xf32, #tpu.memory_space<vmem>>
        %gather3A_2370 = tpu.vector_load_idx %gather3A_2369[%add3A_224, %broadcast_in_dim3A_2331] : memref<112x48xf32, #tpu.memory_space<vmem>>[vector<16xi32>, vector<16xi32>], vector<16xf32>,
        %mul3A_2371 = arith.mulf %get3A_253, %gather3A_2370 : vector<16xf32>
        %add3A_2372 = arith.addf %add3A_2364, %mul3A_2371 : vector<16xf32>
        %gather3A_2373 = arith.constant 5 : i32
        %gather3A_2374 = arith.constant 0 : i32
        %gather3A_2375 = arith.constant 0 : i32
        %gather3A_2376 = tpu.memref_slice %arg9[%gather3A_2373, %gather3A_2374, %gather3A_2375] : memref<8x112x48xf32, #tpu.memory_space<vmem>> -> memref<1x112x48xf32, #tpu.memory_space<vmem>>
        %gather3A_2377 = tpu.memref_squeeze %gather3A_2376 : memref<1x112x48xf32, #tpu.memory_space<vmem>> -> memref<112x48xf32, #tpu.memory_space<vmem>>
        %gather3A_2378 = tpu.vector_load_idx %gather3A_2377[%add3A_224, %broadcast_in_dim3A_2331] : memref<112x48xf32, #tpu.memory_space<vmem>>[vector<16xi32>, vector<16xi32>], vector<16xf32>,
        %mul3A_2379 = arith.mulf %get3A_259, %gather3A_2378 : vector<16xf32>
        %add3A_2380 = arith.addf %add3A_2372, %mul3A_2379 : vector<16xf32>
        %gather3A_2381 = arith.constant 6 : i32
        %gather3A_2382 = arith.constant 0 : i32
        %gather3A_2383 = arith.constant 0 : i32
        %gather3A_2384 = tpu.memref_slice %arg9[%gather3A_2381, %gather3A_2382, %gather3A_2383] : memref<8x112x48xf32, #tpu.memory_space<vmem>> -> memref<1x112x48xf32, #tpu.memory_space<vmem>>
        %gather3A_2385 = tpu.memref_squeeze %gather3A_2384 : memref<1x112x48xf32, #tpu.memory_space<vmem>> -> memref<112x48xf32, #tpu.memory_space<vmem>>
        %gather3A_2386 = tpu.vector_load_idx %gather3A_2385[%add3A_224, %broadcast_in_dim3A_2331] : memref<112x48xf32, #tpu.memory_space<vmem>>[vector<16xi32>, vector<16xi32>], vector<16xf32>,
        %mul3A_2387 = arith.mulf %get3A_265, %gather3A_2386 : vector<16xf32>
        %add3A_2388 = arith.addf %add3A_2380, %mul3A_2387 : vector<16xf32>
        %gather3A_2389 = arith.constant 7 : i32
        %gather3A_2390 = arith.constant 0 : i32
        %gather3A_2391 = arith.constant 0 : i32
        %gather3A_2392 = tpu.memref_slice %arg9[%gather3A_2389, %gather3A_2390, %gather3A_2391] : memref<8x112x48xf32, #tpu.memory_space<vmem>> -> memref<1x112x48xf32, #tpu.memory_space<vmem>>
        %gather3A_2393 = tpu.memref_squeeze %gather3A_2392 : memref<1x112x48xf32, #tpu.memory_space<vmem>> -> memref<112x48xf32, #tpu.memory_space<vmem>>
        %gather3A_2394 = tpu.vector_load_idx %gather3A_2393[%add3A_224, %broadcast_in_dim3A_2331] : memref<112x48xf32, #tpu.memory_space<vmem>>[vector<16xi32>, vector<16xi32>], vector<16xf32>,
        %mul3A_2395 = arith.mulf %get3A_271, %gather3A_2394 : vector<16xf32>
        %add3A_2396 = arith.addf %add3A_2388, %mul3A_2395 : vector<16xf32>
        %mul3A_2397 = arith.mulf %gather3A_2332, %gather3A_2332 : vector<16xf32>
        %add3A_2398 = arith.addf %add3A_2327, %mul3A_2397 : vector<16xf32>
        %mul3A_2399 = arith.mulf %add3A_2396, %add3A_2396 : vector<16xf32>
        %add3A_2400 = arith.addf %add3A_2329, %mul3A_2399 : vector<16xf32>
        %broadcast_in_dim3A_2401 = arith.constant 30 : i32
        %broadcast_in_dim3A_2402 = vector.broadcast %broadcast_in_dim3A_2401 : i32 to vector<16xi32>
        %gather3A_2403 = tpu.vector_load_idx %arg8[%add3A_224, %broadcast_in_dim3A_2402] : memref<112x48xf32, #tpu.memory_space<vmem>>[vector<16xi32>, vector<16xi32>], vector<16xf32>,
        %gather3A_2404 = arith.constant 0 : i32
        %gather3A_2405 = arith.constant 0 : i32
        %gather3A_2406 = arith.constant 0 : i32
        %gather3A_2407 = tpu.memref_slice %arg9[%gather3A_2404, %gather3A_2405, %gather3A_2406] : memref<8x112x48xf32, #tpu.memory_space<vmem>> -> memref<1x112x48xf32, #tpu.memory_space<vmem>>
        %gather3A_2408 = tpu.memref_squeeze %gather3A_2407 : memref<1x112x48xf32, #tpu.memory_space<vmem>> -> memref<112x48xf32, #tpu.memory_space<vmem>>
        %gather3A_2409 = tpu.vector_load_idx %gather3A_2408[%add3A_224, %broadcast_in_dim3A_2402] : memref<112x48xf32, #tpu.memory_space<vmem>>[vector<16xi32>, vector<16xi32>], vector<16xf32>,
        %mul3A_2410 = arith.mulf %get3A_229, %gather3A_2409 : vector<16xf32>
        %add3A_2411 = arith.addf %gather3A_2403, %mul3A_2410 : vector<16xf32>
        %gather3A_2412 = arith.constant 1 : i32
        %gather3A_2413 = arith.constant 0 : i32
        %gather3A_2414 = arith.constant 0 : i32
        %gather3A_2415 = tpu.memref_slice %arg9[%gather3A_2412, %gather3A_2413, %gather3A_2414] : memref<8x112x48xf32, #tpu.memory_space<vmem>> -> memref<1x112x48xf32, #tpu.memory_space<vmem>>
        %gather3A_2416 = tpu.memref_squeeze %gather3A_2415 : memref<1x112x48xf32, #tpu.memory_space<vmem>> -> memref<112x48xf32, #tpu.memory_space<vmem>>
        %gather3A_2417 = tpu.vector_load_idx %gather3A_2416[%add3A_224, %broadcast_in_dim3A_2402] : memref<112x48xf32, #tpu.memory_space<vmem>>[vector<16xi32>, vector<16xi32>], vector<16xf32>,
        %mul3A_2418 = arith.mulf %get3A_235, %gather3A_2417 : vector<16xf32>
        %add3A_2419 = arith.addf %add3A_2411, %mul3A_2418 : vector<16xf32>
        %gather3A_2420 = arith.constant 2 : i32
        %gather3A_2421 = arith.constant 0 : i32
        %gather3A_2422 = arith.constant 0 : i32
        %gather3A_2423 = tpu.memref_slice %arg9[%gather3A_2420, %gather3A_2421, %gather3A_2422] : memref<8x112x48xf32, #tpu.memory_space<vmem>> -> memref<1x112x48xf32, #tpu.memory_space<vmem>>
        %gather3A_2424 = tpu.memref_squeeze %gather3A_2423 : memref<1x112x48xf32, #tpu.memory_space<vmem>> -> memref<112x48xf32, #tpu.memory_space<vmem>>
        %gather3A_2425 = tpu.vector_load_idx %gather3A_2424[%add3A_224, %broadcast_in_dim3A_2402] : memref<112x48xf32, #tpu.memory_space<vmem>>[vector<16xi32>, vector<16xi32>], vector<16xf32>,
        %mul3A_2426 = arith.mulf %get3A_241, %gather3A_2425 : vector<16xf32>
        %add3A_2427 = arith.addf %add3A_2419, %mul3A_2426 : vector<16xf32>
        %gather3A_2428 = arith.constant 3 : i32
        %gather3A_2429 = arith.constant 0 : i32
        %gather3A_2430 = arith.constant 0 : i32
        %gather3A_2431 = tpu.memref_slice %arg9[%gather3A_2428, %gather3A_2429, %gather3A_2430] : memref<8x112x48xf32, #tpu.memory_space<vmem>> -> memref<1x112x48xf32, #tpu.memory_space<vmem>>
        %gather3A_2432 = tpu.memref_squeeze %gather3A_2431 : memref<1x112x48xf32, #tpu.memory_space<vmem>> -> memref<112x48xf32, #tpu.memory_space<vmem>>
        %gather3A_2433 = tpu.vector_load_idx %gather3A_2432[%add3A_224, %broadcast_in_dim3A_2402] : memref<112x48xf32, #tpu.memory_space<vmem>>[vector<16xi32>, vector<16xi32>], vector<16xf32>,
        %mul3A_2434 = arith.mulf %get3A_247, %gather3A_2433 : vector<16xf32>
        %add3A_2435 = arith.addf %add3A_2427, %mul3A_2434 : vector<16xf32>
        %gather3A_2436 = arith.constant 4 : i32
        %gather3A_2437 = arith.constant 0 : i32
        %gather3A_2438 = arith.constant 0 : i32
        %gather3A_2439 = tpu.memref_slice %arg9[%gather3A_2436, %gather3A_2437, %gather3A_2438] : memref<8x112x48xf32, #tpu.memory_space<vmem>> -> memref<1x112x48xf32, #tpu.memory_space<vmem>>
        %gather3A_2440 = tpu.memref_squeeze %gather3A_2439 : memref<1x112x48xf32, #tpu.memory_space<vmem>> -> memref<112x48xf32, #tpu.memory_space<vmem>>
        %gather3A_2441 = tpu.vector_load_idx %gather3A_2440[%add3A_224, %broadcast_in_dim3A_2402] : memref<112x48xf32, #tpu.memory_space<vmem>>[vector<16xi32>, vector<16xi32>], vector<16xf32>,
        %mul3A_2442 = arith.mulf %get3A_253, %gather3A_2441 : vector<16xf32>
        %add3A_2443 = arith.addf %add3A_2435, %mul3A_2442 : vector<16xf32>
        %gather3A_2444 = arith.constant 5 : i32
        %gather3A_2445 = arith.constant 0 : i32
        %gather3A_2446 = arith.constant 0 : i32
        %gather3A_2447 = tpu.memref_slice %arg9[%gather3A_2444, %gather3A_2445, %gather3A_2446] : memref<8x112x48xf32, #tpu.memory_space<vmem>> -> memref<1x112x48xf32, #tpu.memory_space<vmem>>
        %gather3A_2448 = tpu.memref_squeeze %gather3A_2447 : memref<1x112x48xf32, #tpu.memory_space<vmem>> -> memref<112x48xf32, #tpu.memory_space<vmem>>
        %gather3A_2449 = tpu.vector_load_idx %gather3A_2448[%add3A_224, %broadcast_in_dim3A_2402] : memref<112x48xf32, #tpu.memory_space<vmem>>[vector<16xi32>, vector<16xi32>], vector<16xf32>,
        %mul3A_2450 = arith.mulf %get3A_259, %gather3A_2449 : vector<16xf32>
        %add3A_2451 = arith.addf %add3A_2443, %mul3A_2450 : vector<16xf32>
        %gather3A_2452 = arith.constant 6 : i32
        %gather3A_2453 = arith.constant 0 : i32
        %gather3A_2454 = arith.constant 0 : i32
        %gather3A_2455 = tpu.memref_slice %arg9[%gather3A_2452, %gather3A_2453, %gather3A_2454] : memref<8x112x48xf32, #tpu.memory_space<vmem>> -> memref<1x112x48xf32, #tpu.memory_space<vmem>>
        %gather3A_2456 = tpu.memref_squeeze %gather3A_2455 : memref<1x112x48xf32, #tpu.memory_space<vmem>> -> memref<112x48xf32, #tpu.memory_space<vmem>>
        %gather3A_2457 = tpu.vector_load_idx %gather3A_2456[%add3A_224, %broadcast_in_dim3A_2402] : memref<112x48xf32, #tpu.memory_space<vmem>>[vector<16xi32>, vector<16xi32>], vector<16xf32>,
        %mul3A_2458 = arith.mulf %get3A_265, %gather3A_2457 : vector<16xf32>
        %add3A_2459 = arith.addf %add3A_2451, %mul3A_2458 : vector<16xf32>
        %gather3A_2460 = arith.constant 7 : i32
        %gather3A_2461 = arith.constant 0 : i32
        %gather3A_2462 = arith.constant 0 : i32
        %gather3A_2463 = tpu.memref_slice %arg9[%gather3A_2460, %gather3A_2461, %gather3A_2462] : memref<8x112x48xf32, #tpu.memory_space<vmem>> -> memref<1x112x48xf32, #tpu.memory_space<vmem>>
        %gather3A_2464 = tpu.memref_squeeze %gather3A_2463 : memref<1x112x48xf32, #tpu.memory_space<vmem>> -> memref<112x48xf32, #tpu.memory_space<vmem>>
        %gather3A_2465 = tpu.vector_load_idx %gather3A_2464[%add3A_224, %broadcast_in_dim3A_2402] : memref<112x48xf32, #tpu.memory_space<vmem>>[vector<16xi32>, vector<16xi32>], vector<16xf32>,
        %mul3A_2466 = arith.mulf %get3A_271, %gather3A_2465 : vector<16xf32>
        %add3A_2467 = arith.addf %add3A_2459, %mul3A_2466 : vector<16xf32>
        %mul3A_2468 = arith.mulf %gather3A_2403, %gather3A_2403 : vector<16xf32>
        %add3A_2469 = arith.addf %add3A_2398, %mul3A_2468 : vector<16xf32>
        %mul3A_2470 = arith.mulf %add3A_2467, %add3A_2467 : vector<16xf32>
        %add3A_2471 = arith.addf %add3A_2400, %mul3A_2470 : vector<16xf32>
        %broadcast_in_dim3A_2472 = arith.constant 31 : i32
        %broadcast_in_dim3A_2473 = vector.broadcast %broadcast_in_dim3A_2472 : i32 to vector<16xi32>
        %gather3A_2474 = tpu.vector_load_idx %arg8[%add3A_224, %broadcast_in_dim3A_2473] : memref<112x48xf32, #tpu.memory_space<vmem>>[vector<16xi32>, vector<16xi32>], vector<16xf32>,
        %gather3A_2475 = arith.constant 0 : i32
        %gather3A_2476 = arith.constant 0 : i32
        %gather3A_2477 = arith.constant 0 : i32
        %gather3A_2478 = tpu.memref_slice %arg9[%gather3A_2475, %gather3A_2476, %gather3A_2477] : memref<8x112x48xf32, #tpu.memory_space<vmem>> -> memref<1x112x48xf32, #tpu.memory_space<vmem>>
        %gather3A_2479 = tpu.memref_squeeze %gather3A_2478 : memref<1x112x48xf32, #tpu.memory_space<vmem>> -> memref<112x48xf32, #tpu.memory_space<vmem>>
        %gather3A_2480 = tpu.vector_load_idx %gather3A_2479[%add3A_224, %broadcast_in_dim3A_2473] : memref<112x48xf32, #tpu.memory_space<vmem>>[vector<16xi32>, vector<16xi32>], vector<16xf32>,
        %mul3A_2481 = arith.mulf %get3A_229, %gather3A_2480 : vector<16xf32>
        %add3A_2482 = arith.addf %gather3A_2474, %mul3A_2481 : vector<16xf32>
        %gather3A_2483 = arith.constant 1 : i32
        %gather3A_2484 = arith.constant 0 : i32
        %gather3A_2485 = arith.constant 0 : i32
        %gather3A_2486 = tpu.memref_slice %arg9[%gather3A_2483, %gather3A_2484, %gather3A_2485] : memref<8x112x48xf32, #tpu.memory_space<vmem>> -> memref<1x112x48xf32, #tpu.memory_space<vmem>>
        %gather3A_2487 = tpu.memref_squeeze %gather3A_2486 : memref<1x112x48xf32, #tpu.memory_space<vmem>> -> memref<112x48xf32, #tpu.memory_space<vmem>>
        %gather3A_2488 = tpu.vector_load_idx %gather3A_2487[%add3A_224, %broadcast_in_dim3A_2473] : memref<112x48xf32, #tpu.memory_space<vmem>>[vector<16xi32>, vector<16xi32>], vector<16xf32>,
        %mul3A_2489 = arith.mulf %get3A_235, %gather3A_2488 : vector<16xf32>
        %add3A_2490 = arith.addf %add3A_2482, %mul3A_2489 : vector<16xf32>
        %gather3A_2491 = arith.constant 2 : i32
        %gather3A_2492 = arith.constant 0 : i32
        %gather3A_2493 = arith.constant 0 : i32
        %gather3A_2494 = tpu.memref_slice %arg9[%gather3A_2491, %gather3A_2492, %gather3A_2493] : memref<8x112x48xf32, #tpu.memory_space<vmem>> -> memref<1x112x48xf32, #tpu.memory_space<vmem>>
        %gather3A_2495 = tpu.memref_squeeze %gather3A_2494 : memref<1x112x48xf32, #tpu.memory_space<vmem>> -> memref<112x48xf32, #tpu.memory_space<vmem>>
        %gather3A_2496 = tpu.vector_load_idx %gather3A_2495[%add3A_224, %broadcast_in_dim3A_2473] : memref<112x48xf32, #tpu.memory_space<vmem>>[vector<16xi32>, vector<16xi32>], vector<16xf32>,
        %mul3A_2497 = arith.mulf %get3A_241, %gather3A_2496 : vector<16xf32>
        %add3A_2498 = arith.addf %add3A_2490, %mul3A_2497 : vector<16xf32>
        %gather3A_2499 = arith.constant 3 : i32
        %gather3A_2500 = arith.constant 0 : i32
        %gather3A_2501 = arith.constant 0 : i32
        %gather3A_2502 = tpu.memref_slice %arg9[%gather3A_2499, %gather3A_2500, %gather3A_2501] : memref<8x112x48xf32, #tpu.memory_space<vmem>> -> memref<1x112x48xf32, #tpu.memory_space<vmem>>
        %gather3A_2503 = tpu.memref_squeeze %gather3A_2502 : memref<1x112x48xf32, #tpu.memory_space<vmem>> -> memref<112x48xf32, #tpu.memory_space<vmem>>
        %gather3A_2504 = tpu.vector_load_idx %gather3A_2503[%add3A_224, %broadcast_in_dim3A_2473] : memref<112x48xf32, #tpu.memory_space<vmem>>[vector<16xi32>, vector<16xi32>], vector<16xf32>,
        %mul3A_2505 = arith.mulf %get3A_247, %gather3A_2504 : vector<16xf32>
        %add3A_2506 = arith.addf %add3A_2498, %mul3A_2505 : vector<16xf32>
        %gather3A_2507 = arith.constant 4 : i32
        %gather3A_2508 = arith.constant 0 : i32
        %gather3A_2509 = arith.constant 0 : i32
        %gather3A_2510 = tpu.memref_slice %arg9[%gather3A_2507, %gather3A_2508, %gather3A_2509] : memref<8x112x48xf32, #tpu.memory_space<vmem>> -> memref<1x112x48xf32, #tpu.memory_space<vmem>>
        %gather3A_2511 = tpu.memref_squeeze %gather3A_2510 : memref<1x112x48xf32, #tpu.memory_space<vmem>> -> memref<112x48xf32, #tpu.memory_space<vmem>>
        %gather3A_2512 = tpu.vector_load_idx %gather3A_2511[%add3A_224, %broadcast_in_dim3A_2473] : memref<112x48xf32, #tpu.memory_space<vmem>>[vector<16xi32>, vector<16xi32>], vector<16xf32>,
        %mul3A_2513 = arith.mulf %get3A_253, %gather3A_2512 : vector<16xf32>
        %add3A_2514 = arith.addf %add3A_2506, %mul3A_2513 : vector<16xf32>
        %gather3A_2515 = arith.constant 5 : i32
        %gather3A_2516 = arith.constant 0 : i32
        %gather3A_2517 = arith.constant 0 : i32
        %gather3A_2518 = tpu.memref_slice %arg9[%gather3A_2515, %gather3A_2516, %gather3A_2517] : memref<8x112x48xf32, #tpu.memory_space<vmem>> -> memref<1x112x48xf32, #tpu.memory_space<vmem>>
        %gather3A_2519 = tpu.memref_squeeze %gather3A_2518 : memref<1x112x48xf32, #tpu.memory_space<vmem>> -> memref<112x48xf32, #tpu.memory_space<vmem>>
        %gather3A_2520 = tpu.vector_load_idx %gather3A_2519[%add3A_224, %broadcast_in_dim3A_2473] : memref<112x48xf32, #tpu.memory_space<vmem>>[vector<16xi32>, vector<16xi32>], vector<16xf32>,
        %mul3A_2521 = arith.mulf %get3A_259, %gather3A_2520 : vector<16xf32>
        %add3A_2522 = arith.addf %add3A_2514, %mul3A_2521 : vector<16xf32>
        %gather3A_2523 = arith.constant 6 : i32
        %gather3A_2524 = arith.constant 0 : i32
        %gather3A_2525 = arith.constant 0 : i32
        %gather3A_2526 = tpu.memref_slice %arg9[%gather3A_2523, %gather3A_2524, %gather3A_2525] : memref<8x112x48xf32, #tpu.memory_space<vmem>> -> memref<1x112x48xf32, #tpu.memory_space<vmem>>
        %gather3A_2527 = tpu.memref_squeeze %gather3A_2526 : memref<1x112x48xf32, #tpu.memory_space<vmem>> -> memref<112x48xf32, #tpu.memory_space<vmem>>
        %gather3A_2528 = tpu.vector_load_idx %gather3A_2527[%add3A_224, %broadcast_in_dim3A_2473] : memref<112x48xf32, #tpu.memory_space<vmem>>[vector<16xi32>, vector<16xi32>], vector<16xf32>,
        %mul3A_2529 = arith.mulf %get3A_265, %gather3A_2528 : vector<16xf32>
        %add3A_2530 = arith.addf %add3A_2522, %mul3A_2529 : vector<16xf32>
        %gather3A_2531 = arith.constant 7 : i32
        %gather3A_2532 = arith.constant 0 : i32
        %gather3A_2533 = arith.constant 0 : i32
        %gather3A_2534 = tpu.memref_slice %arg9[%gather3A_2531, %gather3A_2532, %gather3A_2533] : memref<8x112x48xf32, #tpu.memory_space<vmem>> -> memref<1x112x48xf32, #tpu.memory_space<vmem>>
        %gather3A_2535 = tpu.memref_squeeze %gather3A_2534 : memref<1x112x48xf32, #tpu.memory_space<vmem>> -> memref<112x48xf32, #tpu.memory_space<vmem>>
        %gather3A_2536 = tpu.vector_load_idx %gather3A_2535[%add3A_224, %broadcast_in_dim3A_2473] : memref<112x48xf32, #tpu.memory_space<vmem>>[vector<16xi32>, vector<16xi32>], vector<16xf32>,
        %mul3A_2537 = arith.mulf %get3A_271, %gather3A_2536 : vector<16xf32>
        %add3A_2538 = arith.addf %add3A_2530, %mul3A_2537 : vector<16xf32>
        %mul3A_2539 = arith.mulf %gather3A_2474, %gather3A_2474 : vector<16xf32>
        %add3A_2540 = arith.addf %add3A_2469, %mul3A_2539 : vector<16xf32>
        %mul3A_2541 = arith.mulf %add3A_2538, %add3A_2538 : vector<16xf32>
        %add3A_2542 = arith.addf %add3A_2471, %mul3A_2541 : vector<16xf32>
        %broadcast_in_dim3A_2543 = arith.constant 32 : i32
        %broadcast_in_dim3A_2544 = vector.broadcast %broadcast_in_dim3A_2543 : i32 to vector<16xi32>
        %gather3A_2545 = tpu.vector_load_idx %arg8[%add3A_224, %broadcast_in_dim3A_2544] : memref<112x48xf32, #tpu.memory_space<vmem>>[vector<16xi32>, vector<16xi32>], vector<16xf32>,
        %gather3A_2546 = arith.constant 0 : i32
        %gather3A_2547 = arith.constant 0 : i32
        %gather3A_2548 = arith.constant 0 : i32
        %gather3A_2549 = tpu.memref_slice %arg9[%gather3A_2546, %gather3A_2547, %gather3A_2548] : memref<8x112x48xf32, #tpu.memory_space<vmem>> -> memref<1x112x48xf32, #tpu.memory_space<vmem>>
        %gather3A_2550 = tpu.memref_squeeze %gather3A_2549 : memref<1x112x48xf32, #tpu.memory_space<vmem>> -> memref<112x48xf32, #tpu.memory_space<vmem>>
        %gather3A_2551 = tpu.vector_load_idx %gather3A_2550[%add3A_224, %broadcast_in_dim3A_2544] : memref<112x48xf32, #tpu.memory_space<vmem>>[vector<16xi32>, vector<16xi32>], vector<16xf32>,
        %mul3A_2552 = arith.mulf %get3A_229, %gather3A_2551 : vector<16xf32>
        %add3A_2553 = arith.addf %gather3A_2545, %mul3A_2552 : vector<16xf32>
        %gather3A_2554 = arith.constant 1 : i32
        %gather3A_2555 = arith.constant 0 : i32
        %gather3A_2556 = arith.constant 0 : i32
        %gather3A_2557 = tpu.memref_slice %arg9[%gather3A_2554, %gather3A_2555, %gather3A_2556] : memref<8x112x48xf32, #tpu.memory_space<vmem>> -> memref<1x112x48xf32, #tpu.memory_space<vmem>>
        %gather3A_2558 = tpu.memref_squeeze %gather3A_2557 : memref<1x112x48xf32, #tpu.memory_space<vmem>> -> memref<112x48xf32, #tpu.memory_space<vmem>>
        %gather3A_2559 = tpu.vector_load_idx %gather3A_2558[%add3A_224, %broadcast_in_dim3A_2544] : memref<112x48xf32, #tpu.memory_space<vmem>>[vector<16xi32>, vector<16xi32>], vector<16xf32>,
        %mul3A_2560 = arith.mulf %get3A_235, %gather3A_2559 : vector<16xf32>
        %add3A_2561 = arith.addf %add3A_2553, %mul3A_2560 : vector<16xf32>
        %gather3A_2562 = arith.constant 2 : i32
        %gather3A_2563 = arith.constant 0 : i32
        %gather3A_2564 = arith.constant 0 : i32
        %gather3A_2565 = tpu.memref_slice %arg9[%gather3A_2562, %gather3A_2563, %gather3A_2564] : memref<8x112x48xf32, #tpu.memory_space<vmem>> -> memref<1x112x48xf32, #tpu.memory_space<vmem>>
        %gather3A_2566 = tpu.memref_squeeze %gather3A_2565 : memref<1x112x48xf32, #tpu.memory_space<vmem>> -> memref<112x48xf32, #tpu.memory_space<vmem>>
        %gather3A_2567 = tpu.vector_load_idx %gather3A_2566[%add3A_224, %broadcast_in_dim3A_2544] : memref<112x48xf32, #tpu.memory_space<vmem>>[vector<16xi32>, vector<16xi32>], vector<16xf32>,
        %mul3A_2568 = arith.mulf %get3A_241, %gather3A_2567 : vector<16xf32>
        %add3A_2569 = arith.addf %add3A_2561, %mul3A_2568 : vector<16xf32>
        %gather3A_2570 = arith.constant 3 : i32
        %gather3A_2571 = arith.constant 0 : i32
        %gather3A_2572 = arith.constant 0 : i32
        %gather3A_2573 = tpu.memref_slice %arg9[%gather3A_2570, %gather3A_2571, %gather3A_2572] : memref<8x112x48xf32, #tpu.memory_space<vmem>> -> memref<1x112x48xf32, #tpu.memory_space<vmem>>
        %gather3A_2574 = tpu.memref_squeeze %gather3A_2573 : memref<1x112x48xf32, #tpu.memory_space<vmem>> -> memref<112x48xf32, #tpu.memory_space<vmem>>
        %gather3A_2575 = tpu.vector_load_idx %gather3A_2574[%add3A_224, %broadcast_in_dim3A_2544] : memref<112x48xf32, #tpu.memory_space<vmem>>[vector<16xi32>, vector<16xi32>], vector<16xf32>,
        %mul3A_2576 = arith.mulf %get3A_247, %gather3A_2575 : vector<16xf32>
        %add3A_2577 = arith.addf %add3A_2569, %mul3A_2576 : vector<16xf32>
        %gather3A_2578 = arith.constant 4 : i32
        %gather3A_2579 = arith.constant 0 : i32
        %gather3A_2580 = arith.constant 0 : i32
        %gather3A_2581 = tpu.memref_slice %arg9[%gather3A_2578, %gather3A_2579, %gather3A_2580] : memref<8x112x48xf32, #tpu.memory_space<vmem>> -> memref<1x112x48xf32, #tpu.memory_space<vmem>>
        %gather3A_2582 = tpu.memref_squeeze %gather3A_2581 : memref<1x112x48xf32, #tpu.memory_space<vmem>> -> memref<112x48xf32, #tpu.memory_space<vmem>>
        %gather3A_2583 = tpu.vector_load_idx %gather3A_2582[%add3A_224, %broadcast_in_dim3A_2544] : memref<112x48xf32, #tpu.memory_space<vmem>>[vector<16xi32>, vector<16xi32>], vector<16xf32>,
        %mul3A_2584 = arith.mulf %get3A_253, %gather3A_2583 : vector<16xf32>
        %add3A_2585 = arith.addf %add3A_2577, %mul3A_2584 : vector<16xf32>
        %gather3A_2586 = arith.constant 5 : i32
        %gather3A_2587 = arith.constant 0 : i32
        %gather3A_2588 = arith.constant 0 : i32
        %gather3A_2589 = tpu.memref_slice %arg9[%gather3A_2586, %gather3A_2587, %gather3A_2588] : memref<8x112x48xf32, #tpu.memory_space<vmem>> -> memref<1x112x48xf32, #tpu.memory_space<vmem>>
        %gather3A_2590 = tpu.memref_squeeze %gather3A_2589 : memref<1x112x48xf32, #tpu.memory_space<vmem>> -> memref<112x48xf32, #tpu.memory_space<vmem>>
        %gather3A_2591 = tpu.vector_load_idx %gather3A_2590[%add3A_224, %broadcast_in_dim3A_2544] : memref<112x48xf32, #tpu.memory_space<vmem>>[vector<16xi32>, vector<16xi32>], vector<16xf32>,
        %mul3A_2592 = arith.mulf %get3A_259, %gather3A_2591 : vector<16xf32>
        %add3A_2593 = arith.addf %add3A_2585, %mul3A_2592 : vector<16xf32>
        %gather3A_2594 = arith.constant 6 : i32
        %gather3A_2595 = arith.constant 0 : i32
        %gather3A_2596 = arith.constant 0 : i32
        %gather3A_2597 = tpu.memref_slice %arg9[%gather3A_2594, %gather3A_2595, %gather3A_2596] : memref<8x112x48xf32, #tpu.memory_space<vmem>> -> memref<1x112x48xf32, #tpu.memory_space<vmem>>
        %gather3A_2598 = tpu.memref_squeeze %gather3A_2597 : memref<1x112x48xf32, #tpu.memory_space<vmem>> -> memref<112x48xf32, #tpu.memory_space<vmem>>
        %gather3A_2599 = tpu.vector_load_idx %gather3A_2598[%add3A_224, %broadcast_in_dim3A_2544] : memref<112x48xf32, #tpu.memory_space<vmem>>[vector<16xi32>, vector<16xi32>], vector<16xf32>,
        %mul3A_2600 = arith.mulf %get3A_265, %gather3A_2599 : vector<16xf32>
        %add3A_2601 = arith.addf %add3A_2593, %mul3A_2600 : vector<16xf32>
        %gather3A_2602 = arith.constant 7 : i32
        %gather3A_2603 = arith.constant 0 : i32
        %gather3A_2604 = arith.constant 0 : i32
        %gather3A_2605 = tpu.memref_slice %arg9[%gather3A_2602, %gather3A_2603, %gather3A_2604] : memref<8x112x48xf32, #tpu.memory_space<vmem>> -> memref<1x112x48xf32, #tpu.memory_space<vmem>>
        %gather3A_2606 = tpu.memref_squeeze %gather3A_2605 : memref<1x112x48xf32, #tpu.memory_space<vmem>> -> memref<112x48xf32, #tpu.memory_space<vmem>>
        %gather3A_2607 = tpu.vector_load_idx %gather3A_2606[%add3A_224, %broadcast_in_dim3A_2544] : memref<112x48xf32, #tpu.memory_space<vmem>>[vector<16xi32>, vector<16xi32>], vector<16xf32>,
        %mul3A_2608 = arith.mulf %get3A_271, %gather3A_2607 : vector<16xf32>
        %add3A_2609 = arith.addf %add3A_2601, %mul3A_2608 : vector<16xf32>
        %mul3A_2610 = arith.mulf %gather3A_2545, %gather3A_2545 : vector<16xf32>
        %add3A_2611 = arith.addf %add3A_2540, %mul3A_2610 : vector<16xf32>
        %mul3A_2612 = arith.mulf %add3A_2609, %add3A_2609 : vector<16xf32>
        %add3A_2613 = arith.addf %add3A_2542, %mul3A_2612 : vector<16xf32>
        %broadcast_in_dim3A_2614 = arith.constant 33 : i32
        %broadcast_in_dim3A_2615 = vector.broadcast %broadcast_in_dim3A_2614 : i32 to vector<16xi32>
        %gather3A_2616 = tpu.vector_load_idx %arg8[%add3A_224, %broadcast_in_dim3A_2615] : memref<112x48xf32, #tpu.memory_space<vmem>>[vector<16xi32>, vector<16xi32>], vector<16xf32>,
        %gather3A_2617 = arith.constant 0 : i32
        %gather3A_2618 = arith.constant 0 : i32
        %gather3A_2619 = arith.constant 0 : i32
        %gather3A_2620 = tpu.memref_slice %arg9[%gather3A_2617, %gather3A_2618, %gather3A_2619] : memref<8x112x48xf32, #tpu.memory_space<vmem>> -> memref<1x112x48xf32, #tpu.memory_space<vmem>>
        %gather3A_2621 = tpu.memref_squeeze %gather3A_2620 : memref<1x112x48xf32, #tpu.memory_space<vmem>> -> memref<112x48xf32, #tpu.memory_space<vmem>>
        %gather3A_2622 = tpu.vector_load_idx %gather3A_2621[%add3A_224, %broadcast_in_dim3A_2615] : memref<112x48xf32, #tpu.memory_space<vmem>>[vector<16xi32>, vector<16xi32>], vector<16xf32>,
        %mul3A_2623 = arith.mulf %get3A_229, %gather3A_2622 : vector<16xf32>
        %add3A_2624 = arith.addf %gather3A_2616, %mul3A_2623 : vector<16xf32>
        %gather3A_2625 = arith.constant 1 : i32
        %gather3A_2626 = arith.constant 0 : i32
        %gather3A_2627 = arith.constant 0 : i32
        %gather3A_2628 = tpu.memref_slice %arg9[%gather3A_2625, %gather3A_2626, %gather3A_2627] : memref<8x112x48xf32, #tpu.memory_space<vmem>> -> memref<1x112x48xf32, #tpu.memory_space<vmem>>
        %gather3A_2629 = tpu.memref_squeeze %gather3A_2628 : memref<1x112x48xf32, #tpu.memory_space<vmem>> -> memref<112x48xf32, #tpu.memory_space<vmem>>
        %gather3A_2630 = tpu.vector_load_idx %gather3A_2629[%add3A_224, %broadcast_in_dim3A_2615] : memref<112x48xf32, #tpu.memory_space<vmem>>[vector<16xi32>, vector<16xi32>], vector<16xf32>,
        %mul3A_2631 = arith.mulf %get3A_235, %gather3A_2630 : vector<16xf32>
        %add3A_2632 = arith.addf %add3A_2624, %mul3A_2631 : vector<16xf32>
        %gather3A_2633 = arith.constant 2 : i32
        %gather3A_2634 = arith.constant 0 : i32
        %gather3A_2635 = arith.constant 0 : i32
        %gather3A_2636 = tpu.memref_slice %arg9[%gather3A_2633, %gather3A_2634, %gather3A_2635] : memref<8x112x48xf32, #tpu.memory_space<vmem>> -> memref<1x112x48xf32, #tpu.memory_space<vmem>>
        %gather3A_2637 = tpu.memref_squeeze %gather3A_2636 : memref<1x112x48xf32, #tpu.memory_space<vmem>> -> memref<112x48xf32, #tpu.memory_space<vmem>>
        %gather3A_2638 = tpu.vector_load_idx %gather3A_2637[%add3A_224, %broadcast_in_dim3A_2615] : memref<112x48xf32, #tpu.memory_space<vmem>>[vector<16xi32>, vector<16xi32>], vector<16xf32>,
        %mul3A_2639 = arith.mulf %get3A_241, %gather3A_2638 : vector<16xf32>
        %add3A_2640 = arith.addf %add3A_2632, %mul3A_2639 : vector<16xf32>
        %gather3A_2641 = arith.constant 3 : i32
        %gather3A_2642 = arith.constant 0 : i32
        %gather3A_2643 = arith.constant 0 : i32
        %gather3A_2644 = tpu.memref_slice %arg9[%gather3A_2641, %gather3A_2642, %gather3A_2643] : memref<8x112x48xf32, #tpu.memory_space<vmem>> -> memref<1x112x48xf32, #tpu.memory_space<vmem>>
        %gather3A_2645 = tpu.memref_squeeze %gather3A_2644 : memref<1x112x48xf32, #tpu.memory_space<vmem>> -> memref<112x48xf32, #tpu.memory_space<vmem>>
        %gather3A_2646 = tpu.vector_load_idx %gather3A_2645[%add3A_224, %broadcast_in_dim3A_2615] : memref<112x48xf32, #tpu.memory_space<vmem>>[vector<16xi32>, vector<16xi32>], vector<16xf32>,
        %mul3A_2647 = arith.mulf %get3A_247, %gather3A_2646 : vector<16xf32>
        %add3A_2648 = arith.addf %add3A_2640, %mul3A_2647 : vector<16xf32>
        %gather3A_2649 = arith.constant 4 : i32
        %gather3A_2650 = arith.constant 0 : i32
        %gather3A_2651 = arith.constant 0 : i32
        %gather3A_2652 = tpu.memref_slice %arg9[%gather3A_2649, %gather3A_2650, %gather3A_2651] : memref<8x112x48xf32, #tpu.memory_space<vmem>> -> memref<1x112x48xf32, #tpu.memory_space<vmem>>
        %gather3A_2653 = tpu.memref_squeeze %gather3A_2652 : memref<1x112x48xf32, #tpu.memory_space<vmem>> -> memref<112x48xf32, #tpu.memory_space<vmem>>
        %gather3A_2654 = tpu.vector_load_idx %gather3A_2653[%add3A_224, %broadcast_in_dim3A_2615] : memref<112x48xf32, #tpu.memory_space<vmem>>[vector<16xi32>, vector<16xi32>], vector<16xf32>,
        %mul3A_2655 = arith.mulf %get3A_253, %gather3A_2654 : vector<16xf32>
        %add3A_2656 = arith.addf %add3A_2648, %mul3A_2655 : vector<16xf32>
        %gather3A_2657 = arith.constant 5 : i32
        %gather3A_2658 = arith.constant 0 : i32
        %gather3A_2659 = arith.constant 0 : i32
        %gather3A_2660 = tpu.memref_slice %arg9[%gather3A_2657, %gather3A_2658, %gather3A_2659] : memref<8x112x48xf32, #tpu.memory_space<vmem>> -> memref<1x112x48xf32, #tpu.memory_space<vmem>>
        %gather3A_2661 = tpu.memref_squeeze %gather3A_2660 : memref<1x112x48xf32, #tpu.memory_space<vmem>> -> memref<112x48xf32, #tpu.memory_space<vmem>>
        %gather3A_2662 = tpu.vector_load_idx %gather3A_2661[%add3A_224, %broadcast_in_dim3A_2615] : memref<112x48xf32, #tpu.memory_space<vmem>>[vector<16xi32>, vector<16xi32>], vector<16xf32>,
        %mul3A_2663 = arith.mulf %get3A_259, %gather3A_2662 : vector<16xf32>
        %add3A_2664 = arith.addf %add3A_2656, %mul3A_2663 : vector<16xf32>
        %gather3A_2665 = arith.constant 6 : i32
        %gather3A_2666 = arith.constant 0 : i32
        %gather3A_2667 = arith.constant 0 : i32
        %gather3A_2668 = tpu.memref_slice %arg9[%gather3A_2665, %gather3A_2666, %gather3A_2667] : memref<8x112x48xf32, #tpu.memory_space<vmem>> -> memref<1x112x48xf32, #tpu.memory_space<vmem>>
        %gather3A_2669 = tpu.memref_squeeze %gather3A_2668 : memref<1x112x48xf32, #tpu.memory_space<vmem>> -> memref<112x48xf32, #tpu.memory_space<vmem>>
        %gather3A_2670 = tpu.vector_load_idx %gather3A_2669[%add3A_224, %broadcast_in_dim3A_2615] : memref<112x48xf32, #tpu.memory_space<vmem>>[vector<16xi32>, vector<16xi32>], vector<16xf32>,
        %mul3A_2671 = arith.mulf %get3A_265, %gather3A_2670 : vector<16xf32>
        %add3A_2672 = arith.addf %add3A_2664, %mul3A_2671 : vector<16xf32>
        %gather3A_2673 = arith.constant 7 : i32
        %gather3A_2674 = arith.constant 0 : i32
        %gather3A_2675 = arith.constant 0 : i32
        %gather3A_2676 = tpu.memref_slice %arg9[%gather3A_2673, %gather3A_2674, %gather3A_2675] : memref<8x112x48xf32, #tpu.memory_space<vmem>> -> memref<1x112x48xf32, #tpu.memory_space<vmem>>
        %gather3A_2677 = tpu.memref_squeeze %gather3A_2676 : memref<1x112x48xf32, #tpu.memory_space<vmem>> -> memref<112x48xf32, #tpu.memory_space<vmem>>
        %gather3A_2678 = tpu.vector_load_idx %gather3A_2677[%add3A_224, %broadcast_in_dim3A_2615] : memref<112x48xf32, #tpu.memory_space<vmem>>[vector<16xi32>, vector<16xi32>], vector<16xf32>,
        %mul3A_2679 = arith.mulf %get3A_271, %gather3A_2678 : vector<16xf32>
        %add3A_2680 = arith.addf %add3A_2672, %mul3A_2679 : vector<16xf32>
        %mul3A_2681 = arith.mulf %gather3A_2616, %gather3A_2616 : vector<16xf32>
        %add3A_2682 = arith.addf %add3A_2611, %mul3A_2681 : vector<16xf32>
        %mul3A_2683 = arith.mulf %add3A_2680, %add3A_2680 : vector<16xf32>
        %add3A_2684 = arith.addf %add3A_2613, %mul3A_2683 : vector<16xf32>
        %broadcast_in_dim3A_2685 = arith.constant 34 : i32
        %broadcast_in_dim3A_2686 = vector.broadcast %broadcast_in_dim3A_2685 : i32 to vector<16xi32>
        %gather3A_2687 = tpu.vector_load_idx %arg8[%add3A_224, %broadcast_in_dim3A_2686] : memref<112x48xf32, #tpu.memory_space<vmem>>[vector<16xi32>, vector<16xi32>], vector<16xf32>,
        %gather3A_2688 = arith.constant 0 : i32
        %gather3A_2689 = arith.constant 0 : i32
        %gather3A_2690 = arith.constant 0 : i32
        %gather3A_2691 = tpu.memref_slice %arg9[%gather3A_2688, %gather3A_2689, %gather3A_2690] : memref<8x112x48xf32, #tpu.memory_space<vmem>> -> memref<1x112x48xf32, #tpu.memory_space<vmem>>
        %gather3A_2692 = tpu.memref_squeeze %gather3A_2691 : memref<1x112x48xf32, #tpu.memory_space<vmem>> -> memref<112x48xf32, #tpu.memory_space<vmem>>
        %gather3A_2693 = tpu.vector_load_idx %gather3A_2692[%add3A_224, %broadcast_in_dim3A_2686] : memref<112x48xf32, #tpu.memory_space<vmem>>[vector<16xi32>, vector<16xi32>], vector<16xf32>,
        %mul3A_2694 = arith.mulf %get3A_229, %gather3A_2693 : vector<16xf32>
        %add3A_2695 = arith.addf %gather3A_2687, %mul3A_2694 : vector<16xf32>
        %gather3A_2696 = arith.constant 1 : i32
        %gather3A_2697 = arith.constant 0 : i32
        %gather3A_2698 = arith.constant 0 : i32
        %gather3A_2699 = tpu.memref_slice %arg9[%gather3A_2696, %gather3A_2697, %gather3A_2698] : memref<8x112x48xf32, #tpu.memory_space<vmem>> -> memref<1x112x48xf32, #tpu.memory_space<vmem>>
        %gather3A_2700 = tpu.memref_squeeze %gather3A_2699 : memref<1x112x48xf32, #tpu.memory_space<vmem>> -> memref<112x48xf32, #tpu.memory_space<vmem>>
        %gather3A_2701 = tpu.vector_load_idx %gather3A_2700[%add3A_224, %broadcast_in_dim3A_2686] : memref<112x48xf32, #tpu.memory_space<vmem>>[vector<16xi32>, vector<16xi32>], vector<16xf32>,
        %mul3A_2702 = arith.mulf %get3A_235, %gather3A_2701 : vector<16xf32>
        %add3A_2703 = arith.addf %add3A_2695, %mul3A_2702 : vector<16xf32>
        %gather3A_2704 = arith.constant 2 : i32
        %gather3A_2705 = arith.constant 0 : i32
        %gather3A_2706 = arith.constant 0 : i32
        %gather3A_2707 = tpu.memref_slice %arg9[%gather3A_2704, %gather3A_2705, %gather3A_2706] : memref<8x112x48xf32, #tpu.memory_space<vmem>> -> memref<1x112x48xf32, #tpu.memory_space<vmem>>
        %gather3A_2708 = tpu.memref_squeeze %gather3A_2707 : memref<1x112x48xf32, #tpu.memory_space<vmem>> -> memref<112x48xf32, #tpu.memory_space<vmem>>
        %gather3A_2709 = tpu.vector_load_idx %gather3A_2708[%add3A_224, %broadcast_in_dim3A_2686] : memref<112x48xf32, #tpu.memory_space<vmem>>[vector<16xi32>, vector<16xi32>], vector<16xf32>,
        %mul3A_2710 = arith.mulf %get3A_241, %gather3A_2709 : vector<16xf32>
        %add3A_2711 = arith.addf %add3A_2703, %mul3A_2710 : vector<16xf32>
        %gather3A_2712 = arith.constant 3 : i32
        %gather3A_2713 = arith.constant 0 : i32
        %gather3A_2714 = arith.constant 0 : i32
        %gather3A_2715 = tpu.memref_slice %arg9[%gather3A_2712, %gather3A_2713, %gather3A_2714] : memref<8x112x48xf32, #tpu.memory_space<vmem>> -> memref<1x112x48xf32, #tpu.memory_space<vmem>>
        %gather3A_2716 = tpu.memref_squeeze %gather3A_2715 : memref<1x112x48xf32, #tpu.memory_space<vmem>> -> memref<112x48xf32, #tpu.memory_space<vmem>>
        %gather3A_2717 = tpu.vector_load_idx %gather3A_2716[%add3A_224, %broadcast_in_dim3A_2686] : memref<112x48xf32, #tpu.memory_space<vmem>>[vector<16xi32>, vector<16xi32>], vector<16xf32>,
        %mul3A_2718 = arith.mulf %get3A_247, %gather3A_2717 : vector<16xf32>
        %add3A_2719 = arith.addf %add3A_2711, %mul3A_2718 : vector<16xf32>
        %gather3A_2720 = arith.constant 4 : i32
        %gather3A_2721 = arith.constant 0 : i32
        %gather3A_2722 = arith.constant 0 : i32
        %gather3A_2723 = tpu.memref_slice %arg9[%gather3A_2720, %gather3A_2721, %gather3A_2722] : memref<8x112x48xf32, #tpu.memory_space<vmem>> -> memref<1x112x48xf32, #tpu.memory_space<vmem>>
        %gather3A_2724 = tpu.memref_squeeze %gather3A_2723 : memref<1x112x48xf32, #tpu.memory_space<vmem>> -> memref<112x48xf32, #tpu.memory_space<vmem>>
        %gather3A_2725 = tpu.vector_load_idx %gather3A_2724[%add3A_224, %broadcast_in_dim3A_2686] : memref<112x48xf32, #tpu.memory_space<vmem>>[vector<16xi32>, vector<16xi32>], vector<16xf32>,
        %mul3A_2726 = arith.mulf %get3A_253, %gather3A_2725 : vector<16xf32>
        %add3A_2727 = arith.addf %add3A_2719, %mul3A_2726 : vector<16xf32>
        %gather3A_2728 = arith.constant 5 : i32
        %gather3A_2729 = arith.constant 0 : i32
        %gather3A_2730 = arith.constant 0 : i32
        %gather3A_2731 = tpu.memref_slice %arg9[%gather3A_2728, %gather3A_2729, %gather3A_2730] : memref<8x112x48xf32, #tpu.memory_space<vmem>> -> memref<1x112x48xf32, #tpu.memory_space<vmem>>
        %gather3A_2732 = tpu.memref_squeeze %gather3A_2731 : memref<1x112x48xf32, #tpu.memory_space<vmem>> -> memref<112x48xf32, #tpu.memory_space<vmem>>
        %gather3A_2733 = tpu.vector_load_idx %gather3A_2732[%add3A_224, %broadcast_in_dim3A_2686] : memref<112x48xf32, #tpu.memory_space<vmem>>[vector<16xi32>, vector<16xi32>], vector<16xf32>,
        %mul3A_2734 = arith.mulf %get3A_259, %gather3A_2733 : vector<16xf32>
        %add3A_2735 = arith.addf %add3A_2727, %mul3A_2734 : vector<16xf32>
        %gather3A_2736 = arith.constant 6 : i32
        %gather3A_2737 = arith.constant 0 : i32
        %gather3A_2738 = arith.constant 0 : i32
        %gather3A_2739 = tpu.memref_slice %arg9[%gather3A_2736, %gather3A_2737, %gather3A_2738] : memref<8x112x48xf32, #tpu.memory_space<vmem>> -> memref<1x112x48xf32, #tpu.memory_space<vmem>>
        %gather3A_2740 = tpu.memref_squeeze %gather3A_2739 : memref<1x112x48xf32, #tpu.memory_space<vmem>> -> memref<112x48xf32, #tpu.memory_space<vmem>>
        %gather3A_2741 = tpu.vector_load_idx %gather3A_2740[%add3A_224, %broadcast_in_dim3A_2686] : memref<112x48xf32, #tpu.memory_space<vmem>>[vector<16xi32>, vector<16xi32>], vector<16xf32>,
        %mul3A_2742 = arith.mulf %get3A_265, %gather3A_2741 : vector<16xf32>
        %add3A_2743 = arith.addf %add3A_2735, %mul3A_2742 : vector<16xf32>
        %gather3A_2744 = arith.constant 7 : i32
        %gather3A_2745 = arith.constant 0 : i32
        %gather3A_2746 = arith.constant 0 : i32
        %gather3A_2747 = tpu.memref_slice %arg9[%gather3A_2744, %gather3A_2745, %gather3A_2746] : memref<8x112x48xf32, #tpu.memory_space<vmem>> -> memref<1x112x48xf32, #tpu.memory_space<vmem>>
        %gather3A_2748 = tpu.memref_squeeze %gather3A_2747 : memref<1x112x48xf32, #tpu.memory_space<vmem>> -> memref<112x48xf32, #tpu.memory_space<vmem>>
        %gather3A_2749 = tpu.vector_load_idx %gather3A_2748[%add3A_224, %broadcast_in_dim3A_2686] : memref<112x48xf32, #tpu.memory_space<vmem>>[vector<16xi32>, vector<16xi32>], vector<16xf32>,
        %mul3A_2750 = arith.mulf %get3A_271, %gather3A_2749 : vector<16xf32>
        %add3A_2751 = arith.addf %add3A_2743, %mul3A_2750 : vector<16xf32>
        %mul3A_2752 = arith.mulf %gather3A_2687, %gather3A_2687 : vector<16xf32>
        %add3A_2753 = arith.addf %add3A_2682, %mul3A_2752 : vector<16xf32>
        %mul3A_2754 = arith.mulf %add3A_2751, %add3A_2751 : vector<16xf32>
        %add3A_2755 = arith.addf %add3A_2684, %mul3A_2754 : vector<16xf32>
        %broadcast_in_dim3A_2756 = arith.constant 35 : i32
        %broadcast_in_dim3A_2757 = vector.broadcast %broadcast_in_dim3A_2756 : i32 to vector<16xi32>
        %gather3A_2758 = tpu.vector_load_idx %arg8[%add3A_224, %broadcast_in_dim3A_2757] : memref<112x48xf32, #tpu.memory_space<vmem>>[vector<16xi32>, vector<16xi32>], vector<16xf32>,
        %gather3A_2759 = arith.constant 0 : i32
        %gather3A_2760 = arith.constant 0 : i32
        %gather3A_2761 = arith.constant 0 : i32
        %gather3A_2762 = tpu.memref_slice %arg9[%gather3A_2759, %gather3A_2760, %gather3A_2761] : memref<8x112x48xf32, #tpu.memory_space<vmem>> -> memref<1x112x48xf32, #tpu.memory_space<vmem>>
        %gather3A_2763 = tpu.memref_squeeze %gather3A_2762 : memref<1x112x48xf32, #tpu.memory_space<vmem>> -> memref<112x48xf32, #tpu.memory_space<vmem>>
        %gather3A_2764 = tpu.vector_load_idx %gather3A_2763[%add3A_224, %broadcast_in_dim3A_2757] : memref<112x48xf32, #tpu.memory_space<vmem>>[vector<16xi32>, vector<16xi32>], vector<16xf32>,
        %mul3A_2765 = arith.mulf %get3A_229, %gather3A_2764 : vector<16xf32>
        %add3A_2766 = arith.addf %gather3A_2758, %mul3A_2765 : vector<16xf32>
        %gather3A_2767 = arith.constant 1 : i32
        %gather3A_2768 = arith.constant 0 : i32
        %gather3A_2769 = arith.constant 0 : i32
        %gather3A_2770 = tpu.memref_slice %arg9[%gather3A_2767, %gather3A_2768, %gather3A_2769] : memref<8x112x48xf32, #tpu.memory_space<vmem>> -> memref<1x112x48xf32, #tpu.memory_space<vmem>>
        %gather3A_2771 = tpu.memref_squeeze %gather3A_2770 : memref<1x112x48xf32, #tpu.memory_space<vmem>> -> memref<112x48xf32, #tpu.memory_space<vmem>>
        %gather3A_2772 = tpu.vector_load_idx %gather3A_2771[%add3A_224, %broadcast_in_dim3A_2757] : memref<112x48xf32, #tpu.memory_space<vmem>>[vector<16xi32>, vector<16xi32>], vector<16xf32>,
        %mul3A_2773 = arith.mulf %get3A_235, %gather3A_2772 : vector<16xf32>
        %add3A_2774 = arith.addf %add3A_2766, %mul3A_2773 : vector<16xf32>
        %gather3A_2775 = arith.constant 2 : i32
        %gather3A_2776 = arith.constant 0 : i32
        %gather3A_2777 = arith.constant 0 : i32
        %gather3A_2778 = tpu.memref_slice %arg9[%gather3A_2775, %gather3A_2776, %gather3A_2777] : memref<8x112x48xf32, #tpu.memory_space<vmem>> -> memref<1x112x48xf32, #tpu.memory_space<vmem>>
        %gather3A_2779 = tpu.memref_squeeze %gather3A_2778 : memref<1x112x48xf32, #tpu.memory_space<vmem>> -> memref<112x48xf32, #tpu.memory_space<vmem>>
        %gather3A_2780 = tpu.vector_load_idx %gather3A_2779[%add3A_224, %broadcast_in_dim3A_2757] : memref<112x48xf32, #tpu.memory_space<vmem>>[vector<16xi32>, vector<16xi32>], vector<16xf32>,
        %mul3A_2781 = arith.mulf %get3A_241, %gather3A_2780 : vector<16xf32>
        %add3A_2782 = arith.addf %add3A_2774, %mul3A_2781 : vector<16xf32>
        %gather3A_2783 = arith.constant 3 : i32
        %gather3A_2784 = arith.constant 0 : i32
        %gather3A_2785 = arith.constant 0 : i32
        %gather3A_2786 = tpu.memref_slice %arg9[%gather3A_2783, %gather3A_2784, %gather3A_2785] : memref<8x112x48xf32, #tpu.memory_space<vmem>> -> memref<1x112x48xf32, #tpu.memory_space<vmem>>
        %gather3A_2787 = tpu.memref_squeeze %gather3A_2786 : memref<1x112x48xf32, #tpu.memory_space<vmem>> -> memref<112x48xf32, #tpu.memory_space<vmem>>
        %gather3A_2788 = tpu.vector_load_idx %gather3A_2787[%add3A_224, %broadcast_in_dim3A_2757] : memref<112x48xf32, #tpu.memory_space<vmem>>[vector<16xi32>, vector<16xi32>], vector<16xf32>,
        %mul3A_2789 = arith.mulf %get3A_247, %gather3A_2788 : vector<16xf32>
        %add3A_2790 = arith.addf %add3A_2782, %mul3A_2789 : vector<16xf32>
        %gather3A_2791 = arith.constant 4 : i32
        %gather3A_2792 = arith.constant 0 : i32
        %gather3A_2793 = arith.constant 0 : i32
        %gather3A_2794 = tpu.memref_slice %arg9[%gather3A_2791, %gather3A_2792, %gather3A_2793] : memref<8x112x48xf32, #tpu.memory_space<vmem>> -> memref<1x112x48xf32, #tpu.memory_space<vmem>>
        %gather3A_2795 = tpu.memref_squeeze %gather3A_2794 : memref<1x112x48xf32, #tpu.memory_space<vmem>> -> memref<112x48xf32, #tpu.memory_space<vmem>>
        %gather3A_2796 = tpu.vector_load_idx %gather3A_2795[%add3A_224, %broadcast_in_dim3A_2757] : memref<112x48xf32, #tpu.memory_space<vmem>>[vector<16xi32>, vector<16xi32>], vector<16xf32>,
        %mul3A_2797 = arith.mulf %get3A_253, %gather3A_2796 : vector<16xf32>
        %add3A_2798 = arith.addf %add3A_2790, %mul3A_2797 : vector<16xf32>
        %gather3A_2799 = arith.constant 5 : i32
        %gather3A_2800 = arith.constant 0 : i32
        %gather3A_2801 = arith.constant 0 : i32
        %gather3A_2802 = tpu.memref_slice %arg9[%gather3A_2799, %gather3A_2800, %gather3A_2801] : memref<8x112x48xf32, #tpu.memory_space<vmem>> -> memref<1x112x48xf32, #tpu.memory_space<vmem>>
        %gather3A_2803 = tpu.memref_squeeze %gather3A_2802 : memref<1x112x48xf32, #tpu.memory_space<vmem>> -> memref<112x48xf32, #tpu.memory_space<vmem>>
        %gather3A_2804 = tpu.vector_load_idx %gather3A_2803[%add3A_224, %broadcast_in_dim3A_2757] : memref<112x48xf32, #tpu.memory_space<vmem>>[vector<16xi32>, vector<16xi32>], vector<16xf32>,
        %mul3A_2805 = arith.mulf %get3A_259, %gather3A_2804 : vector<16xf32>
        %add3A_2806 = arith.addf %add3A_2798, %mul3A_2805 : vector<16xf32>
        %gather3A_2807 = arith.constant 6 : i32
        %gather3A_2808 = arith.constant 0 : i32
        %gather3A_2809 = arith.constant 0 : i32
        %gather3A_2810 = tpu.memref_slice %arg9[%gather3A_2807, %gather3A_2808, %gather3A_2809] : memref<8x112x48xf32, #tpu.memory_space<vmem>> -> memref<1x112x48xf32, #tpu.memory_space<vmem>>
        %gather3A_2811 = tpu.memref_squeeze %gather3A_2810 : memref<1x112x48xf32, #tpu.memory_space<vmem>> -> memref<112x48xf32, #tpu.memory_space<vmem>>
        %gather3A_2812 = tpu.vector_load_idx %gather3A_2811[%add3A_224, %broadcast_in_dim3A_2757] : memref<112x48xf32, #tpu.memory_space<vmem>>[vector<16xi32>, vector<16xi32>], vector<16xf32>,
        %mul3A_2813 = arith.mulf %get3A_265, %gather3A_2812 : vector<16xf32>
        %add3A_2814 = arith.addf %add3A_2806, %mul3A_2813 : vector<16xf32>
        %gather3A_2815 = arith.constant 7 : i32
        %gather3A_2816 = arith.constant 0 : i32
        %gather3A_2817 = arith.constant 0 : i32
        %gather3A_2818 = tpu.memref_slice %arg9[%gather3A_2815, %gather3A_2816, %gather3A_2817] : memref<8x112x48xf32, #tpu.memory_space<vmem>> -> memref<1x112x48xf32, #tpu.memory_space<vmem>>
        %gather3A_2819 = tpu.memref_squeeze %gather3A_2818 : memref<1x112x48xf32, #tpu.memory_space<vmem>> -> memref<112x48xf32, #tpu.memory_space<vmem>>
        %gather3A_2820 = tpu.vector_load_idx %gather3A_2819[%add3A_224, %broadcast_in_dim3A_2757] : memref<112x48xf32, #tpu.memory_space<vmem>>[vector<16xi32>, vector<16xi32>], vector<16xf32>,
        %mul3A_2821 = arith.mulf %get3A_271, %gather3A_2820 : vector<16xf32>
        %add3A_2822 = arith.addf %add3A_2814, %mul3A_2821 : vector<16xf32>
        %mul3A_2823 = arith.mulf %gather3A_2758, %gather3A_2758 : vector<16xf32>
        %add3A_2824 = arith.addf %add3A_2753, %mul3A_2823 : vector<16xf32>
        %mul3A_2825 = arith.mulf %add3A_2822, %add3A_2822 : vector<16xf32>
        %add3A_2826 = arith.addf %add3A_2755, %mul3A_2825 : vector<16xf32>
        %broadcast_in_dim3A_2827 = arith.constant 36 : i32
        %broadcast_in_dim3A_2828 = vector.broadcast %broadcast_in_dim3A_2827 : i32 to vector<16xi32>
        %gather3A_2829 = tpu.vector_load_idx %arg8[%add3A_224, %broadcast_in_dim3A_2828] : memref<112x48xf32, #tpu.memory_space<vmem>>[vector<16xi32>, vector<16xi32>], vector<16xf32>,
        %gather3A_2830 = arith.constant 0 : i32
        %gather3A_2831 = arith.constant 0 : i32
        %gather3A_2832 = arith.constant 0 : i32
        %gather3A_2833 = tpu.memref_slice %arg9[%gather3A_2830, %gather3A_2831, %gather3A_2832] : memref<8x112x48xf32, #tpu.memory_space<vmem>> -> memref<1x112x48xf32, #tpu.memory_space<vmem>>
        %gather3A_2834 = tpu.memref_squeeze %gather3A_2833 : memref<1x112x48xf32, #tpu.memory_space<vmem>> -> memref<112x48xf32, #tpu.memory_space<vmem>>
        %gather3A_2835 = tpu.vector_load_idx %gather3A_2834[%add3A_224, %broadcast_in_dim3A_2828] : memref<112x48xf32, #tpu.memory_space<vmem>>[vector<16xi32>, vector<16xi32>], vector<16xf32>,
        %mul3A_2836 = arith.mulf %get3A_229, %gather3A_2835 : vector<16xf32>
        %add3A_2837 = arith.addf %gather3A_2829, %mul3A_2836 : vector<16xf32>
        %gather3A_2838 = arith.constant 1 : i32
        %gather3A_2839 = arith.constant 0 : i32
        %gather3A_2840 = arith.constant 0 : i32
        %gather3A_2841 = tpu.memref_slice %arg9[%gather3A_2838, %gather3A_2839, %gather3A_2840] : memref<8x112x48xf32, #tpu.memory_space<vmem>> -> memref<1x112x48xf32, #tpu.memory_space<vmem>>
        %gather3A_2842 = tpu.memref_squeeze %gather3A_2841 : memref<1x112x48xf32, #tpu.memory_space<vmem>> -> memref<112x48xf32, #tpu.memory_space<vmem>>
        %gather3A_2843 = tpu.vector_load_idx %gather3A_2842[%add3A_224, %broadcast_in_dim3A_2828] : memref<112x48xf32, #tpu.memory_space<vmem>>[vector<16xi32>, vector<16xi32>], vector<16xf32>,
        %mul3A_2844 = arith.mulf %get3A_235, %gather3A_2843 : vector<16xf32>
        %add3A_2845 = arith.addf %add3A_2837, %mul3A_2844 : vector<16xf32>
        %gather3A_2846 = arith.constant 2 : i32
        %gather3A_2847 = arith.constant 0 : i32
        %gather3A_2848 = arith.constant 0 : i32
        %gather3A_2849 = tpu.memref_slice %arg9[%gather3A_2846, %gather3A_2847, %gather3A_2848] : memref<8x112x48xf32, #tpu.memory_space<vmem>> -> memref<1x112x48xf32, #tpu.memory_space<vmem>>
        %gather3A_2850 = tpu.memref_squeeze %gather3A_2849 : memref<1x112x48xf32, #tpu.memory_space<vmem>> -> memref<112x48xf32, #tpu.memory_space<vmem>>
        %gather3A_2851 = tpu.vector_load_idx %gather3A_2850[%add3A_224, %broadcast_in_dim3A_2828] : memref<112x48xf32, #tpu.memory_space<vmem>>[vector<16xi32>, vector<16xi32>], vector<16xf32>,
        %mul3A_2852 = arith.mulf %get3A_241, %gather3A_2851 : vector<16xf32>
        %add3A_2853 = arith.addf %add3A_2845, %mul3A_2852 : vector<16xf32>
        %gather3A_2854 = arith.constant 3 : i32
        %gather3A_2855 = arith.constant 0 : i32
        %gather3A_2856 = arith.constant 0 : i32
        %gather3A_2857 = tpu.memref_slice %arg9[%gather3A_2854, %gather3A_2855, %gather3A_2856] : memref<8x112x48xf32, #tpu.memory_space<vmem>> -> memref<1x112x48xf32, #tpu.memory_space<vmem>>
        %gather3A_2858 = tpu.memref_squeeze %gather3A_2857 : memref<1x112x48xf32, #tpu.memory_space<vmem>> -> memref<112x48xf32, #tpu.memory_space<vmem>>
        %gather3A_2859 = tpu.vector_load_idx %gather3A_2858[%add3A_224, %broadcast_in_dim3A_2828] : memref<112x48xf32, #tpu.memory_space<vmem>>[vector<16xi32>, vector<16xi32>], vector<16xf32>,
        %mul3A_2860 = arith.mulf %get3A_247, %gather3A_2859 : vector<16xf32>
        %add3A_2861 = arith.addf %add3A_2853, %mul3A_2860 : vector<16xf32>
        %gather3A_2862 = arith.constant 4 : i32
        %gather3A_2863 = arith.constant 0 : i32
        %gather3A_2864 = arith.constant 0 : i32
        %gather3A_2865 = tpu.memref_slice %arg9[%gather3A_2862, %gather3A_2863, %gather3A_2864] : memref<8x112x48xf32, #tpu.memory_space<vmem>> -> memref<1x112x48xf32, #tpu.memory_space<vmem>>
        %gather3A_2866 = tpu.memref_squeeze %gather3A_2865 : memref<1x112x48xf32, #tpu.memory_space<vmem>> -> memref<112x48xf32, #tpu.memory_space<vmem>>
        %gather3A_2867 = tpu.vector_load_idx %gather3A_2866[%add3A_224, %broadcast_in_dim3A_2828] : memref<112x48xf32, #tpu.memory_space<vmem>>[vector<16xi32>, vector<16xi32>], vector<16xf32>,
        %mul3A_2868 = arith.mulf %get3A_253, %gather3A_2867 : vector<16xf32>
        %add3A_2869 = arith.addf %add3A_2861, %mul3A_2868 : vector<16xf32>
        %gather3A_2870 = arith.constant 5 : i32
        %gather3A_2871 = arith.constant 0 : i32
        %gather3A_2872 = arith.constant 0 : i32
        %gather3A_2873 = tpu.memref_slice %arg9[%gather3A_2870, %gather3A_2871, %gather3A_2872] : memref<8x112x48xf32, #tpu.memory_space<vmem>> -> memref<1x112x48xf32, #tpu.memory_space<vmem>>
        %gather3A_2874 = tpu.memref_squeeze %gather3A_2873 : memref<1x112x48xf32, #tpu.memory_space<vmem>> -> memref<112x48xf32, #tpu.memory_space<vmem>>
        %gather3A_2875 = tpu.vector_load_idx %gather3A_2874[%add3A_224, %broadcast_in_dim3A_2828] : memref<112x48xf32, #tpu.memory_space<vmem>>[vector<16xi32>, vector<16xi32>], vector<16xf32>,
        %mul3A_2876 = arith.mulf %get3A_259, %gather3A_2875 : vector<16xf32>
        %add3A_2877 = arith.addf %add3A_2869, %mul3A_2876 : vector<16xf32>
        %gather3A_2878 = arith.constant 6 : i32
        %gather3A_2879 = arith.constant 0 : i32
        %gather3A_2880 = arith.constant 0 : i32
        %gather3A_2881 = tpu.memref_slice %arg9[%gather3A_2878, %gather3A_2879, %gather3A_2880] : memref<8x112x48xf32, #tpu.memory_space<vmem>> -> memref<1x112x48xf32, #tpu.memory_space<vmem>>
        %gather3A_2882 = tpu.memref_squeeze %gather3A_2881 : memref<1x112x48xf32, #tpu.memory_space<vmem>> -> memref<112x48xf32, #tpu.memory_space<vmem>>
        %gather3A_2883 = tpu.vector_load_idx %gather3A_2882[%add3A_224, %broadcast_in_dim3A_2828] : memref<112x48xf32, #tpu.memory_space<vmem>>[vector<16xi32>, vector<16xi32>], vector<16xf32>,
        %mul3A_2884 = arith.mulf %get3A_265, %gather3A_2883 : vector<16xf32>
        %add3A_2885 = arith.addf %add3A_2877, %mul3A_2884 : vector<16xf32>
        %gather3A_2886 = arith.constant 7 : i32
        %gather3A_2887 = arith.constant 0 : i32
        %gather3A_2888 = arith.constant 0 : i32
        %gather3A_2889 = tpu.memref_slice %arg9[%gather3A_2886, %gather3A_2887, %gather3A_2888] : memref<8x112x48xf32, #tpu.memory_space<vmem>> -> memref<1x112x48xf32, #tpu.memory_space<vmem>>
        %gather3A_2890 = tpu.memref_squeeze %gather3A_2889 : memref<1x112x48xf32, #tpu.memory_space<vmem>> -> memref<112x48xf32, #tpu.memory_space<vmem>>
        %gather3A_2891 = tpu.vector_load_idx %gather3A_2890[%add3A_224, %broadcast_in_dim3A_2828] : memref<112x48xf32, #tpu.memory_space<vmem>>[vector<16xi32>, vector<16xi32>], vector<16xf32>,
        %mul3A_2892 = arith.mulf %get3A_271, %gather3A_2891 : vector<16xf32>
        %add3A_2893 = arith.addf %add3A_2885, %mul3A_2892 : vector<16xf32>
        %mul3A_2894 = arith.mulf %gather3A_2829, %gather3A_2829 : vector<16xf32>
        %add3A_2895 = arith.addf %add3A_2824, %mul3A_2894 : vector<16xf32>
        %mul3A_2896 = arith.mulf %add3A_2893, %add3A_2893 : vector<16xf32>
        %add3A_2897 = arith.addf %add3A_2826, %mul3A_2896 : vector<16xf32>
        %broadcast_in_dim3A_2898 = arith.constant 37 : i32
        %broadcast_in_dim3A_2899 = vector.broadcast %broadcast_in_dim3A_2898 : i32 to vector<16xi32>
        %gather3A_2900 = tpu.vector_load_idx %arg8[%add3A_224, %broadcast_in_dim3A_2899] : memref<112x48xf32, #tpu.memory_space<vmem>>[vector<16xi32>, vector<16xi32>], vector<16xf32>,
        %gather3A_2901 = arith.constant 0 : i32
        %gather3A_2902 = arith.constant 0 : i32
        %gather3A_2903 = arith.constant 0 : i32
        %gather3A_2904 = tpu.memref_slice %arg9[%gather3A_2901, %gather3A_2902, %gather3A_2903] : memref<8x112x48xf32, #tpu.memory_space<vmem>> -> memref<1x112x48xf32, #tpu.memory_space<vmem>>
        %gather3A_2905 = tpu.memref_squeeze %gather3A_2904 : memref<1x112x48xf32, #tpu.memory_space<vmem>> -> memref<112x48xf32, #tpu.memory_space<vmem>>
        %gather3A_2906 = tpu.vector_load_idx %gather3A_2905[%add3A_224, %broadcast_in_dim3A_2899] : memref<112x48xf32, #tpu.memory_space<vmem>>[vector<16xi32>, vector<16xi32>], vector<16xf32>,
        %mul3A_2907 = arith.mulf %get3A_229, %gather3A_2906 : vector<16xf32>
        %add3A_2908 = arith.addf %gather3A_2900, %mul3A_2907 : vector<16xf32>
        %gather3A_2909 = arith.constant 1 : i32
        %gather3A_2910 = arith.constant 0 : i32
        %gather3A_2911 = arith.constant 0 : i32
        %gather3A_2912 = tpu.memref_slice %arg9[%gather3A_2909, %gather3A_2910, %gather3A_2911] : memref<8x112x48xf32, #tpu.memory_space<vmem>> -> memref<1x112x48xf32, #tpu.memory_space<vmem>>
        %gather3A_2913 = tpu.memref_squeeze %gather3A_2912 : memref<1x112x48xf32, #tpu.memory_space<vmem>> -> memref<112x48xf32, #tpu.memory_space<vmem>>
        %gather3A_2914 = tpu.vector_load_idx %gather3A_2913[%add3A_224, %broadcast_in_dim3A_2899] : memref<112x48xf32, #tpu.memory_space<vmem>>[vector<16xi32>, vector<16xi32>], vector<16xf32>,
        %mul3A_2915 = arith.mulf %get3A_235, %gather3A_2914 : vector<16xf32>
        %add3A_2916 = arith.addf %add3A_2908, %mul3A_2915 : vector<16xf32>
        %gather3A_2917 = arith.constant 2 : i32
        %gather3A_2918 = arith.constant 0 : i32
        %gather3A_2919 = arith.constant 0 : i32
        %gather3A_2920 = tpu.memref_slice %arg9[%gather3A_2917, %gather3A_2918, %gather3A_2919] : memref<8x112x48xf32, #tpu.memory_space<vmem>> -> memref<1x112x48xf32, #tpu.memory_space<vmem>>
        %gather3A_2921 = tpu.memref_squeeze %gather3A_2920 : memref<1x112x48xf32, #tpu.memory_space<vmem>> -> memref<112x48xf32, #tpu.memory_space<vmem>>
        %gather3A_2922 = tpu.vector_load_idx %gather3A_2921[%add3A_224, %broadcast_in_dim3A_2899] : memref<112x48xf32, #tpu.memory_space<vmem>>[vector<16xi32>, vector<16xi32>], vector<16xf32>,
        %mul3A_2923 = arith.mulf %get3A_241, %gather3A_2922 : vector<16xf32>
        %add3A_2924 = arith.addf %add3A_2916, %mul3A_2923 : vector<16xf32>
        %gather3A_2925 = arith.constant 3 : i32
        %gather3A_2926 = arith.constant 0 : i32
        %gather3A_2927 = arith.constant 0 : i32
        %gather3A_2928 = tpu.memref_slice %arg9[%gather3A_2925, %gather3A_2926, %gather3A_2927] : memref<8x112x48xf32, #tpu.memory_space<vmem>> -> memref<1x112x48xf32, #tpu.memory_space<vmem>>
        %gather3A_2929 = tpu.memref_squeeze %gather3A_2928 : memref<1x112x48xf32, #tpu.memory_space<vmem>> -> memref<112x48xf32, #tpu.memory_space<vmem>>
        %gather3A_2930 = tpu.vector_load_idx %gather3A_2929[%add3A_224, %broadcast_in_dim3A_2899] : memref<112x48xf32, #tpu.memory_space<vmem>>[vector<16xi32>, vector<16xi32>], vector<16xf32>,
        %mul3A_2931 = arith.mulf %get3A_247, %gather3A_2930 : vector<16xf32>
        %add3A_2932 = arith.addf %add3A_2924, %mul3A_2931 : vector<16xf32>
        %gather3A_2933 = arith.constant 4 : i32
        %gather3A_2934 = arith.constant 0 : i32
        %gather3A_2935 = arith.constant 0 : i32
        %gather3A_2936 = tpu.memref_slice %arg9[%gather3A_2933, %gather3A_2934, %gather3A_2935] : memref<8x112x48xf32, #tpu.memory_space<vmem>> -> memref<1x112x48xf32, #tpu.memory_space<vmem>>
        %gather3A_2937 = tpu.memref_squeeze %gather3A_2936 : memref<1x112x48xf32, #tpu.memory_space<vmem>> -> memref<112x48xf32, #tpu.memory_space<vmem>>
        %gather3A_2938 = tpu.vector_load_idx %gather3A_2937[%add3A_224, %broadcast_in_dim3A_2899] : memref<112x48xf32, #tpu.memory_space<vmem>>[vector<16xi32>, vector<16xi32>], vector<16xf32>,
        %mul3A_2939 = arith.mulf %get3A_253, %gather3A_2938 : vector<16xf32>
        %add3A_2940 = arith.addf %add3A_2932, %mul3A_2939 : vector<16xf32>
        %gather3A_2941 = arith.constant 5 : i32
        %gather3A_2942 = arith.constant 0 : i32
        %gather3A_2943 = arith.constant 0 : i32
        %gather3A_2944 = tpu.memref_slice %arg9[%gather3A_2941, %gather3A_2942, %gather3A_2943] : memref<8x112x48xf32, #tpu.memory_space<vmem>> -> memref<1x112x48xf32, #tpu.memory_space<vmem>>
        %gather3A_2945 = tpu.memref_squeeze %gather3A_2944 : memref<1x112x48xf32, #tpu.memory_space<vmem>> -> memref<112x48xf32, #tpu.memory_space<vmem>>
        %gather3A_2946 = tpu.vector_load_idx %gather3A_2945[%add3A_224, %broadcast_in_dim3A_2899] : memref<112x48xf32, #tpu.memory_space<vmem>>[vector<16xi32>, vector<16xi32>], vector<16xf32>,
        %mul3A_2947 = arith.mulf %get3A_259, %gather3A_2946 : vector<16xf32>
        %add3A_2948 = arith.addf %add3A_2940, %mul3A_2947 : vector<16xf32>
        %gather3A_2949 = arith.constant 6 : i32
        %gather3A_2950 = arith.constant 0 : i32
        %gather3A_2951 = arith.constant 0 : i32
        %gather3A_2952 = tpu.memref_slice %arg9[%gather3A_2949, %gather3A_2950, %gather3A_2951] : memref<8x112x48xf32, #tpu.memory_space<vmem>> -> memref<1x112x48xf32, #tpu.memory_space<vmem>>
        %gather3A_2953 = tpu.memref_squeeze %gather3A_2952 : memref<1x112x48xf32, #tpu.memory_space<vmem>> -> memref<112x48xf32, #tpu.memory_space<vmem>>
        %gather3A_2954 = tpu.vector_load_idx %gather3A_2953[%add3A_224, %broadcast_in_dim3A_2899] : memref<112x48xf32, #tpu.memory_space<vmem>>[vector<16xi32>, vector<16xi32>], vector<16xf32>,
        %mul3A_2955 = arith.mulf %get3A_265, %gather3A_2954 : vector<16xf32>
        %add3A_2956 = arith.addf %add3A_2948, %mul3A_2955 : vector<16xf32>
        %gather3A_2957 = arith.constant 7 : i32
        %gather3A_2958 = arith.constant 0 : i32
        %gather3A_2959 = arith.constant 0 : i32
        %gather3A_2960 = tpu.memref_slice %arg9[%gather3A_2957, %gather3A_2958, %gather3A_2959] : memref<8x112x48xf32, #tpu.memory_space<vmem>> -> memref<1x112x48xf32, #tpu.memory_space<vmem>>
        %gather3A_2961 = tpu.memref_squeeze %gather3A_2960 : memref<1x112x48xf32, #tpu.memory_space<vmem>> -> memref<112x48xf32, #tpu.memory_space<vmem>>
        %gather3A_2962 = tpu.vector_load_idx %gather3A_2961[%add3A_224, %broadcast_in_dim3A_2899] : memref<112x48xf32, #tpu.memory_space<vmem>>[vector<16xi32>, vector<16xi32>], vector<16xf32>,
        %mul3A_2963 = arith.mulf %get3A_271, %gather3A_2962 : vector<16xf32>
        %add3A_2964 = arith.addf %add3A_2956, %mul3A_2963 : vector<16xf32>
        %mul3A_2965 = arith.mulf %gather3A_2900, %gather3A_2900 : vector<16xf32>
        %add3A_2966 = arith.addf %add3A_2895, %mul3A_2965 : vector<16xf32>
        %mul3A_2967 = arith.mulf %add3A_2964, %add3A_2964 : vector<16xf32>
        %add3A_2968 = arith.addf %add3A_2897, %mul3A_2967 : vector<16xf32>
        %broadcast_in_dim3A_2969 = arith.constant 38 : i32
        %broadcast_in_dim3A_2970 = vector.broadcast %broadcast_in_dim3A_2969 : i32 to vector<16xi32>
        %gather3A_2971 = tpu.vector_load_idx %arg8[%add3A_224, %broadcast_in_dim3A_2970] : memref<112x48xf32, #tpu.memory_space<vmem>>[vector<16xi32>, vector<16xi32>], vector<16xf32>,
        %gather3A_2972 = arith.constant 0 : i32
        %gather3A_2973 = arith.constant 0 : i32
        %gather3A_2974 = arith.constant 0 : i32
        %gather3A_2975 = tpu.memref_slice %arg9[%gather3A_2972, %gather3A_2973, %gather3A_2974] : memref<8x112x48xf32, #tpu.memory_space<vmem>> -> memref<1x112x48xf32, #tpu.memory_space<vmem>>
        %gather3A_2976 = tpu.memref_squeeze %gather3A_2975 : memref<1x112x48xf32, #tpu.memory_space<vmem>> -> memref<112x48xf32, #tpu.memory_space<vmem>>
        %gather3A_2977 = tpu.vector_load_idx %gather3A_2976[%add3A_224, %broadcast_in_dim3A_2970] : memref<112x48xf32, #tpu.memory_space<vmem>>[vector<16xi32>, vector<16xi32>], vector<16xf32>,
        %mul3A_2978 = arith.mulf %get3A_229, %gather3A_2977 : vector<16xf32>
        %add3A_2979 = arith.addf %gather3A_2971, %mul3A_2978 : vector<16xf32>
        %gather3A_2980 = arith.constant 1 : i32
        %gather3A_2981 = arith.constant 0 : i32
        %gather3A_2982 = arith.constant 0 : i32
        %gather3A_2983 = tpu.memref_slice %arg9[%gather3A_2980, %gather3A_2981, %gather3A_2982] : memref<8x112x48xf32, #tpu.memory_space<vmem>> -> memref<1x112x48xf32, #tpu.memory_space<vmem>>
        %gather3A_2984 = tpu.memref_squeeze %gather3A_2983 : memref<1x112x48xf32, #tpu.memory_space<vmem>> -> memref<112x48xf32, #tpu.memory_space<vmem>>
        %gather3A_2985 = tpu.vector_load_idx %gather3A_2984[%add3A_224, %broadcast_in_dim3A_2970] : memref<112x48xf32, #tpu.memory_space<vmem>>[vector<16xi32>, vector<16xi32>], vector<16xf32>,
        %mul3A_2986 = arith.mulf %get3A_235, %gather3A_2985 : vector<16xf32>
        %add3A_2987 = arith.addf %add3A_2979, %mul3A_2986 : vector<16xf32>
        %gather3A_2988 = arith.constant 2 : i32
        %gather3A_2989 = arith.constant 0 : i32
        %gather3A_2990 = arith.constant 0 : i32
        %gather3A_2991 = tpu.memref_slice %arg9[%gather3A_2988, %gather3A_2989, %gather3A_2990] : memref<8x112x48xf32, #tpu.memory_space<vmem>> -> memref<1x112x48xf32, #tpu.memory_space<vmem>>
        %gather3A_2992 = tpu.memref_squeeze %gather3A_2991 : memref<1x112x48xf32, #tpu.memory_space<vmem>> -> memref<112x48xf32, #tpu.memory_space<vmem>>
        %gather3A_2993 = tpu.vector_load_idx %gather3A_2992[%add3A_224, %broadcast_in_dim3A_2970] : memref<112x48xf32, #tpu.memory_space<vmem>>[vector<16xi32>, vector<16xi32>], vector<16xf32>,
        %mul3A_2994 = arith.mulf %get3A_241, %gather3A_2993 : vector<16xf32>
        %add3A_2995 = arith.addf %add3A_2987, %mul3A_2994 : vector<16xf32>
        %gather3A_2996 = arith.constant 3 : i32
        %gather3A_2997 = arith.constant 0 : i32
        %gather3A_2998 = arith.constant 0 : i32
        %gather3A_2999 = tpu.memref_slice %arg9[%gather3A_2996, %gather3A_2997, %gather3A_2998] : memref<8x112x48xf32, #tpu.memory_space<vmem>> -> memref<1x112x48xf32, #tpu.memory_space<vmem>>
        %gather3A_3000 = tpu.memref_squeeze %gather3A_2999 : memref<1x112x48xf32, #tpu.memory_space<vmem>> -> memref<112x48xf32, #tpu.memory_space<vmem>>
        %gather3A_3001 = tpu.vector_load_idx %gather3A_3000[%add3A_224, %broadcast_in_dim3A_2970] : memref<112x48xf32, #tpu.memory_space<vmem>>[vector<16xi32>, vector<16xi32>], vector<16xf32>,
        %mul3A_3002 = arith.mulf %get3A_247, %gather3A_3001 : vector<16xf32>
        %add3A_3003 = arith.addf %add3A_2995, %mul3A_3002 : vector<16xf32>
        %gather3A_3004 = arith.constant 4 : i32
        %gather3A_3005 = arith.constant 0 : i32
        %gather3A_3006 = arith.constant 0 : i32
        %gather3A_3007 = tpu.memref_slice %arg9[%gather3A_3004, %gather3A_3005, %gather3A_3006] : memref<8x112x48xf32, #tpu.memory_space<vmem>> -> memref<1x112x48xf32, #tpu.memory_space<vmem>>
        %gather3A_3008 = tpu.memref_squeeze %gather3A_3007 : memref<1x112x48xf32, #tpu.memory_space<vmem>> -> memref<112x48xf32, #tpu.memory_space<vmem>>
        %gather3A_3009 = tpu.vector_load_idx %gather3A_3008[%add3A_224, %broadcast_in_dim3A_2970] : memref<112x48xf32, #tpu.memory_space<vmem>>[vector<16xi32>, vector<16xi32>], vector<16xf32>,
        %mul3A_3010 = arith.mulf %get3A_253, %gather3A_3009 : vector<16xf32>
        %add3A_3011 = arith.addf %add3A_3003, %mul3A_3010 : vector<16xf32>
        %gather3A_3012 = arith.constant 5 : i32
        %gather3A_3013 = arith.constant 0 : i32
        %gather3A_3014 = arith.constant 0 : i32
        %gather3A_3015 = tpu.memref_slice %arg9[%gather3A_3012, %gather3A_3013, %gather3A_3014] : memref<8x112x48xf32, #tpu.memory_space<vmem>> -> memref<1x112x48xf32, #tpu.memory_space<vmem>>
        %gather3A_3016 = tpu.memref_squeeze %gather3A_3015 : memref<1x112x48xf32, #tpu.memory_space<vmem>> -> memref<112x48xf32, #tpu.memory_space<vmem>>
        %gather3A_3017 = tpu.vector_load_idx %gather3A_3016[%add3A_224, %broadcast_in_dim3A_2970] : memref<112x48xf32, #tpu.memory_space<vmem>>[vector<16xi32>, vector<16xi32>], vector<16xf32>,
        %mul3A_3018 = arith.mulf %get3A_259, %gather3A_3017 : vector<16xf32>
        %add3A_3019 = arith.addf %add3A_3011, %mul3A_3018 : vector<16xf32>
        %gather3A_3020 = arith.constant 6 : i32
        %gather3A_3021 = arith.constant 0 : i32
        %gather3A_3022 = arith.constant 0 : i32
        %gather3A_3023 = tpu.memref_slice %arg9[%gather3A_3020, %gather3A_3021, %gather3A_3022] : memref<8x112x48xf32, #tpu.memory_space<vmem>> -> memref<1x112x48xf32, #tpu.memory_space<vmem>>
        %gather3A_3024 = tpu.memref_squeeze %gather3A_3023 : memref<1x112x48xf32, #tpu.memory_space<vmem>> -> memref<112x48xf32, #tpu.memory_space<vmem>>
        %gather3A_3025 = tpu.vector_load_idx %gather3A_3024[%add3A_224, %broadcast_in_dim3A_2970] : memref<112x48xf32, #tpu.memory_space<vmem>>[vector<16xi32>, vector<16xi32>], vector<16xf32>,
        %mul3A_3026 = arith.mulf %get3A_265, %gather3A_3025 : vector<16xf32>
        %add3A_3027 = arith.addf %add3A_3019, %mul3A_3026 : vector<16xf32>
        %gather3A_3028 = arith.constant 7 : i32
        %gather3A_3029 = arith.constant 0 : i32
        %gather3A_3030 = arith.constant 0 : i32
        %gather3A_3031 = tpu.memref_slice %arg9[%gather3A_3028, %gather3A_3029, %gather3A_3030] : memref<8x112x48xf32, #tpu.memory_space<vmem>> -> memref<1x112x48xf32, #tpu.memory_space<vmem>>
        %gather3A_3032 = tpu.memref_squeeze %gather3A_3031 : memref<1x112x48xf32, #tpu.memory_space<vmem>> -> memref<112x48xf32, #tpu.memory_space<vmem>>
        %gather3A_3033 = tpu.vector_load_idx %gather3A_3032[%add3A_224, %broadcast_in_dim3A_2970] : memref<112x48xf32, #tpu.memory_space<vmem>>[vector<16xi32>, vector<16xi32>], vector<16xf32>,
        %mul3A_3034 = arith.mulf %get3A_271, %gather3A_3033 : vector<16xf32>
        %add3A_3035 = arith.addf %add3A_3027, %mul3A_3034 : vector<16xf32>
        %mul3A_3036 = arith.mulf %gather3A_2971, %gather3A_2971 : vector<16xf32>
        %add3A_3037 = arith.addf %add3A_2966, %mul3A_3036 : vector<16xf32>
        %mul3A_3038 = arith.mulf %add3A_3035, %add3A_3035 : vector<16xf32>
        %add3A_3039 = arith.addf %add3A_2968, %mul3A_3038 : vector<16xf32>
        %broadcast_in_dim3A_3040 = arith.constant 39 : i32
        %broadcast_in_dim3A_3041 = vector.broadcast %broadcast_in_dim3A_3040 : i32 to vector<16xi32>
        %gather3A_3042 = tpu.vector_load_idx %arg8[%add3A_224, %broadcast_in_dim3A_3041] : memref<112x48xf32, #tpu.memory_space<vmem>>[vector<16xi32>, vector<16xi32>], vector<16xf32>,
        %gather3A_3043 = arith.constant 0 : i32
        %gather3A_3044 = arith.constant 0 : i32
        %gather3A_3045 = arith.constant 0 : i32
        %gather3A_3046 = tpu.memref_slice %arg9[%gather3A_3043, %gather3A_3044, %gather3A_3045] : memref<8x112x48xf32, #tpu.memory_space<vmem>> -> memref<1x112x48xf32, #tpu.memory_space<vmem>>
        %gather3A_3047 = tpu.memref_squeeze %gather3A_3046 : memref<1x112x48xf32, #tpu.memory_space<vmem>> -> memref<112x48xf32, #tpu.memory_space<vmem>>
        %gather3A_3048 = tpu.vector_load_idx %gather3A_3047[%add3A_224, %broadcast_in_dim3A_3041] : memref<112x48xf32, #tpu.memory_space<vmem>>[vector<16xi32>, vector<16xi32>], vector<16xf32>,
        %mul3A_3049 = arith.mulf %get3A_229, %gather3A_3048 : vector<16xf32>
        %add3A_3050 = arith.addf %gather3A_3042, %mul3A_3049 : vector<16xf32>
        %gather3A_3051 = arith.constant 1 : i32
        %gather3A_3052 = arith.constant 0 : i32
        %gather3A_3053 = arith.constant 0 : i32
        %gather3A_3054 = tpu.memref_slice %arg9[%gather3A_3051, %gather3A_3052, %gather3A_3053] : memref<8x112x48xf32, #tpu.memory_space<vmem>> -> memref<1x112x48xf32, #tpu.memory_space<vmem>>
        %gather3A_3055 = tpu.memref_squeeze %gather3A_3054 : memref<1x112x48xf32, #tpu.memory_space<vmem>> -> memref<112x48xf32, #tpu.memory_space<vmem>>
        %gather3A_3056 = tpu.vector_load_idx %gather3A_3055[%add3A_224, %broadcast_in_dim3A_3041] : memref<112x48xf32, #tpu.memory_space<vmem>>[vector<16xi32>, vector<16xi32>], vector<16xf32>,
        %mul3A_3057 = arith.mulf %get3A_235, %gather3A_3056 : vector<16xf32>
        %add3A_3058 = arith.addf %add3A_3050, %mul3A_3057 : vector<16xf32>
        %gather3A_3059 = arith.constant 2 : i32
        %gather3A_3060 = arith.constant 0 : i32
        %gather3A_3061 = arith.constant 0 : i32
        %gather3A_3062 = tpu.memref_slice %arg9[%gather3A_3059, %gather3A_3060, %gather3A_3061] : memref<8x112x48xf32, #tpu.memory_space<vmem>> -> memref<1x112x48xf32, #tpu.memory_space<vmem>>
        %gather3A_3063 = tpu.memref_squeeze %gather3A_3062 : memref<1x112x48xf32, #tpu.memory_space<vmem>> -> memref<112x48xf32, #tpu.memory_space<vmem>>
        %gather3A_3064 = tpu.vector_load_idx %gather3A_3063[%add3A_224, %broadcast_in_dim3A_3041] : memref<112x48xf32, #tpu.memory_space<vmem>>[vector<16xi32>, vector<16xi32>], vector<16xf32>,
        %mul3A_3065 = arith.mulf %get3A_241, %gather3A_3064 : vector<16xf32>
        %add3A_3066 = arith.addf %add3A_3058, %mul3A_3065 : vector<16xf32>
        %gather3A_3067 = arith.constant 3 : i32
        %gather3A_3068 = arith.constant 0 : i32
        %gather3A_3069 = arith.constant 0 : i32
        %gather3A_3070 = tpu.memref_slice %arg9[%gather3A_3067, %gather3A_3068, %gather3A_3069] : memref<8x112x48xf32, #tpu.memory_space<vmem>> -> memref<1x112x48xf32, #tpu.memory_space<vmem>>
        %gather3A_3071 = tpu.memref_squeeze %gather3A_3070 : memref<1x112x48xf32, #tpu.memory_space<vmem>> -> memref<112x48xf32, #tpu.memory_space<vmem>>
        %gather3A_3072 = tpu.vector_load_idx %gather3A_3071[%add3A_224, %broadcast_in_dim3A_3041] : memref<112x48xf32, #tpu.memory_space<vmem>>[vector<16xi32>, vector<16xi32>], vector<16xf32>,
        %mul3A_3073 = arith.mulf %get3A_247, %gather3A_3072 : vector<16xf32>
        %add3A_3074 = arith.addf %add3A_3066, %mul3A_3073 : vector<16xf32>
        %gather3A_3075 = arith.constant 4 : i32
        %gather3A_3076 = arith.constant 0 : i32
        %gather3A_3077 = arith.constant 0 : i32
        %gather3A_3078 = tpu.memref_slice %arg9[%gather3A_3075, %gather3A_3076, %gather3A_3077] : memref<8x112x48xf32, #tpu.memory_space<vmem>> -> memref<1x112x48xf32, #tpu.memory_space<vmem>>
        %gather3A_3079 = tpu.memref_squeeze %gather3A_3078 : memref<1x112x48xf32, #tpu.memory_space<vmem>> -> memref<112x48xf32, #tpu.memory_space<vmem>>
        %gather3A_3080 = tpu.vector_load_idx %gather3A_3079[%add3A_224, %broadcast_in_dim3A_3041] : memref<112x48xf32, #tpu.memory_space<vmem>>[vector<16xi32>, vector<16xi32>], vector<16xf32>,
        %mul3A_3081 = arith.mulf %get3A_253, %gather3A_3080 : vector<16xf32>
        %add3A_3082 = arith.addf %add3A_3074, %mul3A_3081 : vector<16xf32>
        %gather3A_3083 = arith.constant 5 : i32
        %gather3A_3084 = arith.constant 0 : i32
        %gather3A_3085 = arith.constant 0 : i32
        %gather3A_3086 = tpu.memref_slice %arg9[%gather3A_3083, %gather3A_3084, %gather3A_3085] : memref<8x112x48xf32, #tpu.memory_space<vmem>> -> memref<1x112x48xf32, #tpu.memory_space<vmem>>
        %gather3A_3087 = tpu.memref_squeeze %gather3A_3086 : memref<1x112x48xf32, #tpu.memory_space<vmem>> -> memref<112x48xf32, #tpu.memory_space<vmem>>
        %gather3A_3088 = tpu.vector_load_idx %gather3A_3087[%add3A_224, %broadcast_in_dim3A_3041] : memref<112x48xf32, #tpu.memory_space<vmem>>[vector<16xi32>, vector<16xi32>], vector<16xf32>,
        %mul3A_3089 = arith.mulf %get3A_259, %gather3A_3088 : vector<16xf32>
        %add3A_3090 = arith.addf %add3A_3082, %mul3A_3089 : vector<16xf32>
        %gather3A_3091 = arith.constant 6 : i32
        %gather3A_3092 = arith.constant 0 : i32
        %gather3A_3093 = arith.constant 0 : i32
        %gather3A_3094 = tpu.memref_slice %arg9[%gather3A_3091, %gather3A_3092, %gather3A_3093] : memref<8x112x48xf32, #tpu.memory_space<vmem>> -> memref<1x112x48xf32, #tpu.memory_space<vmem>>
        %gather3A_3095 = tpu.memref_squeeze %gather3A_3094 : memref<1x112x48xf32, #tpu.memory_space<vmem>> -> memref<112x48xf32, #tpu.memory_space<vmem>>
        %gather3A_3096 = tpu.vector_load_idx %gather3A_3095[%add3A_224, %broadcast_in_dim3A_3041] : memref<112x48xf32, #tpu.memory_space<vmem>>[vector<16xi32>, vector<16xi32>], vector<16xf32>,
        %mul3A_3097 = arith.mulf %get3A_265, %gather3A_3096 : vector<16xf32>
        %add3A_3098 = arith.addf %add3A_3090, %mul3A_3097 : vector<16xf32>
        %gather3A_3099 = arith.constant 7 : i32
        %gather3A_3100 = arith.constant 0 : i32
        %gather3A_3101 = arith.constant 0 : i32
        %gather3A_3102 = tpu.memref_slice %arg9[%gather3A_3099, %gather3A_3100, %gather3A_3101] : memref<8x112x48xf32, #tpu.memory_space<vmem>> -> memref<1x112x48xf32, #tpu.memory_space<vmem>>
        %gather3A_3103 = tpu.memref_squeeze %gather3A_3102 : memref<1x112x48xf32, #tpu.memory_space<vmem>> -> memref<112x48xf32, #tpu.memory_space<vmem>>
        %gather3A_3104 = tpu.vector_load_idx %gather3A_3103[%add3A_224, %broadcast_in_dim3A_3041] : memref<112x48xf32, #tpu.memory_space<vmem>>[vector<16xi32>, vector<16xi32>], vector<16xf32>,
        %mul3A_3105 = arith.mulf %get3A_271, %gather3A_3104 : vector<16xf32>
        %add3A_3106 = arith.addf %add3A_3098, %mul3A_3105 : vector<16xf32>
        %mul3A_3107 = arith.mulf %gather3A_3042, %gather3A_3042 : vector<16xf32>
        %add3A_3108 = arith.addf %add3A_3037, %mul3A_3107 : vector<16xf32>
        %mul3A_3109 = arith.mulf %add3A_3106, %add3A_3106 : vector<16xf32>
        %add3A_3110 = arith.addf %add3A_3039, %mul3A_3109 : vector<16xf32>
        %broadcast_in_dim3A_3111 = arith.constant 40 : i32
        %broadcast_in_dim3A_3112 = vector.broadcast %broadcast_in_dim3A_3111 : i32 to vector<16xi32>
        %gather3A_3113 = tpu.vector_load_idx %arg8[%add3A_224, %broadcast_in_dim3A_3112] : memref<112x48xf32, #tpu.memory_space<vmem>>[vector<16xi32>, vector<16xi32>], vector<16xf32>,
        %gather3A_3114 = arith.constant 0 : i32
        %gather3A_3115 = arith.constant 0 : i32
        %gather3A_3116 = arith.constant 0 : i32
        %gather3A_3117 = tpu.memref_slice %arg9[%gather3A_3114, %gather3A_3115, %gather3A_3116] : memref<8x112x48xf32, #tpu.memory_space<vmem>> -> memref<1x112x48xf32, #tpu.memory_space<vmem>>
        %gather3A_3118 = tpu.memref_squeeze %gather3A_3117 : memref<1x112x48xf32, #tpu.memory_space<vmem>> -> memref<112x48xf32, #tpu.memory_space<vmem>>
        %gather3A_3119 = tpu.vector_load_idx %gather3A_3118[%add3A_224, %broadcast_in_dim3A_3112] : memref<112x48xf32, #tpu.memory_space<vmem>>[vector<16xi32>, vector<16xi32>], vector<16xf32>,
        %mul3A_3120 = arith.mulf %get3A_229, %gather3A_3119 : vector<16xf32>
        %add3A_3121 = arith.addf %gather3A_3113, %mul3A_3120 : vector<16xf32>
        %gather3A_3122 = arith.constant 1 : i32
        %gather3A_3123 = arith.constant 0 : i32
        %gather3A_3124 = arith.constant 0 : i32
        %gather3A_3125 = tpu.memref_slice %arg9[%gather3A_3122, %gather3A_3123, %gather3A_3124] : memref<8x112x48xf32, #tpu.memory_space<vmem>> -> memref<1x112x48xf32, #tpu.memory_space<vmem>>
        %gather3A_3126 = tpu.memref_squeeze %gather3A_3125 : memref<1x112x48xf32, #tpu.memory_space<vmem>> -> memref<112x48xf32, #tpu.memory_space<vmem>>
        %gather3A_3127 = tpu.vector_load_idx %gather3A_3126[%add3A_224, %broadcast_in_dim3A_3112] : memref<112x48xf32, #tpu.memory_space<vmem>>[vector<16xi32>, vector<16xi32>], vector<16xf32>,
        %mul3A_3128 = arith.mulf %get3A_235, %gather3A_3127 : vector<16xf32>
        %add3A_3129 = arith.addf %add3A_3121, %mul3A_3128 : vector<16xf32>
        %gather3A_3130 = arith.constant 2 : i32
        %gather3A_3131 = arith.constant 0 : i32
        %gather3A_3132 = arith.constant 0 : i32
        %gather3A_3133 = tpu.memref_slice %arg9[%gather3A_3130, %gather3A_3131, %gather3A_3132] : memref<8x112x48xf32, #tpu.memory_space<vmem>> -> memref<1x112x48xf32, #tpu.memory_space<vmem>>
        %gather3A_3134 = tpu.memref_squeeze %gather3A_3133 : memref<1x112x48xf32, #tpu.memory_space<vmem>> -> memref<112x48xf32, #tpu.memory_space<vmem>>
        %gather3A_3135 = tpu.vector_load_idx %gather3A_3134[%add3A_224, %broadcast_in_dim3A_3112] : memref<112x48xf32, #tpu.memory_space<vmem>>[vector<16xi32>, vector<16xi32>], vector<16xf32>,
        %mul3A_3136 = arith.mulf %get3A_241, %gather3A_3135 : vector<16xf32>
        %add3A_3137 = arith.addf %add3A_3129, %mul3A_3136 : vector<16xf32>
        %gather3A_3138 = arith.constant 3 : i32
        %gather3A_3139 = arith.constant 0 : i32
        %gather3A_3140 = arith.constant 0 : i32
        %gather3A_3141 = tpu.memref_slice %arg9[%gather3A_3138, %gather3A_3139, %gather3A_3140] : memref<8x112x48xf32, #tpu.memory_space<vmem>> -> memref<1x112x48xf32, #tpu.memory_space<vmem>>
        %gather3A_3142 = tpu.memref_squeeze %gather3A_3141 : memref<1x112x48xf32, #tpu.memory_space<vmem>> -> memref<112x48xf32, #tpu.memory_space<vmem>>
        %gather3A_3143 = tpu.vector_load_idx %gather3A_3142[%add3A_224, %broadcast_in_dim3A_3112] : memref<112x48xf32, #tpu.memory_space<vmem>>[vector<16xi32>, vector<16xi32>], vector<16xf32>,
        %mul3A_3144 = arith.mulf %get3A_247, %gather3A_3143 : vector<16xf32>
        %add3A_3145 = arith.addf %add3A_3137, %mul3A_3144 : vector<16xf32>
        %gather3A_3146 = arith.constant 4 : i32
        %gather3A_3147 = arith.constant 0 : i32
        %gather3A_3148 = arith.constant 0 : i32
        %gather3A_3149 = tpu.memref_slice %arg9[%gather3A_3146, %gather3A_3147, %gather3A_3148] : memref<8x112x48xf32, #tpu.memory_space<vmem>> -> memref<1x112x48xf32, #tpu.memory_space<vmem>>
        %gather3A_3150 = tpu.memref_squeeze %gather3A_3149 : memref<1x112x48xf32, #tpu.memory_space<vmem>> -> memref<112x48xf32, #tpu.memory_space<vmem>>
        %gather3A_3151 = tpu.vector_load_idx %gather3A_3150[%add3A_224, %broadcast_in_dim3A_3112] : memref<112x48xf32, #tpu.memory_space<vmem>>[vector<16xi32>, vector<16xi32>], vector<16xf32>,
        %mul3A_3152 = arith.mulf %get3A_253, %gather3A_3151 : vector<16xf32>
        %add3A_3153 = arith.addf %add3A_3145, %mul3A_3152 : vector<16xf32>
        %gather3A_3154 = arith.constant 5 : i32
        %gather3A_3155 = arith.constant 0 : i32
        %gather3A_3156 = arith.constant 0 : i32
        %gather3A_3157 = tpu.memref_slice %arg9[%gather3A_3154, %gather3A_3155, %gather3A_3156] : memref<8x112x48xf32, #tpu.memory_space<vmem>> -> memref<1x112x48xf32, #tpu.memory_space<vmem>>
        %gather3A_3158 = tpu.memref_squeeze %gather3A_3157 : memref<1x112x48xf32, #tpu.memory_space<vmem>> -> memref<112x48xf32, #tpu.memory_space<vmem>>
        %gather3A_3159 = tpu.vector_load_idx %gather3A_3158[%add3A_224, %broadcast_in_dim3A_3112] : memref<112x48xf32, #tpu.memory_space<vmem>>[vector<16xi32>, vector<16xi32>], vector<16xf32>,
        %mul3A_3160 = arith.mulf %get3A_259, %gather3A_3159 : vector<16xf32>
        %add3A_3161 = arith.addf %add3A_3153, %mul3A_3160 : vector<16xf32>
        %gather3A_3162 = arith.constant 6 : i32
        %gather3A_3163 = arith.constant 0 : i32
        %gather3A_3164 = arith.constant 0 : i32
        %gather3A_3165 = tpu.memref_slice %arg9[%gather3A_3162, %gather3A_3163, %gather3A_3164] : memref<8x112x48xf32, #tpu.memory_space<vmem>> -> memref<1x112x48xf32, #tpu.memory_space<vmem>>
        %gather3A_3166 = tpu.memref_squeeze %gather3A_3165 : memref<1x112x48xf32, #tpu.memory_space<vmem>> -> memref<112x48xf32, #tpu.memory_space<vmem>>
        %gather3A_3167 = tpu.vector_load_idx %gather3A_3166[%add3A_224, %broadcast_in_dim3A_3112] : memref<112x48xf32, #tpu.memory_space<vmem>>[vector<16xi32>, vector<16xi32>], vector<16xf32>,
        %mul3A_3168 = arith.mulf %get3A_265, %gather3A_3167 : vector<16xf32>
        %add3A_3169 = arith.addf %add3A_3161, %mul3A_3168 : vector<16xf32>
        %gather3A_3170 = arith.constant 7 : i32
        %gather3A_3171 = arith.constant 0 : i32
        %gather3A_3172 = arith.constant 0 : i32
        %gather3A_3173 = tpu.memref_slice %arg9[%gather3A_3170, %gather3A_3171, %gather3A_3172] : memref<8x112x48xf32, #tpu.memory_space<vmem>> -> memref<1x112x48xf32, #tpu.memory_space<vmem>>
        %gather3A_3174 = tpu.memref_squeeze %gather3A_3173 : memref<1x112x48xf32, #tpu.memory_space<vmem>> -> memref<112x48xf32, #tpu.memory_space<vmem>>
        %gather3A_3175 = tpu.vector_load_idx %gather3A_3174[%add3A_224, %broadcast_in_dim3A_3112] : memref<112x48xf32, #tpu.memory_space<vmem>>[vector<16xi32>, vector<16xi32>], vector<16xf32>,
        %mul3A_3176 = arith.mulf %get3A_271, %gather3A_3175 : vector<16xf32>
        %add3A_3177 = arith.addf %add3A_3169, %mul3A_3176 : vector<16xf32>
        %mul3A_3178 = arith.mulf %gather3A_3113, %gather3A_3113 : vector<16xf32>
        %add3A_3179 = arith.addf %add3A_3108, %mul3A_3178 : vector<16xf32>
        %mul3A_3180 = arith.mulf %add3A_3177, %add3A_3177 : vector<16xf32>
        %add3A_3181 = arith.addf %add3A_3110, %mul3A_3180 : vector<16xf32>
        %broadcast_in_dim3A_3182 = arith.constant 41 : i32
        %broadcast_in_dim3A_3183 = vector.broadcast %broadcast_in_dim3A_3182 : i32 to vector<16xi32>
        %gather3A_3184 = tpu.vector_load_idx %arg8[%add3A_224, %broadcast_in_dim3A_3183] : memref<112x48xf32, #tpu.memory_space<vmem>>[vector<16xi32>, vector<16xi32>], vector<16xf32>,
        %gather3A_3185 = arith.constant 0 : i32
        %gather3A_3186 = arith.constant 0 : i32
        %gather3A_3187 = arith.constant 0 : i32
        %gather3A_3188 = tpu.memref_slice %arg9[%gather3A_3185, %gather3A_3186, %gather3A_3187] : memref<8x112x48xf32, #tpu.memory_space<vmem>> -> memref<1x112x48xf32, #tpu.memory_space<vmem>>
        %gather3A_3189 = tpu.memref_squeeze %gather3A_3188 : memref<1x112x48xf32, #tpu.memory_space<vmem>> -> memref<112x48xf32, #tpu.memory_space<vmem>>
        %gather3A_3190 = tpu.vector_load_idx %gather3A_3189[%add3A_224, %broadcast_in_dim3A_3183] : memref<112x48xf32, #tpu.memory_space<vmem>>[vector<16xi32>, vector<16xi32>], vector<16xf32>,
        %mul3A_3191 = arith.mulf %get3A_229, %gather3A_3190 : vector<16xf32>
        %add3A_3192 = arith.addf %gather3A_3184, %mul3A_3191 : vector<16xf32>
        %gather3A_3193 = arith.constant 1 : i32
        %gather3A_3194 = arith.constant 0 : i32
        %gather3A_3195 = arith.constant 0 : i32
        %gather3A_3196 = tpu.memref_slice %arg9[%gather3A_3193, %gather3A_3194, %gather3A_3195] : memref<8x112x48xf32, #tpu.memory_space<vmem>> -> memref<1x112x48xf32, #tpu.memory_space<vmem>>
        %gather3A_3197 = tpu.memref_squeeze %gather3A_3196 : memref<1x112x48xf32, #tpu.memory_space<vmem>> -> memref<112x48xf32, #tpu.memory_space<vmem>>
        %gather3A_3198 = tpu.vector_load_idx %gather3A_3197[%add3A_224, %broadcast_in_dim3A_3183] : memref<112x48xf32, #tpu.memory_space<vmem>>[vector<16xi32>, vector<16xi32>], vector<16xf32>,
        %mul3A_3199 = arith.mulf %get3A_235, %gather3A_3198 : vector<16xf32>
        %add3A_3200 = arith.addf %add3A_3192, %mul3A_3199 : vector<16xf32>
        %gather3A_3201 = arith.constant 2 : i32
        %gather3A_3202 = arith.constant 0 : i32
        %gather3A_3203 = arith.constant 0 : i32
        %gather3A_3204 = tpu.memref_slice %arg9[%gather3A_3201, %gather3A_3202, %gather3A_3203] : memref<8x112x48xf32, #tpu.memory_space<vmem>> -> memref<1x112x48xf32, #tpu.memory_space<vmem>>
        %gather3A_3205 = tpu.memref_squeeze %gather3A_3204 : memref<1x112x48xf32, #tpu.memory_space<vmem>> -> memref<112x48xf32, #tpu.memory_space<vmem>>
        %gather3A_3206 = tpu.vector_load_idx %gather3A_3205[%add3A_224, %broadcast_in_dim3A_3183] : memref<112x48xf32, #tpu.memory_space<vmem>>[vector<16xi32>, vector<16xi32>], vector<16xf32>,
        %mul3A_3207 = arith.mulf %get3A_241, %gather3A_3206 : vector<16xf32>
        %add3A_3208 = arith.addf %add3A_3200, %mul3A_3207 : vector<16xf32>
        %gather3A_3209 = arith.constant 3 : i32
        %gather3A_3210 = arith.constant 0 : i32
        %gather3A_3211 = arith.constant 0 : i32
        %gather3A_3212 = tpu.memref_slice %arg9[%gather3A_3209, %gather3A_3210, %gather3A_3211] : memref<8x112x48xf32, #tpu.memory_space<vmem>> -> memref<1x112x48xf32, #tpu.memory_space<vmem>>
        %gather3A_3213 = tpu.memref_squeeze %gather3A_3212 : memref<1x112x48xf32, #tpu.memory_space<vmem>> -> memref<112x48xf32, #tpu.memory_space<vmem>>
        %gather3A_3214 = tpu.vector_load_idx %gather3A_3213[%add3A_224, %broadcast_in_dim3A_3183] : memref<112x48xf32, #tpu.memory_space<vmem>>[vector<16xi32>, vector<16xi32>], vector<16xf32>,
        %mul3A_3215 = arith.mulf %get3A_247, %gather3A_3214 : vector<16xf32>
        %add3A_3216 = arith.addf %add3A_3208, %mul3A_3215 : vector<16xf32>
        %gather3A_3217 = arith.constant 4 : i32
        %gather3A_3218 = arith.constant 0 : i32
        %gather3A_3219 = arith.constant 0 : i32
        %gather3A_3220 = tpu.memref_slice %arg9[%gather3A_3217, %gather3A_3218, %gather3A_3219] : memref<8x112x48xf32, #tpu.memory_space<vmem>> -> memref<1x112x48xf32, #tpu.memory_space<vmem>>
        %gather3A_3221 = tpu.memref_squeeze %gather3A_3220 : memref<1x112x48xf32, #tpu.memory_space<vmem>> -> memref<112x48xf32, #tpu.memory_space<vmem>>
        %gather3A_3222 = tpu.vector_load_idx %gather3A_3221[%add3A_224, %broadcast_in_dim3A_3183] : memref<112x48xf32, #tpu.memory_space<vmem>>[vector<16xi32>, vector<16xi32>], vector<16xf32>,
        %mul3A_3223 = arith.mulf %get3A_253, %gather3A_3222 : vector<16xf32>
        %add3A_3224 = arith.addf %add3A_3216, %mul3A_3223 : vector<16xf32>
        %gather3A_3225 = arith.constant 5 : i32
        %gather3A_3226 = arith.constant 0 : i32
        %gather3A_3227 = arith.constant 0 : i32
        %gather3A_3228 = tpu.memref_slice %arg9[%gather3A_3225, %gather3A_3226, %gather3A_3227] : memref<8x112x48xf32, #tpu.memory_space<vmem>> -> memref<1x112x48xf32, #tpu.memory_space<vmem>>
        %gather3A_3229 = tpu.memref_squeeze %gather3A_3228 : memref<1x112x48xf32, #tpu.memory_space<vmem>> -> memref<112x48xf32, #tpu.memory_space<vmem>>
        %gather3A_3230 = tpu.vector_load_idx %gather3A_3229[%add3A_224, %broadcast_in_dim3A_3183] : memref<112x48xf32, #tpu.memory_space<vmem>>[vector<16xi32>, vector<16xi32>], vector<16xf32>,
        %mul3A_3231 = arith.mulf %get3A_259, %gather3A_3230 : vector<16xf32>
        %add3A_3232 = arith.addf %add3A_3224, %mul3A_3231 : vector<16xf32>
        %gather3A_3233 = arith.constant 6 : i32
        %gather3A_3234 = arith.constant 0 : i32
        %gather3A_3235 = arith.constant 0 : i32
        %gather3A_3236 = tpu.memref_slice %arg9[%gather3A_3233, %gather3A_3234, %gather3A_3235] : memref<8x112x48xf32, #tpu.memory_space<vmem>> -> memref<1x112x48xf32, #tpu.memory_space<vmem>>
        %gather3A_3237 = tpu.memref_squeeze %gather3A_3236 : memref<1x112x48xf32, #tpu.memory_space<vmem>> -> memref<112x48xf32, #tpu.memory_space<vmem>>
        %gather3A_3238 = tpu.vector_load_idx %gather3A_3237[%add3A_224, %broadcast_in_dim3A_3183] : memref<112x48xf32, #tpu.memory_space<vmem>>[vector<16xi32>, vector<16xi32>], vector<16xf32>,
        %mul3A_3239 = arith.mulf %get3A_265, %gather3A_3238 : vector<16xf32>
        %add3A_3240 = arith.addf %add3A_3232, %mul3A_3239 : vector<16xf32>
        %gather3A_3241 = arith.constant 7 : i32
        %gather3A_3242 = arith.constant 0 : i32
        %gather3A_3243 = arith.constant 0 : i32
        %gather3A_3244 = tpu.memref_slice %arg9[%gather3A_3241, %gather3A_3242, %gather3A_3243] : memref<8x112x48xf32, #tpu.memory_space<vmem>> -> memref<1x112x48xf32, #tpu.memory_space<vmem>>
        %gather3A_3245 = tpu.memref_squeeze %gather3A_3244 : memref<1x112x48xf32, #tpu.memory_space<vmem>> -> memref<112x48xf32, #tpu.memory_space<vmem>>
        %gather3A_3246 = tpu.vector_load_idx %gather3A_3245[%add3A_224, %broadcast_in_dim3A_3183] : memref<112x48xf32, #tpu.memory_space<vmem>>[vector<16xi32>, vector<16xi32>], vector<16xf32>,
        %mul3A_3247 = arith.mulf %get3A_271, %gather3A_3246 : vector<16xf32>
        %add3A_3248 = arith.addf %add3A_3240, %mul3A_3247 : vector<16xf32>
        %mul3A_3249 = arith.mulf %gather3A_3184, %gather3A_3184 : vector<16xf32>
        %add3A_3250 = arith.addf %add3A_3179, %mul3A_3249 : vector<16xf32>
        %mul3A_3251 = arith.mulf %add3A_3248, %add3A_3248 : vector<16xf32>
        %add3A_3252 = arith.addf %add3A_3181, %mul3A_3251 : vector<16xf32>
        %broadcast_in_dim3A_3253 = arith.constant 42 : i32
        %broadcast_in_dim3A_3254 = vector.broadcast %broadcast_in_dim3A_3253 : i32 to vector<16xi32>
        %gather3A_3255 = tpu.vector_load_idx %arg8[%add3A_224, %broadcast_in_dim3A_3254] : memref<112x48xf32, #tpu.memory_space<vmem>>[vector<16xi32>, vector<16xi32>], vector<16xf32>,
        %gather3A_3256 = arith.constant 0 : i32
        %gather3A_3257 = arith.constant 0 : i32
        %gather3A_3258 = arith.constant 0 : i32
        %gather3A_3259 = tpu.memref_slice %arg9[%gather3A_3256, %gather3A_3257, %gather3A_3258] : memref<8x112x48xf32, #tpu.memory_space<vmem>> -> memref<1x112x48xf32, #tpu.memory_space<vmem>>
        %gather3A_3260 = tpu.memref_squeeze %gather3A_3259 : memref<1x112x48xf32, #tpu.memory_space<vmem>> -> memref<112x48xf32, #tpu.memory_space<vmem>>
        %gather3A_3261 = tpu.vector_load_idx %gather3A_3260[%add3A_224, %broadcast_in_dim3A_3254] : memref<112x48xf32, #tpu.memory_space<vmem>>[vector<16xi32>, vector<16xi32>], vector<16xf32>,
        %mul3A_3262 = arith.mulf %get3A_229, %gather3A_3261 : vector<16xf32>
        %add3A_3263 = arith.addf %gather3A_3255, %mul3A_3262 : vector<16xf32>
        %gather3A_3264 = arith.constant 1 : i32
        %gather3A_3265 = arith.constant 0 : i32
        %gather3A_3266 = arith.constant 0 : i32
        %gather3A_3267 = tpu.memref_slice %arg9[%gather3A_3264, %gather3A_3265, %gather3A_3266] : memref<8x112x48xf32, #tpu.memory_space<vmem>> -> memref<1x112x48xf32, #tpu.memory_space<vmem>>
        %gather3A_3268 = tpu.memref_squeeze %gather3A_3267 : memref<1x112x48xf32, #tpu.memory_space<vmem>> -> memref<112x48xf32, #tpu.memory_space<vmem>>
        %gather3A_3269 = tpu.vector_load_idx %gather3A_3268[%add3A_224, %broadcast_in_dim3A_3254] : memref<112x48xf32, #tpu.memory_space<vmem>>[vector<16xi32>, vector<16xi32>], vector<16xf32>,
        %mul3A_3270 = arith.mulf %get3A_235, %gather3A_3269 : vector<16xf32>
        %add3A_3271 = arith.addf %add3A_3263, %mul3A_3270 : vector<16xf32>
        %gather3A_3272 = arith.constant 2 : i32
        %gather3A_3273 = arith.constant 0 : i32
        %gather3A_3274 = arith.constant 0 : i32
        %gather3A_3275 = tpu.memref_slice %arg9[%gather3A_3272, %gather3A_3273, %gather3A_3274] : memref<8x112x48xf32, #tpu.memory_space<vmem>> -> memref<1x112x48xf32, #tpu.memory_space<vmem>>
        %gather3A_3276 = tpu.memref_squeeze %gather3A_3275 : memref<1x112x48xf32, #tpu.memory_space<vmem>> -> memref<112x48xf32, #tpu.memory_space<vmem>>
        %gather3A_3277 = tpu.vector_load_idx %gather3A_3276[%add3A_224, %broadcast_in_dim3A_3254] : memref<112x48xf32, #tpu.memory_space<vmem>>[vector<16xi32>, vector<16xi32>], vector<16xf32>,
        %mul3A_3278 = arith.mulf %get3A_241, %gather3A_3277 : vector<16xf32>
        %add3A_3279 = arith.addf %add3A_3271, %mul3A_3278 : vector<16xf32>
        %gather3A_3280 = arith.constant 3 : i32
        %gather3A_3281 = arith.constant 0 : i32
        %gather3A_3282 = arith.constant 0 : i32
        %gather3A_3283 = tpu.memref_slice %arg9[%gather3A_3280, %gather3A_3281, %gather3A_3282] : memref<8x112x48xf32, #tpu.memory_space<vmem>> -> memref<1x112x48xf32, #tpu.memory_space<vmem>>
        %gather3A_3284 = tpu.memref_squeeze %gather3A_3283 : memref<1x112x48xf32, #tpu.memory_space<vmem>> -> memref<112x48xf32, #tpu.memory_space<vmem>>
        %gather3A_3285 = tpu.vector_load_idx %gather3A_3284[%add3A_224, %broadcast_in_dim3A_3254] : memref<112x48xf32, #tpu.memory_space<vmem>>[vector<16xi32>, vector<16xi32>], vector<16xf32>,
        %mul3A_3286 = arith.mulf %get3A_247, %gather3A_3285 : vector<16xf32>
        %add3A_3287 = arith.addf %add3A_3279, %mul3A_3286 : vector<16xf32>
        %gather3A_3288 = arith.constant 4 : i32
        %gather3A_3289 = arith.constant 0 : i32
        %gather3A_3290 = arith.constant 0 : i32
        %gather3A_3291 = tpu.memref_slice %arg9[%gather3A_3288, %gather3A_3289, %gather3A_3290] : memref<8x112x48xf32, #tpu.memory_space<vmem>> -> memref<1x112x48xf32, #tpu.memory_space<vmem>>
        %gather3A_3292 = tpu.memref_squeeze %gather3A_3291 : memref<1x112x48xf32, #tpu.memory_space<vmem>> -> memref<112x48xf32, #tpu.memory_space<vmem>>
        %gather3A_3293 = tpu.vector_load_idx %gather3A_3292[%add3A_224, %broadcast_in_dim3A_3254] : memref<112x48xf32, #tpu.memory_space<vmem>>[vector<16xi32>, vector<16xi32>], vector<16xf32>,
        %mul3A_3294 = arith.mulf %get3A_253, %gather3A_3293 : vector<16xf32>
        %add3A_3295 = arith.addf %add3A_3287, %mul3A_3294 : vector<16xf32>
        %gather3A_3296 = arith.constant 5 : i32
        %gather3A_3297 = arith.constant 0 : i32
        %gather3A_3298 = arith.constant 0 : i32
        %gather3A_3299 = tpu.memref_slice %arg9[%gather3A_3296, %gather3A_3297, %gather3A_3298] : memref<8x112x48xf32, #tpu.memory_space<vmem>> -> memref<1x112x48xf32, #tpu.memory_space<vmem>>
        %gather3A_3300 = tpu.memref_squeeze %gather3A_3299 : memref<1x112x48xf32, #tpu.memory_space<vmem>> -> memref<112x48xf32, #tpu.memory_space<vmem>>
        %gather3A_3301 = tpu.vector_load_idx %gather3A_3300[%add3A_224, %broadcast_in_dim3A_3254] : memref<112x48xf32, #tpu.memory_space<vmem>>[vector<16xi32>, vector<16xi32>], vector<16xf32>,
        %mul3A_3302 = arith.mulf %get3A_259, %gather3A_3301 : vector<16xf32>
        %add3A_3303 = arith.addf %add3A_3295, %mul3A_3302 : vector<16xf32>
        %gather3A_3304 = arith.constant 6 : i32
        %gather3A_3305 = arith.constant 0 : i32
        %gather3A_3306 = arith.constant 0 : i32
        %gather3A_3307 = tpu.memref_slice %arg9[%gather3A_3304, %gather3A_3305, %gather3A_3306] : memref<8x112x48xf32, #tpu.memory_space<vmem>> -> memref<1x112x48xf32, #tpu.memory_space<vmem>>
        %gather3A_3308 = tpu.memref_squeeze %gather3A_3307 : memref<1x112x48xf32, #tpu.memory_space<vmem>> -> memref<112x48xf32, #tpu.memory_space<vmem>>
        %gather3A_3309 = tpu.vector_load_idx %gather3A_3308[%add3A_224, %broadcast_in_dim3A_3254] : memref<112x48xf32, #tpu.memory_space<vmem>>[vector<16xi32>, vector<16xi32>], vector<16xf32>,
        %mul3A_3310 = arith.mulf %get3A_265, %gather3A_3309 : vector<16xf32>
        %add3A_3311 = arith.addf %add3A_3303, %mul3A_3310 : vector<16xf32>
        %gather3A_3312 = arith.constant 7 : i32
        %gather3A_3313 = arith.constant 0 : i32
        %gather3A_3314 = arith.constant 0 : i32
        %gather3A_3315 = tpu.memref_slice %arg9[%gather3A_3312, %gather3A_3313, %gather3A_3314] : memref<8x112x48xf32, #tpu.memory_space<vmem>> -> memref<1x112x48xf32, #tpu.memory_space<vmem>>
        %gather3A_3316 = tpu.memref_squeeze %gather3A_3315 : memref<1x112x48xf32, #tpu.memory_space<vmem>> -> memref<112x48xf32, #tpu.memory_space<vmem>>
        %gather3A_3317 = tpu.vector_load_idx %gather3A_3316[%add3A_224, %broadcast_in_dim3A_3254] : memref<112x48xf32, #tpu.memory_space<vmem>>[vector<16xi32>, vector<16xi32>], vector<16xf32>,
        %mul3A_3318 = arith.mulf %get3A_271, %gather3A_3317 : vector<16xf32>
        %add3A_3319 = arith.addf %add3A_3311, %mul3A_3318 : vector<16xf32>
        %mul3A_3320 = arith.mulf %gather3A_3255, %gather3A_3255 : vector<16xf32>
        %add3A_3321 = arith.addf %add3A_3250, %mul3A_3320 : vector<16xf32>
        %mul3A_3322 = arith.mulf %add3A_3319, %add3A_3319 : vector<16xf32>
        %add3A_3323 = arith.addf %add3A_3252, %mul3A_3322 : vector<16xf32>
        %broadcast_in_dim3A_3324 = arith.constant 43 : i32
        %broadcast_in_dim3A_3325 = vector.broadcast %broadcast_in_dim3A_3324 : i32 to vector<16xi32>
        %gather3A_3326 = tpu.vector_load_idx %arg8[%add3A_224, %broadcast_in_dim3A_3325] : memref<112x48xf32, #tpu.memory_space<vmem>>[vector<16xi32>, vector<16xi32>], vector<16xf32>,
        %gather3A_3327 = arith.constant 0 : i32
        %gather3A_3328 = arith.constant 0 : i32
        %gather3A_3329 = arith.constant 0 : i32
        %gather3A_3330 = tpu.memref_slice %arg9[%gather3A_3327, %gather3A_3328, %gather3A_3329] : memref<8x112x48xf32, #tpu.memory_space<vmem>> -> memref<1x112x48xf32, #tpu.memory_space<vmem>>
        %gather3A_3331 = tpu.memref_squeeze %gather3A_3330 : memref<1x112x48xf32, #tpu.memory_space<vmem>> -> memref<112x48xf32, #tpu.memory_space<vmem>>
        %gather3A_3332 = tpu.vector_load_idx %gather3A_3331[%add3A_224, %broadcast_in_dim3A_3325] : memref<112x48xf32, #tpu.memory_space<vmem>>[vector<16xi32>, vector<16xi32>], vector<16xf32>,
        %mul3A_3333 = arith.mulf %get3A_229, %gather3A_3332 : vector<16xf32>
        %add3A_3334 = arith.addf %gather3A_3326, %mul3A_3333 : vector<16xf32>
        %gather3A_3335 = arith.constant 1 : i32
        %gather3A_3336 = arith.constant 0 : i32
        %gather3A_3337 = arith.constant 0 : i32
        %gather3A_3338 = tpu.memref_slice %arg9[%gather3A_3335, %gather3A_3336, %gather3A_3337] : memref<8x112x48xf32, #tpu.memory_space<vmem>> -> memref<1x112x48xf32, #tpu.memory_space<vmem>>
        %gather3A_3339 = tpu.memref_squeeze %gather3A_3338 : memref<1x112x48xf32, #tpu.memory_space<vmem>> -> memref<112x48xf32, #tpu.memory_space<vmem>>
        %gather3A_3340 = tpu.vector_load_idx %gather3A_3339[%add3A_224, %broadcast_in_dim3A_3325] : memref<112x48xf32, #tpu.memory_space<vmem>>[vector<16xi32>, vector<16xi32>], vector<16xf32>,
        %mul3A_3341 = arith.mulf %get3A_235, %gather3A_3340 : vector<16xf32>
        %add3A_3342 = arith.addf %add3A_3334, %mul3A_3341 : vector<16xf32>
        %gather3A_3343 = arith.constant 2 : i32
        %gather3A_3344 = arith.constant 0 : i32
        %gather3A_3345 = arith.constant 0 : i32
        %gather3A_3346 = tpu.memref_slice %arg9[%gather3A_3343, %gather3A_3344, %gather3A_3345] : memref<8x112x48xf32, #tpu.memory_space<vmem>> -> memref<1x112x48xf32, #tpu.memory_space<vmem>>
        %gather3A_3347 = tpu.memref_squeeze %gather3A_3346 : memref<1x112x48xf32, #tpu.memory_space<vmem>> -> memref<112x48xf32, #tpu.memory_space<vmem>>
        %gather3A_3348 = tpu.vector_load_idx %gather3A_3347[%add3A_224, %broadcast_in_dim3A_3325] : memref<112x48xf32, #tpu.memory_space<vmem>>[vector<16xi32>, vector<16xi32>], vector<16xf32>,
        %mul3A_3349 = arith.mulf %get3A_241, %gather3A_3348 : vector<16xf32>
        %add3A_3350 = arith.addf %add3A_3342, %mul3A_3349 : vector<16xf32>
        %gather3A_3351 = arith.constant 3 : i32
        %gather3A_3352 = arith.constant 0 : i32
        %gather3A_3353 = arith.constant 0 : i32
        %gather3A_3354 = tpu.memref_slice %arg9[%gather3A_3351, %gather3A_3352, %gather3A_3353] : memref<8x112x48xf32, #tpu.memory_space<vmem>> -> memref<1x112x48xf32, #tpu.memory_space<vmem>>
        %gather3A_3355 = tpu.memref_squeeze %gather3A_3354 : memref<1x112x48xf32, #tpu.memory_space<vmem>> -> memref<112x48xf32, #tpu.memory_space<vmem>>
        %gather3A_3356 = tpu.vector_load_idx %gather3A_3355[%add3A_224, %broadcast_in_dim3A_3325] : memref<112x48xf32, #tpu.memory_space<vmem>>[vector<16xi32>, vector<16xi32>], vector<16xf32>,
        %mul3A_3357 = arith.mulf %get3A_247, %gather3A_3356 : vector<16xf32>
        %add3A_3358 = arith.addf %add3A_3350, %mul3A_3357 : vector<16xf32>
        %gather3A_3359 = arith.constant 4 : i32
        %gather3A_3360 = arith.constant 0 : i32
        %gather3A_3361 = arith.constant 0 : i32
        %gather3A_3362 = tpu.memref_slice %arg9[%gather3A_3359, %gather3A_3360, %gather3A_3361] : memref<8x112x48xf32, #tpu.memory_space<vmem>> -> memref<1x112x48xf32, #tpu.memory_space<vmem>>
        %gather3A_3363 = tpu.memref_squeeze %gather3A_3362 : memref<1x112x48xf32, #tpu.memory_space<vmem>> -> memref<112x48xf32, #tpu.memory_space<vmem>>
        %gather3A_3364 = tpu.vector_load_idx %gather3A_3363[%add3A_224, %broadcast_in_dim3A_3325] : memref<112x48xf32, #tpu.memory_space<vmem>>[vector<16xi32>, vector<16xi32>], vector<16xf32>,
        %mul3A_3365 = arith.mulf %get3A_253, %gather3A_3364 : vector<16xf32>
        %add3A_3366 = arith.addf %add3A_3358, %mul3A_3365 : vector<16xf32>
        %gather3A_3367 = arith.constant 5 : i32
        %gather3A_3368 = arith.constant 0 : i32
        %gather3A_3369 = arith.constant 0 : i32
        %gather3A_3370 = tpu.memref_slice %arg9[%gather3A_3367, %gather3A_3368, %gather3A_3369] : memref<8x112x48xf32, #tpu.memory_space<vmem>> -> memref<1x112x48xf32, #tpu.memory_space<vmem>>
        %gather3A_3371 = tpu.memref_squeeze %gather3A_3370 : memref<1x112x48xf32, #tpu.memory_space<vmem>> -> memref<112x48xf32, #tpu.memory_space<vmem>>
        %gather3A_3372 = tpu.vector_load_idx %gather3A_3371[%add3A_224, %broadcast_in_dim3A_3325] : memref<112x48xf32, #tpu.memory_space<vmem>>[vector<16xi32>, vector<16xi32>], vector<16xf32>,
        %mul3A_3373 = arith.mulf %get3A_259, %gather3A_3372 : vector<16xf32>
        %add3A_3374 = arith.addf %add3A_3366, %mul3A_3373 : vector<16xf32>
        %gather3A_3375 = arith.constant 6 : i32
        %gather3A_3376 = arith.constant 0 : i32
        %gather3A_3377 = arith.constant 0 : i32
        %gather3A_3378 = tpu.memref_slice %arg9[%gather3A_3375, %gather3A_3376, %gather3A_3377] : memref<8x112x48xf32, #tpu.memory_space<vmem>> -> memref<1x112x48xf32, #tpu.memory_space<vmem>>
        %gather3A_3379 = tpu.memref_squeeze %gather3A_3378 : memref<1x112x48xf32, #tpu.memory_space<vmem>> -> memref<112x48xf32, #tpu.memory_space<vmem>>
        %gather3A_3380 = tpu.vector_load_idx %gather3A_3379[%add3A_224, %broadcast_in_dim3A_3325] : memref<112x48xf32, #tpu.memory_space<vmem>>[vector<16xi32>, vector<16xi32>], vector<16xf32>,
        %mul3A_3381 = arith.mulf %get3A_265, %gather3A_3380 : vector<16xf32>
        %add3A_3382 = arith.addf %add3A_3374, %mul3A_3381 : vector<16xf32>
        %gather3A_3383 = arith.constant 7 : i32
        %gather3A_3384 = arith.constant 0 : i32
        %gather3A_3385 = arith.constant 0 : i32
        %gather3A_3386 = tpu.memref_slice %arg9[%gather3A_3383, %gather3A_3384, %gather3A_3385] : memref<8x112x48xf32, #tpu.memory_space<vmem>> -> memref<1x112x48xf32, #tpu.memory_space<vmem>>
        %gather3A_3387 = tpu.memref_squeeze %gather3A_3386 : memref<1x112x48xf32, #tpu.memory_space<vmem>> -> memref<112x48xf32, #tpu.memory_space<vmem>>
        %gather3A_3388 = tpu.vector_load_idx %gather3A_3387[%add3A_224, %broadcast_in_dim3A_3325] : memref<112x48xf32, #tpu.memory_space<vmem>>[vector<16xi32>, vector<16xi32>], vector<16xf32>,
        %mul3A_3389 = arith.mulf %get3A_271, %gather3A_3388 : vector<16xf32>
        %add3A_3390 = arith.addf %add3A_3382, %mul3A_3389 : vector<16xf32>
        %mul3A_3391 = arith.mulf %gather3A_3326, %gather3A_3326 : vector<16xf32>
        %add3A_3392 = arith.addf %add3A_3321, %mul3A_3391 : vector<16xf32>
        %mul3A_3393 = arith.mulf %add3A_3390, %add3A_3390 : vector<16xf32>
        %add3A_3394 = arith.addf %add3A_3323, %mul3A_3393 : vector<16xf32>
        %broadcast_in_dim3A_3395 = arith.constant 44 : i32
        %broadcast_in_dim3A_3396 = vector.broadcast %broadcast_in_dim3A_3395 : i32 to vector<16xi32>
        %gather3A_3397 = tpu.vector_load_idx %arg8[%add3A_224, %broadcast_in_dim3A_3396] : memref<112x48xf32, #tpu.memory_space<vmem>>[vector<16xi32>, vector<16xi32>], vector<16xf32>,
        %gather3A_3398 = arith.constant 0 : i32
        %gather3A_3399 = arith.constant 0 : i32
        %gather3A_3400 = arith.constant 0 : i32
        %gather3A_3401 = tpu.memref_slice %arg9[%gather3A_3398, %gather3A_3399, %gather3A_3400] : memref<8x112x48xf32, #tpu.memory_space<vmem>> -> memref<1x112x48xf32, #tpu.memory_space<vmem>>
        %gather3A_3402 = tpu.memref_squeeze %gather3A_3401 : memref<1x112x48xf32, #tpu.memory_space<vmem>> -> memref<112x48xf32, #tpu.memory_space<vmem>>
        %gather3A_3403 = tpu.vector_load_idx %gather3A_3402[%add3A_224, %broadcast_in_dim3A_3396] : memref<112x48xf32, #tpu.memory_space<vmem>>[vector<16xi32>, vector<16xi32>], vector<16xf32>,
        %mul3A_3404 = arith.mulf %get3A_229, %gather3A_3403 : vector<16xf32>
        %add3A_3405 = arith.addf %gather3A_3397, %mul3A_3404 : vector<16xf32>
        %gather3A_3406 = arith.constant 1 : i32
        %gather3A_3407 = arith.constant 0 : i32
        %gather3A_3408 = arith.constant 0 : i32
        %gather3A_3409 = tpu.memref_slice %arg9[%gather3A_3406, %gather3A_3407, %gather3A_3408] : memref<8x112x48xf32, #tpu.memory_space<vmem>> -> memref<1x112x48xf32, #tpu.memory_space<vmem>>
        %gather3A_3410 = tpu.memref_squeeze %gather3A_3409 : memref<1x112x48xf32, #tpu.memory_space<vmem>> -> memref<112x48xf32, #tpu.memory_space<vmem>>
        %gather3A_3411 = tpu.vector_load_idx %gather3A_3410[%add3A_224, %broadcast_in_dim3A_3396] : memref<112x48xf32, #tpu.memory_space<vmem>>[vector<16xi32>, vector<16xi32>], vector<16xf32>,
        %mul3A_3412 = arith.mulf %get3A_235, %gather3A_3411 : vector<16xf32>
        %add3A_3413 = arith.addf %add3A_3405, %mul3A_3412 : vector<16xf32>
        %gather3A_3414 = arith.constant 2 : i32
        %gather3A_3415 = arith.constant 0 : i32
        %gather3A_3416 = arith.constant 0 : i32
        %gather3A_3417 = tpu.memref_slice %arg9[%gather3A_3414, %gather3A_3415, %gather3A_3416] : memref<8x112x48xf32, #tpu.memory_space<vmem>> -> memref<1x112x48xf32, #tpu.memory_space<vmem>>
        %gather3A_3418 = tpu.memref_squeeze %gather3A_3417 : memref<1x112x48xf32, #tpu.memory_space<vmem>> -> memref<112x48xf32, #tpu.memory_space<vmem>>
        %gather3A_3419 = tpu.vector_load_idx %gather3A_3418[%add3A_224, %broadcast_in_dim3A_3396] : memref<112x48xf32, #tpu.memory_space<vmem>>[vector<16xi32>, vector<16xi32>], vector<16xf32>,
        %mul3A_3420 = arith.mulf %get3A_241, %gather3A_3419 : vector<16xf32>
        %add3A_3421 = arith.addf %add3A_3413, %mul3A_3420 : vector<16xf32>
        %gather3A_3422 = arith.constant 3 : i32
        %gather3A_3423 = arith.constant 0 : i32
        %gather3A_3424 = arith.constant 0 : i32
        %gather3A_3425 = tpu.memref_slice %arg9[%gather3A_3422, %gather3A_3423, %gather3A_3424] : memref<8x112x48xf32, #tpu.memory_space<vmem>> -> memref<1x112x48xf32, #tpu.memory_space<vmem>>
        %gather3A_3426 = tpu.memref_squeeze %gather3A_3425 : memref<1x112x48xf32, #tpu.memory_space<vmem>> -> memref<112x48xf32, #tpu.memory_space<vmem>>
        %gather3A_3427 = tpu.vector_load_idx %gather3A_3426[%add3A_224, %broadcast_in_dim3A_3396] : memref<112x48xf32, #tpu.memory_space<vmem>>[vector<16xi32>, vector<16xi32>], vector<16xf32>,
        %mul3A_3428 = arith.mulf %get3A_247, %gather3A_3427 : vector<16xf32>
        %add3A_3429 = arith.addf %add3A_3421, %mul3A_3428 : vector<16xf32>
        %gather3A_3430 = arith.constant 4 : i32
        %gather3A_3431 = arith.constant 0 : i32
        %gather3A_3432 = arith.constant 0 : i32
        %gather3A_3433 = tpu.memref_slice %arg9[%gather3A_3430, %gather3A_3431, %gather3A_3432] : memref<8x112x48xf32, #tpu.memory_space<vmem>> -> memref<1x112x48xf32, #tpu.memory_space<vmem>>
        %gather3A_3434 = tpu.memref_squeeze %gather3A_3433 : memref<1x112x48xf32, #tpu.memory_space<vmem>> -> memref<112x48xf32, #tpu.memory_space<vmem>>
        %gather3A_3435 = tpu.vector_load_idx %gather3A_3434[%add3A_224, %broadcast_in_dim3A_3396] : memref<112x48xf32, #tpu.memory_space<vmem>>[vector<16xi32>, vector<16xi32>], vector<16xf32>,
        %mul3A_3436 = arith.mulf %get3A_253, %gather3A_3435 : vector<16xf32>
        %add3A_3437 = arith.addf %add3A_3429, %mul3A_3436 : vector<16xf32>
        %gather3A_3438 = arith.constant 5 : i32
        %gather3A_3439 = arith.constant 0 : i32
        %gather3A_3440 = arith.constant 0 : i32
        %gather3A_3441 = tpu.memref_slice %arg9[%gather3A_3438, %gather3A_3439, %gather3A_3440] : memref<8x112x48xf32, #tpu.memory_space<vmem>> -> memref<1x112x48xf32, #tpu.memory_space<vmem>>
        %gather3A_3442 = tpu.memref_squeeze %gather3A_3441 : memref<1x112x48xf32, #tpu.memory_space<vmem>> -> memref<112x48xf32, #tpu.memory_space<vmem>>
        %gather3A_3443 = tpu.vector_load_idx %gather3A_3442[%add3A_224, %broadcast_in_dim3A_3396] : memref<112x48xf32, #tpu.memory_space<vmem>>[vector<16xi32>, vector<16xi32>], vector<16xf32>,
        %mul3A_3444 = arith.mulf %get3A_259, %gather3A_3443 : vector<16xf32>
        %add3A_3445 = arith.addf %add3A_3437, %mul3A_3444 : vector<16xf32>
        %gather3A_3446 = arith.constant 6 : i32
        %gather3A_3447 = arith.constant 0 : i32
        %gather3A_3448 = arith.constant 0 : i32
        %gather3A_3449 = tpu.memref_slice %arg9[%gather3A_3446, %gather3A_3447, %gather3A_3448] : memref<8x112x48xf32, #tpu.memory_space<vmem>> -> memref<1x112x48xf32, #tpu.memory_space<vmem>>
        %gather3A_3450 = tpu.memref_squeeze %gather3A_3449 : memref<1x112x48xf32, #tpu.memory_space<vmem>> -> memref<112x48xf32, #tpu.memory_space<vmem>>
        %gather3A_3451 = tpu.vector_load_idx %gather3A_3450[%add3A_224, %broadcast_in_dim3A_3396] : memref<112x48xf32, #tpu.memory_space<vmem>>[vector<16xi32>, vector<16xi32>], vector<16xf32>,
        %mul3A_3452 = arith.mulf %get3A_265, %gather3A_3451 : vector<16xf32>
        %add3A_3453 = arith.addf %add3A_3445, %mul3A_3452 : vector<16xf32>
        %gather3A_3454 = arith.constant 7 : i32
        %gather3A_3455 = arith.constant 0 : i32
        %gather3A_3456 = arith.constant 0 : i32
        %gather3A_3457 = tpu.memref_slice %arg9[%gather3A_3454, %gather3A_3455, %gather3A_3456] : memref<8x112x48xf32, #tpu.memory_space<vmem>> -> memref<1x112x48xf32, #tpu.memory_space<vmem>>
        %gather3A_3458 = tpu.memref_squeeze %gather3A_3457 : memref<1x112x48xf32, #tpu.memory_space<vmem>> -> memref<112x48xf32, #tpu.memory_space<vmem>>
        %gather3A_3459 = tpu.vector_load_idx %gather3A_3458[%add3A_224, %broadcast_in_dim3A_3396] : memref<112x48xf32, #tpu.memory_space<vmem>>[vector<16xi32>, vector<16xi32>], vector<16xf32>,
        %mul3A_3460 = arith.mulf %get3A_271, %gather3A_3459 : vector<16xf32>
        %add3A_3461 = arith.addf %add3A_3453, %mul3A_3460 : vector<16xf32>
        %mul3A_3462 = arith.mulf %gather3A_3397, %gather3A_3397 : vector<16xf32>
        %add3A_3463 = arith.addf %add3A_3392, %mul3A_3462 : vector<16xf32>
        %mul3A_3464 = arith.mulf %add3A_3461, %add3A_3461 : vector<16xf32>
        %add3A_3465 = arith.addf %add3A_3394, %mul3A_3464 : vector<16xf32>
        %broadcast_in_dim3A_3466 = arith.constant 45 : i32
        %broadcast_in_dim3A_3467 = vector.broadcast %broadcast_in_dim3A_3466 : i32 to vector<16xi32>
        %gather3A_3468 = tpu.vector_load_idx %arg8[%add3A_224, %broadcast_in_dim3A_3467] : memref<112x48xf32, #tpu.memory_space<vmem>>[vector<16xi32>, vector<16xi32>], vector<16xf32>,
        %gather3A_3469 = arith.constant 0 : i32
        %gather3A_3470 = arith.constant 0 : i32
        %gather3A_3471 = arith.constant 0 : i32
        %gather3A_3472 = tpu.memref_slice %arg9[%gather3A_3469, %gather3A_3470, %gather3A_3471] : memref<8x112x48xf32, #tpu.memory_space<vmem>> -> memref<1x112x48xf32, #tpu.memory_space<vmem>>
        %gather3A_3473 = tpu.memref_squeeze %gather3A_3472 : memref<1x112x48xf32, #tpu.memory_space<vmem>> -> memref<112x48xf32, #tpu.memory_space<vmem>>
        %gather3A_3474 = tpu.vector_load_idx %gather3A_3473[%add3A_224, %broadcast_in_dim3A_3467] : memref<112x48xf32, #tpu.memory_space<vmem>>[vector<16xi32>, vector<16xi32>], vector<16xf32>,
        %mul3A_3475 = arith.mulf %get3A_229, %gather3A_3474 : vector<16xf32>
        %add3A_3476 = arith.addf %gather3A_3468, %mul3A_3475 : vector<16xf32>
        %gather3A_3477 = arith.constant 1 : i32
        %gather3A_3478 = arith.constant 0 : i32
        %gather3A_3479 = arith.constant 0 : i32
        %gather3A_3480 = tpu.memref_slice %arg9[%gather3A_3477, %gather3A_3478, %gather3A_3479] : memref<8x112x48xf32, #tpu.memory_space<vmem>> -> memref<1x112x48xf32, #tpu.memory_space<vmem>>
        %gather3A_3481 = tpu.memref_squeeze %gather3A_3480 : memref<1x112x48xf32, #tpu.memory_space<vmem>> -> memref<112x48xf32, #tpu.memory_space<vmem>>
        %gather3A_3482 = tpu.vector_load_idx %gather3A_3481[%add3A_224, %broadcast_in_dim3A_3467] : memref<112x48xf32, #tpu.memory_space<vmem>>[vector<16xi32>, vector<16xi32>], vector<16xf32>,
        %mul3A_3483 = arith.mulf %get3A_235, %gather3A_3482 : vector<16xf32>
        %add3A_3484 = arith.addf %add3A_3476, %mul3A_3483 : vector<16xf32>
        %gather3A_3485 = arith.constant 2 : i32
        %gather3A_3486 = arith.constant 0 : i32
        %gather3A_3487 = arith.constant 0 : i32
        %gather3A_3488 = tpu.memref_slice %arg9[%gather3A_3485, %gather3A_3486, %gather3A_3487] : memref<8x112x48xf32, #tpu.memory_space<vmem>> -> memref<1x112x48xf32, #tpu.memory_space<vmem>>
        %gather3A_3489 = tpu.memref_squeeze %gather3A_3488 : memref<1x112x48xf32, #tpu.memory_space<vmem>> -> memref<112x48xf32, #tpu.memory_space<vmem>>
        %gather3A_3490 = tpu.vector_load_idx %gather3A_3489[%add3A_224, %broadcast_in_dim3A_3467] : memref<112x48xf32, #tpu.memory_space<vmem>>[vector<16xi32>, vector<16xi32>], vector<16xf32>,
        %mul3A_3491 = arith.mulf %get3A_241, %gather3A_3490 : vector<16xf32>
        %add3A_3492 = arith.addf %add3A_3484, %mul3A_3491 : vector<16xf32>
        %gather3A_3493 = arith.constant 3 : i32
        %gather3A_3494 = arith.constant 0 : i32
        %gather3A_3495 = arith.constant 0 : i32
        %gather3A_3496 = tpu.memref_slice %arg9[%gather3A_3493, %gather3A_3494, %gather3A_3495] : memref<8x112x48xf32, #tpu.memory_space<vmem>> -> memref<1x112x48xf32, #tpu.memory_space<vmem>>
        %gather3A_3497 = tpu.memref_squeeze %gather3A_3496 : memref<1x112x48xf32, #tpu.memory_space<vmem>> -> memref<112x48xf32, #tpu.memory_space<vmem>>
        %gather3A_3498 = tpu.vector_load_idx %gather3A_3497[%add3A_224, %broadcast_in_dim3A_3467] : memref<112x48xf32, #tpu.memory_space<vmem>>[vector<16xi32>, vector<16xi32>], vector<16xf32>,
        %mul3A_3499 = arith.mulf %get3A_247, %gather3A_3498 : vector<16xf32>
        %add3A_3500 = arith.addf %add3A_3492, %mul3A_3499 : vector<16xf32>
        %gather3A_3501 = arith.constant 4 : i32
        %gather3A_3502 = arith.constant 0 : i32
        %gather3A_3503 = arith.constant 0 : i32
        %gather3A_3504 = tpu.memref_slice %arg9[%gather3A_3501, %gather3A_3502, %gather3A_3503] : memref<8x112x48xf32, #tpu.memory_space<vmem>> -> memref<1x112x48xf32, #tpu.memory_space<vmem>>
        %gather3A_3505 = tpu.memref_squeeze %gather3A_3504 : memref<1x112x48xf32, #tpu.memory_space<vmem>> -> memref<112x48xf32, #tpu.memory_space<vmem>>
        %gather3A_3506 = tpu.vector_load_idx %gather3A_3505[%add3A_224, %broadcast_in_dim3A_3467] : memref<112x48xf32, #tpu.memory_space<vmem>>[vector<16xi32>, vector<16xi32>], vector<16xf32>,
        %mul3A_3507 = arith.mulf %get3A_253, %gather3A_3506 : vector<16xf32>
        %add3A_3508 = arith.addf %add3A_3500, %mul3A_3507 : vector<16xf32>
        %gather3A_3509 = arith.constant 5 : i32
        %gather3A_3510 = arith.constant 0 : i32
        %gather3A_3511 = arith.constant 0 : i32
        %gather3A_3512 = tpu.memref_slice %arg9[%gather3A_3509, %gather3A_3510, %gather3A_3511] : memref<8x112x48xf32, #tpu.memory_space<vmem>> -> memref<1x112x48xf32, #tpu.memory_space<vmem>>
        %gather3A_3513 = tpu.memref_squeeze %gather3A_3512 : memref<1x112x48xf32, #tpu.memory_space<vmem>> -> memref<112x48xf32, #tpu.memory_space<vmem>>
        %gather3A_3514 = tpu.vector_load_idx %gather3A_3513[%add3A_224, %broadcast_in_dim3A_3467] : memref<112x48xf32, #tpu.memory_space<vmem>>[vector<16xi32>, vector<16xi32>], vector<16xf32>,
        %mul3A_3515 = arith.mulf %get3A_259, %gather3A_3514 : vector<16xf32>
        %add3A_3516 = arith.addf %add3A_3508, %mul3A_3515 : vector<16xf32>
        %gather3A_3517 = arith.constant 6 : i32
        %gather3A_3518 = arith.constant 0 : i32
        %gather3A_3519 = arith.constant 0 : i32
        %gather3A_3520 = tpu.memref_slice %arg9[%gather3A_3517, %gather3A_3518, %gather3A_3519] : memref<8x112x48xf32, #tpu.memory_space<vmem>> -> memref<1x112x48xf32, #tpu.memory_space<vmem>>
        %gather3A_3521 = tpu.memref_squeeze %gather3A_3520 : memref<1x112x48xf32, #tpu.memory_space<vmem>> -> memref<112x48xf32, #tpu.memory_space<vmem>>
        %gather3A_3522 = tpu.vector_load_idx %gather3A_3521[%add3A_224, %broadcast_in_dim3A_3467] : memref<112x48xf32, #tpu.memory_space<vmem>>[vector<16xi32>, vector<16xi32>], vector<16xf32>,
        %mul3A_3523 = arith.mulf %get3A_265, %gather3A_3522 : vector<16xf32>
        %add3A_3524 = arith.addf %add3A_3516, %mul3A_3523 : vector<16xf32>
        %gather3A_3525 = arith.constant 7 : i32
        %gather3A_3526 = arith.constant 0 : i32
        %gather3A_3527 = arith.constant 0 : i32
        %gather3A_3528 = tpu.memref_slice %arg9[%gather3A_3525, %gather3A_3526, %gather3A_3527] : memref<8x112x48xf32, #tpu.memory_space<vmem>> -> memref<1x112x48xf32, #tpu.memory_space<vmem>>
        %gather3A_3529 = tpu.memref_squeeze %gather3A_3528 : memref<1x112x48xf32, #tpu.memory_space<vmem>> -> memref<112x48xf32, #tpu.memory_space<vmem>>
        %gather3A_3530 = tpu.vector_load_idx %gather3A_3529[%add3A_224, %broadcast_in_dim3A_3467] : memref<112x48xf32, #tpu.memory_space<vmem>>[vector<16xi32>, vector<16xi32>], vector<16xf32>,
        %mul3A_3531 = arith.mulf %get3A_271, %gather3A_3530 : vector<16xf32>
        %add3A_3532 = arith.addf %add3A_3524, %mul3A_3531 : vector<16xf32>
        %mul3A_3533 = arith.mulf %gather3A_3468, %gather3A_3468 : vector<16xf32>
        %add3A_3534 = arith.addf %add3A_3463, %mul3A_3533 : vector<16xf32>
        %mul3A_3535 = arith.mulf %add3A_3532, %add3A_3532 : vector<16xf32>
        %add3A_3536 = arith.addf %add3A_3465, %mul3A_3535 : vector<16xf32>
        %broadcast_in_dim3A_3537 = arith.constant 46 : i32
        %broadcast_in_dim3A_3538 = vector.broadcast %broadcast_in_dim3A_3537 : i32 to vector<16xi32>
        %gather3A_3539 = tpu.vector_load_idx %arg8[%add3A_224, %broadcast_in_dim3A_3538] : memref<112x48xf32, #tpu.memory_space<vmem>>[vector<16xi32>, vector<16xi32>], vector<16xf32>,
        %gather3A_3540 = arith.constant 0 : i32
        %gather3A_3541 = arith.constant 0 : i32
        %gather3A_3542 = arith.constant 0 : i32
        %gather3A_3543 = tpu.memref_slice %arg9[%gather3A_3540, %gather3A_3541, %gather3A_3542] : memref<8x112x48xf32, #tpu.memory_space<vmem>> -> memref<1x112x48xf32, #tpu.memory_space<vmem>>
        %gather3A_3544 = tpu.memref_squeeze %gather3A_3543 : memref<1x112x48xf32, #tpu.memory_space<vmem>> -> memref<112x48xf32, #tpu.memory_space<vmem>>
        %gather3A_3545 = tpu.vector_load_idx %gather3A_3544[%add3A_224, %broadcast_in_dim3A_3538] : memref<112x48xf32, #tpu.memory_space<vmem>>[vector<16xi32>, vector<16xi32>], vector<16xf32>,
        %mul3A_3546 = arith.mulf %get3A_229, %gather3A_3545 : vector<16xf32>
        %add3A_3547 = arith.addf %gather3A_3539, %mul3A_3546 : vector<16xf32>
        %gather3A_3548 = arith.constant 1 : i32
        %gather3A_3549 = arith.constant 0 : i32
        %gather3A_3550 = arith.constant 0 : i32
        %gather3A_3551 = tpu.memref_slice %arg9[%gather3A_3548, %gather3A_3549, %gather3A_3550] : memref<8x112x48xf32, #tpu.memory_space<vmem>> -> memref<1x112x48xf32, #tpu.memory_space<vmem>>
        %gather3A_3552 = tpu.memref_squeeze %gather3A_3551 : memref<1x112x48xf32, #tpu.memory_space<vmem>> -> memref<112x48xf32, #tpu.memory_space<vmem>>
        %gather3A_3553 = tpu.vector_load_idx %gather3A_3552[%add3A_224, %broadcast_in_dim3A_3538] : memref<112x48xf32, #tpu.memory_space<vmem>>[vector<16xi32>, vector<16xi32>], vector<16xf32>,
        %mul3A_3554 = arith.mulf %get3A_235, %gather3A_3553 : vector<16xf32>
        %add3A_3555 = arith.addf %add3A_3547, %mul3A_3554 : vector<16xf32>
        %gather3A_3556 = arith.constant 2 : i32
        %gather3A_3557 = arith.constant 0 : i32
        %gather3A_3558 = arith.constant 0 : i32
        %gather3A_3559 = tpu.memref_slice %arg9[%gather3A_3556, %gather3A_3557, %gather3A_3558] : memref<8x112x48xf32, #tpu.memory_space<vmem>> -> memref<1x112x48xf32, #tpu.memory_space<vmem>>
        %gather3A_3560 = tpu.memref_squeeze %gather3A_3559 : memref<1x112x48xf32, #tpu.memory_space<vmem>> -> memref<112x48xf32, #tpu.memory_space<vmem>>
        %gather3A_3561 = tpu.vector_load_idx %gather3A_3560[%add3A_224, %broadcast_in_dim3A_3538] : memref<112x48xf32, #tpu.memory_space<vmem>>[vector<16xi32>, vector<16xi32>], vector<16xf32>,
        %mul3A_3562 = arith.mulf %get3A_241, %gather3A_3561 : vector<16xf32>
        %add3A_3563 = arith.addf %add3A_3555, %mul3A_3562 : vector<16xf32>
        %gather3A_3564 = arith.constant 3 : i32
        %gather3A_3565 = arith.constant 0 : i32
        %gather3A_3566 = arith.constant 0 : i32
        %gather3A_3567 = tpu.memref_slice %arg9[%gather3A_3564, %gather3A_3565, %gather3A_3566] : memref<8x112x48xf32, #tpu.memory_space<vmem>> -> memref<1x112x48xf32, #tpu.memory_space<vmem>>
        %gather3A_3568 = tpu.memref_squeeze %gather3A_3567 : memref<1x112x48xf32, #tpu.memory_space<vmem>> -> memref<112x48xf32, #tpu.memory_space<vmem>>
        %gather3A_3569 = tpu.vector_load_idx %gather3A_3568[%add3A_224, %broadcast_in_dim3A_3538] : memref<112x48xf32, #tpu.memory_space<vmem>>[vector<16xi32>, vector<16xi32>], vector<16xf32>,
        %mul3A_3570 = arith.mulf %get3A_247, %gather3A_3569 : vector<16xf32>
        %add3A_3571 = arith.addf %add3A_3563, %mul3A_3570 : vector<16xf32>
        %gather3A_3572 = arith.constant 4 : i32
        %gather3A_3573 = arith.constant 0 : i32
        %gather3A_3574 = arith.constant 0 : i32
        %gather3A_3575 = tpu.memref_slice %arg9[%gather3A_3572, %gather3A_3573, %gather3A_3574] : memref<8x112x48xf32, #tpu.memory_space<vmem>> -> memref<1x112x48xf32, #tpu.memory_space<vmem>>
        %gather3A_3576 = tpu.memref_squeeze %gather3A_3575 : memref<1x112x48xf32, #tpu.memory_space<vmem>> -> memref<112x48xf32, #tpu.memory_space<vmem>>
        %gather3A_3577 = tpu.vector_load_idx %gather3A_3576[%add3A_224, %broadcast_in_dim3A_3538] : memref<112x48xf32, #tpu.memory_space<vmem>>[vector<16xi32>, vector<16xi32>], vector<16xf32>,
        %mul3A_3578 = arith.mulf %get3A_253, %gather3A_3577 : vector<16xf32>
        %add3A_3579 = arith.addf %add3A_3571, %mul3A_3578 : vector<16xf32>
        %gather3A_3580 = arith.constant 5 : i32
        %gather3A_3581 = arith.constant 0 : i32
        %gather3A_3582 = arith.constant 0 : i32
        %gather3A_3583 = tpu.memref_slice %arg9[%gather3A_3580, %gather3A_3581, %gather3A_3582] : memref<8x112x48xf32, #tpu.memory_space<vmem>> -> memref<1x112x48xf32, #tpu.memory_space<vmem>>
        %gather3A_3584 = tpu.memref_squeeze %gather3A_3583 : memref<1x112x48xf32, #tpu.memory_space<vmem>> -> memref<112x48xf32, #tpu.memory_space<vmem>>
        %gather3A_3585 = tpu.vector_load_idx %gather3A_3584[%add3A_224, %broadcast_in_dim3A_3538] : memref<112x48xf32, #tpu.memory_space<vmem>>[vector<16xi32>, vector<16xi32>], vector<16xf32>,
        %mul3A_3586 = arith.mulf %get3A_259, %gather3A_3585 : vector<16xf32>
        %add3A_3587 = arith.addf %add3A_3579, %mul3A_3586 : vector<16xf32>
        %gather3A_3588 = arith.constant 6 : i32
        %gather3A_3589 = arith.constant 0 : i32
        %gather3A_3590 = arith.constant 0 : i32
        %gather3A_3591 = tpu.memref_slice %arg9[%gather3A_3588, %gather3A_3589, %gather3A_3590] : memref<8x112x48xf32, #tpu.memory_space<vmem>> -> memref<1x112x48xf32, #tpu.memory_space<vmem>>
        %gather3A_3592 = tpu.memref_squeeze %gather3A_3591 : memref<1x112x48xf32, #tpu.memory_space<vmem>> -> memref<112x48xf32, #tpu.memory_space<vmem>>
        %gather3A_3593 = tpu.vector_load_idx %gather3A_3592[%add3A_224, %broadcast_in_dim3A_3538] : memref<112x48xf32, #tpu.memory_space<vmem>>[vector<16xi32>, vector<16xi32>], vector<16xf32>,
        %mul3A_3594 = arith.mulf %get3A_265, %gather3A_3593 : vector<16xf32>
        %add3A_3595 = arith.addf %add3A_3587, %mul3A_3594 : vector<16xf32>
        %gather3A_3596 = arith.constant 7 : i32
        %gather3A_3597 = arith.constant 0 : i32
        %gather3A_3598 = arith.constant 0 : i32
        %gather3A_3599 = tpu.memref_slice %arg9[%gather3A_3596, %gather3A_3597, %gather3A_3598] : memref<8x112x48xf32, #tpu.memory_space<vmem>> -> memref<1x112x48xf32, #tpu.memory_space<vmem>>
        %gather3A_3600 = tpu.memref_squeeze %gather3A_3599 : memref<1x112x48xf32, #tpu.memory_space<vmem>> -> memref<112x48xf32, #tpu.memory_space<vmem>>
        %gather3A_3601 = tpu.vector_load_idx %gather3A_3600[%add3A_224, %broadcast_in_dim3A_3538] : memref<112x48xf32, #tpu.memory_space<vmem>>[vector<16xi32>, vector<16xi32>], vector<16xf32>,
        %mul3A_3602 = arith.mulf %get3A_271, %gather3A_3601 : vector<16xf32>
        %add3A_3603 = arith.addf %add3A_3595, %mul3A_3602 : vector<16xf32>
        %mul3A_3604 = arith.mulf %gather3A_3539, %gather3A_3539 : vector<16xf32>
        %add3A_3605 = arith.addf %add3A_3534, %mul3A_3604 : vector<16xf32>
        %mul3A_3606 = arith.mulf %add3A_3603, %add3A_3603 : vector<16xf32>
        %add3A_3607 = arith.addf %add3A_3536, %mul3A_3606 : vector<16xf32>
        %broadcast_in_dim3A_3608 = arith.constant 47 : i32
        %broadcast_in_dim3A_3609 = vector.broadcast %broadcast_in_dim3A_3608 : i32 to vector<16xi32>
        %gather3A_3610 = tpu.vector_load_idx %arg8[%add3A_224, %broadcast_in_dim3A_3609] : memref<112x48xf32, #tpu.memory_space<vmem>>[vector<16xi32>, vector<16xi32>], vector<16xf32>,
        %gather3A_3611 = arith.constant 0 : i32
        %gather3A_3612 = arith.constant 0 : i32
        %gather3A_3613 = arith.constant 0 : i32
        %gather3A_3614 = tpu.memref_slice %arg9[%gather3A_3611, %gather3A_3612, %gather3A_3613] : memref<8x112x48xf32, #tpu.memory_space<vmem>> -> memref<1x112x48xf32, #tpu.memory_space<vmem>>
        %gather3A_3615 = tpu.memref_squeeze %gather3A_3614 : memref<1x112x48xf32, #tpu.memory_space<vmem>> -> memref<112x48xf32, #tpu.memory_space<vmem>>
        %gather3A_3616 = tpu.vector_load_idx %gather3A_3615[%add3A_224, %broadcast_in_dim3A_3609] : memref<112x48xf32, #tpu.memory_space<vmem>>[vector<16xi32>, vector<16xi32>], vector<16xf32>,
        %mul3A_3617 = arith.mulf %get3A_229, %gather3A_3616 : vector<16xf32>
        %add3A_3618 = arith.addf %gather3A_3610, %mul3A_3617 : vector<16xf32>
        %gather3A_3619 = arith.constant 1 : i32
        %gather3A_3620 = arith.constant 0 : i32
        %gather3A_3621 = arith.constant 0 : i32
        %gather3A_3622 = tpu.memref_slice %arg9[%gather3A_3619, %gather3A_3620, %gather3A_3621] : memref<8x112x48xf32, #tpu.memory_space<vmem>> -> memref<1x112x48xf32, #tpu.memory_space<vmem>>
        %gather3A_3623 = tpu.memref_squeeze %gather3A_3622 : memref<1x112x48xf32, #tpu.memory_space<vmem>> -> memref<112x48xf32, #tpu.memory_space<vmem>>
        %gather3A_3624 = tpu.vector_load_idx %gather3A_3623[%add3A_224, %broadcast_in_dim3A_3609] : memref<112x48xf32, #tpu.memory_space<vmem>>[vector<16xi32>, vector<16xi32>], vector<16xf32>,
        %mul3A_3625 = arith.mulf %get3A_235, %gather3A_3624 : vector<16xf32>
        %add3A_3626 = arith.addf %add3A_3618, %mul3A_3625 : vector<16xf32>
        %gather3A_3627 = arith.constant 2 : i32
        %gather3A_3628 = arith.constant 0 : i32
        %gather3A_3629 = arith.constant 0 : i32
        %gather3A_3630 = tpu.memref_slice %arg9[%gather3A_3627, %gather3A_3628, %gather3A_3629] : memref<8x112x48xf32, #tpu.memory_space<vmem>> -> memref<1x112x48xf32, #tpu.memory_space<vmem>>
        %gather3A_3631 = tpu.memref_squeeze %gather3A_3630 : memref<1x112x48xf32, #tpu.memory_space<vmem>> -> memref<112x48xf32, #tpu.memory_space<vmem>>
        %gather3A_3632 = tpu.vector_load_idx %gather3A_3631[%add3A_224, %broadcast_in_dim3A_3609] : memref<112x48xf32, #tpu.memory_space<vmem>>[vector<16xi32>, vector<16xi32>], vector<16xf32>,
        %mul3A_3633 = arith.mulf %get3A_241, %gather3A_3632 : vector<16xf32>
        %add3A_3634 = arith.addf %add3A_3626, %mul3A_3633 : vector<16xf32>
        %gather3A_3635 = arith.constant 3 : i32
        %gather3A_3636 = arith.constant 0 : i32
        %gather3A_3637 = arith.constant 0 : i32
        %gather3A_3638 = tpu.memref_slice %arg9[%gather3A_3635, %gather3A_3636, %gather3A_3637] : memref<8x112x48xf32, #tpu.memory_space<vmem>> -> memref<1x112x48xf32, #tpu.memory_space<vmem>>
        %gather3A_3639 = tpu.memref_squeeze %gather3A_3638 : memref<1x112x48xf32, #tpu.memory_space<vmem>> -> memref<112x48xf32, #tpu.memory_space<vmem>>
        %gather3A_3640 = tpu.vector_load_idx %gather3A_3639[%add3A_224, %broadcast_in_dim3A_3609] : memref<112x48xf32, #tpu.memory_space<vmem>>[vector<16xi32>, vector<16xi32>], vector<16xf32>,
        %mul3A_3641 = arith.mulf %get3A_247, %gather3A_3640 : vector<16xf32>
        %add3A_3642 = arith.addf %add3A_3634, %mul3A_3641 : vector<16xf32>
        %gather3A_3643 = arith.constant 4 : i32
        %gather3A_3644 = arith.constant 0 : i32
        %gather3A_3645 = arith.constant 0 : i32
        %gather3A_3646 = tpu.memref_slice %arg9[%gather3A_3643, %gather3A_3644, %gather3A_3645] : memref<8x112x48xf32, #tpu.memory_space<vmem>> -> memref<1x112x48xf32, #tpu.memory_space<vmem>>
        %gather3A_3647 = tpu.memref_squeeze %gather3A_3646 : memref<1x112x48xf32, #tpu.memory_space<vmem>> -> memref<112x48xf32, #tpu.memory_space<vmem>>
        %gather3A_3648 = tpu.vector_load_idx %gather3A_3647[%add3A_224, %broadcast_in_dim3A_3609] : memref<112x48xf32, #tpu.memory_space<vmem>>[vector<16xi32>, vector<16xi32>], vector<16xf32>,
        %mul3A_3649 = arith.mulf %get3A_253, %gather3A_3648 : vector<16xf32>
        %add3A_3650 = arith.addf %add3A_3642, %mul3A_3649 : vector<16xf32>
        %gather3A_3651 = arith.constant 5 : i32
        %gather3A_3652 = arith.constant 0 : i32
        %gather3A_3653 = arith.constant 0 : i32
        %gather3A_3654 = tpu.memref_slice %arg9[%gather3A_3651, %gather3A_3652, %gather3A_3653] : memref<8x112x48xf32, #tpu.memory_space<vmem>> -> memref<1x112x48xf32, #tpu.memory_space<vmem>>
        %gather3A_3655 = tpu.memref_squeeze %gather3A_3654 : memref<1x112x48xf32, #tpu.memory_space<vmem>> -> memref<112x48xf32, #tpu.memory_space<vmem>>
        %gather3A_3656 = tpu.vector_load_idx %gather3A_3655[%add3A_224, %broadcast_in_dim3A_3609] : memref<112x48xf32, #tpu.memory_space<vmem>>[vector<16xi32>, vector<16xi32>], vector<16xf32>,
        %mul3A_3657 = arith.mulf %get3A_259, %gather3A_3656 : vector<16xf32>
        %add3A_3658 = arith.addf %add3A_3650, %mul3A_3657 : vector<16xf32>
        %gather3A_3659 = arith.constant 6 : i32
        %gather3A_3660 = arith.constant 0 : i32
        %gather3A_3661 = arith.constant 0 : i32
        %gather3A_3662 = tpu.memref_slice %arg9[%gather3A_3659, %gather3A_3660, %gather3A_3661] : memref<8x112x48xf32, #tpu.memory_space<vmem>> -> memref<1x112x48xf32, #tpu.memory_space<vmem>>
        %gather3A_3663 = tpu.memref_squeeze %gather3A_3662 : memref<1x112x48xf32, #tpu.memory_space<vmem>> -> memref<112x48xf32, #tpu.memory_space<vmem>>
        %gather3A_3664 = tpu.vector_load_idx %gather3A_3663[%add3A_224, %broadcast_in_dim3A_3609] : memref<112x48xf32, #tpu.memory_space<vmem>>[vector<16xi32>, vector<16xi32>], vector<16xf32>,
        %mul3A_3665 = arith.mulf %get3A_265, %gather3A_3664 : vector<16xf32>
        %add3A_3666 = arith.addf %add3A_3658, %mul3A_3665 : vector<16xf32>
        %gather3A_3667 = arith.constant 7 : i32
        %gather3A_3668 = arith.constant 0 : i32
        %gather3A_3669 = arith.constant 0 : i32
        %gather3A_3670 = tpu.memref_slice %arg9[%gather3A_3667, %gather3A_3668, %gather3A_3669] : memref<8x112x48xf32, #tpu.memory_space<vmem>> -> memref<1x112x48xf32, #tpu.memory_space<vmem>>
        %gather3A_3671 = tpu.memref_squeeze %gather3A_3670 : memref<1x112x48xf32, #tpu.memory_space<vmem>> -> memref<112x48xf32, #tpu.memory_space<vmem>>
        %gather3A_3672 = tpu.vector_load_idx %gather3A_3671[%add3A_224, %broadcast_in_dim3A_3609] : memref<112x48xf32, #tpu.memory_space<vmem>>[vector<16xi32>, vector<16xi32>], vector<16xf32>,
        %mul3A_3673 = arith.mulf %get3A_271, %gather3A_3672 : vector<16xf32>
        %add3A_3674 = arith.addf %add3A_3666, %mul3A_3673 : vector<16xf32>
        %mul3A_3675 = arith.mulf %gather3A_3610, %gather3A_3610 : vector<16xf32>
        %add3A_3676 = arith.addf %add3A_3605, %mul3A_3675 : vector<16xf32>
        %mul3A_3677 = arith.mulf %add3A_3674, %add3A_3674 : vector<16xf32>
        %add3A_3678 = arith.addf %add3A_3607, %mul3A_3677 : vector<16xf32>
        scf.yield %add3A_3676, %add3A_3678 : vector<16xf32>, vector<16xf32>
      }
      %scan3A_217 = arith.constant 7 : i32
      scf.yield %scan3A_216#0, %scan3A_216#1 : vector<16xf32>, vector<16xf32>
    }
    %scan3A_8 = arith.constant 14 : i32
    %swap3A = arith.constant 0 : i32
    %swap3A_9 = arith.index_cast %swap3A : i32 to index
    %swap3A_10 = arith.constant 0 : index
    %swap3A_11 = tpu.vector_load %arg10[%swap3A_9, %swap3A_10] {strides = array<i32>} : memref<2x16xf32, #tpu.memory_space<vmem>>, vector<16xf32>,
    tpu.vector_store %arg10[%swap3A_9, %swap3A_10], %scan3A_7#0 {strides = array<i32>} : memref<2x16xf32, #tpu.memory_space<vmem>>, vector<16xf32>,
    %swap3A_12 = arith.constant 1 : i32
    %swap3A_13 = arith.index_cast %swap3A_12 : i32 to index
    %swap3A_14 = arith.constant 0 : index
    %swap3A_15 = tpu.vector_load %arg10[%swap3A_13, %swap3A_14] {strides = array<i32>} : memref<2x16xf32, #tpu.memory_space<vmem>>, vector<16xf32>,
    tpu.vector_store %arg10[%swap3A_13, %swap3A_14], %scan3A_7#1 {strides = array<i32>} : memref<2x16xf32, #tpu.memory_space<vmem>>, vector<16xf32>,
    "tpu.region"() ({
      %run_scoped3A = tpu.sem_alloc : memref<!tpu.dma_semaphore, #tpu.memory_space<semaphore_mem>>
      %dma_start3A = arith.constant 0 : i32
      %dma_start3A_16 = arith.constant 0 : i32
      %dma_start3A_17 = tpu.memref_slice %arg5[%add3A, %dma_start3A, %dma_start3A_16] : memref<32x2x16xf32, #tpu.memory_space<hbm>> -> memref<1x2x16xf32, #tpu.memory_space<hbm>>
      %dma_start3A_18 = tpu.memref_squeeze %dma_start3A_17 : memref<1x2x16xf32, #tpu.memory_space<hbm>> -> memref<2x16xf32, #tpu.memory_space<hbm>>
      %dma_start3A_19 = arith.constant 0 : i32
      %dma_start3A_20 = arith.constant 0 : i32
      %dma_start3A_21 = tpu.memref_slice %arg5[%add3A, %dma_start3A_19, %dma_start3A_20] : memref<32x2x16xf32, #tpu.memory_space<hbm>> -> memref<1x2x16xf32, #tpu.memory_space<hbm>>
      %dma_start3A_22 = tpu.memref_squeeze %dma_start3A_21 : memref<1x2x16xf32, #tpu.memory_space<hbm>> -> memref<2x16xf32, #tpu.memory_space<hbm>>
      tpu.enqueue_dma source(%arg10 : memref<2x16xf32, #tpu.memory_space<vmem>>) target(%dma_start3A_22 : memref<2x16xf32, #tpu.memory_space<hbm>>) target_semaphore(%run_scoped3A : memref<!tpu.dma_semaphore, #tpu.memory_space<semaphore_mem>>)
      %dma_wait3A = arith.constant 0 : i32
      %dma_wait3A_23 = arith.constant 0 : i32
      %dma_wait3A_24 = tpu.memref_slice %arg5[%add3A, %dma_wait3A, %dma_wait3A_23] : memref<32x2x16xf32, #tpu.memory_space<hbm>> -> memref<1x2x16xf32, #tpu.memory_space<hbm>>
      %dma_wait3A_25 = tpu.memref_squeeze %dma_wait3A_24 : memref<1x2x16xf32, #tpu.memory_space<hbm>> -> memref<2x16xf32, #tpu.memory_space<hbm>>
      %dma_wait3A_26 = arith.constant 0 : i32
      %dma_wait3A_27 = arith.constant 0 : i32
      %dma_wait3A_28 = tpu.memref_slice %arg5[%add3A, %dma_wait3A_26, %dma_wait3A_27] : memref<32x2x16xf32, #tpu.memory_space<hbm>> -> memref<1x2x16xf32, #tpu.memory_space<hbm>>
      %dma_wait3A_29 = tpu.memref_squeeze %dma_wait3A_28 : memref<1x2x16xf32, #tpu.memory_space<hbm>> -> memref<2x16xf32, #tpu.memory_space<hbm>>
      tpu.wait_dma2 semaphore(%run_scoped3A : memref<!tpu.dma_semaphore, #tpu.memory_space<semaphore_mem>>) src(%arg10 : memref<2x16xf32, #tpu.memory_space<vmem>>) dst(%dma_wait3A_29 : memref<2x16xf32, #tpu.memory_space<hbm>>)
      tpu.yield
    }) : () -> ()
    return
  }
}

module attributes {stable_mosaic.version = 14 : i64} {
  func.func @_tex_l1_body(%arg0: i32, %arg1: memref<512x1024xf32, #tpu.memory_space<vmem>>, %arg2: memref<512x1024xf32, #tpu.memory_space<vmem>>, %arg3: memref<1x1xf32, #tpu.memory_space<smem>>) attributes {dimension_semantics = [#tpu.dimension_semantics<arbitrary>], iteration_bounds = array<i64: 24>, scalar_prefetch = 0 : i64, scratch_operands = 0 : i64, tpu.core_type = #tpu.core_type<tc>, window_params = [{transform_indices = @transform_0, window_bounds = array<i64: 512, 1024>}, {transform_indices = @transform_1, window_bounds = array<i64: 512, 1024>}, {transform_indices = @transform_2, window_bounds = array<i64: 1, 1>}]} {
    %get3A = arith.constant 0 : index
    %get3A_0 = arith.constant 0 : index
    %get3A_1 = vector.load %arg1[%get3A, %get3A_0] : memref<512x1024xf32, #tpu.memory_space<vmem>>, vector<512x1024xf32>
    %get3A_2 = arith.constant 0 : index
    %get3A_3 = arith.constant 0 : index
    %get3A_4 = vector.load %arg2[%get3A_2, %get3A_3] : memref<512x1024xf32, #tpu.memory_space<vmem>>, vector<512x1024xf32>
    %sub3A = arith.subf %get3A_1, %get3A_4 : vector<512x1024xf32>
    %abs3A = math.absf %sub3A : vector<512x1024xf32>
    %reduce_sum3A = vector.shape_cast %abs3A : vector<512x1024xf32> to vector<1x512x1024xf32>
    %reduce_sum3A_5 = arith.constant dense<0.000000e+00> : vector<1xf32>
    %reduce_sum3A_6 = vector.multi_reduction <add>, %reduce_sum3A, %reduce_sum3A_5 [1, 2] : vector<1x512x1024xf32> to vector<1xf32>
    %reduce_sum3A_7 = vector.shape_cast %reduce_sum3A_6 : vector<1xf32> to vector<1x1x1xf32>
    %reduce_sum3A_8 = vector.extract %reduce_sum3A_7[0, 0, 0] : f32 from vector<1x1x1xf32>
    %eq3A = arith.constant 0 : i32
    %eq3A_9 = arith.cmpi eq, %arg0, %eq3A : i32
    %convert_element_type3A = arith.extui %eq3A_9 : i1 to i32
    %cond3A = arith.constant 0 : i32
    %cond3A_10 = arith.cmpi ne, %convert_element_type3A, %cond3A : i32
    scf.if %cond3A_10 {
      %swap3A = arith.constant 0 : index
      %swap3A_15 = arith.constant 0 : index
      %swap3A_16 = memref.load %arg3[%swap3A, %swap3A_15] : memref<1x1xf32, #tpu.memory_space<smem>>
      memref.store %reduce_sum3A_8, %arg3[%swap3A, %swap3A_15] : memref<1x1xf32, #tpu.memory_space<smem>>
    } else {
    }
    %gt3A = arith.constant 0 : i32
    %gt3A_11 = arith.cmpi sgt, %arg0, %gt3A : i32
    %convert_element_type3A_12 = arith.extui %gt3A_11 : i1 to i32
    %cond3A_13 = arith.constant 0 : i32
    %cond3A_14 = arith.cmpi ne, %convert_element_type3A_12, %cond3A_13 : i32
    scf.if %cond3A_14 {
      %get3A_15 = arith.constant 0 : index
      %get3A_16 = arith.constant 0 : index
      %get3A_17 = memref.load %arg3[%get3A_15, %get3A_16] : memref<1x1xf32, #tpu.memory_space<smem>>
      %add3A = arith.addf %get3A_17, %reduce_sum3A_8 : f32
      %swap3A = arith.constant 0 : index
      %swap3A_18 = arith.constant 0 : index
      %swap3A_19 = memref.load %arg3[%swap3A, %swap3A_18] : memref<1x1xf32, #tpu.memory_space<smem>>
      memref.store %add3A, %arg3[%swap3A, %swap3A_18] : memref<1x1xf32, #tpu.memory_space<smem>>
    } else {
    }
    return
  }
  func.func @transform_0(%arg0: i32) -> (i32, i32) {
    %c0_i32 = arith.constant 0 : i32
    %c0_i32_0 = arith.constant 0 : i32
    return %arg0, %c0_i32 : i32, i32
  }
  func.func @transform_1(%arg0: i32) -> (i32, i32) {
    %c0_i32 = arith.constant 0 : i32
    %c0_i32_0 = arith.constant 0 : i32
    return %arg0, %c0_i32 : i32, i32
  }
  func.func @transform_2(%arg0: i32) -> (i32, i32) {
    %c0_i32 = arith.constant 0 : i32
    %c0_i32_0 = arith.constant 0 : i32
    %c0_i32_1 = arith.constant 0 : i32
    return %c0_i32, %c0_i32_0 : i32, i32
  }
}

</mosaic_0001>

<sc_bundles>
// kernel: kernel.4.cloned.1.call-start
scs
__scs_entry_jumppad:
0x0: {  	(pc) =	sbr.rel $0x88, $3  }
0x1: {  	(tag) =	ssettag $0x0;
	lr =	simm.s32 $0x1  }
0x2: {  	[smem:$0x3F9B] =	sst lr;
	_ =	strace $0xD0000000  }
0x3: {  	_ = 	snop  }
0x4: {  	_ = 	snop  }
0x5: {  	_ = 	snop  }
0x6: {  	_ = 	snop  }
0x7: {  	_ = 	snop  }
__scs_overlays_trampoline_lowered:
0x8: {  	[smem:$0x3FAA] =	sst s0  }
0x9: {  	[smem:$0x3FAB] =	sst s1  }
0xa: {  	[smem:$0x3FAC] =	sst s2  }
0xb: {  	[smem:$0x3FAD] =	sst s3  }
0xc: {  	[smem:$0x3FAE] =	sst s4  }
0xd: {  	[smem:$0x3FAF] =	sst s5  }
0xe: {  	[smem:$0x3FB0] =	sst s6  }
0xf: {  	[smem:$0x3FB1] =	sst s7  }
0x10: {  	[smem:$0x3FB2] =	sst s8  }
0x11: {  	[smem:$0x3FB3] =	sst s9;
	s0 =	simm.s32 @!p0 $0x0  }
0x12: {  	s1 =	sld [smem:$0x3F99];
	s0 =	simm.s32 @p0 $0x1  }
0x13: {  	[smem:$0x3FB4] =	sst s0;
	s0 =	simm.s32 @!p1 $0x0  }
0x14: {  	s2 =	sld [smem:$0x3F98];
	s0 =	simm.s32 @p1 $0x1  }
0x15: {  	[smem:$0x3FB5] =	sst s0;
	s0 =	simm.s32 @!p2 $0x0  }
0x16: {  	s3 =	sld [smem:$0x3FDB];
	s0 =	simm.s32 @p2 $0x1  }
0x17: {  	s4 =	simm.s32 $0x1BF5;
	[smem:$0x3FB7] =	sst s0  }
0x18: {  	s0 =	sld [smem:$0x3F9A];
	_ =	swait.ge [sflag:s4], $0x0  }
0x19: {  	s7 =	sld [smem:$0x3F9B]  }
0x1a: {  	s8 =	sadd.s32 $0xFFFFE003, lr  }
0x1b: {  	s9 =	sadd.s32 $0xFFFFFEF7, lr;
	s5 =	simm.s32 $0xFFFFFFFF;
	p2 =	slt.u32 s8, $0xFFFFF086  }
0x1c: {  	p1 =	slt.u32 s9, $0xF7A;
	s5 =	simm.s32 @!p2 $0x0  }
0x1d: {  	s5 =	simm.s32 @p1 $0x1;
	p0 =	seq.s32 s7, s2  }
0x1e: {  	s7 =	smul.u32 @!p0 $0xF7A, s2;
	p2 =	seq.s32 @!p0 s5, $0x0  }
0x1f: {  	s9 =	smul.u32 $0xF7A, s1;
	s8 =	simm.s32 @!p0 $0x1BF5;
	p2 =	por !p2, p0  }
0x20: {  	[sflag:s8] =	ssyncset.s32 @!p0 $0xFFFFF086;
	s6 =	sadd.s32 @!p0 s3, s7;
	s7 =	simm.s32 @!p0 $0x108  }
0x21: {  	s3 =	sadd.s32 s3, s9;
	s6 =	sadd.s32 @!p0 $0x88, s6;
	s7 =	simm.s32 @p2 $0x1082  }
0x22: {  	[simem:s7], [sflag:s8] =	dma.local @!p0 [hbm:s6], $0xF7A  }
0x23: {  	s9 =	sor.u32 $0xD0000000, s2;
	s6 =	simm.s32 $0x108;
	_ =	swait.ge @!p0 [sflag:s8], $0x0  }
0x24: {  	s3 =	sadd.s32 $0x88, s3;
	s6 =	simm.s32 @!p1 $0x1082;
	[sflag:s4] =	ssyncset.s32 $0xFFFFF086  }
0x25: {  	[simem:s6], [sflag:s4] =	dma.local [hbm:s3], $0xF7A  }
0x26: {  	[smem:$0x3F9B] =	sst s1;
	(tag) =	ssettag s2;
	_ =	strace s9  }
0x27: {  	s1 =	sld [smem:$0x3FAB]  }
0x28: {  	s2 =	sld [smem:$0x3FAC]  }
0x29: {  	s4 =	sld [smem:$0x3FAE]  }
0x2a: {  	p0 =	seq.s32 s5, $0x0;
	s5 =	sld [smem:$0x3FAF]  }
0x2b: {  	s6 =	sld [smem:$0x3FB0]  }
0x2c: {  	s7 =	sld [smem:$0x3FB1]  }
0x2d: {  	s3 =	simm.s32 $0x108;
	s8 =	sld [smem:$0x3FB2]  }
0x2e: {  	s3 =	simm.s32 @!p0 $0x1082;
	s9 =	sld [smem:$0x3FB3]  }
0x2f: {  	lr =	sadd.s32 s0, s3;
	s0 =	sld [smem:$0x3FAA]  }
0x30: {  	s3 =	sld [smem:$0x3FAD]  }
0x31: {  	[smem:$0x3FB6] =	sst s10  }
0x32: {  	s10 =	sld [smem:$0x3FB4];
	_ =	sdelay $0x3  }
0x33: {  	p0 =	seq.s32 s10, $0x1;
	s10 =	sld [smem:$0x3FB6];
	_ =	sdelay $0x3  }
0x34: {  	[smem:$0x3FB6] =	sst s10  }
0x35: {  	s10 =	sld [smem:$0x3FB5];
	_ =	sdelay $0x3  }
0x36: {  	p1 =	seq.s32 s10, $0x1;
	s10 =	sld [smem:$0x3FB6];
	_ =	sdelay $0x3  }
0x37: {  	[smem:$0x3FB6] =	sst s10  }
0x38: {  	s10 =	sld [smem:$0x3FB7]  }
0x39: {  	_ = 	snop;
	(pc) =	sbr.ind lr, $3  }
0x3a: {  	_ = 	snop  }
0x3b: {  	_ = 	snop  }
0x3c: {  	p2 =	seq.s32 s10, $0x1;
	s10 =	sld [smem:$0x3FB6]  }
0x3d: {  	_ =	shalt  }
0x3e: {  	_ =	shalt  }
0x3f: {  	_ =	shalt  }
0x40: {  	_ =	shalt  }
0x41: {  	_ =	shalt  }
0x42: {  	_ =	shalt  }
0x43: {  	_ =	shalt  }
0x44: {  	_ =	shalt  }
0x45: {  	_ =	shalt  }
0x46: {  	_ =	shalt  }
0x47: {  	_ =	shalt  }
0x48: {  	_ =	shalt  }
0x49: {  	_ =	shalt  }
0x4a: {  	_ =	shalt  }
0x4b: {  	_ =	shalt  }
0x4c: {  	_ =	shalt  }
0x4d: {  	_ =	shalt  }
0x4e: {  	_ =	shalt  }
0x4f: {  	_ =	shalt  }
0x50: {  	_ =	shalt  }
0x51: {  	_ =	shalt  }
0x52: {  	_ =	shalt  }
0x53: {  	_ =	shalt  }
0x54: {  	_ =	shalt  }
0x55: {  	_ =	shalt  }
0x56: {  	_ =	shalt  }
0x57: {  	_ =	shalt  }
0x58: {  	_ =	shalt  }
0x59: {  	_ =	shalt  }
0x5a: {  	_ =	shalt  }
0x5b: {  	_ =	shalt  }
0x5c: {  	_ =	shalt  }
0x5d: {  	_ =	shalt  }
0x5e: {  	_ =	shalt  }
0x5f: {  	_ =	shalt  }
0x60: {  	_ =	shalt  }
0x61: {  	_ =	shalt  }
0x62: {  	_ =	shalt  }
0x63: {  	_ =	shalt  }
0x64: {  	_ =	shalt  }
0x65: {  	_ =	shalt  }
0x66: {  	_ =	shalt  }
0x67: {  	_ =	shalt  }
0x68: {  	_ =	shalt  }
0x69: {  	_ =	shalt  }
0x6a: {  	_ =	shalt  }
0x6b: {  	_ =	shalt  }
0x6c: {  	_ =	shalt  }
0x6d: {  	_ =	shalt  }
0x6e: {  	_ =	shalt  }
0x6f: {  	_ =	shalt  }
0x70: {  	_ =	shalt  }
0x71: {  	_ =	shalt  }
0x72: {  	_ =	shalt  }
0x73: {  	_ =	shalt  }
0x74: {  	_ =	shalt  }
0x75: {  	_ =	shalt  }
0x76: {  	_ =	shalt  }
0x77: {  	_ =	shalt  }
0x78: {  	_ =	shalt  }
0x79: {  	_ =	shalt  }
0x7a: {  	_ =	shalt  }
0x7b: {  	_ =	shalt  }
0x7c: {  	_ =	shalt  }
0x7d: {  	_ =	shalt  }
0x7e: {  	_ =	shalt  }
0x7f: {  	_ =	shalt  }
0x80: {  	_ =	shalt  }
0x81: {  	_ =	shalt  }
0x82: {  	_ =	shalt  }
0x83: {  	_ =	shalt  }
0x84: {  	_ =	shalt  }
0x85: {  	_ =	shalt  }
0x86: {  	_ =	shalt  }
0x87: {  	_ =	shalt  }
.Lfunc_end0:
.L_simem_size_0:
called_computation_lowered:
.L_overlay_start_0:
0x88: {  	s2 =	sld [smem:$0x3FD9]  }
0x89: {  	s3 =	sld [smem:$0x3FFE];
	_ =	sdelay $0x1  }
0x8a: {  	s1 =	srdreg.scid  }
0x8b: {  	s0 =	sand.u32 $0x1, s1  }
0x8c: {  	s16 =	sshll.u32 s0, $0xA;
	s2 =	sadd.s32 s3, s2  }
0x8d: {  	s2 =	sadd.s32 s2, s16  }
0x8e: {  	[smem:$0x3FC2] =	sst s2  }
0x8f: {  	_ = 	snop  }
0x90: {  	(tm) =	ssettm $0x1  }
0x91: {  	s17 =	sld [smem:$0x3FFB];
	_ =	sdelay $0x3  }
0x92: {  	_ =	strace s17  }
0x93: {  	s2 =	sld [smem:$0x3FFC];
	_ =	sdelay $0x3  }
0x94: {  	_ =	strace s2  }
0x95: {  	s2 =	sld [smem:$0x3FFD];
	_ =	sdelay $0x3  }
0x96: {  	_ =	strace s2  }
0x97: {  	_ =	strace $0x8FFFFFFF  }
0x98: {  	s18 =	sld [smem:$0x3FDB];
	_ =	sdelay $0x1  }
0x99: {  	s19 =	simm.s32 $_scs_section_size  }
0x9a: {  	s4 =	simm.s32 $_size__tile_overlayer_lowered;
	s5 =	simm.s32 $_tile_overlayer_lowered  }
0x9b: {  	s22 =	simm.s32 $0x1BFF;
	s21 =	sshll.u32 s5, $0x1;
	s2 =	sadd.s32 s19, s18  }
0x9c: {  	s6 =	simm.s32 $0x0;
	s20 =	sshll.u32 s4, $0x1;
	s4 =	sadd.s32 s21, s2  }
0x9d: {  	[timem:s6], [sflag:s22] =	dma.local [hbm:s4], s20  }
0x9e: {  	_ =	swait.ge [sflag:s22], s20  }
0x9f: {  	s3 =	ssub.s32 $0x0, s20;
	[sflag:s22] =	ssyncset.done $0x0  }
0xa0: {  	[sflag:s22] =	ssyncadd.s32 s3;
	_ =	sdelay $0x1  }
0xa1: {  	s23 =	simm.s32 $0x1B8B  }
0xa2: {  	_ =	swait.ge [sflag:s23], $0x1  }
0xa3: {  	[sflag:s23] =	ssyncset.done $0x0  }
0xa4: {  	s25 =	simm.s32 $0x1B8E;
	s24 =	sld [smem:$0x3FFE];
	[sflag:s23] =	ssyncadd.s32 $0xFFFFFFFF  }
0xa5: {  	s26 =	simm.s32 $execute0_lowered;
	[smem:$0x3FD2] =	sst s25  }
0xa6: {  	s4 =	sshll.u32 s26, $0x1;
	_ =	strace $0x80000046;
	[dreg:$0x1] =	wrdreg $0xFFFFFFFF  }
0xa7: {  	s28 =	simm.s32 $_size_execute0_lowered;
	s2 =	sadd.s32 s2, s4;
	[dreg:$0x0] =	wrdreg $0x0  }
0xa8: {  	s4 =	sshll.u32 s28, $0x1;
	[dreg:$0x2] =	wrdreg s2  }
0xa9: {  	[dreg:$0x3] =	wrdreg s4  }
0xaa: {  	[dreg:$0x4] =	wrdreg $0xC0  }
0xab: {  	_ =	task [dreg:s6], $0x5FFFF  }
0xac: {  	[dreg:$0x1] =	wrdreg $0xFFFFFFFF  }
0xad: {  	[dreg:$0x0] =	wrdreg $0x60  }
0xae: {  	[dreg:$0x2] =	wrdreg s24  }
0xaf: {  	[dreg:$0x3] =	wrdreg $0x9  }
0xb0: {  	_ =	task.clear_ibuf [dreg:s6], $0x4FFFF;
	_ =	strace $0x90000046  }
0xb1: {  	s29 =	simm.s32 $0x9;
	_ =	strace $0x80000048  }
0xb2: {  	_ =	swait.ge [sflag:s29], $0x1  }
0xb3: {  	[sflag:s29] =	ssyncadd.s32 $0xFFFFFFFF  }
0xb4: {  	_ =	strace $0x90000048  }
0xb5: {  	_ =	sfence  }
0xb6: {  	s30 =	sld [smem:$0x0];
	_ =	sdelay $0x2  }
0xb7: {  	s31 =	sshll.u32 s1, $0xD;
	s1 =	sshrl.u32 s1, $0x2  }
0xb8: {  	s3 =	sand.u32 $0x4000, s31;
	s1 =	sadd.s32 s1, s30  }
0xb9: {  	s0 =	sor.u32 s3, s0;
	s1 =	sshll.u32 s1, $0x11  }
0xba: {  	s0 =	sor.u32 s1, s0  }
0xbb: {  	s0 =	sadd.s32 $0x8F2B, s0  }
0xbc: {  	[sflag:s0] =	ssyncadd.remote.s32 $0x1  }
0xbd: {  	_ =	sfence.sel $0xFFFF  }
0xbe: {  	[dreg:$0x0] =	wrdreg $0xFFFFFFFF;
	(pc) =	sbr.abs _section_cstart, $3  }
0xbf: {  	[dreg:$0x1] =	wrdreg $0xFFFFFFFF  }
0xc0: {  	_ =	task.clear_ibuf [dreg:s6], $0x2FFFF;
	_ =	strace $0x9FFFFFFF  }
0xc1: {  	(tm) =	ssettm $0x7FFFFFFF  }
tec
execute0_lowered:
.L_overlay_start_1:
0x0: {  	(tag) =	ssettag $0x1  }
0x1: {  	v0 =	vlaneseq.u32  }
0x2: {  	s1 =	simm.s32 $0x0;
	v1 =	vmul.u32 $0x30, v0  }
0x3: {  	[smem:$0x7FF] =	sst s1  }
0x4: {  	s0 =	rddreg [dreg:$0x0];
	_ =	strace $0x80000047;
	v0 =	vor.u32 $0xD, v1;
	[tilespmem:$0x1FE80] =	vst v1  }
0x5: {  	v2 =	vor.u32 $0x1, v1;
	[tilespmem:$0x1FD00] =	vst v0  }
0x6: {  	v12 =	vor.u32 $0x2, v1;
	[tilespmem:$0x1FE90] =	vst v2  }
0x7: {  	v18 =	vor.u32 $0x3, v1;
	[tilespmem:$0x1FEA0] =	vst v12  }
0x8: {  	v8 =	vor.u32 $0x4, v1;
	[tilespmem:$0x1FEB0] =	vst v18  }
0x9: {  	v31 =	vor.u32 $0x5, v1;
	[tilespmem:$0x1FEC0] =	vst v8  }
0xa: {  	v32 =	vor.u32 $0x6, v1;
	[tilespmem:$0x1FED0] =	vst v31  }
0xb: {  	v38 =	vor.u32 $0x7, v1;
	[tilespmem:$0x1FEE0] =	vst v32  }
0xc: {  	v15 =	vor.u32 $0x8, v1;
	[tilespmem:$0x1FEF0] =	vst v38  }
0xd: {  	v21 =	vor.u32 $0x9, v1;
	[tilespmem:$0x1FF00] =	vst v15  }
0xe: {  	v53 =	vor.u32 $0xA, v1;
	[tilespmem:$0x1FF10] =	vst v21  }
0xf: {  	v54 =	vor.u32 $0xB, v1;
	[tilespmem:$0x1FF20] =	vst v53  }
0x10: {  	v63 =	vor.u32 $0xC, v1;
	[tilespmem:$0x1FF30] =	vst v54  }
0x11: {  	v58 =	vadd.s32 $0x25, v1;
	[tilespmem:$0x1FF40] =	vst v63  }
0x12: {  	v59 =	vadd.s32 $0x26, v1;
	[tilespmem:$0x1FF50] =	vst v58  }
0x13: {  	v46 =	vadd.s32 $0x27, v1;
	[tilespmem:$0x1FF60] =	vst v59  }
0x14: {  	v42 =	vadd.s32 $0x28, v1;
	[tilespmem:$0x1FF70] =	vst v46  }
0x15: {  	v40 =	vadd.s32 $0x29, v1;
	[tilespmem:$0x1FF80] =	vst v42  }
0x16: {  	v39 =	vadd.s32 $0x2A, v1;
	[tilespmem:$0x1FF90] =	vst v40  }
0x17: {  	v41 =	vadd.s32 $0x2B, v1;
	[tilespmem:$0x1FFA0] =	vst v39  }
0x18: {  	v33 =	vadd.s32 $0x2C, v1;
	[tilespmem:$0x1FFB0] =	vst v41  }
0x19: {  	v34 =	vadd.s32 $0x2D, v1;
	[tilespmem:$0x1FFC0] =	vst v33  }
0x1a: {  	v25 =	vadd.s32 $0x2E, v1;
	[tilespmem:$0x1FFD0] =	vst v34  }
0x1b: {  	v26 =	vadd.s32 $0x2F, v1;
	[tilespmem:$0x1FFE0] =	vst v25  }
0x1c: {  	v0 =	vor.u32 $0xE, v1;
	[tilespmem:$0x1FFF0] =	vst v26  }
0x1d: {  	[tilespmem:$0x1FD10] =	vst v0;
	v0 =	vor.u32 $0xF, v1  }
0x1e: {  	[tilespmem:$0x1FD20] =	vst v0;
	v0 =	vadd.s32 $0x10, v1  }
0x1f: {  	[tilespmem:$0x1FD30] =	vst v0;
	v0 =	vadd.s32 $0x11, v1  }
0x20: {  	[tilespmem:$0x1FD40] =	vst v0;
	v0 =	vadd.s32 $0x12, v1  }
0x21: {  	[tilespmem:$0x1FD50] =	vst v0;
	v0 =	vadd.s32 $0x13, v1  }
0x22: {  	[tilespmem:$0x1FD60] =	vst v0;
	v0 =	vadd.s32 $0x14, v1  }
0x23: {  	[tilespmem:$0x1FD70] =	vst v0;
	v0 =	vadd.s32 $0x15, v1  }
0x24: {  	[tilespmem:$0x1FD80] =	vst v0;
	v0 =	vadd.s32 $0x16, v1  }
0x25: {  	[tilespmem:$0x1FD90] =	vst v0;
	v0 =	vadd.s32 $0x17, v1  }
0x26: {  	[tilespmem:$0x1FDA0] =	vst v0;
	v0 =	vadd.s32 $0x18, v1  }
0x27: {  	s30 =	srdreg.scid;
	[tilespmem:$0x1FDB0] =	vst v0;
	v0 =	vadd.s32 $0x19, v1  }
0x28: {  	s2 =	stileid.u32;
	s10 =	simm.s32 $0x2;
	s11 =	simm.s32 $0x380;
	[tilespmem:$0x1FDC0] =	vst v0;
	v0 =	vadd.s32 $0x1A, v1  }
0x29: {  	s12 =	simm.s32 $0x700;
	s13 =	simm.s32 $0x70;
	s14 =	simm.s32 $0x1C00;
	[tilespmem:$0x1FDD0] =	vst v0;
	v0 =	vadd.s32 $0x1B, v1  }
0x2a: {  	s15 =	simm.s32 $0x3100;
	s16 =	simm.s32 $0xE0;
	s17 =	simm.s32 $0x4600;
	[tilespmem:$0x1FDE0] =	vst v0;
	v0 =	vadd.s32 $0x1C, v1  }
0x2b: {  	s18 =	simm.s32 $0x150;
	s19 =	simm.s32 $0x5B00;
	s20 =	simm.s32 $0x1C0;
	[tilespmem:$0x1FDF0] =	vst v0;
	v0 =	vadd.s32 $0x1D, v1  }
0x2c: {  	s21 =	simm.s32 $0x7000;
	s22 =	simm.s32 $0x230;
	s23 =	simm.s32 $0x8500;
	[tilespmem:$0x1FE00] =	vst v0;
	v0 =	vadd.s32 $0x1E, v1  }
0x2d: {  	s24 =	simm.s32 $0x2A0;
	s25 =	simm.s32 $0x9A00;
	s26 =	simm.s32 $0x310;
	[tilespmem:$0x1FE10] =	vst v0;
	v0 =	vadd.s32 $0x1F, v1  }
0x2e: {  	s28 =	simm.s32 $0xAF00;
	s29 =	simm.s32 $0x1;
	s31 =	simm.s32 $0x0;
	[tilespmem:$0x1FE20] =	vst v0;
	v0 =	vadd.s32 $0x20, v1  }
0x2f: {  	s3 =	sadd.s32 $0x19E00, s0;
	s1 =	sand.u32 $0x1, s30;
	s2 =	sshll.u32 s2, $0x1;
	[tilespmem:$0x1FE30] =	vst v0;
	v0 =	vadd.s32 $0x21, v1  }
0x30: {  	s4 =	sadd.s32 $0x1600, s0;
	s2 =	sor.u32 s1, s2;
	s1 =	ssub.s32 $0x2, s1;
	[tilespmem:$0x1FE40] =	vst v0;
	v0 =	vadd.s32 $0x22, v1  }
0x31: {  	s5 =	sadd.s32 $0xDA00, s0;
	s6 =	sshll.u32 s2, $0x2;
	s7 =	sshrl.u32 s1, $0x1;
	[tilespmem:$0x1FE50] =	vst v0;
	v0 =	vadd.s32 $0x23, v1  }
0x32: {  	s0 =	sadd.s32 s6, s0;
	s1 =	ssub.s32 s1, s7;
	s6 =	smul.u32 $0x620, s2;
	[tilespmem:$0x1FE60] =	vst v0;
	v0 =	vadd.s32 $0x24, v1  }
0x33: {  	s7 =	smul.u32 $0x3100, s2;
	s8 =	sadd.s32 $0x63600, s0;
	s9 =	smax.u32 s1, $0x1;
	[tilespmem:$0x1FE70] =	vst v0  }
.LBB2_1:
0x34: {  	v62 =	vimm.f32 $0.0e+00;
	v9 =	vimm.f32 $0.0e+00;
	s0 =	simm.s32 $0x0  }
.LBB2_2:
0x35: {  	s1 =	smul.u32 $0x380, s0;
	_ =	sdelay $0x1  }
0x36: {  	s1 =	sadd.s32 s7, s1  }
0x37: {  	s1 =	sshrl.u32 s1, $0x3  }
0x38: {  	s2 =	simm.s32 $0x0;
	s30 =	sadd.s32 s4, s1  }
0x39: {  	[tilespmem:s2], [sflag:$0x2] =	stream.linear.gather [hbm4b:s30+s2], $0x380, $0x38;
	[tilespmem:$0xC420] =	vst v63  }
0x3a: {  	s30 =	smul.u32 $0x70, s0;
	_ =	swait.ge [sflag:s10], $0x380  }
0x3b: {  	[sflag:s10] =	ssyncset.done $0x0  }
0x3c: {  	s1 =	sadd.s32 s5, s1;
	s30 =	sadd.s32 s6, s30;
	[sflag:s10] =	ssyncadd.s32 $0xFFFFFC80  }
0x3d: {  	[tilespmem:s11], [sflag:$0x2] =	stream.linear.gather [hbm4b:s1+s2], $0x380, $0x38;
	[tilespmem:$0xC420] =	vst v63  }
0x3e: {  	s1 =	smul.u32 $0x6, s30;
	_ =	swait.ge [sflag:s10], $0x380  }
0x3f: {  	[sflag:s10] =	ssyncset.done $0x0  }
0x40: {  	s1 =	sadd.s32 s3, s1;
	[sflag:s10] =	ssyncadd.s32 $0xFFFFFC80  }
0x41: {  	[tilespmem:s12], [sflag:$0x2] =	stream.linear.gather [hbm4b:s1+s2], $0x1500, $0x38;
	[tilespmem:$0xC420] =	vst v63  }
0x42: {  	_ =	swait.ge [sflag:s10], $0x1500  }
0x43: {  	[sflag:s10] =	ssyncset.done $0x0  }
0x44: {  	[sflag:s10] =	ssyncadd.s32 $0xFFFFEB00  }
0x45: {  	[tilespmem:s14], [sflag:$0x1] =	stream.indirect.gather [hbm4b:s3+s13], $0x30, s2, s13, $0xb8;
	[tilespmem:$0xC420] =	vst v63  }
0x46: {  	_ = 	snop  }
0x47: {  	[tilespmem:s15], [sflag:$0x1] =	stream.indirect.gather [hbm4b:s3+s13], $0x30, s13, s13, $0xb8;
	[tilespmem:$0xC420] =	vst v63  }
0x48: {  	_ = 	snop  }
0x49: {  	[tilespmem:s17], [sflag:$0x1] =	stream.indirect.gather [hbm4b:s3+s13], $0x30, s16, s13, $0xb8;
	[tilespmem:$0xC420] =	vst v63  }
0x4a: {  	_ = 	snop  }
0x4b: {  	[tilespmem:s19], [sflag:$0x1] =	stream.indirect.gather [hbm4b:s3+s13], $0x30, s18, s13, $0xb8;
	[tilespmem:$0xC420] =	vst v63  }
0x4c: {  	_ = 	snop  }
0x4d: {  	[tilespmem:s21], [sflag:$0x1] =	stream.indirect.gather [hbm4b:s3+s13], $0x30, s20, s13, $0xb8;
	[tilespmem:$0xC420] =	vst v63  }
0x4e: {  	_ = 	snop  }
0x4f: {  	[tilespmem:s23], [sflag:$0x1] =	stream.indirect.gather [hbm4b:s3+s13], $0x30, s22, s13, $0xb8;
	[tilespmem:$0xC420] =	vst v63  }
0x50: {  	_ = 	snop  }
0x51: {  	[tilespmem:s25], [sflag:$0x1] =	stream.indirect.gather [hbm4b:s3+s13], $0x30, s24, s13, $0xb8;
	[tilespmem:$0xC420] =	vst v63  }
0x52: {  	_ = 	snop  }
0x53: {  	[tilespmem:s28], [sflag:$0x1] =	stream.indirect.gather [hbm4b:s3+s13], $0x30, s26, s13, $0xb8;
	[tilespmem:$0xC420] =	vst v63  }
0x54: {  	_ =	swait.ge [sflag:s29], $0x1500  }
0x55: {  	[sflag:s29] =	ssyncset.done $0x0  }
0x56: {  	[sflag:s29] =	ssyncadd.s32 $0xFFFFEB00  }
0x57: {  	_ =	swait.ge [sflag:s29], $0x1500  }
0x58: {  	[sflag:s29] =	ssyncset.done $0x0  }
0x59: {  	[sflag:s29] =	ssyncadd.s32 $0xFFFFEB00  }
0x5a: {  	_ =	swait.ge [sflag:s29], $0x1500  }
0x5b: {  	[sflag:s29] =	ssyncset.done $0x0  }
0x5c: {  	[sflag:s29] =	ssyncadd.s32 $0xFFFFEB00  }
0x5d: {  	_ =	swait.ge [sflag:s29], $0x1500  }
0x5e: {  	[sflag:s29] =	ssyncset.done $0x0  }
0x5f: {  	[sflag:s29] =	ssyncadd.s32 $0xFFFFEB00  }
0x60: {  	_ =	swait.ge [sflag:s29], $0x1500  }
0x61: {  	[sflag:s29] =	ssyncset.done $0x0  }
0x62: {  	[sflag:s29] =	ssyncadd.s32 $0xFFFFEB00  }
0x63: {  	_ =	swait.ge [sflag:s29], $0x1500  }
0x64: {  	[sflag:s29] =	ssyncset.done $0x0  }
0x65: {  	[sflag:s29] =	ssyncadd.s32 $0xFFFFEB00  }
0x66: {  	_ =	swait.ge [sflag:s29], $0x1500  }
0x67: {  	[sflag:s29] =	ssyncset.done $0x0  }
0x68: {  	[sflag:s29] =	ssyncadd.s32 $0xFFFFEB00  }
0x69: {  	_ =	swait.ge [sflag:s29], $0x1500  }
0x6a: {  	[sflag:s29] =	ssyncset.done $0x0  }
0x6b: {  	s1 =	simm.s32 $0x540;
	[sflag:s29] =	ssyncadd.s32 $0xFFFFEB00  }
.LBB2_3:
0x6c: {  	v0 =	vmov s2  }
0x6d: {  	v0 =	vmul.u32 $0x30, v0;
	_ =	sdelay $0x1  }
0x6e: {  	v48 =	vbroadcast v0, $0x0;
	_ =	sdelay $0x1  }
0x6f: {  	v3 =	vadd.s32 v1, v48;
	v1 =	vld [tilespmem:$0x1FEC0];
	_ =	sdelay $0x4  }
0x70: {  	v23 =	vadd.s32 v1, v48;
	v1 =	vld [tilespmem:$0x1FED0];
	_ =	sdelay $0x4  }
0x71: {  	v33 =	vadd.s32 v1, v48;
	v1 =	vld.idx.msk [tilespmem:v23+s25+$0x0], $0xffff;
	_ =	sdelay $0x4  }
0x72: {  	[tilespmem:$0x1F430] =	vst v1;
	v1 =	vld.idx.msk [tilespmem:v23+s28+$0x0], $0xffff;
	_ =	sdelay $0x4  }
0x73: {  	[tilespmem:$0x1F440] =	vst v1;
	v1 =	vld [tilespmem:$0x1FEE0];
	_ =	sdelay $0x4  }
0x74: {  	v37 =	vadd.s32 v1, v48;
	v1 =	vld.idx.msk [tilespmem:v33+s21+$0x0], $0xffff;
	_ =	sdelay $0x4  }
0x75: {  	[tilespmem:$0x1F450] =	vst v1;
	v1 =	vld.idx.msk [tilespmem:v33+s23+$0x0], $0xffff;
	_ =	sdelay $0x4  }
0x76: {  	[tilespmem:$0x1F470] =	vst v1;
	v1 =	vld.idx.msk [tilespmem:v33+s25+$0x0], $0xffff;
	_ =	sdelay $0x4  }
0x77: {  	[tilespmem:$0x1F4A0] =	vst v1;
	v1 =	vld.idx.msk [tilespmem:v33+s28+$0x0], $0xffff;
	_ =	sdelay $0x4  }
0x78: {  	[tilespmem:$0x1F4E0] =	vst v1;
	v1 =	vld.idx.msk [tilespmem:v37+s15+$0x0], $0xffff;
	_ =	sdelay $0x4  }
0x79: {  	[tilespmem:$0x1F460] =	vst v1;
	v1 =	vld.idx.msk [tilespmem:v37+s17+$0x0], $0xffff;
	_ =	sdelay $0x4  }
0x7a: {  	[tilespmem:$0x1F480] =	vst v1;
	v1 =	vld.idx.msk [tilespmem:v37+s19+$0x0], $0xffff;
	_ =	sdelay $0x4  }
0x7b: {  	[tilespmem:$0x1F4B0] =	vst v1;
	v1 =	vld [tilespmem:$0x1FEF0];
	_ =	sdelay $0x4  }
0x7c: {  	v39 =	vadd.s32 v1, v48;
	v1 =	vld.idx.msk [tilespmem:v37+s21+$0x0], $0xffff;
	_ =	sdelay $0x4  }
0x7d: {  	[tilespmem:$0x1F4D0] =	vst v1;
	v1 =	vld.idx.msk [tilespmem:v37+s23+$0x0], $0xffff;
	_ =	sdelay $0x4  }
0x7e: {  	[tilespmem:$0x1F500] =	vst v1;
	v1 =	vld.idx.msk [tilespmem:v37+s25+$0x0], $0xffff;
	_ =	sdelay $0x4  }
0x7f: {  	[tilespmem:$0x1F550] =	vst v1;
	v1 =	vld.idx.msk [tilespmem:v37+s28+$0x0], $0xffff;
	_ =	sdelay $0x4  }
0x80: {  	[tilespmem:$0x1F590] =	vst v1;
	v1 =	vld.idx.msk [tilespmem:v39+s14+$0x0], $0xffff;
	_ =	sdelay $0x4  }
0x81: {  	[tilespmem:$0x1F490] =	vst v1;
	v1 =	vld.idx.msk [tilespmem:v39+s15+$0x0], $0xffff;
	_ =	sdelay $0x4  }
0x82: {  	[tilespmem:$0x1F4C0] =	vst v1;
	v1 =	vld.idx.msk [tilespmem:v39+s17+$0x0], $0xffff;
	_ =	sdelay $0x4  }
0x83: {  	[tilespmem:$0x1F4F0] =	vst v1;
	v1 =	vld.idx.msk [tilespmem:v39+s19+$0x0], $0xffff;
	_ =	sdelay $0x4  }
0x84: {  	[tilespmem:$0x1F510] =	vst v1;
	v1 =	vld [tilespmem:$0x1FF00];
	_ =	sdelay $0x4  }
0x85: {  	v51 =	vadd.s32 v1, v48;
	v1 =	vld.idx.msk [tilespmem:v39+s21+$0x0], $0xffff;
	_ =	sdelay $0x4  }
0x86: {  	[tilespmem:$0x1F530] =	vst v1;
	v1 =	vld.idx.msk [tilespmem:v39+s23+$0x0], $0xffff;
	_ =	sdelay $0x4  }
0x87: {  	[tilespmem:$0x1F560] =	vst v1;
	v1 =	vld.idx.msk [tilespmem:v39+s25+$0x0], $0xffff;
	_ =	sdelay $0x4  }
0x88: {  	[tilespmem:$0x1F580] =	vst v1;
	v1 =	vld.idx.msk [tilespmem:v39+s28+$0x0], $0xffff;
	_ =	sdelay $0x4  }
0x89: {  	[tilespmem:$0x1F5B0] =	vst v1;
	v1 =	vld.idx.msk [tilespmem:v51+s14+$0x0], $0xffff;
	_ =	sdelay $0x4  }
0x8a: {  	[tilespmem:$0x1F520] =	vst v1;
	v1 =	vld.idx.msk [tilespmem:v51+s15+$0x0], $0xffff;
	_ =	sdelay $0x4  }
0x8b: {  	[tilespmem:$0x1F540] =	vst v1;
	v1 =	vld.idx.msk [tilespmem:v51+s17+$0x0], $0xffff;
	_ =	sdelay $0x4  }
0x8c: {  	[tilespmem:$0x1F570] =	vst v1;
	v1 =	vld.idx.msk [tilespmem:v51+s19+$0x0], $0xffff;
	_ =	sdelay $0x4  }
0x8d: {  	[tilespmem:$0x1F5A0] =	vst v1;
	v1 =	vld [tilespmem:$0x1FF10];
	_ =	sdelay $0x4  }
0x8e: {  	v52 =	vadd.s32 v1, v48;
	v1 =	vld.idx.msk [tilespmem:v51+s21+$0x0], $0xffff;
	_ =	sdelay $0x4  }
0x8f: {  	[tilespmem:$0x1F5C0] =	vst v1;
	v1 =	vld.idx.msk [tilespmem:v51+s23+$0x0], $0xffff;
	_ =	sdelay $0x4  }
0x90: {  	[tilespmem:$0x1F5E0] =	vst v1;
	v1 =	vld.idx.msk [tilespmem:v51+s25+$0x0], $0xffff;
	_ =	sdelay $0x4  }
0x91: {  	[tilespmem:$0x1F600] =	vst v1;
	v1 =	vld.idx.msk [tilespmem:v51+s28+$0x0], $0xffff;
	_ =	sdelay $0x4  }
0x92: {  	[tilespmem:$0x1F620] =	vst v1;
	v1 =	vld.idx.msk [tilespmem:v52+s14+$0x0], $0xffff;
	_ =	sdelay $0x4  }
0x93: {  	[tilespmem:$0x1F5D0] =	vst v1;
	v1 =	vld.idx.msk [tilespmem:v52+s15+$0x0], $0xffff;
	_ =	sdelay $0x4  }
0x94: {  	[tilespmem:$0x1F5F0] =	vst v1;
	v1 =	vld.idx.msk [tilespmem:v52+s17+$0x0], $0xffff;
	_ =	sdelay $0x4  }
0x95: {  	[tilespmem:$0x1F610] =	vst v1;
	v1 =	vld.idx.msk [tilespmem:v52+s19+$0x0], $0xffff;
	_ =	sdelay $0x4  }
0x96: {  	[tilespmem:$0x1F630] =	vst v1;
	v1 =	vld.idx.msk [tilespmem:v52+s21+$0x0], $0xffff;
	_ =	sdelay $0x4  }
0x97: {  	[tilespmem:$0x1F650] =	vst v1;
	v1 =	vld.idx.msk [tilespmem:v52+s23+$0x0], $0xffff;
	_ =	sdelay $0x4  }
0x98: {  	[tilespmem:$0x1F680] =	vst v1;
	v1 =	vld.idx.msk [tilespmem:v52+s25+$0x0], $0xffff;
	_ =	sdelay $0x4  }
0x99: {  	v56 =	vadd.s32 v53, v48;
	[tilespmem:$0x1F6A0] =	vst v1;
	v1 =	vld.idx.msk [tilespmem:v52+s28+$0x0], $0xffff;
	_ =	sdelay $0x4  }
0x9a: {  	[tilespmem:$0x1F6F0] =	vst v1;
	v1 =	vld.idx.msk [tilespmem:v56+s12+$0x0], $0xffff;
	_ =	sdelay $0x4  }
0x9b: {  	[tilespmem:$0x1F660] =	vst v1;
	v1 =	vld.idx.msk [tilespmem:v56+s14+$0x0], $0xffff;
	_ =	sdelay $0x4  }
0x9c: {  	[tilespmem:$0x1F640] =	vst v1;
	v1 =	vld.idx.msk [tilespmem:v56+s15+$0x0], $0xffff;
	_ =	sdelay $0x4  }
0x9d: {  	[tilespmem:$0x1F670] =	vst v1;
	v1 =	vld.idx.msk [tilespmem:v56+s17+$0x0], $0xffff;
	_ =	sdelay $0x4  }
0x9e: {  	[tilespmem:$0x1F690] =	vst v1;
	v1 =	vld.idx.msk [tilespmem:v56+s19+$0x0], $0xffff;
	_ =	sdelay $0x4  }
0x9f: {  	[tilespmem:$0x1F6C0] =	vst v1;
	v1 =	vld.idx.msk [tilespmem:v56+s21+$0x0], $0xffff;
	_ =	sdelay $0x4  }
0xa0: {  	[tilespmem:$0x1F700] =	vst v1;
	v1 =	vld.idx.msk [tilespmem:v56+s23+$0x0], $0xffff;
	_ =	sdelay $0x4  }
0xa1: {  	[tilespmem:$0x1F720] =	vst v1;
	v1 =	vld.idx.msk [tilespmem:v56+s25+$0x0], $0xffff;
	_ =	sdelay $0x4  }
0xa2: {  	v53 =	vadd.s32 v54, v48;
	[tilespmem:$0x1F760] =	vst v1;
	v1 =	vld.idx.msk [tilespmem:v56+s28+$0x0], $0xffff;
	_ =	sdelay $0x4  }
0xa3: {  	[tilespmem:$0x1F7B0] =	vst v1;
	v1 =	vld.idx.msk [tilespmem:v53+s12+$0x0], $0xffff;
	_ =	sdelay $0x2  }
0xa4: {  	v55 =	vld [tilespmem:s1+$0xFFFFFEB0]  }
0xa5: {  	v54 =	vld [tilespmem:s1+$0xFFFFFF90]  }
0xa6: {  	[tilespmem:$0x1F6D0] =	vst v1;
	v1 =	vld.idx.msk [tilespmem:v53+s14+$0x0], $0xffff  }
0xa7: {  	v0 =	vld.idx.msk [tilespmem:v3+s12+$0x0], $0xffff  }
0xa8: {  	v49 =	vld.idx.msk [tilespmem:v3+s14+$0x0], $0xffff  }
0xa9: {  	v50 =	vld.idx.msk [tilespmem:v3+s15+$0x0], $0xffff  }
0xaa: {  	v4 =	vld.idx.msk [tilespmem:v3+s17+$0x0], $0xffff  }
0xab: {  	[tilespmem:$0x1F6B0] =	vst v1;
	v1 =	vld.idx.msk [tilespmem:v53+s15+$0x0], $0xffff  }
0xac: {  	v5 =	vld.idx.msk [tilespmem:v3+s19+$0x0], $0xffff  }
0xad: {  	v7 =	vadd.s32 v2, v48;
	v6 =	vld.idx.msk [tilespmem:v3+s21+$0x0], $0xffff  }
0xae: {  	v10 =	vld.idx.msk [tilespmem:v3+s23+$0x0], $0xffff  }
0xaf: {  	v13 =	vld.idx.msk [tilespmem:v3+s25+$0x0], $0xffff  }
0xb0: {  	[tilespmem:$0x1F6E0] =	vst v1;
	v1 =	vld.idx.msk [tilespmem:v53+s17+$0x0], $0xffff  }
0xb1: {  	v59 =	vld.idx.msk [tilespmem:v3+s28+$0x0], $0xffff  }
0xb2: {  	v61 =	vld.idx.msk [tilespmem:v7+s12+$0x0], $0xffff  }
0xb3: {  	v2 =	vld.idx.msk [tilespmem:v7+s14+$0x0], $0xffff  }
0xb4: {  	v3 =	vld.idx.msk [tilespmem:v7+s15+$0x0], $0xffff  }
0xb5: {  	[tilespmem:$0x1F710] =	vst v1;
	v1 =	vld.idx.msk [tilespmem:v53+s19+$0x0], $0xffff  }
0xb6: {  	v8 =	vld.idx.msk [tilespmem:v7+s17+$0x0], $0xffff  }
0xb7: {  	v11 =	vld.idx.msk [tilespmem:v7+s19+$0x0], $0xffff  }
0xb8: {  	v14 =	vadd.s32 v12, v48;
	v15 =	vld.idx.msk [tilespmem:v7+s21+$0x0], $0xffff  }
0xb9: {  	v17 =	vld.idx.msk [tilespmem:v7+s23+$0x0], $0xffff  }
0xba: {  	[tilespmem:$0x1F730] =	vst v1;
	v1 =	vld.idx.msk [tilespmem:v53+s21+$0x0], $0xffff  }
0xbb: {  	v24 =	vld.idx.msk [tilespmem:v7+s25+$0x0], $0xffff  }
0xbc: {  	v60 =	vld.idx.msk [tilespmem:v7+s28+$0x0], $0xffff  }
0xbd: {  	v44 =	vld.idx.msk [tilespmem:v14+s12+$0x0], $0xffff  }
0xbe: {  	v7 =	vld.idx.msk [tilespmem:v14+s14+$0x0], $0xffff  }
0xbf: {  	[tilespmem:$0x1F750] =	vst v1;
	v1 =	vld.idx.msk [tilespmem:v53+s23+$0x0], $0xffff  }
0xc0: {  	v12 =	vld.idx.msk [tilespmem:v14+s15+$0x0], $0xffff  }
0xc1: {  	v16 =	vld.idx.msk [tilespmem:v14+s17+$0x0], $0xffff  }
0xc2: {  	v19 =	vld.idx.msk [tilespmem:v14+s19+$0x0], $0xffff  }
0xc3: {  	v22 =	vld.idx.msk [tilespmem:v14+s21+$0x0], $0xffff  }
0xc4: {  	[tilespmem:$0x1F790] =	vst v1;
	v1 =	vld.idx.msk [tilespmem:v53+s25+$0x0], $0xffff  }
0xc5: {  	v21 =	vadd.s32 v18, v48;
	v26 =	vld.idx.msk [tilespmem:v14+s23+$0x0], $0xffff  }
0xc6: {  	v30 =	vld.idx.msk [tilespmem:v14+s25+$0x0], $0xffff  }
0xc7: {  	v36 =	vld.idx.msk [tilespmem:v14+s28+$0x0], $0xffff  }
0xc8: {  	v56 =	vld [tilespmem:s1+$0xFFFFFE40]  }
0xc9: {  	[tilespmem:$0x1F7C0] =	vst v1;
	v1 =	vld.idx.msk [tilespmem:v53+s28+$0x0], $0xffff  }
0xca: {  	v29 =	vld.idx.msk [tilespmem:v21+s12+$0x0], $0xffff  }
0xcb: {  	v57 =	vld.idx.msk [tilespmem:v52+s12+$0x0], $0xffff  }
0xcc: {  	v52 =	vld [tilespmem:s1+$0xFFFFFF20]  }
0xcd: {  	v14 =	vld.idx.msk [tilespmem:v21+s14+$0x0], $0xffff;
	v49 =	vmul.f32 v49, v56  }
0xce: {  	v18 =	vld.idx.msk [tilespmem:v21+s15+$0x0], $0xffff;
	[tilespmem:$0x1F810] =	vst v1;
	v1 =	vadd.s32 v63, v48  }
0xcf: {  	v20 =	vld.idx.msk [tilespmem:v21+s17+$0x0], $0xffff;
	v50 =	vmul.f32 v50, v55;
	v49 =	vadd.f32 v49, v0  }
0xd0: {  	v25 =	vld.idx.msk [tilespmem:v21+s19+$0x0], $0xffff  }
0xd1: {  	v28 =	vld.idx.msk [tilespmem:v21+s21+$0x0], $0xffff;
	v4 =	vmul.f32 v4, v52;
	v63 =	vadd.f32 v50, v49  }
0xd2: {  	v32 =	vld.idx.msk [tilespmem:v21+s23+$0x0], $0xffff  }
0xd3: {  	v4 =	vadd.f32 v4, v63;
	v63 =	vld.idx.msk [tilespmem:v1+s12+$0x0], $0xffff  }
0xd4: {  	v35 =	vld.idx.msk [tilespmem:v21+s25+$0x0], $0xffff  }
0xd5: {  	v42 =	vld.idx.msk [tilespmem:v21+s28+$0x0], $0xffff  }
0xd6: {  	v21 =	vld.idx.msk [tilespmem:v23+s12+$0x0], $0xffff  }
0xd7: {  	v27 =	vld.idx.msk [tilespmem:v23+s14+$0x0], $0xffff  }
0xd8: {  	[tilespmem:$0x1F770] =	vst v63;
	v63 =	vld.idx.msk [tilespmem:v1+s14+$0x0], $0xffff  }
0xd9: {  	v31 =	vld.idx.msk [tilespmem:v23+s15+$0x0], $0xffff  }
0xda: {  	v34 =	vld.idx.msk [tilespmem:v23+s17+$0x0], $0xffff  }
0xdb: {  	v40 =	vld.idx.msk [tilespmem:v23+s19+$0x0], $0xffff  }
0xdc: {  	v43 =	vld.idx.msk [tilespmem:v23+s21+$0x0], $0xffff  }
0xdd: {  	[tilespmem:$0x1F740] =	vst v63;
	v63 =	vld.idx.msk [tilespmem:v1+s15+$0x0], $0xffff  }
0xde: {  	v46 =	vld.idx.msk [tilespmem:v23+s23+$0x0], $0xffff  }
0xdf: {  	v23 =	vld.idx.msk [tilespmem:v33+s12+$0x0], $0xffff  }
0xe0: {  	v38 =	vld.idx.msk [tilespmem:v33+s14+$0x0], $0xffff  }
0xe1: {  	v41 =	vld.idx.msk [tilespmem:v33+s15+$0x0], $0xffff  }
0xe2: {  	[tilespmem:$0x1F780] =	vst v63;
	v63 =	vld.idx.msk [tilespmem:v1+s17+$0x0], $0xffff  }
0xe3: {  	v45 =	vld.idx.msk [tilespmem:v33+s17+$0x0], $0xffff  }
0xe4: {  	v58 =	vld.idx.msk [tilespmem:v33+s19+$0x0], $0xffff  }
0xe5: {  	v47 =	vld.idx.msk [tilespmem:v37+s14+$0x0], $0xffff  }
0xe6: {  	v33 =	vld.idx.msk [tilespmem:v37+s12+$0x0], $0xffff  }
0xe7: {  	[tilespmem:$0x1F7A0] =	vst v63;
	v63 =	vld.idx.msk [tilespmem:v1+s19+$0x0], $0xffff  }
0xe8: {  	v37 =	vld.idx.msk [tilespmem:v39+s12+$0x0], $0xffff  }
0xe9: {  	v53 =	vld [tilespmem:s1+$0x0]  }
0xea: {  	v39 =	vld.idx.msk [tilespmem:v51+s12+$0x0], $0xffff  }
0xeb: {  	v51 =	vld [tilespmem:s1+$0x70];
	v2 =	vmul.f32 v2, v56  }
0xec: {  	v5 =	vmul.f32 v5, v54;
	[tilespmem:$0x1F7D0] =	vst v63;
	v63 =	vld [tilespmem:$0x1FD00]  }
0xed: {  	v3 =	vmul.f32 v3, v55;
	v2 =	vadd.f32 v2, v61;
	v50 =	vld [tilespmem:s1+$0xE0]  }
0xee: {  	v4 =	vadd.f32 v5, v4;
	v5 =	vmul.f32 v6, v53  }
0xef: {  	v2 =	vadd.f32 v3, v2  }
0xf0: {  	v3 =	vmul.f32 v8, v52;
	v8 =	vld.idx.msk [tilespmem:v1+s21+$0x0], $0xffff;
	v4 =	vadd.f32 v5, v4;
	v5 =	vmul.f32 v10, v51  }
0xf1: {  	v6 =	vadd.s32 v63, v48  }
0xf2: {  	v4 =	vadd.f32 v5, v4;
	v63 =	vmul.f32 v13, v50;
	_ =	sdelay $0x1  }
0xf3: {  	v4 =	vadd.f32 v63, v4;
	v63 =	vmul.f32 v7, v56  }
0xf4: {  	[tilespmem:$0x1F7F0] =	vst v8;
	v8 =	vld.idx.msk [tilespmem:v1+s23+$0x0], $0xffff  }
0xf5: {  	v5 =	vadd.f32 v63, v44;
	v63 =	vld.idx.msk [tilespmem:v6+s15+$0x0], $0xffff;
	_ =	sdelay $0x3  }
0xf6: {  	[tilespmem:$0x1F820] =	vst v8;
	v8 =	vld.idx.msk [tilespmem:v1+s25+$0x0], $0xffff  }
0xf7: {  	[tilespmem:$0x1F800] =	vst v63;
	v63 =	vld.idx.msk [tilespmem:v6+s17+$0x0], $0xffff;
	_ =	sdelay $0x2  }
0xf8: {  	v1 =	vld.idx.msk [tilespmem:v1+s28+$0x0], $0xffff  }
0xf9: {  	[tilespmem:$0x1F840] =	vst v8;
	v8 =	vld.idx.msk [tilespmem:v6+s14+$0x0], $0xffff  }
0xfa: {  	[tilespmem:$0x1F830] =	vst v63;
	v63 =	vld.idx.msk [tilespmem:v6+s19+$0x0], $0xffff  }
0xfb: {  	v2 =	vadd.f32 v3, v2;
	v3 =	vmul.f32 v11, v54;
	_ =	sdelay $0x1  }
0xfc: {  	v49 =	vld [tilespmem:s1+$0x150];
	[tilespmem:$0x1F860] =	vst v1;
	v1 =	vadd.f32 v3, v2;
	v3 =	vmul.f32 v15, v53  }
0xfd: {  	v0 =	vmul.f32 v0, v0;
	[tilespmem:$0x1F7E0] =	vst v8;
	v8 =	vld.idx.msk [tilespmem:v6+s21+$0x0], $0xffff  }
0xfe: {  	v1 =	vadd.f32 v3, v1;
	v3 =	vmul.f32 v17, v51;
	[tilespmem:$0x1F850] =	vst v63;
	v63 =	vld [tilespmem:$0x1FD10]  }
0xff: {  	v0 =	vadd.f32 v0, v9  }
0x100: {  	v9 =	vmul.f32 v18, v55;
	v1 =	vadd.f32 v3, v1;
	v3 =	vmul.f32 v14, v56  }
0x101: {  	v2 =	vmul.f32 v59, v49;
	v7 =	vmul.f32 v12, v55  }
0x102: {  	v3 =	vadd.f32 v3, v29;
	v10 =	vld.idx.msk [tilespmem:v6+s23+$0x0], $0xffff;
	[tilespmem:$0x1F870] =	vst v8;
	v8 =	vmul.f32 v24, v50  }
0x103: {  	v2 =	vadd.f32 v2, v4;
	v4 =	vadd.f32 v7, v5;
	v7 =	vadd.s32 v63, v48  }
0x104: {  	v3 =	vadd.f32 v9, v3;
	v1 =	vadd.f32 v8, v1;
	v8 =	vmul.f32 v20, v52;
	_ =	sdelay $0x1  }
0x105: {  	v3 =	vadd.f32 v8, v3;
	v8 =	vmul.f32 v61, v61  }
0x106: {  	[tilespmem:$0x1F890] =	vst v10;
	v10 =	vld.idx.msk [tilespmem:v6+s25+$0x0], $0xffff  }
0x107: {  	v0 =	vadd.f32 v8, v0;
	v8 =	vld.idx.msk [tilespmem:v7+s17+$0x0], $0xffff;
	_ =	sdelay $0x3  }
0x108: {  	[tilespmem:$0x1F8B0] =	vst v10;
	v10 =	vld.idx.msk [tilespmem:v7+s14+$0x0], $0xffff  }
0x109: {  	[tilespmem:$0x1F8C0] =	vst v8;
	v8 =	vld.idx.msk [tilespmem:v7+s19+$0x0], $0xffff;
	_ =	sdelay $0x2  }
0x10a: {  	v5 =	vmul.f32 v16, v52  }
0x10b: {  	v24 =	vmul.f32 v60, v49;
	[tilespmem:$0x1F880] =	vst v10;
	v10 =	vld.idx.msk [tilespmem:v7+s21+$0x0], $0xffff  }
0x10c: {  	v2 =	vmul.f32 v2, v2;
	v4 =	vadd.f32 v5, v4;
	v63 =	vmul.f32 v19, v54;
	[tilespmem:$0x1F8D0] =	vst v8;
	v8 =	vld [tilespmem:$0x1FD20]  }
0x10d: {  	v9 =	vmul.f32 v25, v54;
	v1 =	vadd.f32 v24, v1;
	v24 =	vmul.f32 v27, v56  }
0x10e: {  	v22 =	vmul.f32 v22, v53;
	v2 =	vadd.f32 v2, v62;
	v4 =	vadd.f32 v63, v4  }
0x10f: {  	v3 =	vadd.f32 v9, v3;
	v1 =	vmul.f32 v1, v1;
	v5 =	vadd.f32 v24, v21  }
0x110: {  	v4 =	vadd.f32 v22, v4;
	v22 =	vmul.f32 v28, v53;
	[tilespmem:$0x1F900] =	vst v10;
	v10 =	vmul.f32 v31, v55  }
0x111: {  	v59 =	vld.idx.msk [tilespmem:v6+s12+$0x0], $0xffff;
	v27 =	vmul.f32 v34, v52;
	v1 =	vadd.f32 v1, v2;
	v8 =	vadd.s32 v8, v48  }
0x112: {  	v6 =	vld.idx.msk [tilespmem:v6+s28+$0x0], $0xffff;
	v9 =	vmul.f32 v32, v51;
	v3 =	vadd.f32 v22, v3;
	v2 =	vadd.f32 v10, v5  }
0x113: {  	v26 =	vmul.f32 v26, v51;
	v60 =	vmul.f32 v29, v29;
	v29 =	vld [tilespmem:$0x1F490]  }
0x114: {  	v28 =	vld [tilespmem:$0x1F470];
	v3 =	vadd.f32 v9, v3;
	v9 =	vmul.f32 v40, v54;
	v2 =	vadd.f32 v27, v2  }
0x115: {  	v61 =	vmul.f32 v30, v50;
	v63 =	vld.idx.msk [tilespmem:v7+s12+$0x0], $0xffff;
	v4 =	vadd.f32 v26, v4  }
0x116: {  	v26 =	vmul.f32 v35, v50;
	v2 =	vadd.f32 v9, v2;
	v9 =	vld.idx.msk [tilespmem:v8+s19+$0x0], $0xffff  }
0x117: {  	v25 =	vmul.f32 v36, v49;
	v62 =	vld.idx.msk [tilespmem:v7+s15+$0x0], $0xffff;
	v4 =	vadd.f32 v61, v4  }
0x118: {  	v34 =	vmul.f32 v42, v49;
	v36 =	vld.idx.msk [tilespmem:v7+s23+$0x0], $0xffff;
	v3 =	vadd.f32 v26, v3  }
0x119: {  	v38 =	vmul.f32 v38, v56;
	v30 =	vld.idx.msk [tilespmem:v7+s28+$0x0], $0xffff;
	v4 =	vadd.f32 v25, v4  }
0x11a: {  	v42 =	vmul.f32 v43, v53;
	[tilespmem:$0x1F8E0] =	vst v6;
	v35 =	vld.idx.msk [tilespmem:v7+s25+$0x0], $0xffff;
	v3 =	vadd.f32 v34, v3  }
0x11b: {  	v6 =	vadd.f32 v38, v23;
	v32 =	vmul.f32 v4, v4;
	[tilespmem:$0x1F920] =	vst v9;
	v9 =	vld [tilespmem:$0x1FD30]  }
0x11c: {  	v22 =	vld [tilespmem:$0x1F430];
	v3 =	vmul.f32 v3, v3;
	v10 =	vmul.f32 v46, v51;
	v2 =	vadd.f32 v42, v2  }
0x11d: {  	v1 =	vadd.f32 v32, v1;
	v31 =	vmul.f32 v44, v44;
	v44 =	vmul.f32 v41, v55;
	v11 =	vld.idx.msk [tilespmem:v8+s21+$0x0], $0xffff  }
0x11e: {  	v2 =	vadd.f32 v10, v2;
	v10 =	vld [tilespmem:$0x1F450]  }
0x11f: {  	[tilespmem:$0x1F8A0] =	vst v62;
	v62 =	vmul.f32 v45, v52;
	v3 =	vadd.f32 v3, v1;
	v1 =	vld [tilespmem:$0x1F440];
	v6 =	vadd.f32 v44, v6  }
0x120: {  	v0 =	vadd.f32 v31, v0;
	v31 =	vld [tilespmem:$0x1F4C0];
	v9 =	vadd.s32 v9, v48  }
0x121: {  	v24 =	vmul.f32 v58, v54;
	v6 =	vadd.f32 v62, v6;
	v27 =	vld [tilespmem:$0x1F460]  }
0x122: {  	v61 =	vld.idx.msk [tilespmem:v8+s12+$0x0], $0xffff  }
0x123: {  	v6 =	vadd.f32 v24, v6;
	v4 =	vld.idx.msk [tilespmem:v8+s14+$0x0], $0xffff;
	[tilespmem:$0x1F930] =	vst v11;
	v11 =	vmul.f32 v10, v53  }
0x124: {  	v43 =	vld.idx.msk [tilespmem:v8+s17+$0x0], $0xffff  }
0x125: {  	v6 =	vadd.f32 v11, v6;
	v11 =	vld.idx.msk [tilespmem:v9+s17+$0x0], $0xffff  }
0x126: {  	v40 =	vld.idx.msk [tilespmem:v8+s15+$0x0], $0xffff  }
0x127: {  	v45 =	vld.idx.msk [tilespmem:v8+s23+$0x0], $0xffff  }
0x128: {  	v41 =	vld.idx.msk [tilespmem:v8+s28+$0x0], $0xffff  }
0x129: {  	[tilespmem:$0x1F910] =	vst v43;
	v43 =	vld.idx.msk [tilespmem:v8+s25+$0x0], $0xffff  }
0x12a: {  	[tilespmem:$0x1F940] =	vst v11;
	v11 =	vld [tilespmem:$0x1F480]  }
0x12b: {  	v25 =	vmul.f32 v1, v49;
	v8 =	vmul.f32 v47, v56;
	v1 =	vld.idx.msk [tilespmem:v9+s12+$0x0], $0xffff  }
0x12c: {  	v5 =	vmul.f32 v22, v50;
	v10 =	vld.idx.msk [tilespmem:v9+s14+$0x0], $0xffff  }
0x12d: {  	v12 =	vmul.f32 v27, v55;
	v8 =	vadd.f32 v8, v33;
	v14 =	vld.idx.msk [tilespmem:v9+s23+$0x0], $0xffff  }
0x12e: {  	v2 =	vadd.f32 v5, v2;
	v5 =	vld.idx.msk [tilespmem:v9+s15+$0x0], $0xffff  }
0x12f: {  	v8 =	vadd.f32 v12, v8;
	v12 =	vld.idx.msk [tilespmem:v9+s19+$0x0], $0xffff;
	v11 =	vmul.f32 v11, v52  }
0x130: {  	v13 =	vld.idx.msk [tilespmem:v9+s21+$0x0], $0xffff  }
0x131: {  	v8 =	vadd.f32 v11, v8;
	v11 =	vld [tilespmem:$0x1F4A0]  }
0x132: {  	[tilespmem:$0x1F970] =	vst v14;
	v14 =	vld.idx.msk [tilespmem:v9+s25+$0x0], $0xffff  }
0x133: {  	v7 =	vmul.f32 v28, v51;
	v2 =	vadd.f32 v25, v2;
	v9 =	vld.idx.msk [tilespmem:v9+s28+$0x0], $0xffff  }
0x134: {  	[tilespmem:$0x1F8F0] =	vst v40  }
0x135: {  	v2 =	vmul.f32 v2, v2;
	v6 =	vadd.f32 v7, v6;
	v7 =	vmul.f32 v29, v56;
	[tilespmem:$0x1F950] =	vst v12;
	v12 =	vld [tilespmem:$0x1FD40]  }
0x136: {  	[tilespmem:$0x1F960] =	vst v13;
	v11 =	vmul.f32 v11, v50  }
0x137: {  	v2 =	vadd.f32 v2, v3;
	v3 =	vadd.f32 v7, v37;
	v7 =	vmul.f32 v31, v55;
	v13 =	vld [tilespmem:$0x1F4B0];
	[tilespmem:$0x1F980] =	vst v14  }
0x138: {  	[tilespmem:$0x1F9A0] =	vst v9;
	v6 =	vadd.f32 v11, v6;
	v11 =	vld [tilespmem:$0x1F4D0]  }
0x139: {  	v7 =	vadd.f32 v7, v3;
	v3 =	vld [tilespmem:$0x1F4E0]  }
0x13a: {  	v12 =	vadd.s32 v12, v48;
	_ =	sdelay $0x3  }
0x13b: {  	v9 =	vmul.f32 v3, v49;
	v3 =	vld [tilespmem:$0x1F4F0]  }
0x13c: {  	v13 =	vmul.f32 v13, v54;
	v46 =	vld.idx.msk [tilespmem:v12+s12+$0x0], $0xffff  }
0x13d: {  	v26 =	vmul.f32 v21, v21;
	v0 =	vadd.f32 v60, v0;
	v15 =	vadd.f32 v9, v6;
	v9 =	vld [tilespmem:$0x1F520]  }
0x13e: {  	v8 =	vadd.f32 v13, v8;
	v32 =	vld [tilespmem:$0x1F510];
	v11 =	vmul.f32 v11, v53  }
0x13f: {  	v0 =	vadd.f32 v26, v0;
	v16 =	vld [tilespmem:$0x1F540]  }
0x140: {  	v8 =	vadd.f32 v11, v8;
	v11 =	vmul.f32 v23, v23;
	v13 =	vmul.f32 v3, v52;
	v3 =	vld [tilespmem:$0x1F500]  }
0x141: {  	v17 =	vld.idx.msk [tilespmem:v12+s21+$0x0], $0xffff  }
0x142: {  	v18 =	vld.idx.msk [tilespmem:v12+s23+$0x0], $0xffff;
	v0 =	vadd.f32 v11, v0;
	v11 =	vmul.f32 v9, v56  }
0x143: {  	v6 =	vld.idx.msk [tilespmem:v12+s15+$0x0], $0xffff  }
0x144: {  	v16 =	vmul.f32 v16, v55;
	v9 =	vld.idx.msk [tilespmem:v12+s17+$0x0], $0xffff;
	v11 =	vadd.f32 v11, v39  }
0x145: {  	v14 =	vmul.f32 v3, v51;
	v3 =	vld.idx.msk [tilespmem:v12+s14+$0x0], $0xffff  }
0x146: {  	v11 =	vadd.f32 v16, v11;
	v16 =	vld.idx.msk [tilespmem:v12+s25+$0x0], $0xffff  }
0x147: {  	v8 =	vadd.f32 v14, v8;
	v14 =	vld.idx.msk [tilespmem:v12+s19+$0x0], $0xffff  }
0x148: {  	v12 =	vld.idx.msk [tilespmem:v12+s28+$0x0], $0xffff;
	_ =	sdelay $0x3  }
0x149: {  	v7 =	vadd.f32 v13, v7;
	v13 =	vmul.f32 v32, v54  }
0x14a: {  	[tilespmem:$0x1F9F0] =	vst v12;
	v12 =	vld [tilespmem:$0x1F590]  }
0x14b: {  	v7 =	vadd.f32 v13, v7;
	v13 =	vld [tilespmem:$0x1F530];
	_ =	sdelay $0x1  }
0x14c: {  	[tilespmem:$0x1F9B0] =	vst v17;
	v17 =	vld [tilespmem:$0x1F560];
	_ =	sdelay $0x1  }
0x14d: {  	[tilespmem:$0x1F9D0] =	vst v16;
	v16 =	vmul.f32 v12, v49;
	v12 =	vld [tilespmem:$0x1F5A0]  }
0x14e: {  	v13 =	vmul.f32 v13, v53;
	_ =	sdelay $0x1  }
0x14f: {  	v17 =	vmul.f32 v17, v51;
	v7 =	vadd.f32 v13, v7  }
0x150: {  	v13 =	vld [tilespmem:$0x1F550]  }
0x151: {  	v7 =	vadd.f32 v17, v7;
	v17 =	vmul.f32 v12, v54;
	v12 =	vld [tilespmem:$0x1F5B0];
	_ =	sdelay $0x3  }
0x152: {  	[tilespmem:$0x1F990] =	vst v14;
	v14 =	vld [tilespmem:$0x1FD50];
	v13 =	vmul.f32 v13, v50  }
0x153: {  	v19 =	vmul.f32 v12, v49;
	v12 =	vld [tilespmem:$0x1F5C0]  }
0x154: {  	v8 =	vadd.f32 v13, v8;
	v13 =	vld [tilespmem:$0x1F580];
	_ =	sdelay $0x3  }
0x155: {  	v14 =	vadd.s32 v14, v48;
	v8 =	vadd.f32 v16, v8;
	v16 =	vmul.f32 v12, v53;
	v12 =	vld [tilespmem:$0x1F5D0]  }
0x156: {  	v13 =	vmul.f32 v13, v50  }
0x157: {  	v15 =	vmul.f32 v15, v15  }
0x158: {  	v7 =	vadd.f32 v13, v7;
	v13 =	vmul.f32 v33, v33  }
0x159: {  	v2 =	vadd.f32 v15, v2;
	v15 =	vld [tilespmem:$0x1F570]  }
0x15a: {  	v0 =	vadd.f32 v13, v0;
	v13 =	vmul.f32 v12, v56;
	v12 =	vld.idx.msk [tilespmem:v14+s17+$0x0], $0xffff;
	_ =	sdelay $0x3  }
0x15b: {  	v15 =	vmul.f32 v15, v52  }
0x15c: {  	[tilespmem:$0x1F9E0] =	vst v12;
	v12 =	vld [tilespmem:$0x1F5E0]  }
0x15d: {  	v11 =	vadd.f32 v15, v11;
	_ =	sdelay $0x1  }
0x15e: {  	v11 =	vadd.f32 v17, v11;
	_ =	sdelay $0x1  }
0x15f: {  	v11 =	vadd.f32 v16, v11;
	v16 =	vmul.f32 v12, v51;
	v12 =	vld.idx.msk [tilespmem:v14+s19+$0x0], $0xffff;
	_ =	sdelay $0x4  }
0x160: {  	[tilespmem:$0x1FA00] =	vst v12;
	v12 =	vld [tilespmem:$0x1FD60];
	_ =	sdelay $0x4  }
0x161: {  	v17 =	vadd.s32 v12, v48;
	v12 =	vld [tilespmem:$0x1F5F0];
	_ =	sdelay $0x4  }
0x162: {  	v7 =	vadd.f32 v19, v7;
	v19 =	vmul.f32 v12, v55;
	v12 =	vld.idx.msk [tilespmem:v14+s21+$0x0], $0xffff;
	_ =	sdelay $0x4  }
0x163: {  	[tilespmem:$0x1FA10] =	vst v12;
	v12 =	vld [tilespmem:$0x1F600]  }
0x164: {  	v38 =	vld [tilespmem:$0x1F630]  }
0x165: {  	v40 =	vld [tilespmem:$0x1F650]  }
0x166: {  	v42 =	vld [tilespmem:$0x1F670]  }
0x167: {  	v31 =	vld [tilespmem:$0x1F6C0]  }
0x168: {  	v20 =	vmul.f32 v12, v50;
	v12 =	vld.idx.msk [tilespmem:v14+s23+$0x0], $0xffff  }
0x169: {  	[tilespmem:$0x1F9C0] =	vst v18;
	v18 =	vld [tilespmem:$0x1F660]  }
0x16a: {  	v23 =	vld [tilespmem:$0x1F690]  }
0x16b: {  	v34 =	vld.idx.msk [tilespmem:v14+s12+$0x0], $0xffff  }
0x16c: {  	v15 =	vld.idx.msk [tilespmem:v14+s14+$0x0], $0xffff  }
0x16d: {  	v8 =	vmul.f32 v8, v8;
	v13 =	vadd.f32 v13, v57;
	[tilespmem:$0x1FA30] =	vst v12;
	v12 =	vld [tilespmem:$0x1F610]  }
0x16e: {  	v11 =	vadd.f32 v16, v11;
	v16 =	vmul.f32 v37, v37;
	v37 =	vld [tilespmem:$0x1F620]  }
0x16f: {  	v2 =	vadd.f32 v8, v2;
	v8 =	vadd.f32 v19, v13;
	v19 =	vmul.f32 v39, v39;
	v39 =	vld [tilespmem:$0x1F640]  }
0x170: {  	v44 =	vld.idx.msk [tilespmem:v14+s15+$0x0], $0xffff;
	v0 =	vadd.f32 v16, v0;
	v16 =	vmul.f32 v7, v7  }
0x171: {  	v33 =	vld.idx.msk [tilespmem:v14+s28+$0x0], $0xffff  }
0x172: {  	v2 =	vadd.f32 v16, v2;
	v16 =	vld.idx.msk [tilespmem:v17+s14+$0x0], $0xffff;
	v13 =	vmul.f32 v12, v52  }
0x173: {  	v58 =	vld.idx.msk [tilespmem:v17+s17+$0x0], $0xffff;
	v11 =	vadd.f32 v20, v11  }
0x174: {  	v62 =	vld.idx.msk [tilespmem:v17+s19+$0x0], $0xffff;
	v20 =	vmul.f32 v39, v56;
	v8 =	vadd.f32 v13, v8;
	v13 =	vmul.f32 v37, v49  }
0x175: {  	v25 =	vld.idx.msk [tilespmem:v17+s21+$0x0], $0xffff;
	v0 =	vadd.f32 v19, v0  }
0x176: {  	v47 =	vmul.f32 v42, v55;
	v29 =	vld.idx.msk [tilespmem:v17+s23+$0x0], $0xffff;
	v19 =	vadd.f32 v20, v18;
	v11 =	vadd.f32 v13, v11  }
0x177: {  	v12 =	vld.idx.msk [tilespmem:v14+s25+$0x0], $0xffff;
	v14 =	vmul.f32 v38, v54  }
0x178: {  	v24 =	vmul.f32 v23, v52;
	v32 =	vld.idx.msk [tilespmem:v17+s25+$0x0], $0xffff;
	v19 =	vadd.f32 v47, v19;
	v11 =	vmul.f32 v11, v11  }
0x179: {  	v38 =	vld.idx.msk [tilespmem:v17+s12+$0x0], $0xffff;
	v8 =	vadd.f32 v14, v8  }
0x17a: {  	v14 =	vld.idx.msk [tilespmem:v17+s15+$0x0], $0xffff;
	v11 =	vadd.f32 v11, v2;
	v2 =	vadd.f32 v24, v19;
	v19 =	vmul.f32 v31, v54  }
0x17b: {  	v13 =	vmul.f32 v40, v53;
	v40 =	vld.idx.msk [tilespmem:v17+s28+$0x0], $0xffff  }
0x17c: {  	v17 =	vadd.f32 v19, v2;
	v2 =	vld [tilespmem:$0x1F6F0]  }
0x17d: {  	v60 =	vld [tilespmem:$0x1F680];
	_ =	sdelay $0x1  }
0x17e: {  	v26 =	vld [tilespmem:$0x1F6A0]  }
0x17f: {  	v27 =	vld [tilespmem:$0x1F6B0]  }
0x180: {  	v19 =	vmul.f32 v2, v49;
	v2 =	vld [tilespmem:$0x1F700]  }
0x181: {  	v37 =	vld [tilespmem:$0x1F6E0];
	v8 =	vadd.f32 v13, v8;
	v13 =	vmul.f32 v60, v51  }
0x182: {  	[tilespmem:$0x1FA50] =	vst v12;
	v12 =	vld [tilespmem:$0x1F6D0]  }
0x183: {  	v8 =	vadd.f32 v13, v8;
	v13 =	vmul.f32 v26, v50;
	_ =	sdelay $0x1  }
0x184: {  	v28 =	vmul.f32 v27, v56;
	v13 =	vadd.f32 v13, v8;
	v42 =	vmul.f32 v2, v53;
	v2 =	vld [tilespmem:$0x1F710];
	_ =	sdelay $0x1  }
0x185: {  	[tilespmem:$0x1FA70] =	vst v33;
	v60 =	vld [tilespmem:$0x1F730];
	v39 =	vmul.f32 v37, v55;
	v33 =	vadd.f32 v28, v12;
	v13 =	vadd.f32 v19, v13;
	_ =	sdelay $0x1  }
0x186: {  	v21 =	vadd.f32 v39, v33;
	v33 =	vld [tilespmem:$0x1F750];
	v13 =	vmul.f32 v13, v13  }
0x187: {  	v47 =	vmul.f32 v57, v57;
	v57 =	vmul.f32 v2, v52  }
0x188: {  	v11 =	vadd.f32 v13, v11;
	v13 =	vld [tilespmem:$0x1F790]  }
0x189: {  	[tilespmem:$0x1FA40] =	vst v62;
	v23 =	vadd.f32 v47, v0;
	v62 =	vmul.f32 v60, v54;
	v0 =	vadd.f32 v57, v21;
	_ =	sdelay $0x1  }
0x18a: {  	v37 =	vmul.f32 v33, v53;
	v0 =	vadd.f32 v62, v0;
	_ =	sdelay $0x1  }
0x18b: {  	v13 =	vmul.f32 v13, v51;
	v0 =	vadd.f32 v37, v0;
	_ =	sdelay $0x1  }
0x18c: {  	v13 =	vadd.f32 v13, v0;
	v0 =	vld [tilespmem:$0x1F7B0];
	_ =	sdelay $0x3  }
0x18d: {  	[tilespmem:$0x1FAA0] =	vst v32;
	v32 =	vld [tilespmem:$0x1FD80]  }
0x18e: {  	v60 =	vmul.f32 v0, v49;
	v0 =	vld [tilespmem:$0x1F7C0];
	_ =	sdelay $0x4  }
0x18f: {  	v24 =	vadd.s32 v32, v48;
	v32 =	vmul.f32 v0, v50;
	v0 =	vld [tilespmem:$0x1F7D0];
	_ =	sdelay $0x2  }
0x190: {  	v7 =	vld [tilespmem:$0x1F770]  }
0x191: {  	[tilespmem:$0x1FA20] =	vst v58;
	v58 =	vld [tilespmem:$0x1F720]  }
0x192: {  	v33 =	vmul.f32 v0, v54;
	v0 =	vld [tilespmem:$0x1F7E0]  }
0x193: {  	[tilespmem:$0x1FA80] =	vst v29;
	v29 =	vld [tilespmem:$0x1F740]  }
0x194: {  	v20 =	vld [tilespmem:$0x1F780]  }
0x195: {  	[tilespmem:$0x1FAC0] =	vst v40;
	v40 =	vld [tilespmem:$0x1F760]  }
0x196: {  	v19 =	vmul.f32 v58, v51;
	v17 =	vadd.f32 v42, v17  }
0x197: {  	v37 =	vmul.f32 v0, v56;
	v0 =	vld [tilespmem:$0x1F7F0]  }
0x198: {  	v17 =	vadd.f32 v19, v17;
	v19 =	vmul.f32 v29, v56;
	_ =	sdelay $0x1  }
0x199: {  	v47 =	vmul.f32 v40, v50;
	v19 =	vadd.f32 v19, v7;
	v57 =	vmul.f32 v20, v55  }
0x19a: {  	v22 =	vld [tilespmem:$0x1FD70]  }
0x19b: {  	v58 =	vadd.f32 v47, v17;
	v17 =	vadd.f32 v57, v19;
	v57 =	vmul.f32 v0, v53;
	v0 =	vld.idx.msk [tilespmem:v24+s17+$0x0], $0xffff;
	_ =	sdelay $0x3  }
0x19c: {  	v22 =	vadd.s32 v22, v48  }
0x19d: {  	[tilespmem:$0x1FAF0] =	vst v0;
	v0 =	vld [tilespmem:$0x1F800];
	_ =	sdelay $0x3  }
0x19e: {  	v28 =	vld.idx.msk [tilespmem:v22+s17+$0x0], $0xffff  }
0x19f: {  	v21 =	vadd.f32 v60, v58;
	v58 =	vmul.f32 v0, v55;
	v0 =	vld [tilespmem:$0x1FD90];
	_ =	sdelay $0x4  }
0x1a0: {  	[tilespmem:$0x1FA90] =	vst v28;
	v28 =	vadd.s32 v0, v48;
	v0 =	vld [tilespmem:$0x1F810];
	_ =	sdelay $0x4  }
0x1a1: {  	v60 =	vmul.f32 v0, v49;
	v0 =	vld [tilespmem:$0x1F820];
	_ =	sdelay $0x4  }
0x1a2: {  	v13 =	vadd.f32 v32, v13;
	v32 =	vmul.f32 v0, v51;
	v0 =	vld.idx.msk [tilespmem:v24+s21+$0x0], $0xffff  }
0x1a3: {  	v19 =	vld [tilespmem:$0x1F7A0];
	_ =	sdelay $0x3  }
0x1a4: {  	[tilespmem:$0x1FB10] =	vst v0;
	v0 =	vld [tilespmem:$0x1F830]  }
0x1a5: {  	v19 =	vmul.f32 v19, v52;
	_ =	sdelay $0x1  }
0x1a6: {  	v26 =	vadd.f32 v19, v17  }
0x1a7: {  	v20 =	vld.idx.msk [tilespmem:v22+s23+$0x0], $0xffff  }
0x1a8: {  	v47 =	vadd.f32 v33, v26;
	v33 =	vmul.f32 v0, v52;
	v0 =	vld.idx.msk [tilespmem:v24+s23+$0x0], $0xffff;
	_ =	sdelay $0x1  }
0x1a9: {  	v31 =	vld.idx.msk [tilespmem:v22+s19+$0x0], $0xffff  }
0x1aa: {  	v8 =	vld.idx.msk [tilespmem:v22+s12+$0x0], $0xffff  }
0x1ab: {  	[tilespmem:$0x1FAE0] =	vst v20;
	v20 =	vld.idx.msk [tilespmem:v22+s25+$0x0], $0xffff  }
0x1ac: {  	[tilespmem:$0x1FB30] =	vst v0;
	v0 =	vld [tilespmem:$0x1F840]  }
0x1ad: {  	v39 =	vld.idx.msk [tilespmem:v22+s21+$0x0], $0xffff  }
0x1ae: {  	v42 =	vld.idx.msk [tilespmem:v22+s15+$0x0], $0xffff  }
0x1af: {  	v2 =	vld.idx.msk [tilespmem:v22+s14+$0x0], $0xffff;
	v62 =	vmul.f32 v18, v18  }
0x1b0: {  	[tilespmem:$0x1FB00] =	vst v20;
	v20 =	vld.idx.msk [tilespmem:v22+s28+$0x0], $0xffff  }
0x1b1: {  	v22 =	vadd.f32 v62, v23;
	v23 =	vadd.f32 v37, v59;
	v37 =	vmul.f32 v0, v50;
	v0 =	vld.idx.msk [tilespmem:v24+s25+$0x0], $0xffff;
	_ =	sdelay $0x4  }
0x1b2: {  	[tilespmem:$0x1FB50] =	vst v0;
	v0 =	vld [tilespmem:$0x1F850];
	_ =	sdelay $0x4  }
0x1b3: {  	[tilespmem:$0x1FA60] =	vst v25;
	v25 =	vadd.f32 v57, v47;
	v57 =	vmul.f32 v0, v54;
	v0 =	vld.idx.msk [tilespmem:v24+s28+$0x0], $0xffff;
	_ =	sdelay $0x4  }
0x1b4: {  	[tilespmem:$0x1FB70] =	vst v0;
	v0 =	vld [tilespmem:$0x1F860]  }
0x1b5: {  	v40 =	vld.idx.msk [tilespmem:v24+s14+$0x0], $0xffff  }
0x1b6: {  	[tilespmem:$0x1FAD0] =	vst v39;
	v39 =	vld.idx.msk [tilespmem:v24+s12+$0x0], $0xffff  }
0x1b7: {  	v19 =	vld.idx.msk [tilespmem:v24+s19+$0x0], $0xffff;
	v25 =	vadd.f32 v32, v25  }
0x1b8: {  	v62 =	vld.idx.msk [tilespmem:v24+s15+$0x0], $0xffff  }
0x1b9: {  	v24 =	vadd.f32 v37, v25;
	v37 =	vmul.f32 v0, v49;
	v0 =	vld [tilespmem:$0x1F870]  }
0x1ba: {  	v23 =	vadd.f32 v58, v23;
	_ =	sdelay $0x1  }
0x1bb: {  	v21 =	vmul.f32 v21, v21;
	v47 =	vadd.f32 v33, v23;
	_ =	sdelay $0x1  }
0x1bc: {  	v11 =	vadd.f32 v21, v11;
	v21 =	vadd.f32 v57, v47;
	v47 =	vmul.f32 v0, v53;
	v0 =	vld [tilespmem:$0x1F880];
	_ =	sdelay $0x4  }
0x1bd: {  	v32 =	vmul.f32 v0, v56;
	v0 =	vld [tilespmem:$0x1F890]  }
0x1be: {  	v13 =	vadd.f32 v60, v13;
	_ =	sdelay $0x1  }
0x1bf: {  	v33 =	vmul.f32 v13, v13;
	_ =	sdelay $0x1  }
0x1c0: {  	v11 =	vadd.f32 v33, v11;
	v33 =	vmul.f32 v0, v51;
	v0 =	vld.idx.msk [tilespmem:v28+s17+$0x0], $0xffff;
	_ =	sdelay $0x4  }
0x1c1: {  	[tilespmem:$0x1FB40] =	vst v0;
	v0 =	vld [tilespmem:$0x1F8A0];
	_ =	sdelay $0x4  }
0x1c2: {  	v23 =	vadd.f32 v37, v24;
	v37 =	vmul.f32 v0, v55;
	v0 =	vld.idx.msk [tilespmem:v28+s19+$0x0], $0xffff;
	_ =	sdelay $0x4  }
0x1c3: {  	[tilespmem:$0x1FB60] =	vst v0;
	v0 =	vld [tilespmem:$0x1FDA0];
	_ =	sdelay $0x4  }
0x1c4: {  	[tilespmem:$0x1FAB0] =	vst v31;
	v31 =	vadd.s32 v0, v48;
	v0 =	vld.idx.msk [tilespmem:v28+s21+$0x0], $0xffff;
	_ =	sdelay $0x4  }
0x1c5: {  	[tilespmem:$0x1FB80] =	vst v0;
	v0 =	vld [tilespmem:$0x1F8B0];
	_ =	sdelay $0x4  }
0x1c6: {  	v57 =	vmul.f32 v0, v50;
	v0 =	vld [tilespmem:$0x1F8C0];
	_ =	sdelay $0x4  }
0x1c7: {  	v29 =	vmul.f32 v0, v52;
	v0 =	vld.idx.msk [tilespmem:v28+s23+$0x0], $0xffff;
	_ =	sdelay $0x4  }
0x1c8: {  	[tilespmem:$0x1FB90] =	vst v0;
	v0 =	vld.idx.msk [tilespmem:v28+s25+$0x0], $0xffff;
	_ =	sdelay $0x4  }
0x1c9: {  	[tilespmem:$0x1FBA0] =	vst v0;
	v0 =	vld [tilespmem:$0x1F8D0]  }
0x1ca: {  	v21 =	vadd.f32 v47, v21;
	_ =	sdelay $0x1  }
0x1cb: {  	v21 =	vadd.f32 v33, v21;
	_ =	sdelay $0x1  }
0x1cc: {  	v21 =	vadd.f32 v57, v21;
	v57 =	vmul.f32 v0, v54;
	v0 =	vld.idx.msk [tilespmem:v28+s28+$0x0], $0xffff;
	_ =	sdelay $0x4  }
0x1cd: {  	[tilespmem:$0x1FBC0] =	vst v0;
	v0 =	vld [tilespmem:$0x1F8E0];
	_ =	sdelay $0x4  }
0x1ce: {  	v47 =	vmul.f32 v7, v7;
	v7 =	vmul.f32 v0, v49;
	v0 =	vld [tilespmem:$0x1F8F0]  }
0x1cf: {  	v58 =	vmul.f32 v12, v12;
	_ =	sdelay $0x1  }
0x1d0: {  	v22 =	vadd.f32 v58, v22  }
0x1d1: {  	v25 =	vadd.f32 v32, v63  }
0x1d2: {  	v22 =	vadd.f32 v47, v22;
	v47 =	vmul.f32 v0, v55;
	v0 =	vld [tilespmem:$0x1F900]  }
0x1d3: {  	v25 =	vadd.f32 v37, v25;
	_ =	sdelay $0x1  }
0x1d4: {  	v33 =	vadd.f32 v29, v25;
	_ =	sdelay $0x1  }
0x1d5: {  	v24 =	vadd.f32 v57, v33;
	v57 =	vmul.f32 v59, v59;
	v59 =	vmul.f32 v0, v53;
	v0 =	vld [tilespmem:$0x1F910];
	_ =	sdelay $0x2  }
0x1d6: {  	v4 =	vmul.f32 v4, v56;
	_ =	sdelay $0x1  }
0x1d7: {  	v37 =	vadd.f32 v4, v61;
	v4 =	vmul.f32 v0, v52;
	v0 =	vld [tilespmem:$0x1F920];
	_ =	sdelay $0x4  }
0x1d8: {  	v33 =	vmul.f32 v0, v54;
	v0 =	vld [tilespmem:$0x1FDB0];
	_ =	sdelay $0x4  }
0x1d9: {  	v21 =	vadd.f32 v7, v21;
	v7 =	vmul.f32 v36, v51;
	v36 =	vadd.s32 v0, v48;
	v0 =	vld.idx.msk [tilespmem:v31+s21+$0x0], $0xffff;
	_ =	sdelay $0x4  }
0x1da: {  	[tilespmem:$0x1FBB0] =	vst v0;
	v0 =	vld [tilespmem:$0x1F930];
	_ =	sdelay $0x4  }
0x1db: {  	v22 =	vadd.f32 v57, v22;
	v57 =	vmul.f32 v0, v53;
	v0 =	vld.idx.msk [tilespmem:v31+s23+$0x0], $0xffff;
	_ =	sdelay $0x4  }
0x1dc: {  	[tilespmem:$0x1FBD0] =	vst v0;
	v0 =	vld.idx.msk [tilespmem:v31+s25+$0x0], $0xffff;
	_ =	sdelay $0x4  }
0x1dd: {  	[tilespmem:$0x1FBE0] =	vst v0;
	v0 =	vld.idx.msk [tilespmem:v31+s28+$0x0], $0xffff;
	_ =	sdelay $0x4  }
0x1de: {  	[tilespmem:$0x1FBF0] =	vst v0;
	v0 =	vld [tilespmem:$0x1F940];
	_ =	sdelay $0x1  }
0x1df: {  	v27 =	vadd.f32 v47, v37;
	_ =	sdelay $0x1  }
0x1e0: {  	v24 =	vadd.f32 v59, v24;
	v27 =	vadd.f32 v4, v27  }
0x1e1: {  	v4 =	vmul.f32 v0, v52;
	v0 =	vld [tilespmem:$0x1F950]  }
0x1e2: {  	v37 =	vmul.f32 v35, v50;
	v24 =	vadd.f32 v7, v24;
	v27 =	vadd.f32 v33, v27;
	_ =	sdelay $0x1  }
0x1e3: {  	v45 =	vmul.f32 v45, v51;
	v24 =	vadd.f32 v37, v24;
	v37 =	vadd.f32 v57, v27;
	_ =	sdelay $0x1  }
0x1e4: {  	v27 =	vadd.f32 v45, v37;
	v45 =	vmul.f32 v0, v54;
	v0 =	vld [tilespmem:$0x1F960];
	_ =	sdelay $0x4  }
0x1e5: {  	v7 =	vmul.f32 v63, v63;
	v63 =	vmul.f32 v0, v53;
	v0 =	vld [tilespmem:$0x1FDC0];
	_ =	sdelay $0x4  }
0x1e6: {  	v37 =	vadd.s32 v0, v48;
	v0 =	vld.idx.msk [tilespmem:v36+s21+$0x0], $0xffff;
	_ =	sdelay $0x4  }
0x1e7: {  	[tilespmem:$0x1FC00] =	vst v0;
	v0 =	vld [tilespmem:$0x1F970];
	_ =	sdelay $0x4  }
0x1e8: {  	v33 =	vmul.f32 v0, v51;
	v0 =	vld.idx.msk [tilespmem:v36+s23+$0x0], $0xffff;
	_ =	sdelay $0x2  }
0x1e9: {  	v10 =	vmul.f32 v10, v56  }
0x1ea: {  	v23 =	vmul.f32 v23, v23  }
0x1eb: {  	v5 =	vmul.f32 v5, v55;
	v10 =	vadd.f32 v10, v1;
	[tilespmem:$0x1FC10] =	vst v0;
	v0 =	vld.idx.msk [tilespmem:v36+s25+$0x0], $0xffff  }
0x1ec: {  	v11 =	vadd.f32 v23, v11;
	v21 =	vmul.f32 v21, v21  }
0x1ed: {  	v5 =	vadd.f32 v5, v10  }
0x1ee: {  	v11 =	vadd.f32 v21, v11  }
0x1ef: {  	v21 =	vmul.f32 v43, v50;
	v57 =	vmul.f32 v30, v49;
	v43 =	vadd.f32 v4, v5  }
0x1f0: {  	[tilespmem:$0x1FC20] =	vst v0;
	v0 =	vld [tilespmem:$0x1F980]  }
0x1f1: {  	v24 =	vadd.f32 v57, v24;
	v57 =	vadd.f32 v45, v43  }
0x1f2: {  	v32 =	vadd.f32 v7, v22  }
0x1f3: {  	v22 =	vadd.f32 v21, v27;
	v27 =	vadd.f32 v63, v57;
	_ =	sdelay $0x1  }
0x1f4: {  	v63 =	vadd.f32 v33, v27;
	v33 =	vmul.f32 v0, v50;
	v0 =	vld.idx.msk [tilespmem:v36+s28+$0x0], $0xffff;
	_ =	sdelay $0x3  }
0x1f5: {  	v3 =	vmul.f32 v3, v56  }
0x1f6: {  	[tilespmem:$0x1FC30] =	vst v0;
	v0 =	vld [tilespmem:$0x1F990]  }
0x1f7: {  	v6 =	vmul.f32 v6, v55;
	v3 =	vadd.f32 v3, v46;
	_ =	sdelay $0x1  }
0x1f8: {  	v3 =	vadd.f32 v6, v3;
	v57 =	vmul.f32 v9, v52;
	_ =	sdelay $0x1  }
0x1f9: {  	v3 =	vadd.f32 v57, v3;
	v57 =	vmul.f32 v0, v54;
	v0 =	vld [tilespmem:$0x1F9A0];
	_ =	sdelay $0x3  }
0x1fa: {  	v21 =	vmul.f32 v41, v49  }
0x1fb: {  	v41 =	vmul.f32 v61, v61;
	v61 =	vadd.f32 v33, v63;
	v63 =	vmul.f32 v0, v49;
	v0 =	vld [tilespmem:$0x1F9B0];
	_ =	sdelay $0x4  }
0x1fc: {  	v9 =	vadd.f32 v21, v22;
	v21 =	vmul.f32 v0, v53;
	v0 =	vld [tilespmem:$0x1F9C0];
	_ =	sdelay $0x4  }
0x1fd: {  	v33 =	vmul.f32 v0, v51;
	v0 =	vld [tilespmem:$0x1FDD0]  }
0x1fe: {  	v24 =	vmul.f32 v24, v24;
	_ =	sdelay $0x1  }
0x1ff: {  	v43 =	vadd.f32 v24, v11;
	v9 =	vmul.f32 v9, v9;
	_ =	sdelay $0x1  }
0x200: {  	v9 =	vadd.f32 v9, v43;
	v43 =	vadd.s32 v0, v48;
	v0 =	vld [tilespmem:$0x1F9D0];
	_ =	sdelay $0x2  }
0x201: {  	v3 =	vadd.f32 v57, v3;
	_ =	sdelay $0x1  }
0x202: {  	v3 =	vadd.f32 v21, v3;
	v21 =	vmul.f32 v0, v50;
	v0 =	vld.idx.msk [tilespmem:v37+s23+$0x0], $0xffff;
	_ =	sdelay $0x4  }
0x203: {  	[tilespmem:$0x1FC40] =	vst v0;
	v0 =	vld [tilespmem:$0x1F9E0]  }
0x204: {  	v15 =	vmul.f32 v15, v56  }
0x205: {  	v26 =	vld.idx.msk [tilespmem:v28+s14+$0x0], $0xffff  }
0x206: {  	v44 =	vmul.f32 v44, v55;
	v15 =	vadd.f32 v15, v34;
	v58 =	vld.idx.msk [tilespmem:v28+s15+$0x0], $0xffff  }
0x207: {  	v60 =	vld.idx.msk [tilespmem:v28+s12+$0x0], $0xffff  }
0x208: {  	v28 =	vadd.f32 v44, v15;
	v15 =	vmul.f32 v0, v52;
	v0 =	vld.idx.msk [tilespmem:v37+s25+$0x0], $0xffff;
	_ =	sdelay $0x4  }
0x209: {  	[tilespmem:$0x1FC50] =	vst v0;
	v0 =	vld.idx.msk [tilespmem:v37+s28+$0x0], $0xffff;
	_ =	sdelay $0x4  }
0x20a: {  	[tilespmem:$0x1FC70] =	vst v0;
	v0 =	vld [tilespmem:$0x1F9F0];
	_ =	sdelay $0x4  }
0x20b: {  	v6 =	vadd.f32 v41, v32;
	v41 =	vmul.f32 v0, v49;
	v0 =	vld [tilespmem:$0x1FA00];
	_ =	sdelay $0x4  }
0x20c: {  	v44 =	vmul.f32 v0, v54;
	v0 =	vld [tilespmem:$0x1FA10]  }
0x20d: {  	v23 =	vld.idx.msk [tilespmem:v31+s14+$0x0], $0xffff  }
0x20e: {  	v29 =	vld.idx.msk [tilespmem:v31+s12+$0x0], $0xffff  }
0x20f: {  	v25 =	vld.idx.msk [tilespmem:v31+s15+$0x0], $0xffff;
	v3 =	vadd.f32 v33, v3  }
0x210: {  	v47 =	vld.idx.msk [tilespmem:v31+s17+$0x0], $0xffff  }
0x211: {  	v3 =	vadd.f32 v21, v3;
	v21 =	vmul.f32 v0, v53;
	v0 =	vld [tilespmem:$0x1FA20]  }
0x212: {  	v16 =	vmul.f32 v16, v56;
	v59 =	vld.idx.msk [tilespmem:v31+s19+$0x0], $0xffff  }
0x213: {  	v18 =	vld.idx.msk [tilespmem:v36+s12+$0x0], $0xffff  }
0x214: {  	v16 =	vadd.f32 v16, v38;
	v14 =	vmul.f32 v14, v55;
	v10 =	vld.idx.msk [tilespmem:v36+s14+$0x0], $0xffff  }
0x215: {  	v35 =	vld.idx.msk [tilespmem:v36+s17+$0x0], $0xffff  }
0x216: {  	v14 =	vadd.f32 v14, v16;
	v16 =	vmul.f32 v0, v52;
	v0 =	vld [tilespmem:$0x1FA30]  }
0x217: {  	v31 =	vld.idx.msk [tilespmem:v36+s15+$0x0], $0xffff  }
0x218: {  	v45 =	vld.idx.msk [tilespmem:v36+s19+$0x0], $0xffff  }
0x219: {  	v30 =	vld.idx.msk [tilespmem:v37+s12+$0x0], $0xffff  }
0x21a: {  	v22 =	vld.idx.msk [tilespmem:v37+s14+$0x0], $0xffff  }
0x21b: {  	v27 =	vmul.f32 v0, v51;
	v0 =	vld [tilespmem:$0x1FDE0]  }
0x21c: {  	v24 =	vld.idx.msk [tilespmem:v37+s15+$0x0], $0xffff  }
0x21d: {  	v32 =	vld.idx.msk [tilespmem:v37+s17+$0x0], $0xffff  }
0x21e: {  	v57 =	vld.idx.msk [tilespmem:v37+s19+$0x0], $0xffff  }
0x21f: {  	v36 =	vadd.f32 v63, v61;
	v61 =	vld.idx.msk [tilespmem:v37+s21+$0x0], $0xffff  }
0x220: {  	v37 =	vadd.s32 v0, v48;
	v0 =	vld [tilespmem:$0x1FA40];
	_ =	sdelay $0x4  }
0x221: {  	v14 =	vadd.f32 v16, v14;
	v16 =	vmul.f32 v0, v54;
	v0 =	vld.idx.msk [tilespmem:v43+s21+$0x0], $0xffff;
	_ =	sdelay $0x1  }
0x222: {  	v1 =	vmul.f32 v1, v1;
	_ =	sdelay $0x1  }
0x223: {  	v1 =	vadd.f32 v1, v6;
	v6 =	vadd.f32 v15, v28  }
0x224: {  	[tilespmem:$0x1FC60] =	vst v0;
	v0 =	vld [tilespmem:$0x1FA50]  }
0x225: {  	v6 =	vadd.f32 v44, v6  }
0x226: {  	v46 =	vmul.f32 v46, v46;
	v63 =	vmul.f32 v36, v36  }
0x227: {  	v3 =	vadd.f32 v41, v3;
	v6 =	vadd.f32 v21, v6  }
0x228: {  	v4 =	vadd.f32 v46, v1;
	v33 =	vadd.f32 v63, v9  }
0x229: {  	v1 =	vld [tilespmem:$0x1FA60];
	v3 =	vmul.f32 v3, v3;
	v6 =	vadd.f32 v27, v6;
	v0 =	vmul.f32 v0, v50;
	_ =	sdelay $0x1  }
0x22a: {  	v7 =	vadd.f32 v3, v33;
	v3 =	vadd.f32 v0, v6;
	v0 =	vld [tilespmem:$0x1FA70];
	_ =	sdelay $0x2  }
0x22b: {  	v14 =	vadd.f32 v16, v14;
	v16 =	vmul.f32 v1, v53  }
0x22c: {  	v1 =	vld.idx.msk [tilespmem:v43+s25+$0x0], $0xffff  }
0x22d: {  	v14 =	vadd.f32 v16, v14;
	v16 =	vmul.f32 v0, v49;
	v0 =	vld [tilespmem:$0x1FA80];
	_ =	sdelay $0x3  }
0x22e: {  	v2 =	vmul.f32 v2, v56  }
0x22f: {  	[tilespmem:$0x1FC80] =	vst v1;
	v1 =	vld [tilespmem:$0x1FA90];
	v33 =	vmul.f32 v0, v51;
	v0 =	vmul.f32 v34, v34;
	_ =	sdelay $0x1  }
0x230: {  	v42 =	vmul.f32 v42, v55;
	v2 =	vadd.f32 v2, v8;
	v5 =	vadd.f32 v0, v4;
	v0 =	vld [tilespmem:$0x1FAB0];
	_ =	sdelay $0x1  }
0x231: {  	v42 =	vadd.f32 v42, v2;
	v2 =	vld [tilespmem:$0x1FAA0]  }
0x232: {  	v1 =	vmul.f32 v1, v52;
	_ =	sdelay $0x1  }
0x233: {  	v1 =	vadd.f32 v1, v42;
	v21 =	vmul.f32 v0, v54;
	_ =	sdelay $0x1  }
0x234: {  	v34 =	vmul.f32 v2, v50;
	v2 =	vadd.f32 v21, v1;
	v1 =	vld [tilespmem:$0x1FAC0];
	_ =	sdelay $0x4  }
0x235: {  	v4 =	vmul.f32 v1, v49;
	v1 =	vld [tilespmem:$0x1FAD0];
	_ =	sdelay $0x2  }
0x236: {  	v3 =	vadd.f32 v16, v3;
	_ =	sdelay $0x1  }
0x237: {  	v3 =	vmul.f32 v3, v3;
	v21 =	vmul.f32 v1, v53;
	_ =	sdelay $0x1  }
0x238: {  	v2 =	vadd.f32 v21, v2;
	v21 =	vadd.f32 v3, v7;
	v3 =	vld [tilespmem:$0x1FAF0]  }
0x239: {  	v42 =	vmul.f32 v40, v56;
	_ =	sdelay $0x1  }
0x23a: {  	v40 =	vmul.f32 v62, v55;
	v16 =	vadd.f32 v33, v14;
	v1 =	vadd.f32 v42, v39;
	_ =	sdelay $0x1  }
0x23b: {  	v16 =	vadd.f32 v34, v16;
	v34 =	vld [tilespmem:$0x1FAE0];
	v1 =	vadd.f32 v40, v1;
	v3 =	vmul.f32 v3, v52;
	_ =	sdelay $0x1  }
0x23c: {  	v1 =	vadd.f32 v3, v1;
	v3 =	vld [tilespmem:$0x1FB00];
	_ =	sdelay $0x2  }
0x23d: {  	v13 =	vld.idx.msk [tilespmem:v37+s12+$0x0], $0xffff;
	v4 =	vadd.f32 v4, v16;
	v16 =	vmul.f32 v34, v51  }
0x23e: {  	[tilespmem:$0x1FB20] =	vst v20;
	v20 =	vld.idx.msk [tilespmem:v37+s14+$0x0], $0xffff  }
0x23f: {  	v27 =	vld.idx.msk [tilespmem:v37+s17+$0x0], $0xffff;
	v2 =	vadd.f32 v16, v2;
	v40 =	vmul.f32 v3, v50  }
0x240: {  	v0 =	vld [tilespmem:$0x1FDF0]  }
0x241: {  	v3 =	vadd.f32 v40, v2;
	v2 =	vld [tilespmem:$0x1FB20]  }
0x242: {  	v63 =	vld.idx.msk [tilespmem:v37+s21+$0x0], $0xffff  }
0x243: {  	v62 =	vld.idx.msk [tilespmem:v37+s25+$0x0], $0xffff  }
0x244: {  	v14 =	vld.idx.msk [tilespmem:v37+s15+$0x0], $0xffff  }
0x245: {  	v33 =	vld.idx.msk [tilespmem:v37+s19+$0x0], $0xffff  }
0x246: {  	v0 =	vadd.s32 v0, v48;
	v34 =	vmul.f32 v2, v49;
	v2 =	vld [tilespmem:$0x1FB30]  }
0x247: {  	v42 =	vld.idx.msk [tilespmem:v37+s23+$0x0], $0xffff  }
0x248: {  	[tilespmem:$0x1FC90] =	vst v62;
	v62 =	vmul.f32 v19, v54;
	v37 =	vld.idx.msk [tilespmem:v37+s28+$0x0], $0xffff  }
0x249: {  	v7 =	vmul.f32 v58, v55;
	v58 =	vld [tilespmem:$0x1FB40]  }
0x24a: {  	v9 =	vadd.f32 v62, v1;
	v1 =	vld [tilespmem:$0x1FB10]  }
0x24b: {  	v16 =	vmul.f32 v38, v38;
	v38 =	vmul.f32 v2, v51;
	v2 =	vld.idx.msk [tilespmem:v0+s21+$0x0], $0xffff  }
0x24c: {  	v26 =	vmul.f32 v26, v56;
	v12 =	vld.idx.msk [tilespmem:v0+s12+$0x0], $0xffff;
	v4 =	vmul.f32 v4, v4  }
0x24d: {  	v19 =	vld.idx.msk [tilespmem:v0+s14+$0x0], $0xffff  }
0x24e: {  	v26 =	vadd.f32 v26, v60;
	v4 =	vadd.f32 v4, v21;
	v21 =	vld.idx.msk [tilespmem:v0+s15+$0x0], $0xffff  }
0x24f: {  	[tilespmem:$0x1FCB0] =	vst v37;
	v37 =	vld [tilespmem:$0x1FB50]  }
0x250: {  	v58 =	vmul.f32 v58, v52;
	v6 =	vmul.f32 v1, v53;
	v1 =	vld [tilespmem:$0x1FE00];
	[tilespmem:$0x1FCA0] =	vst v2;
	v2 =	vadd.f32 v7, v26  }
0x251: {  	v26 =	vld.idx.msk [tilespmem:v0+s23+$0x0], $0xffff  }
0x252: {  	v2 =	vadd.f32 v58, v2;
	v58 =	vld [tilespmem:$0x1FB60]  }
0x253: {  	v62 =	vld.idx.msk [tilespmem:v0+s17+$0x0], $0xffff;
	v9 =	vadd.f32 v6, v9  }
0x254: {  	v40 =	vld.idx.msk [tilespmem:v0+s19+$0x0], $0xffff  }
0x255: {  	v9 =	vadd.f32 v38, v9;
	v38 =	vld.idx.msk [tilespmem:v0+s25+$0x0], $0xffff  }
0x256: {  	v1 =	vadd.s32 v1, v48;
	v0 =	vld.idx.msk [tilespmem:v0+s28+$0x0], $0xffff  }
0x257: {  	[tilespmem:$0x1FCC0] =	vst v26;
	v26 =	vmul.f32 v58, v54;
	v58 =	vld [tilespmem:$0x1FB70];
	_ =	sdelay $0x1  }
0x258: {  	v3 =	vadd.f32 v34, v3  }
0x259: {  	v8 =	vmul.f32 v8, v8;
	v34 =	vmul.f32 v37, v50  }
0x25a: {  	v23 =	vmul.f32 v23, v56;
	v5 =	vadd.f32 v16, v5;
	v3 =	vmul.f32 v3, v3;
	v16 =	vld.idx.msk [tilespmem:v1+s14+$0x0], $0xffff  }
0x25b: {  	[tilespmem:$0x1FCE0] =	vst v0;
	v0 =	vadd.f32 v34, v9;
	v2 =	vadd.f32 v26, v2;
	v26 =	vld [tilespmem:$0x1FB80];
	v34 =	vmul.f32 v58, v49  }
0x25c: {  	v6 =	vadd.f32 v8, v5;
	v37 =	vmul.f32 v25, v55;
	v25 =	vld.idx.msk [tilespmem:v1+s15+$0x0], $0xffff;
	v5 =	vadd.f32 v3, v4  }
0x25d: {  	v4 =	vadd.f32 v23, v29;
	v3 =	vadd.f32 v34, v0;
	v0 =	vld [tilespmem:$0x1FB90]  }
0x25e: {  	v23 =	vld.idx.msk [tilespmem:v1+s17+$0x0], $0xffff  }
0x25f: {  	v4 =	vadd.f32 v37, v4;
	v37 =	vld.idx.msk [tilespmem:v1+s25+$0x0], $0xffff  }
0x260: {  	[tilespmem:$0x1FCD0] =	vst v38;
	v9 =	vld.idx.msk [tilespmem:v1+s12+$0x0], $0xffff;
	v38 =	vmul.f32 v26, v53  }
0x261: {  	v58 =	vld [tilespmem:$0x1FBA0]  }
0x262: {  	v26 =	vmul.f32 v47, v52;
	v47 =	vld.idx.msk [tilespmem:v1+s19+$0x0], $0xffff;
	v2 =	vadd.f32 v38, v2;
	v38 =	vmul.f32 v0, v51  }
0x263: {  	v34 =	vmul.f32 v39, v39;
	v39 =	vld.idx.msk [tilespmem:v1+s23+$0x0], $0xffff  }
0x264: {  	v2 =	vadd.f32 v38, v2;
	v38 =	vld.idx.msk [tilespmem:v1+s21+$0x0], $0xffff  }
0x265: {  	v1 =	vld.idx.msk [tilespmem:v1+s28+$0x0], $0xffff;
	_ =	sdelay $0x4  }
0x266: {  	v4 =	vadd.f32 v26, v4;
	v26 =	vmul.f32 v58, v50;
	[tilespmem:$0x1FCF0] =	vst v1;
	v1 =	vld [tilespmem:$0x1FBC0];
	_ =	sdelay $0x1  }
0x267: {  	v7 =	vadd.f32 v34, v6;
	v6 =	vadd.f32 v26, v2;
	v2 =	vld [tilespmem:$0x1FBB0]  }
0x268: {  	v3 =	vmul.f32 v3, v3  }
0x269: {  	v0 =	vld [tilespmem:$0x1FE10]  }
0x26a: {  	v34 =	vmul.f32 v10, v56;
	v8 =	vadd.f32 v3, v5;
	v3 =	vmul.f32 v1, v49;
	v1 =	vld [tilespmem:$0x1FBD0]  }
0x26b: {  	v59 =	vmul.f32 v59, v54  }
0x26c: {  	v26 =	vmul.f32 v2, v53;
	v2 =	vadd.f32 v34, v18;
	v34 =	vmul.f32 v60, v60;
	v60 =	vld [tilespmem:$0x1FBE0]  }
0x26d: {  	v4 =	vadd.f32 v59, v4  }
0x26e: {  	v0 =	vadd.s32 v0, v48  }
0x26f: {  	v4 =	vadd.f32 v26, v4;
	v1 =	vmul.f32 v1, v51  }
0x270: {  	v31 =	vmul.f32 v31, v55;
	v7 =	vadd.f32 v34, v7;
	v34 =	vld [tilespmem:$0x1FC00]  }
0x271: {  	v1 =	vadd.f32 v1, v4;
	v4 =	vmul.f32 v60, v50;
	v60 =	vld [tilespmem:$0x1FE20]  }
0x272: {  	v35 =	vmul.f32 v35, v52;
	v2 =	vadd.f32 v31, v2  }
0x273: {  	v58 =	vld.idx.msk [tilespmem:v0+s12+$0x0], $0xffff  }
0x274: {  	v11 =	vld.idx.msk [tilespmem:v0+s14+$0x0], $0xffff;
	v26 =	vmul.f32 v45, v54;
	v2 =	vadd.f32 v35, v2  }
0x275: {  	v15 =	vld.idx.msk [tilespmem:v0+s15+$0x0], $0xffff  }
0x276: {  	v2 =	vadd.f32 v26, v2;
	v26 =	vld [tilespmem:$0x1FBF0];
	v45 =	vadd.s32 v60, v48;
	v60 =	vmul.f32 v34, v53  }
0x277: {  	v59 =	vld.idx.msk [tilespmem:v0+s17+$0x0], $0xffff  }
0x278: {  	v2 =	vadd.f32 v60, v2;
	v60 =	vld [tilespmem:$0x1FC10]  }
0x279: {  	v31 =	vld.idx.msk [tilespmem:v0+s21+$0x0], $0xffff;
	v1 =	vadd.f32 v4, v1;
	v4 =	vmul.f32 v22, v56  }
0x27a: {  	v24 =	vmul.f32 v24, v55;
	v35 =	vld.idx.msk [tilespmem:v0+s19+$0x0], $0xffff  }
0x27b: {  	v3 =	vadd.f32 v3, v6;
	v6 =	vmul.f32 v26, v49;
	v22 =	vld.idx.msk [tilespmem:v0+s23+$0x0], $0xffff;
	v4 =	vadd.f32 v4, v30  }
0x27c: {  	v26 =	vmul.f32 v29, v29;
	v29 =	vmul.f32 v32, v52;
	v34 =	vld.idx.msk [tilespmem:v0+s25+$0x0], $0xffff  }
0x27d: {  	v1 =	vadd.f32 v6, v1;
	v6 =	vmul.f32 v60, v51;
	v60 =	vld.idx.msk [tilespmem:v0+s28+$0x0], $0xffff;
	v0 =	vadd.f32 v24, v4;
	_ =	sdelay $0x1  }
0x27e: {  	v7 =	vadd.f32 v26, v7;
	v26 =	vadd.f32 v29, v0;
	v0 =	vld [tilespmem:$0x1FE30];
	_ =	sdelay $0x4  }
0x27f: {  	v29 =	vadd.s32 v0, v48;
	v0 =	vld [tilespmem:$0x1FC30]  }
0x280: {  	v28 =	vld.idx.msk [tilespmem:v43+s14+$0x0], $0xffff  }
0x281: {  	v17 =	vld.idx.msk [tilespmem:v43+s12+$0x0], $0xffff;
	v3 =	vmul.f32 v3, v3  }
0x282: {  	v57 =	vmul.f32 v57, v54;
	v41 =	vld.idx.msk [tilespmem:v43+s15+$0x0], $0xffff  }
0x283: {  	v3 =	vadd.f32 v3, v8;
	v1 =	vmul.f32 v1, v1;
	v24 =	vld [tilespmem:$0x1FC20];
	v2 =	vadd.f32 v6, v2  }
0x284: {  	v44 =	vld.idx.msk [tilespmem:v43+s17+$0x0], $0xffff;
	v6 =	vadd.f32 v57, v26;
	v57 =	vmul.f32 v0, v49;
	v0 =	vmul.f32 v18, v18  }
0x285: {  	v4 =	vadd.f32 v1, v3;
	v3 =	vmul.f32 v28, v56  }
0x286: {  	v5 =	vadd.f32 v0, v7;
	v0 =	vld [tilespmem:$0x1FC50]  }
0x287: {  	v41 =	vmul.f32 v41, v55;
	v3 =	vadd.f32 v3, v17  }
0x288: {  	v32 =	vmul.f32 v24, v50  }
0x289: {  	v46 =	vld.idx.msk [tilespmem:v43+s19+$0x0], $0xffff;
	v3 =	vadd.f32 v41, v3;
	v41 =	vmul.f32 v44, v52  }
0x28a: {  	v36 =	vld.idx.msk [tilespmem:v43+s23+$0x0], $0xffff;
	v2 =	vadd.f32 v32, v2  }
0x28b: {  	v3 =	vadd.f32 v41, v3;
	v41 =	vmul.f32 v0, v50;
	v0 =	vld [tilespmem:$0x1FC60]  }
0x28c: {  	v43 =	vld.idx.msk [tilespmem:v43+s28+$0x0], $0xffff;
	v2 =	vadd.f32 v57, v2  }
0x28d: {  	v8 =	vld.idx.msk [tilespmem:v45+s12+$0x0], $0xffff  }
0x28e: {  	v10 =	vld.idx.msk [tilespmem:v45+s15+$0x0], $0xffff;
	v44 =	vmul.f32 v2, v2  }
0x28f: {  	v28 =	vld.idx.msk [tilespmem:v45+s19+$0x0], $0xffff  }
0x290: {  	v7 =	vadd.f32 v44, v4;
	v4 =	vmul.f32 v0, v53;
	v0 =	vld [tilespmem:$0x1FE40]  }
0x291: {  	v1 =	vld [tilespmem:$0x1FC40]  }
0x292: {  	v26 =	vmul.f32 v61, v53;
	v61 =	vld.idx.msk [tilespmem:v45+s21+$0x0], $0xffff  }
0x293: {  	v24 =	vld.idx.msk [tilespmem:v45+s14+$0x0], $0xffff;
	v57 =	vmul.f32 v20, v56;
	v20 =	vmul.f32 v46, v54  }
0x294: {  	v6 =	vadd.f32 v26, v6;
	v26 =	vld.idx.msk [tilespmem:v45+s25+$0x0], $0xffff  }
0x295: {  	v3 =	vadd.f32 v20, v3;
	v20 =	vadd.s32 v0, v48;
	v0 =	vld [tilespmem:$0x1FC70]  }
0x296: {  	v32 =	vld.idx.msk [tilespmem:v45+s17+$0x0], $0xffff  }
0x297: {  	v1 =	vmul.f32 v1, v51;
	v18 =	vld.idx.msk [tilespmem:v45+s23+$0x0], $0xffff  }
0x298: {  	v46 =	vld.idx.msk [tilespmem:v29+s15+$0x0], $0xffff  }
0x299: {  	v14 =	vmul.f32 v14, v55;
	v1 =	vadd.f32 v1, v6;
	v2 =	vld.idx.msk [tilespmem:v29+s12+$0x0], $0xffff;
	v6 =	vadd.f32 v57, v13  }
0x29a: {  	v3 =	vadd.f32 v4, v3;
	v4 =	vmul.f32 v36, v51;
	v36 =	vmul.f32 v0, v49;
	v0 =	vld [tilespmem:$0x1FC80]  }
0x29b: {  	v19 =	vmul.f32 v19, v56;
	v57 =	vld.idx.msk [tilespmem:v29+s14+$0x0], $0xffff  }
0x29c: {  	v6 =	vadd.f32 v14, v6;
	v14 =	vmul.f32 v27, v52;
	v44 =	vld.idx.msk [tilespmem:v29+s17+$0x0], $0xffff  }
0x29d: {  	v19 =	vadd.f32 v19, v12;
	v30 =	vmul.f32 v30, v30;
	v17 =	vmul.f32 v17, v17;
	v27 =	vld.idx.msk [tilespmem:v29+s19+$0x0], $0xffff  }
0x29e: {  	v6 =	vadd.f32 v14, v6;
	v14 =	vld.idx.msk [tilespmem:v29+s21+$0x0], $0xffff;
	v1 =	vadd.f32 v41, v1;
	v41 =	vmul.f32 v33, v54  }
0x29f: {  	v5 =	vadd.f32 v30, v5;
	v33 =	vld.idx.msk [tilespmem:v29+s23+$0x0], $0xffff;
	v3 =	vadd.f32 v4, v3;
	v0 =	vmul.f32 v0, v50  }
0x2a0: {  	v6 =	vadd.f32 v41, v6;
	v41 =	vmul.f32 v63, v53;
	v63 =	vld.idx.msk [tilespmem:v29+s28+$0x0], $0xffff;
	v1 =	vadd.f32 v36, v1  }
0x2a1: {  	v21 =	vmul.f32 v21, v55;
	v4 =	vld.idx.msk [tilespmem:v29+s25+$0x0], $0xffff;
	v29 =	vmul.f32 v43, v49;
	v0 =	vadd.f32 v0, v3  }
0x2a2: {  	v45 =	vld.idx.msk [tilespmem:v45+s28+$0x0], $0xffff;
	v13 =	vmul.f32 v13, v13;
	v17 =	vadd.f32 v17, v5;
	v1 =	vmul.f32 v1, v1  }
0x2a3: {  	v30 =	vld [tilespmem:$0x1FE50];
	v0 =	vadd.f32 v29, v0;
	v29 =	vadd.f32 v21, v19;
	v19 =	vmul.f32 v62, v52  }
0x2a4: {  	v13 =	vadd.f32 v13, v17;
	v17 =	vld [tilespmem:$0x1FCD0]  }
0x2a5: {  	v43 =	vld.idx.msk [tilespmem:v20+s14+$0x0], $0xffff;
	v1 =	vadd.f32 v1, v7;
	v62 =	vmul.f32 v40, v54;
	v7 =	vadd.f32 v19, v29  }
0x2a6: {  	v6 =	vadd.f32 v41, v6;
	v41 =	vld.idx.msk [tilespmem:v20+s17+$0x0], $0xffff  }
0x2a7: {  	v7 =	vadd.f32 v62, v7;
	v62 =	vld [tilespmem:$0x1FCB0]  }
0x2a8: {  	v0 =	vmul.f32 v0, v0;
	v19 =	vld [tilespmem:$0x1FC90]  }
0x2a9: {  	v5 =	vld.idx.msk [tilespmem:v20+s25+$0x0], $0xffff  }
0x2aa: {  	v40 =	vld [tilespmem:$0x1FCA0];
	v0 =	vadd.f32 v0, v1;
	v1 =	vmul.f32 v16, v56  }
0x2ab: {  	v36 =	vmul.f32 v42, v51;
	v42 =	vld.idx.msk [tilespmem:v20+s15+$0x0], $0xffff  }
0x2ac: {  	v29 =	vmul.f32 v62, v49;
	v62 =	vadd.f32 v1, v9;
	v1 =	vld [tilespmem:$0x1FCC0]  }
0x2ad: {  	v6 =	vadd.f32 v36, v6;
	v36 =	vld.idx.msk [tilespmem:v20+s19+$0x0], $0xffff;
	v19 =	vmul.f32 v19, v50  }
0x2ae: {  	v3 =	vld.idx.msk [tilespmem:v20+s12+$0x0], $0xffff;
	v21 =	vadd.s32 v30, v48  }
0x2af: {  	v25 =	vmul.f32 v25, v55;
	v30 =	vld.idx.msk [tilespmem:v20+s21+$0x0], $0xffff;
	v6 =	vadd.f32 v19, v6;
	v19 =	vmul.f32 v40, v53  }
0x2b0: {  	v23 =	vmul.f32 v23, v52;
	v16 =	vld.idx.msk [tilespmem:v20+s23+$0x0], $0xffff  }
0x2b1: {  	v40 =	vld.idx.msk [tilespmem:v20+s28+$0x0], $0xffff;
	v7 =	vadd.f32 v19, v7;
	v20 =	vadd.f32 v25, v62;
	v19 =	vmul.f32 v1, v51  }
0x2b2: {  	v6 =	vadd.f32 v29, v6;
	v25 =	vld [tilespmem:$0x1FE60]  }
0x2b3: {  	v29 =	vld.idx.msk [tilespmem:v21+s14+$0x0], $0xffff;
	v7 =	vadd.f32 v19, v7;
	v19 =	vadd.f32 v23, v20;
	v20 =	vmul.f32 v47, v54  }
0x2b4: {  	v62 =	vld.idx.msk [tilespmem:v21+s15+$0x0], $0xffff  }
0x2b5: {  	v11 =	vmul.f32 v11, v56;
	v6 =	vmul.f32 v6, v6;
	v19 =	vadd.f32 v20, v19;
	v20 =	vld [tilespmem:$0x1FCE0]  }
0x2b6: {  	v15 =	vmul.f32 v15, v55;
	v1 =	vld.idx.msk [tilespmem:v21+s12+$0x0], $0xffff  }
0x2b7: {  	v0 =	vadd.f32 v6, v0;
	v6 =	vadd.f32 v11, v58;
	v11 =	vld.idx.msk [tilespmem:v21+s23+$0x0], $0xffff;
	v23 =	vadd.s32 v25, v48  }
0x2b8: {  	v17 =	vmul.f32 v17, v50;
	v47 =	vld.idx.msk [tilespmem:v21+s17+$0x0], $0xffff  }
0x2b9: {  	v59 =	vmul.f32 v59, v52;
	v25 =	vld.idx.msk [tilespmem:v21+s21+$0x0], $0xffff;
	v15 =	vadd.f32 v15, v6  }
0x2ba: {  	v7 =	vadd.f32 v17, v7;
	v17 =	vld.idx.msk [tilespmem:v21+s19+$0x0], $0xffff;
	v20 =	vmul.f32 v20, v49  }
0x2bb: {  	v38 =	vmul.f32 v38, v53;
	v15 =	vadd.f32 v59, v15;
	v59 =	vld [tilespmem:$0x1FE70]  }
0x2bc: {  	v6 =	vld.idx.msk [tilespmem:v23+s12+$0x0], $0xffff;
	v7 =	vadd.f32 v20, v7  }
0x2bd: {  	v20 =	vadd.f32 v38, v19;
	v38 =	vmul.f32 v39, v51;
	v19 =	vld.idx.msk [tilespmem:v21+s25+$0x0], $0xffff;
	v39 =	vmul.f32 v12, v12  }
0x2be: {  	v35 =	vmul.f32 v35, v54;
	v12 =	vld.idx.msk [tilespmem:v21+s28+$0x0], $0xffff;
	v7 =	vmul.f32 v7, v7  }
0x2bf: {  	v21 =	vmul.f32 v37, v50;
	v20 =	vadd.f32 v38, v20;
	v13 =	vadd.f32 v39, v13;
	v39 =	vld [tilespmem:$0x1FCF0]  }
0x2c0: {  	v9 =	vmul.f32 v9, v9;
	v15 =	vadd.f32 v35, v15;
	v35 =	vld.idx.msk [tilespmem:v23+s19+$0x0], $0xffff;
	v0 =	vadd.f32 v7, v0  }
0x2c1: {  	v37 =	vld.idx.msk [tilespmem:v23+s14+$0x0], $0xffff;
	v7 =	vadd.f32 v21, v20;
	v20 =	vmul.f32 v24, v56;
	v24 =	vmul.f32 v31, v53  }
0x2c2: {  	v38 =	vld.idx.msk [tilespmem:v23+s15+$0x0], $0xffff;
	v13 =	vadd.f32 v9, v13  }
0x2c3: {  	v10 =	vmul.f32 v10, v55;
	v31 =	vld.idx.msk [tilespmem:v23+s17+$0x0], $0xffff;
	v20 =	vadd.f32 v20, v8;
	v15 =	vadd.f32 v24, v15  }
0x2c4: {  	v9 =	vld.idx.msk [tilespmem:v23+s28+$0x0], $0xffff;
	v21 =	vmul.f32 v39, v49;
	v39 =	vadd.s32 v59, v48;
	v59 =	vmul.f32 v22, v51  }
0x2c5: {  	v24 =	vld.idx.msk [tilespmem:v23+s21+$0x0], $0xffff;
	v10 =	vadd.f32 v10, v20  }
0x2c6: {  	v22 =	vld.idx.msk [tilespmem:v23+s23+$0x0], $0xffff;
	v20 =	vmul.f32 v32, v52;
	v32 =	vmul.f32 v34, v50;
	v15 =	vadd.f32 v59, v15  }
0x2c7: {  	v7 =	vadd.f32 v21, v7;
	v59 =	vld [tilespmem:$0x1FF60]  }
0x2c8: {  	v21 =	vld.idx.msk [tilespmem:v23+s25+$0x0], $0xffff;
	v23 =	vmul.f32 v60, v49;
	v60 =	vmul.f32 v57, v56;
	v15 =	vadd.f32 v32, v15  }
0x2c9: {  	v28 =	vmul.f32 v28, v54;
	v10 =	vadd.f32 v20, v10;
	v20 =	vmul.f32 v7, v7;
	v7 =	vld.idx.msk [tilespmem:v39+s12+$0x0], $0xffff  }
0x2ca: {  	v18 =	vmul.f32 v18, v51;
	v15 =	vadd.f32 v23, v15;
	v23 =	vadd.f32 v60, v2;
	v60 =	vld [tilespmem:$0x1FF50]  }
0x2cb: {  	v10 =	vadd.f32 v28, v10;
	v28 =	vld.idx.msk [tilespmem:v39+s14+$0x0], $0xffff;
	v0 =	vadd.f32 v20, v0;
	v20 =	vmul.f32 v61, v53  }
0x2cc: {  	v34 =	vld.idx.msk [tilespmem:v39+s15+$0x0], $0xffff;
	v61 =	vmul.f32 v46, v55;
	v46 =	vmul.f32 v58, v58  }
0x2cd: {  	v58 =	vmul.f32 v27, v54;
	v27 =	vld.idx.msk [tilespmem:v39+s23+$0x0], $0xffff;
	v10 =	vadd.f32 v20, v10;
	v15 =	vmul.f32 v15, v15  }
0x2ce: {  	v20 =	vld.idx.msk [tilespmem:v39+s17+$0x0], $0xffff;
	v23 =	vadd.f32 v61, v23;
	v61 =	vmul.f32 v44, v52;
	v46 =	vadd.f32 v46, v13  }
0x2cf: {  	v44 =	vld.idx.msk [tilespmem:v39+s19+$0x0], $0xffff;
	v57 =	vadd.s32 v60, v48;
	v60 =	vadd.f32 v15, v0;
	v0 =	vmul.f32 v43, v56  }
0x2d0: {  	v10 =	vadd.f32 v18, v10;
	v18 =	vmul.f32 v26, v50;
	v26 =	vld.idx.msk [tilespmem:v39+s21+$0x0], $0xffff;
	v13 =	vadd.f32 v61, v23  }
0x2d1: {  	v42 =	vmul.f32 v42, v55;
	v15 =	vld.idx.msk [tilespmem:v39+s25+$0x0], $0xffff;
	v61 =	vadd.f32 v0, v3  }
0x2d2: {  	v14 =	vmul.f32 v14, v53;
	v23 =	vadd.f32 v58, v13;
	v13 =	vld.idx.msk [tilespmem:v39+s28+$0x0], $0xffff  }
0x2d3: {  	v10 =	vadd.f32 v18, v10;
	v18 =	vmul.f32 v45, v49;
	v45 =	vadd.f32 v42, v61;
	v61 =	vld [tilespmem:$0x1FF70]  }
0x2d4: {  	v8 =	vmul.f32 v8, v8;
	v0 =	vld.idx.msk [tilespmem:v57+s12+$0x0], $0xffff  }
0x2d5: {  	v10 =	vadd.f32 v18, v10;
	v14 =	vadd.f32 v14, v23;
	v18 =	vmul.f32 v33, v51;
	v23 =	vld.idx.msk [tilespmem:v57+s14+$0x0], $0xffff  }
0x2d6: {  	v8 =	vadd.f32 v8, v46;
	v46 =	vmul.f32 v41, v52;
	v41 =	vld.idx.msk [tilespmem:v57+s15+$0x0], $0xffff  }
0x2d7: {  	v42 =	vadd.s32 v59, v48;
	v14 =	vadd.f32 v18, v14;
	v18 =	vmul.f32 v29, v56;
	v29 =	vld.idx.msk [tilespmem:v57+s17+$0x0], $0xffff  }
0x2d8: {  	v36 =	vmul.f32 v36, v54;
	v10 =	vmul.f32 v10, v10;
	v39 =	vld.idx.msk [tilespmem:v57+s19+$0x0], $0xffff;
	v33 =	vadd.f32 v46, v45  }
0x2d9: {  	v4 =	vmul.f32 v4, v50;
	v45 =	vld.idx.msk [tilespmem:v57+s21+$0x0], $0xffff  }
0x2da: {  	v5 =	vmul.f32 v5, v50;
	v32 =	vadd.f32 v10, v60;
	v10 =	vadd.f32 v36, v33;
	v33 =	vld.idx.msk [tilespmem:v57+s23+$0x0], $0xffff  }
0x2db: {  	v30 =	vmul.f32 v30, v53;
	v16 =	vmul.f32 v16, v51;
	v36 =	vld.idx.msk [tilespmem:v57+s25+$0x0], $0xffff  }
0x2dc: {  	v11 =	vmul.f32 v11, v51;
	v60 =	vmul.f32 v2, v2;
	v2 =	vld.idx.msk [tilespmem:v42+s12+$0x0], $0xffff  }
0x2dd: {  	v58 =	vmul.f32 v62, v55;
	v62 =	vmul.f32 v37, v56;
	v18 =	vadd.f32 v18, v1;
	v37 =	vld.idx.msk [tilespmem:v42+s17+$0x0], $0xffff  }
0x2de: {  	v17 =	vmul.f32 v17, v54;
	v59 =	vmul.f32 v63, v49;
	v4 =	vadd.f32 v4, v14;
	v43 =	vld.idx.msk [tilespmem:v42+s21+$0x0], $0xffff  }
0x2df: {  	v14 =	vadd.f32 v58, v18;
	v18 =	vmul.f32 v47, v52;
	v47 =	vmul.f32 v31, v52;
	v31 =	vld.idx.msk [tilespmem:v42+s25+$0x0], $0xffff  }
0x2e0: {  	v12 =	vmul.f32 v12, v49;
	v58 =	vmul.f32 v35, v54;
	v35 =	vld [tilespmem:$0x1FF90]  }
0x2e1: {  	v4 =	vadd.f32 v59, v4;
	v46 =	vadd.s32 v61, v48;
	v30 =	vadd.f32 v30, v10;
	v10 =	vld.idx.msk [tilespmem:v57+s28+$0x0], $0xffff  }
0x2e2: {  	v38 =	vmul.f32 v38, v55;
	v9 =	vmul.f32 v9, v49;
	v57 =	vld [tilespmem:$0x1FF80];
	v14 =	vadd.f32 v18, v14  }
0x2e3: {  	v20 =	vmul.f32 v20, v52;
	v18 =	vld.idx.msk [tilespmem:v42+s14+$0x0], $0xffff;
	v4 =	vmul.f32 v4, v4  }
0x2e4: {  	v15 =	vmul.f32 v15, v50;
	v14 =	vadd.f32 v17, v14;
	v17 =	vmul.f32 v25, v53;
	v25 =	vld.idx.msk [tilespmem:v42+s15+$0x0], $0xffff  }
0x2e5: {  	v13 =	vmul.f32 v13, v49;
	v1 =	vmul.f32 v1, v1;
	v4 =	vadd.f32 v4, v32;
	v32 =	vld.idx.msk [tilespmem:v42+s28+$0x0], $0xffff  }
0x2e6: {  	v8 =	vadd.f32 v60, v8;
	v59 =	vmul.f32 v28, v56;
	v16 =	vadd.f32 v16, v30;
	v28 =	vld.idx.msk [tilespmem:v46+s21+$0x0], $0xffff  }
0x2e7: {  	v30 =	vadd.f32 v62, v6;
	v62 =	vmul.f32 v23, v56;
	v23 =	vld.idx.msk [tilespmem:v46+s28+$0x0], $0xffff;
	v14 =	vadd.f32 v17, v14  }
0x2e8: {  	v5 =	vadd.f32 v5, v16;
	v16 =	vmul.f32 v40, v49;
	v17 =	vld.idx.msk [tilespmem:v42+s19+$0x0], $0xffff;
	v61 =	vadd.s32 v57, v48  }
0x2e9: {  	v57 =	vld [tilespmem:$0x1FFA0];
	v11 =	vadd.f32 v11, v14;
	v14 =	vmul.f32 v19, v50;
	v19 =	vadd.f32 v38, v30  }
0x2ea: {  	v60 =	vmul.f32 v34, v55;
	v6 =	vmul.f32 v6, v6;
	v5 =	vadd.f32 v16, v5;
	v16 =	vld.idx.msk [tilespmem:v42+s23+$0x0], $0xffff  }
0x2eb: {  	v30 =	vld.idx.msk [tilespmem:v46+s17+$0x0], $0xffff;
	v38 =	vmul.f32 v41, v55;
	v11 =	vadd.f32 v14, v11;
	v19 =	vadd.f32 v47, v19  }
0x2ec: {  	v41 =	vld [tilespmem:$0x1FFB0];
	v5 =	vmul.f32 v5, v5;
	v14 =	vmul.f32 v3, v3  }
0x2ed: {  	v3 =	vld.idx.msk [tilespmem:v46+s12+$0x0], $0xffff;
	v11 =	vadd.f32 v12, v11;
	v12 =	vadd.f32 v58, v19;
	v19 =	vmul.f32 v24, v53  }
0x2ee: {  	v37 =	vmul.f32 v37, v52;
	v4 =	vadd.f32 v5, v4;
	v5 =	vadd.f32 v59, v7;
	v59 =	vld.idx.msk [tilespmem:v61+s23+$0x0], $0xffff  }
0x2ef: {  	v34 =	vld.idx.msk [tilespmem:v61+s28+$0x0], $0xffff;
	v8 =	vadd.f32 v14, v8;
	v12 =	vadd.f32 v19, v12;
	v19 =	vmul.f32 v22, v51  }
0x2f0: {  	v10 =	vmul.f32 v10, v49;
	v14 =	vld.idx.msk [tilespmem:v46+s14+$0x0], $0xffff;
	v5 =	vadd.f32 v60, v5;
	v11 =	vmul.f32 v11, v11  }
0x2f1: {  	v24 =	vld.idx.msk [tilespmem:v46+s15+$0x0], $0xffff;
	v8 =	vadd.f32 v1, v8;
	v1 =	vadd.f32 v19, v12;
	v12 =	vmul.f32 v21, v50  }
0x2f2: {  	v22 =	vld.idx.msk [tilespmem:v46+s19+$0x0], $0xffff;
	v5 =	vadd.f32 v20, v5;
	v4 =	vadd.f32 v11, v4;
	v11 =	vmul.f32 v44, v54  }
0x2f3: {  	v47 =	vmul.f32 v39, v54;
	v7 =	vmul.f32 v7, v7;
	v20 =	vld.idx.msk [tilespmem:v46+s25+$0x0], $0xffff;
	v12 =	vadd.f32 v12, v1  }
0x2f4: {  	v19 =	vld.idx.msk [tilespmem:v46+s23+$0x0], $0xffff;
	v6 =	vadd.f32 v6, v8;
	v5 =	vadd.f32 v11, v5;
	v11 =	vmul.f32 v26, v53  }
0x2f5: {  	v8 =	vmul.f32 v27, v51;
	v27 =	vld.idx.msk [tilespmem:v61+s17+$0x0], $0xffff;
	v9 =	vadd.f32 v9, v12;
	v12 =	vadd.f32 v62, v0  }
0x2f6: {  	v44 =	vmul.f32 v29, v52;
	v46 =	vadd.s32 v35, v48;
	v35 =	vld.idx.msk [tilespmem:v61+s21+$0x0], $0xffff;
	v5 =	vadd.f32 v11, v5  }
0x2f7: {  	v21 =	vld.idx.msk [tilespmem:v61+s25+$0x0], $0xffff;
	v24 =	vmul.f32 v24, v55;
	v6 =	vadd.f32 v7, v6;
	v12 =	vadd.f32 v38, v12  }
0x2f8: {  	v1 =	vld.idx.msk [tilespmem:v61+s12+$0x0], $0xffff;
	v62 =	vadd.s32 v57, v48;
	v5 =	vadd.f32 v8, v5;
	v8 =	vmul.f32 v18, v56  }
0x2f9: {  	v11 =	vld.idx.msk [tilespmem:v61+s15+$0x0], $0xffff;
	v0 =	vmul.f32 v0, v0;
	v9 =	vmul.f32 v9, v9;
	v12 =	vadd.f32 v44, v12  }
0x2fa: {  	v26 =	vld.idx.msk [tilespmem:v61+s14+$0x0], $0xffff;
	v58 =	vadd.f32 v8, v2;
	v8 =	vmul.f32 v25, v55;
	v5 =	vadd.f32 v15, v5  }
0x2fb: {  	v18 =	vld.idx.msk [tilespmem:v61+s19+$0x0], $0xffff;
	v0 =	vadd.f32 v0, v6;
	v15 =	vmul.f32 v45, v53;
	v12 =	vadd.f32 v47, v12  }
0x2fc: {  	v61 =	vld.idx.msk [tilespmem:v46+s17+$0x0], $0xffff;
	v2 =	vmul.f32 v2, v2;
	v8 =	vadd.f32 v8, v58;
	v5 =	vadd.f32 v13, v5  }
0x2fd: {  	v13 =	vmul.f32 v17, v54;
	v17 =	vld.idx.msk [tilespmem:v46+s14+$0x0], $0xffff;
	v12 =	vadd.f32 v15, v12;
	v15 =	vmul.f32 v33, v51  }
0x2fe: {  	v9 =	vadd.f32 v9, v4;
	v4 =	vld.idx.msk [tilespmem:v46+s12+$0x0], $0xffff;
	v11 =	vmul.f32 v11, v55;
	v8 =	vadd.f32 v37, v8  }
0x2ff: {  	v40 =	vld.idx.msk [tilespmem:v62+s14+$0x0], $0xffff;
	v0 =	vadd.f32 v2, v0;
	v5 =	vmul.f32 v5, v5;
	v60 =	vadd.f32 v15, v12  }
0x300: {  	v44 =	vld.idx.msk [tilespmem:v62+s15+$0x0], $0xffff;
	v12 =	vmul.f32 v14, v56;
	v15 =	vmul.f32 v36, v50;
	v8 =	vadd.f32 v13, v8  }
0x301: {  	v14 =	vld.idx.msk [tilespmem:v46+s15+$0x0], $0xffff;
	v13 =	vmul.f32 v43, v53;
	v5 =	vadd.f32 v5, v9;
	v43 =	vmul.f32 v26, v56  }
0x302: {  	v36 =	vld.idx.msk [tilespmem:v46+s19+$0x0], $0xffff;
	v57 =	vmul.f32 v17, v56;
	v12 =	vadd.f32 v12, v3;
	v7 =	vadd.f32 v15, v60  }
0x303: {  	v8 =	vadd.f32 v13, v8;
	v13 =	vmul.f32 v16, v51;
	v15 =	vld.idx.msk [tilespmem:v46+s21+$0x0], $0xffff;
	v16 =	vmul.f32 v30, v52  }
0x304: {  	v3 =	vmul.f32 v3, v3;
	v60 =	vmul.f32 v61, v52;
	v61 =	vld [tilespmem:$0x1FFC0];
	v12 =	vadd.f32 v24, v12  }
0x305: {  	v30 =	vld.idx.msk [tilespmem:v46+s25+$0x0], $0xffff;
	v8 =	vadd.f32 v13, v8;
	v13 =	vmul.f32 v31, v50;
	v7 =	vadd.f32 v10, v7  }
0x306: {  	v24 =	vld.idx.msk [tilespmem:v46+s23+$0x0], $0xffff;
	v3 =	vadd.f32 v3, v0;
	v0 =	vadd.f32 v57, v4;
	v58 =	vmul.f32 v14, v55  }
0x307: {  	v10 =	vld.idx.msk [tilespmem:v62+s12+$0x0], $0xffff;
	v9 =	vadd.f32 v16, v12;
	v8 =	vadd.f32 v13, v8;
	v13 =	vmul.f32 v32, v49  }
0x308: {  	v12 =	vmul.f32 v22, v54;
	v16 =	vld.idx.msk [tilespmem:v46+s28+$0x0], $0xffff;
	v42 =	vmul.f32 v7, v7;
	v7 =	vadd.f32 v43, v1  }
0x309: {  	v0 =	vadd.f32 v58, v0;
	v37 =	vadd.s32 v61, v48;
	v8 =	vadd.f32 v13, v8;
	v13 =	vld.idx.msk [tilespmem:v62+s17+$0x0], $0xffff  }
0x30a: {  	v9 =	vadd.f32 v12, v9;
	v12 =	vmul.f32 v28, v53;
	v45 =	vadd.f32 v11, v7;
	v11 =	vld.idx.msk [tilespmem:v62+s23+$0x0], $0xffff  }
0x30b: {  	v5 =	vadd.f32 v42, v5;
	v42 =	vmul.f32 v44, v55;
	v44 =	vmul.f32 v34, v49;
	v34 =	vld [tilespmem:$0x1FFF0]  }
0x30c: {  	v38 =	vmul.f32 v40, v56;
	v46 =	vmul.f32 v27, v52;
	v0 =	vadd.f32 v60, v0;
	v60 =	vld [tilespmem:$0x1FFE0]  }
0x30d: {  	v40 =	vmul.f32 v36, v54;
	v9 =	vadd.f32 v12, v9;
	v12 =	vmul.f32 v19, v51;
	v19 =	vld.idx.msk [tilespmem:v62+s19+$0x0], $0xffff  }
0x30e: {  	v28 =	vadd.s32 v41, v48;
	v2 =	vmul.f32 v8, v8;
	v6 =	vadd.f32 v46, v45;
	v45 =	vld [tilespmem:$0x1FFD0]  }
0x30f: {  	v9 =	vadd.f32 v12, v9;
	v12 =	vmul.f32 v20, v50;
	v20 =	vld.idx.msk [tilespmem:v62+s21+$0x0], $0xffff  }
0x310: {  	v2 =	vadd.f32 v2, v5;
	v5 =	vadd.f32 v40, v0;
	v0 =	vld.idx.msk [tilespmem:v37+s12+$0x0], $0xffff  }
0x311: {  	v47 =	vmul.f32 v23, v49;
	v46 =	vld.idx.msk [tilespmem:v37+s14+$0x0], $0xffff;
	v8 =	vadd.f32 v12, v9;
	v12 =	vmul.f32 v18, v54  }
0x312: {  	v57 =	vld.idx.msk [tilespmem:v37+s21+$0x0], $0xffff  }
0x313: {  	v17 =	vld.idx.msk [tilespmem:v28+s12+$0x0], $0xffff;
	v7 =	vadd.f32 v47, v8;
	v6 =	vadd.f32 v12, v6;
	v8 =	vmul.f32 v35, v53  }
0x314: {  	v14 =	vld.idx.msk [tilespmem:v28+s15+$0x0], $0xffff  }
0x315: {  	v12 =	vld.idx.msk [tilespmem:v28+s14+$0x0], $0xffff;
	v6 =	vadd.f32 v8, v6;
	v8 =	vmul.f32 v59, v51  }
0x316: {  	v39 =	vld.idx.msk [tilespmem:v28+s21+$0x0], $0xffff  }
0x317: {  	v41 =	vld.idx.msk [tilespmem:v28+s23+$0x0], $0xffff;
	v6 =	vadd.f32 v8, v6;
	v8 =	vmul.f32 v21, v50  }
0x318: {  	v4 =	vmul.f32 v4, v4;
	v1 =	vmul.f32 v1, v1;
	v43 =	vld.idx.msk [tilespmem:v28+s25+$0x0], $0xffff  }
0x319: {  	v15 =	vmul.f32 v15, v53;
	v9 =	vld.idx.msk [tilespmem:v62+s25+$0x0], $0xffff;
	v6 =	vadd.f32 v8, v6;
	v8 =	vadd.f32 v38, v10  }
0x31a: {  	v13 =	vmul.f32 v13, v52;
	v18 =	vld.idx.msk [tilespmem:v62+s28+$0x0], $0xffff;
	v12 =	vmul.f32 v12, v56  }
0x31b: {  	v5 =	vadd.f32 v15, v5;
	v15 =	vmul.f32 v24, v51;
	v59 =	vld.idx.msk [tilespmem:v28+s17+$0x0], $0xffff;
	v8 =	vadd.f32 v42, v8  }
0x31c: {  	v1 =	vadd.f32 v1, v3;
	v62 =	vld.idx.msk [tilespmem:v28+s19+$0x0], $0xffff;
	v14 =	vmul.f32 v14, v55;
	v12 =	vadd.f32 v12, v17  }
0x31d: {  	v5 =	vadd.f32 v15, v5;
	v15 =	vld.idx.msk [tilespmem:v37+s17+$0x0], $0xffff;
	v3 =	vadd.f32 v13, v8;
	v8 =	vmul.f32 v19, v54  }
0x31e: {  	v58 =	vmul.f32 v11, v51;
	v47 =	vmul.f32 v30, v50;
	v28 =	vld.idx.msk [tilespmem:v28+s28+$0x0], $0xffff;
	v11 =	vadd.f32 v14, v12  }
0x31f: {  	v14 =	vld.idx.msk [tilespmem:v37+s25+$0x0], $0xffff;
	v3 =	vadd.f32 v8, v3;
	v8 =	vmul.f32 v20, v53;
	v20 =	vadd.s32 v45, v48  }
0x320: {  	v12 =	vmul.f32 v59, v52;
	v59 =	vmul.f32 v16, v49;
	v16 =	vld.idx.msk [tilespmem:v37+s28+$0x0], $0xffff  }
0x321: {  	v27 =	vmul.f32 v10, v10;
	v1 =	vadd.f32 v4, v1;
	v13 =	vld.idx.msk [tilespmem:v37+s15+$0x0], $0xffff  }
0x322: {  	v7 =	vmul.f32 v7, v7;
	v5 =	vadd.f32 v47, v5;
	v19 =	vld.idx.msk [tilespmem:v37+s19+$0x0], $0xffff;
	v3 =	vadd.f32 v8, v3  }
0x323: {  	v6 =	vadd.f32 v44, v6;
	v11 =	vadd.f32 v12, v11;
	v12 =	vmul.f32 v62, v54;
	v8 =	vld.idx.msk [tilespmem:v37+s23+$0x0], $0xffff  }
0x324: {  	v9 =	vmul.f32 v9, v50;
	v2 =	vadd.f32 v7, v2;
	v3 =	vadd.f32 v58, v3;
	v61 =	vld.idx.msk [tilespmem:v20+s12+$0x0], $0xffff  }
0x325: {  	v6 =	vmul.f32 v6, v6;
	v5 =	vadd.f32 v59, v5;
	v24 =	vadd.f32 v12, v11;
	v12 =	vld.idx.msk [tilespmem:v20+s15+$0x0], $0xffff  }
0x326: {  	v62 =	vmul.f32 v18, v49;
	v11 =	vmul.f32 v39, v53;
	v10 =	vld.idx.msk [tilespmem:v20+s17+$0x0], $0xffff;
	v3 =	vadd.f32 v9, v3  }
0x327: {  	v30 =	vmul.f32 v46, v56;
	v18 =	vadd.s32 v60, v48;
	v2 =	vadd.f32 v6, v2;
	v9 =	vld.idx.msk [tilespmem:v20+s14+$0x0], $0xffff  }
0x328: {  	v5 =	vmul.f32 v5, v5;
	v4 =	vadd.f32 v11, v24;
	v11 =	vld.idx.msk [tilespmem:v20+s19+$0x0], $0xffff;
	v3 =	vadd.f32 v62, v3  }
0x329: {  	v1 =	vadd.f32 v27, v1;
	v33 =	vmul.f32 v43, v50;
	v7 =	vmul.f32 v41, v51;
	v31 =	vld.idx.msk [tilespmem:v20+s21+$0x0], $0xffff  }
0x32a: {  	v36 =	vmul.f32 v15, v52;
	v2 =	vadd.f32 v5, v2;
	v32 =	vld.idx.msk [tilespmem:v20+s23+$0x0], $0xffff;
	v3 =	vmul.f32 v3, v3  }
0x32b: {  	v15 =	vmul.f32 v28, v49;
	v5 =	vadd.f32 v30, v0;
	v13 =	vmul.f32 v13, v55;
	v35 =	vld.idx.msk [tilespmem:v20+s25+$0x0], $0xffff  }
0x32c: {  	v2 =	vadd.f32 v3, v2;
	v3 =	vmul.f32 v9, v56;
	v9 =	vld.idx.msk [tilespmem:v20+s28+$0x0], $0xffff;
	v20 =	vadd.s32 v34, v48  }
0x32d: {  	v17 =	vmul.f32 v17, v17;
	v38 =	vmul.f32 v19, v54;
	v37 =	vld.idx.msk [tilespmem:v18+s14+$0x0], $0xffff;
	v4 =	vadd.f32 v7, v4  }
0x32e: {  	v19 =	vld.idx.msk [tilespmem:v18+s15+$0x0], $0xffff;
	v5 =	vadd.f32 v13, v5;
	v12 =	vmul.f32 v12, v55;
	v3 =	vadd.f32 v3, v61  }
0x32f: {  	v1 =	vadd.f32 v17, v1;
	v39 =	vmul.f32 v57, v53;
	v13 =	vld.idx.msk [tilespmem:v18+s12+$0x0], $0xffff;
	v4 =	vadd.f32 v33, v4  }
0x330: {  	v5 =	vadd.f32 v36, v5;
	v10 =	vmul.f32 v10, v52;
	v3 =	vadd.f32 v12, v3;
	v12 =	vld.idx.msk [tilespmem:v18+s17+$0x0], $0xffff  }
0x331: {  	v43 =	vmul.f32 v14, v50;
	v0 =	vmul.f32 v0, v0;
	v4 =	vadd.f32 v15, v4;
	v15 =	vld.idx.msk [tilespmem:v20+s14+$0x0], $0xffff  }
0x332: {  	v5 =	vadd.f32 v38, v5;
	v17 =	vld.idx.msk [tilespmem:v20+s15+$0x0], $0xffff;
	v3 =	vadd.f32 v10, v3;
	v10 =	vmul.f32 v11, v54  }
0x333: {  	v40 =	vmul.f32 v8, v51;
	v8 =	vmul.f32 v37, v56;
	v11 =	vld.idx.msk [tilespmem:v20+s12+$0x0], $0xffff  }
0x334: {  	v41 =	vmul.f32 v31, v53;
	v5 =	vadd.f32 v39, v5;
	v3 =	vadd.f32 v10, v3;
	v10 =	vld.idx.msk [tilespmem:v18+s19+$0x0], $0xffff  }
0x335: {  	v4 =	vmul.f32 v4, v4;
	v42 =	vadd.f32 v8, v13;
	v8 =	vmul.f32 v19, v55;
	v19 =	vld.idx.msk [tilespmem:v20+s17+$0x0], $0xffff  }
0x336: {  	v6 =	vmul.f32 v32, v51;
	v5 =	vadd.f32 v40, v5;
	v14 =	vmul.f32 v15, v56;
	v15 =	vld.idx.msk [tilespmem:v18+s21+$0x0], $0xffff  }
0x337: {  	v7 =	vadd.f32 v8, v42;
	v2 =	vadd.f32 v4, v2;
	v8 =	vmul.f32 v12, v52;
	v12 =	vld.idx.msk [tilespmem:v20+s19+$0x0], $0xffff  }
0x338: {  	v4 =	vadd.f32 v43, v5;
	v44 =	vmul.f32 v17, v55;
	v17 =	vld.idx.msk [tilespmem:v18+s23+$0x0], $0xffff;
	v14 =	vadd.f32 v14, v11  }
0x339: {  	v3 =	vadd.f32 v41, v3;
	v45 =	vadd.f32 v8, v7;
	v8 =	vld.idx.msk [tilespmem:v20+s21+$0x0], $0xffff;
	v46 =	vmul.f32 v10, v54  }
0x33a: {  	v10 =	vmul.f32 v16, v49;
	v16 =	vld.idx.msk [tilespmem:v18+s25+$0x0], $0xffff;
	v5 =	vadd.f32 v44, v14;
	v14 =	vmul.f32 v19, v52  }
0x33b: {  	v3 =	vadd.f32 v6, v3;
	v6 =	vadd.f32 v46, v45;
	v47 =	vmul.f32 v15, v53;
	v15 =	vld.idx.msk [tilespmem:v20+s23+$0x0], $0xffff  }
0x33c: {  	v4 =	vadd.f32 v10, v4;
	v10 =	vmul.f32 v12, v54;
	v12 =	vld.idx.msk [tilespmem:v18+s28+$0x0], $0xffff;
	v5 =	vadd.f32 v14, v5  }
0x33d: {  	v0 =	vadd.f32 v0, v1;
	v19 =	vmul.f32 v35, v50;
	v48 =	vmul.f32 v17, v51;
	v14 =	vld.idx.msk [tilespmem:v20+s25+$0x0], $0xffff  }
0x33e: {  	v8 =	vmul.f32 v8, v53;
	v6 =	vadd.f32 v47, v6;
	v5 =	vadd.f32 v10, v5  }
0x33f: {  	v56 =	vmul.f32 v9, v49;
	v3 =	vadd.f32 v19, v3;
	v9 =	vmul.f32 v16, v50;
	v10 =	vld.idx.msk [tilespmem:v20+s28+$0x0], $0xffff  }
0x340: {  	v6 =	vadd.f32 v48, v6;
	v1 =	vadd.f32 v8, v5;
	v57 =	vmul.f32 v15, v51  }
0x341: {  	v4 =	vmul.f32 v4, v4;
	v3 =	vadd.f32 v56, v3;
	v58 =	vmul.f32 v12, v49  }
0x342: {  	v6 =	vadd.f32 v9, v6;
	v59 =	vmul.f32 v14, v50;
	v1 =	vadd.f32 v57, v1  }
0x343: {  	v60 =	vmul.f32 v61, v61;
	v2 =	vadd.f32 v4, v2;
	v3 =	vmul.f32 v3, v3  }
0x344: {  	v6 =	vadd.f32 v58, v6;
	v61 =	vmul.f32 v10, v49;
	v1 =	vadd.f32 v59, v1  }
0x345: {  	v63 =	vld [tilespmem:$0x1FF40]  }
0x346: {  	p0 =	sne.s32 s2, $0x60;
	v54 =	vld [tilespmem:$0x1FF30];
	v2 =	vadd.f32 v3, v2;
	v3 =	vmul.f32 v6, v6;
	v1 =	vadd.f32 v61, v1  }
.Ltmp0:
0x347: {  	v62 =	vmul.f32 v13, v13;
	v0 =	vadd.f32 v60, v0;
	v18 =	vld [tilespmem:$0x1FEB0];
	(pc) =	sbr.rel @p0 .LBB2_3-.Ltmp0, $4  }
0x348: {  	v53 =	vld [tilespmem:$0x1FF20];
	v2 =	vadd.f32 v3, v2;
	v1 =	vmul.f32 v1, v1  }
0x349: {  	v0 =	vadd.f32 v62, v0;
	v12 =	vld [tilespmem:$0x1FEA0];
	v3 =	vmul.f32 v11, v11  }
0x34a: {  	v62 =	vadd.f32 v1, v2;
	v2 =	vld [tilespmem:$0x1FE90]  }
0x34b: {  	s2 =	sadd.s32 $0x10, s2;
	s1 =	sadd.s32 $0x10, s1;
	v9 =	vadd.f32 v3, v0;
	v1 =	vld [tilespmem:$0x1FE80]  }
0x34c: {  	s0 =	sadd.s32 $0x1, s0  }
0x34d: {  	p0 =	sne.s32 s0, $0xE  }
.Ltmp1:
0x34e: {  	_ = 	snop;
	(pc) =	sbr.rel @p0 .LBB2_2-.Ltmp1, $1  }
0x34f: {  	_ =	sdelay $0x3  }
0x350: {  	s31 =	sadd.s32 $0x1, s31  }
0x351: {  	[tilespmem:$0xC400] =	vst v9;
	p0 =	sne.s32 s31, s9  }
.Ltmp2:
0x352: {  	[tilespmem:$0xC410] =	vst v62;
	s0 =	simm.s32 $0x0;
	s1 =	simm.s32 $0xC400;
	(pc) =	sbr.rel @p0 .LBB2_1-.Ltmp2, $4  }
0x353: {  	[hbm4b:s8+s0] =	stream.linear.scatter [tilespmem:s1], [sflag:$0x2], $0x20, $0x38;
	[tilespmem:$0xC420] =	vst v63  }
0x354: {  	_ =	swait.ge [sflag:s10], $0x20  }
0x355: {  	[sflag:s10] =	ssyncset.done $0x0  }
0x356: {  	[sflag:s10] =	ssyncadd.s32 $0xFFFFFFE0  }
0x357: {  	_ =	sfence.sel $0x180000  }
0x358: {  	[bflag:$0x0] =	sbarrier.arrive $0xFFFF  }
0x359: {  	_ =	strace $0x90000047  }
0x35a: {  	s0 =	stileid.u32;
	[bflag:$0x2] =	sbarrier.arrive $0xFFFF  }
0x35b: {  	p0 =	sne.s32 s0, $0x0;
	s0 =	rddreg [dreg:$0x1]  }
0x35c: {  	s0 =	sadd.s32 @!p0 $0x100000, s0  }
0x35d: {  	[sflag:s0] =	ssyncadd.tile.s32 @!p0 $0x1;
	_ =	shalt  }
.Lfunc_end2:
_tile_overlayer_lowered:
.L_overlay_start_2:
0x35e: {  	(tag) =	ssettag $0x2  }
0x35f: {  	s0 =	rddreg [dreg:$0x0];
	s2 =	stileid.u32  }
0x360: {  	s1 =	rddreg [dreg:$0x1];
	p0 =	sne.s32 s2, $0x0  }
0x361: {  	s3 =	rddreg [dreg:$0x2];
	[bflag:$0x3] =	sbarrier.arrive $0xFFFF;
	s2 =	simm.s32 @!p0 $0x1C02  }
0x362: {  	[timem:s3], [sflag:s2] =	dma.local @!p0 [hbm:s0], s1  }
0x363: {  	s0 =	simm.s32 @!p0 $0x2  }
0x364: {  	_ =	swait.ge @!p0 [sflag:s0], s1  }
0x365: {  	s1 =	ssub.s32 @!p0 $0x0, s1;
	[sflag:s0] =	ssyncset.done @!p0 $0x0  }
0x366: {  	[sflag:s0] =	ssyncadd.s32 @!p0 s1  }
0x367: {  	[bflag:$0x3] =	sbarrier.arrive $0xFFFF  }
0x368: {  	_ =	shalt  }

</sc_bundles>
